<compile_context>
chip_gen: v7x
topology: tpu7x:2x2x1
jax: 0.10.2.dev20260603
libtpu: 0.0.44.dev20260713+nightly
codegen_flags: <defaults>
</compile_context>

<pallas_src>
import functools

import jax
import jax.numpy as jnp
from jax import lax
from jax.experimental import pallas as pl
from jax.experimental.pallas import tpu as pltpu
from jax.experimental.pallas import tpu_sc as plsc

DIM = 768
RANK = 16
WINDOW = 64
HALF = 64
SUB = 128
WIN = 2 * SUB
EPS = 1e-5


def _ln(x, w, b):
    mu = jnp.mean(x, axis=-1, keepdims=True)
    var = jnp.mean((x - mu) ** 2, axis=-1, keepdims=True)
    return (x - mu) * lax.rsqrt(var + EPS) * w + b



def _sc_gather(table, ids_flat):
    info = plsc.get_sparse_core_info()
    nw = info.num_cores * info.num_subcores
    n = ids_flat.shape[0]
    per_w = n // nw
    mesh = plsc.VectorSubcoreMesh(core_axis_name="c", subcore_axis_name="s")

    @functools.partial(
        pl.kernel,
        mesh=mesh,
        out_type=jax.ShapeDtypeStruct((n, DIM), jnp.float32),
        scratch_types=[
            pltpu.VMEM((per_w,), jnp.int32),
            pltpu.VMEM((per_w, DIM), jnp.float32),
            pltpu.SemaphoreType.DMA,
        ],
    )
    def k(table_hbm, idx_hbm, out_hbm, idx_v, rows_v, sem):
        wid = lax.axis_index("s") * info.num_cores + lax.axis_index("c")
        base = wid * per_w
        pltpu.sync_copy(idx_hbm.at[pl.ds(base, per_w)], idx_v)
        pltpu.async_copy(table_hbm.at[idx_v], rows_v, sem).wait()
        pltpu.sync_copy(rows_v, out_hbm.at[pl.ds(base, per_w)])

    return k(table, ids_flat)



def _fused_body(emb_ref, pos_ref, anc_ref, u_ref, v_ref, nw_ref, nb_ref,
                inw_ref, inb_ref, out_ref):
    s = pos_ref.shape[0]
    nlayers = u_ref.shape[0]

    x = _ln(emb_ref[0] + pos_ref[...], inw_ref[...], inb_ref[...])
    a_row = anc_ref[...]

    for l in range(nlayers):
        u = u_ref[l]
        v = v_ref[l]
        nw = nw_ref[l:l + 1]
        nb = nb_ref[l:l + 1]

        q = jnp.dot(x, u, preferred_element_type=jnp.float32)
        kk = jnp.dot(x, v, preferred_element_type=jnp.float32)
        q0 = jnp.dot(a_row, u, preferred_element_type=jnp.float32)
        k0 = jnp.dot(a_row, v, preferred_element_type=jnp.float32)

        parts = []
        for t in range(s // SUB):
            off = SUB * t
            ws = min(max(off - HALF, 0), s - WIN)
            q_t = q[off:off + SUB]
            k_t = kk[ws:ws + WIN]
            v_t = x[ws:ws + WIN]
            scores = lax.dot_general(q_t, k_t, (((1,), (1,)), ((), ())),
                                     preferred_element_type=jnp.float32) * 0.25
            s0 = lax.dot_general(q_t, k0, (((1,), (1,)), ((), ())),
                                 preferred_element_type=jnp.float32) * 0.25
            io = lax.broadcasted_iota(jnp.int32, (SUB, WIN), 0)
            jo = lax.broadcasted_iota(jnp.int32, (SUB, WIN), 1)
            valid = jnp.abs(io - jo + (off - ws)) <= WINDOW

            asc = jnp.abs(scores)
            m_row = jnp.maximum(
                jnp.max(jnp.where(valid, asc, -jnp.inf), axis=1, keepdims=True),
                jnp.abs(s0))
            e = jnp.where(valid, jnp.exp(asc - m_row), 0.0)
            e0 = jnp.exp(jnp.abs(s0) - m_row)
            denom = jnp.sum(e, axis=1, keepdims=True) + e0
            wgt = jnp.sign(scores) * (e / denom)
            w0 = jnp.sign(s0) * (e0 / denom)

            delta = jnp.dot(wgt, v_t,
                            preferred_element_type=jnp.float32) + w0 * a_row
            parts.append(_ln(x[off:off + SUB] + delta, nw, nb))

        s_all = lax.dot_general(q0, kk, (((1,), (1,)), ((), ())),
                                preferred_element_type=jnp.float32) * 0.25
        s00 = lax.dot_general(q0, k0, (((1,), (1,)), ((), ())),
                              preferred_element_type=jnp.float32) * 0.25
        m0 = jnp.maximum(jnp.max(jnp.abs(s_all)), jnp.abs(s00)[0, 0])
        e_all = jnp.exp(jnp.abs(s_all) - m0)
        e00 = jnp.exp(jnp.abs(s00) - m0)
        den0 = jnp.sum(e_all) + e00[0, 0]
        delta0 = (jnp.dot(jnp.sign(s_all) * e_all, x,
                          preferred_element_type=jnp.float32)
                  + jnp.sign(s00) * e00 * a_row) / den0
        a_row = _ln(a_row + delta0, nw, nb)

        x = jnp.concatenate(parts, axis=0)

    shifted = jnp.concatenate([a_row, x[:s - 1]], axis=0)
    out_ref[0, 0:s, :] = shifted
    out_ref[0, s:s + 1, :] = x[s - 1:]


def _fused(emb, pos, anchor_row, u, v, nw, nb, inw, inb):
    b, s, _ = emb.shape
    return pl.pallas_call(
        _fused_body,
        grid=(b,),
        in_specs=[
            pl.BlockSpec((1, s, DIM), lambda bi: (bi, 0, 0)),
            pl.BlockSpec((s, DIM), lambda bi: (0, 0)),
            pl.BlockSpec((1, DIM), lambda bi: (0, 0)),
            pl.BlockSpec(u.shape, lambda bi: (0, 0, 0)),
            pl.BlockSpec(v.shape, lambda bi: (0, 0, 0)),
            pl.BlockSpec(nw.shape, lambda bi: (0, 0)),
            pl.BlockSpec(nb.shape, lambda bi: (0, 0)),
            pl.BlockSpec((1, DIM), lambda bi: (0, 0)),
            pl.BlockSpec((1, DIM), lambda bi: (0, 0)),
        ],
        out_specs=pl.BlockSpec((1, s + 1, DIM), lambda bi: (bi, 0, 0)),
        out_shape=jax.ShapeDtypeStruct((b, s + 1, DIM), jnp.float32),
        compiler_params=pltpu.CompilerParams(
            dimension_semantics=("arbitrary",)),
    )(emb, pos, anchor_row, u, v, nw, nb, inw, inb)




def kernel(input_ids, tok_emb, pos_emb, anchor_state, anchor_val, in_norm_w,
           in_norm_b, sp_w, sp_b, U, V, norm_w, norm_b):
    del anchor_state, sp_w, sp_b
    bsz, seq = input_ids.shape
    ids = input_ids.reshape(-1).astype(jnp.int32)
    emb = _sc_gather(tok_emb, ids).reshape(bsz, seq, DIM)
    return _fused(emb, pos_emb[:seq], anchor_val.reshape(1, DIM),
                  U[:, 0], V[:, 0], norm_w, norm_b,
                  in_norm_w.reshape(1, DIM), in_norm_b.reshape(1, DIM))

# --- scband reference (transcript-rebuilt; emitter-appended) ---
"""Pipeline reference for scband-smodule-12592844112143 (READ-ONLY COPY).

The authoritative reference and input builder live on the scoring server;
editing this copy changes nothing except your own understanding.
"""

import jax, jax.numpy as jnp
import numpy as np

VOCAB = 100000
DIM = 768
SEQ = 2048
L = 2
RANK = 16
H = 1
WINDOW = 64


def layernorm(x, w, b, eps=1e-5):
    mu = jnp.mean(x, axis=-1, keepdims=True)
    var = jnp.var(x, axis=-1, keepdims=True)
    return (x - mu) / jnp.sqrt(var + eps) * w + b


def signed_softmax_state(s):
    return jnp.sign(s) * jax.nn.softmax(jnp.abs(s), axis=-1)


def signed_abs_softmax_edges(scores, mask):
    a = jnp.where(mask, jnp.abs(scores), -jnp.inf)
    w = jax.nn.softmax(a, axis=-1)
    return jnp.sign(scores) * jnp.where(mask, w, 0.0)


def setup_inputs(seed: int = 0) -> dict:
    key = jax.random.key(seed)
    ks = jax.random.split(key, 8)
    inp = {}
    inp['input_ids'] = jax.random.randint(ks[0], (2, SEQ), 0, VOCAB)
    inp['tok_emb'] = jax.random.normal(ks[1], (VOCAB, DIM), dtype=jnp.float32) * 0.02
    inp['pos_emb'] = jax.random.normal(ks[2], (SEQ, DIM), dtype=jnp.float32) * 0.02
    inp['anchor_state'] = jnp.zeros(())
    inp['anchor_val'] = jax.random.normal(ks[3], (DIM,), dtype=jnp.float32) * 0.02
    inp['in_norm_w'] = jnp.ones((DIM,), dtype=jnp.float32)
    inp['in_norm_b'] = jnp.zeros((DIM,), dtype=jnp.float32)
    inp['sp_w'] = jax.random.normal(ks[4], (DIM, 1), dtype=jnp.float32) * 0.02
    inp['sp_b'] = jnp.zeros((1,), dtype=jnp.float32)
    inp['U'] = jax.random.normal(ks[5], (L, H, DIM, RANK), dtype=jnp.float32) * 0.02
    inp['V'] = jax.random.normal(ks[6], (L, H, DIM, RANK), dtype=jnp.float32) * 0.02
    inp['norm_w'] = jnp.ones((L, DIM), dtype=jnp.float32)
    inp['norm_b'] = jnp.zeros((L, DIM), dtype=jnp.float32)
    return inp


def reference(input_ids, tok_emb, pos_emb, anchor_state, anchor_val, in_norm_w, in_norm_b, sp_w, sp_b, U, V, norm_w, norm_b):
    B, S = input_ids.shape
    # token embedding gather + learned position encoding
    val = jnp.take(tok_emb, input_ids, axis=0) + pos_emb[:S][None]
    val = layernorm(val, in_norm_w, in_norm_b)
    # state projection (Linear(dim, 1)) -> scalar state per token
    state = (val @ sp_w + sp_b)[..., 0]
    # prepend anchor node (learned scalar state + learned value vector)
    a_val = jnp.broadcast_to(anchor_val, (B, 1, DIM))
    a_state = jnp.broadcast_to(jnp.reshape(anchor_state, (1, 1)), (B, 1))
    val = jnp.concatenate([a_val, val], axis=1)
    state = jnp.concatenate([a_state, state], axis=1)
    N = S + 1
    idx = jnp.arange(N)
    mask = (jnp.abs(idx[:, None] - idx[None, :]) <= WINDOW) | (idx[:, None] == 0) | (idx[None, :] == 0)
    mask = mask[None]
    for l in range(L):
        # low-rank pairwise fn inside banded (window) sparsity pattern
        q = jnp.einsum('bnd,hdr->bhnr', val, U[l])
        k = jnp.einsum('bnd,hdr->bhnr', val, V[l])
        scores = jnp.einsum('bhnr,bhmr->bnm', q, k) / jnp.sqrt(float(RANK * H))
        w = signed_abs_softmax_edges(scores, mask)
        # sparse propagation (message passing over window graph), residual=True
        delta_state = jnp.einsum('bnm,bm->bn', w, state)
        delta_val = jnp.einsum('bnm,bmd->bnd', w, val)
        state = signed_softmax_state(state + delta_state)
        val = layernorm(val + delta_val, norm_w[l], norm_b[l])
    return val

if __name__ == "__main__":
    import jax
    _d = setup_inputs()
    print(jax.jit(kernel)(*tuple(_d.values())))

</pallas_src>

<mosaic_0001>
#map = affine_map<(d0, d1) -> (0, 0)>
#map1 = affine_map<(d0, d1) -> (0)>
module attributes {stable_mosaic.version = 14 : i64} {
  func.func @k(%arg0: i32, %arg1: i32, %arg2: memref<100000x768xf32, #tpu.memory_space<hbm>>, %arg3: memref<4096xi32, #tpu.memory_space<hbm>>, %arg4: memref<4096x768xf32, #tpu.memory_space<hbm>>, %arg5: memref<128xi32, #tpu.memory_space<vmem>>, %arg6: memref<128x768xf32, #tpu.memory_space<vmem>>, %arg7: memref<!tpu.dma_semaphore, #tpu.memory_space<semaphore_mem>>) attributes {dimension_semantics = [#tpu.dimension_semantics<core_parallel>, #tpu.dimension_semantics<subcore_parallel>], iteration_bounds = array<i64: 2, 16>, scalar_prefetch = 0 : i64, scratch_operands = 3 : i64, tpu.core_type = #tpu.core_type<sc_vector_subcore>, window_params = [{transform_indices = #map}, {transform_indices = #map1}, {transform_indices = #map}]} {
    %mul3A = arith.constant 2 : i32
    %mul3A_0 = arith.muli %arg1, %mul3A : i32
    %add3A = arith.addi %mul3A_0, %arg0 : i32
    %mul3A_1 = arith.constant 128 : i32
    %mul3A_2 = arith.muli %add3A, %mul3A_1 : i32
    "tpu.region"() ({
      %run_scoped3A = tpu.sem_alloc : memref<!tpu.dma_semaphore, #tpu.memory_space<semaphore_mem>>
      %dma_start3A_7 = tpu.memref_slice %arg3[%mul3A_2] : memref<4096xi32, #tpu.memory_space<hbm>> -> memref<128xi32, #tpu.memory_space<hbm>>
      %dma_start3A_8 = tpu.memref_slice %arg3[%mul3A_2] : memref<4096xi32, #tpu.memory_space<hbm>> -> memref<128xi32, #tpu.memory_space<hbm>>
      tpu.enqueue_dma source(%dma_start3A_8 : memref<128xi32, #tpu.memory_space<hbm>>) target(%arg5 : memref<128xi32, #tpu.memory_space<vmem>>) target_semaphore(%run_scoped3A : memref<!tpu.dma_semaphore, #tpu.memory_space<semaphore_mem>>)
      %dma_wait3A_9 = tpu.memref_slice %arg3[%mul3A_2] : memref<4096xi32, #tpu.memory_space<hbm>> -> memref<128xi32, #tpu.memory_space<hbm>>
      %dma_wait3A_10 = tpu.memref_slice %arg3[%mul3A_2] : memref<4096xi32, #tpu.memory_space<hbm>> -> memref<128xi32, #tpu.memory_space<hbm>>
      tpu.wait_dma2 semaphore(%run_scoped3A : memref<!tpu.dma_semaphore, #tpu.memory_space<semaphore_mem>>) src(%dma_wait3A_10 : memref<128xi32, #tpu.memory_space<hbm>>) dst(%arg5 : memref<128xi32, #tpu.memory_space<vmem>>)
      tpu.yield
    }) : () -> ()
    %dma_start3A = arith.constant 0 : i32
    %dma_start3A_3 = arith.constant 0 : i32
    %dma_start3A_4 = tpu.memref_slice %arg2[%dma_start3A, %dma_start3A_3] : memref<100000x768xf32, #tpu.memory_space<hbm>> -> memref<100000x768xf32, #tpu.memory_space<hbm>>
    tpu.enqueue_indirect_dma source(%dma_start3A_4 : memref<100000x768xf32, #tpu.memory_space<hbm>>) target(%arg6 : memref<128x768xf32, #tpu.memory_space<vmem>>) offsets(%arg5 : memref<128xi32, #tpu.memory_space<vmem>>) semaphore(%arg7 : memref<!tpu.dma_semaphore, #tpu.memory_space<semaphore_mem>>)
    %dma_wait3A = arith.constant 0 : i32
    %dma_wait3A_5 = arith.constant 0 : i32
    %dma_wait3A_6 = tpu.memref_slice %arg2[%dma_wait3A, %dma_wait3A_5] : memref<100000x768xf32, #tpu.memory_space<hbm>> -> memref<100000x768xf32, #tpu.memory_space<hbm>>
    tpu.wait_indirect_dma semaphore(%arg7 : memref<!tpu.dma_semaphore, #tpu.memory_space<semaphore_mem>>) src(%dma_wait3A_6 : memref<100000x768xf32, #tpu.memory_space<hbm>>) dst(%arg6 : memref<128x768xf32, #tpu.memory_space<vmem>>)
    "tpu.region"() ({
      %run_scoped3A = tpu.sem_alloc : memref<!tpu.dma_semaphore, #tpu.memory_space<semaphore_mem>>
      %dma_start3A_7 = arith.constant 0 : i32
      %dma_start3A_8 = tpu.memref_slice %arg4[%mul3A_2, %dma_start3A_7] : memref<4096x768xf32, #tpu.memory_space<hbm>> -> memref<128x768xf32, #tpu.memory_space<hbm>>
      %dma_start3A_9 = arith.constant 0 : i32
      %dma_start3A_10 = tpu.memref_slice %arg4[%mul3A_2, %dma_start3A_9] : memref<4096x768xf32, #tpu.memory_space<hbm>> -> memref<128x768xf32, #tpu.memory_space<hbm>>
      tpu.enqueue_dma source(%arg6 : memref<128x768xf32, #tpu.memory_space<vmem>>) target(%dma_start3A_10 : memref<128x768xf32, #tpu.memory_space<hbm>>) target_semaphore(%run_scoped3A : memref<!tpu.dma_semaphore, #tpu.memory_space<semaphore_mem>>)
      %dma_wait3A_11 = arith.constant 0 : i32
      %dma_wait3A_12 = tpu.memref_slice %arg4[%mul3A_2, %dma_wait3A_11] : memref<4096x768xf32, #tpu.memory_space<hbm>> -> memref<128x768xf32, #tpu.memory_space<hbm>>
      %dma_wait3A_13 = arith.constant 0 : i32
      %dma_wait3A_14 = tpu.memref_slice %arg4[%mul3A_2, %dma_wait3A_13] : memref<4096x768xf32, #tpu.memory_space<hbm>> -> memref<128x768xf32, #tpu.memory_space<hbm>>
      tpu.wait_dma2 semaphore(%run_scoped3A : memref<!tpu.dma_semaphore, #tpu.memory_space<semaphore_mem>>) src(%arg6 : memref<128x768xf32, #tpu.memory_space<vmem>>) dst(%dma_wait3A_14 : memref<128x768xf32, #tpu.memory_space<hbm>>)
      tpu.yield
    }) : () -> ()
    return
  }
}

module attributes {stable_mosaic.version = 14 : i64} {
  func.func @_fused_body(%arg0: i32, %arg1: memref<1x2048x768xf32, #tpu.memory_space<vmem>>, %arg2: memref<2048x768xf32, #tpu.memory_space<vmem>>, %arg3: memref<1x768xf32, #tpu.memory_space<vmem>>, %arg4: memref<2x768x16xf32, #tpu.memory_space<vmem>>, %arg5: memref<2x768x16xf32, #tpu.memory_space<vmem>>, %arg6: memref<2x768xf32, #tpu.memory_space<vmem>>, %arg7: memref<2x768xf32, #tpu.memory_space<vmem>>, %arg8: memref<1x768xf32, #tpu.memory_space<vmem>>, %arg9: memref<1x768xf32, #tpu.memory_space<vmem>>, %arg10: memref<1x2049x768xf32, #tpu.memory_space<vmem>>) attributes {dimension_semantics = [#tpu.dimension_semantics<arbitrary>], iteration_bounds = array<i64: 2>, scalar_prefetch = 0 : i64, scratch_operands = 0 : i64, tpu.core_type = #tpu.core_type<tc>, window_params = [{transform_indices = @transform_0, window_bounds = array<i64: 1, 2048, 768>}, {pipeline_mode = #tpu.pipeline_mode<synchronous>, transform_indices = @transform_1, window_bounds = array<i64: 2048, 768>}, {pipeline_mode = #tpu.pipeline_mode<synchronous>, transform_indices = @transform_2, window_bounds = array<i64: 1, 768>}, {pipeline_mode = #tpu.pipeline_mode<synchronous>, transform_indices = @transform_3, window_bounds = array<i64: 2, 768, 16>}, {pipeline_mode = #tpu.pipeline_mode<synchronous>, transform_indices = @transform_4, window_bounds = array<i64: 2, 768, 16>}, {pipeline_mode = #tpu.pipeline_mode<synchronous>, transform_indices = @transform_5, window_bounds = array<i64: 2, 768>}, {pipeline_mode = #tpu.pipeline_mode<synchronous>, transform_indices = @transform_6, window_bounds = array<i64: 2, 768>}, {pipeline_mode = #tpu.pipeline_mode<synchronous>, transform_indices = @transform_7, window_bounds = array<i64: 1, 768>}, {pipeline_mode = #tpu.pipeline_mode<synchronous>, transform_indices = @transform_8, window_bounds = array<i64: 1, 768>}, {transform_indices = @transform_9, window_bounds = array<i64: 1, 2049, 768>}]} {
    %get3A = arith.constant 0 : index
    %get3A_0 = arith.constant 0 : index
    %get3A_1 = arith.constant 0 : index
    %get3A_2 = vector.load %arg1[%get3A, %get3A_0, %get3A_1] : memref<1x2048x768xf32, #tpu.memory_space<vmem>>, vector<1x2048x768xf32>
    %get3A_3 = vector.shape_cast %get3A_2 : vector<1x2048x768xf32> to vector<2048x768xf32>
    %get3A_4 = arith.constant 0 : index
    %get3A_5 = arith.constant 0 : index
    %get3A_6 = vector.load %arg2[%get3A_4, %get3A_5] : memref<2048x768xf32, #tpu.memory_space<vmem>>, vector<2048x768xf32>
    %add3A = arith.addf %get3A_3, %get3A_6 : vector<2048x768xf32>
    %get3A_7 = arith.constant 0 : index
    %get3A_8 = arith.constant 0 : index
    %get3A_9 = vector.load %arg8[%get3A_7, %get3A_8] : memref<1x768xf32, #tpu.memory_space<vmem>>, vector<1x768xf32>
    %get3A_10 = arith.constant 0 : index
    %get3A_11 = arith.constant 0 : index
    %get3A_12 = vector.load %arg9[%get3A_10, %get3A_11] : memref<1x768xf32, #tpu.memory_space<vmem>>, vector<1x768xf32>
    %reduce_sum3A = arith.constant dense<0.000000e+00> : vector<2048xf32>
    %reduce_sum3A_13 = vector.multi_reduction <add>, %add3A, %reduce_sum3A [1] : vector<2048x768xf32> to vector<2048xf32>
    %broadcast_in_dim3A = vector.shape_cast %reduce_sum3A_13 : vector<2048xf32> to vector<2048x1xf32>
    %div3A = arith.constant 7.680000e+02 : f32
    %div3A_14 = vector.broadcast %div3A : f32 to vector<2048x1xf32>
    %div3A_15 = arith.divf %broadcast_in_dim3A, %div3A_14 : vector<2048x1xf32>
    %sub3A = vector.broadcast %div3A_15 : vector<2048x1xf32> to vector<2048x768xf32>
    %sub3A_16 = arith.subf %add3A, %sub3A : vector<2048x768xf32>
    %integer_pow3A = arith.mulf %sub3A_16, %sub3A_16 : vector<2048x768xf32>
    %reduce_sum3A_17 = arith.constant dense<0.000000e+00> : vector<2048xf32>
    %reduce_sum3A_18 = vector.multi_reduction <add>, %integer_pow3A, %reduce_sum3A_17 [1] : vector<2048x768xf32> to vector<2048xf32>
    %broadcast_in_dim3A_19 = vector.shape_cast %reduce_sum3A_18 : vector<2048xf32> to vector<2048x1xf32>
    %div3A_20 = arith.constant 7.680000e+02 : f32
    %div3A_21 = vector.broadcast %div3A_20 : f32 to vector<2048x1xf32>
    %div3A_22 = arith.divf %broadcast_in_dim3A_19, %div3A_21 : vector<2048x1xf32>
    %sub3A_23 = vector.broadcast %div3A_15 : vector<2048x1xf32> to vector<2048x768xf32>
    %sub3A_24 = arith.subf %add3A, %sub3A_23 : vector<2048x768xf32>
    %add3A_25 = arith.constant 9.99999974E-6 : f32
    %add3A_26 = vector.broadcast %add3A_25 : f32 to vector<2048x1xf32>
    %add3A_27 = arith.addf %div3A_22, %add3A_26 : vector<2048x1xf32>
    %rsqrt3A = math.rsqrt %add3A_27 : vector<2048x1xf32>
    %mul3A = vector.broadcast %rsqrt3A : vector<2048x1xf32> to vector<2048x768xf32>
    %mul3A_28 = arith.mulf %sub3A_24, %mul3A : vector<2048x768xf32>
    %mul3A_29 = vector.broadcast %get3A_9 : vector<1x768xf32> to vector<2048x768xf32>
    %mul3A_30 = arith.mulf %mul3A_28, %mul3A_29 : vector<2048x768xf32>
    %add3A_31 = vector.broadcast %get3A_12 : vector<1x768xf32> to vector<2048x768xf32>
    %add3A_32 = arith.addf %mul3A_30, %add3A_31 : vector<2048x768xf32>
    %get3A_33 = arith.constant 0 : index
    %get3A_34 = arith.constant 0 : index
    %get3A_35 = vector.load %arg3[%get3A_33, %get3A_34] : memref<1x768xf32, #tpu.memory_space<vmem>>, vector<1x768xf32>
    %get3A_36 = arith.constant 0 : index
    %get3A_37 = arith.constant 0 : index
    %get3A_38 = arith.constant 0 : index
    %get3A_39 = vector.load %arg4[%get3A_36, %get3A_37, %get3A_38] : memref<2x768x16xf32, #tpu.memory_space<vmem>>, vector<1x768x16xf32>
    %get3A_40 = vector.shape_cast %get3A_39 : vector<1x768x16xf32> to vector<768x16xf32>
    %get3A_41 = arith.constant 0 : index
    %get3A_42 = arith.constant 0 : index
    %get3A_43 = arith.constant 0 : index
    %get3A_44 = vector.load %arg5[%get3A_41, %get3A_42, %get3A_43] : memref<2x768x16xf32, #tpu.memory_space<vmem>>, vector<1x768x16xf32>
    %get3A_45 = vector.shape_cast %get3A_44 : vector<1x768x16xf32> to vector<768x16xf32>
    %get3A_46 = arith.constant 0 : index
    %get3A_47 = arith.constant 0 : index
    %get3A_48 = vector.load %arg6[%get3A_46, %get3A_47] : memref<2x768xf32, #tpu.memory_space<vmem>>, vector<1x768xf32>
    %get3A_49 = arith.constant 0 : index
    %get3A_50 = arith.constant 0 : index
    %get3A_51 = vector.load %arg7[%get3A_49, %get3A_50] : memref<2x768xf32, #tpu.memory_space<vmem>>, vector<1x768xf32>
    %dot_general3A = arith.constant dense<0.000000e+00> : vector<2048x16xf32>
    %dot_general3A_52 = tpu.matmul %add3A_32, %get3A_40, %dot_general3A {dimension_numbers = #tpu.dot_dimension_numbers<[1], [0], [0], [1], [0, 0, 1, 1], [], []>, transpose_lhs_hint = false} : vector<2048x768xf32>, vector<768x16xf32>, vector<2048x16xf32> -> vector<2048x16xf32>
    %dot_general3A_53 = arith.constant dense<0.000000e+00> : vector<2048x16xf32>
    %dot_general3A_54 = tpu.matmul %add3A_32, %get3A_45, %dot_general3A_53 {dimension_numbers = #tpu.dot_dimension_numbers<[1], [0], [0], [1], [0, 0, 1, 1], [], []>, transpose_lhs_hint = false} : vector<2048x768xf32>, vector<768x16xf32>, vector<2048x16xf32> -> vector<2048x16xf32>
    %dot_general3A_55 = arith.constant dense<0.000000e+00> : vector<1x16xf32>
    %dot_general3A_56 = tpu.matmul %get3A_35, %get3A_40, %dot_general3A_55 {dimension_numbers = #tpu.dot_dimension_numbers<[1], [0], [0], [1], [0, 0, 1, 1], [], []>, transpose_lhs_hint = false} : vector<1x768xf32>, vector<768x16xf32>, vector<1x16xf32> -> vector<1x16xf32>
    %dot_general3A_57 = arith.constant dense<0.000000e+00> : vector<1x16xf32>
    %dot_general3A_58 = tpu.matmul %get3A_35, %get3A_45, %dot_general3A_57 {dimension_numbers = #tpu.dot_dimension_numbers<[1], [0], [0], [1], [0, 0, 1, 1], [], []>, transpose_lhs_hint = false} : vector<1x768xf32>, vector<768x16xf32>, vector<1x16xf32> -> vector<1x16xf32>
    %slice3A = vector.extract_strided_slice %dot_general3A_52 {offsets = [0, 0], sizes = [128, 16], strides = [1, 1]} : vector<2048x16xf32> to vector<128x16xf32>
    %slice3A_59 = vector.extract_strided_slice %dot_general3A_54 {offsets = [0, 0], sizes = [256, 16], strides = [1, 1]} : vector<2048x16xf32> to vector<256x16xf32>
    %slice3A_60 = vector.extract_strided_slice %add3A_32 {offsets = [0, 0], sizes = [256, 768], strides = [1, 1]} : vector<2048x768xf32> to vector<256x768xf32>
    %dot_general3A_61 = arith.constant dense<0.000000e+00> : vector<128x256xf32>
    %dot_general3A_62 = tpu.matmul %slice3A, %slice3A_59, %dot_general3A_61 {dimension_numbers = #tpu.dot_dimension_numbers<[1], [1], [0], [0], [0, 0, 1, 0], [], []>, transpose_lhs_hint = false} : vector<128x16xf32>, vector<256x16xf32>, vector<128x256xf32> -> vector<128x256xf32>
    %mul3A_63 = arith.constant 2.500000e-01 : f32
    %mul3A_64 = vector.broadcast %mul3A_63 : f32 to vector<128x256xf32>
    %mul3A_65 = arith.mulf %dot_general3A_62, %mul3A_64 : vector<128x256xf32>
    %dot_general3A_66 = arith.constant dense<0.000000e+00> : vector<128x1xf32>
    %dot_general3A_67 = tpu.matmul %slice3A, %dot_general3A_58, %dot_general3A_66 {dimension_numbers = #tpu.dot_dimension_numbers<[1], [1], [0], [0], [0, 0, 1, 0], [], []>, transpose_lhs_hint = false} : vector<128x16xf32>, vector<1x16xf32>, vector<128x1xf32> -> vector<128x1xf32>
    %mul3A_68 = arith.constant 2.500000e-01 : f32
    %mul3A_69 = vector.broadcast %mul3A_68 : f32 to vector<128x1xf32>
    %mul3A_70 = arith.mulf %dot_general3A_67, %mul3A_69 : vector<128x1xf32>
    %iota3A = tpu.iota {dimensions = array<i32: 0>} : vector<128x256xi32>
    %iota3A_71 = tpu.iota {dimensions = array<i32: 1>} : vector<128x256xi32>
    %sub3A_72 = arith.subi %iota3A, %iota3A_71 : vector<128x256xi32>
    %add3A_73 = arith.constant 0 : i32
    %add3A_74 = vector.broadcast %add3A_73 : i32 to vector<128x256xi32>
    %add3A_75 = arith.addi %sub3A_72, %add3A_74 : vector<128x256xi32>
    %abs3A = math.absi %add3A_75 : vector<128x256xi32>
    %le3A = arith.constant 64 : i32
    %le3A_76 = vector.broadcast %le3A : i32 to vector<128x256xi32>
    %le3A_77 = arith.cmpi sle, %abs3A, %le3A_76 : vector<128x256xi32>
    %abs3A_78 = math.absf %mul3A_65 : vector<128x256xf32>
    %jit3A = arith.constant 0xFF800000 : f32
    %broadcast_in_dim3A_79 = vector.broadcast %jit3A : f32 to vector<128x256xf32>
    %select_n3A = arith.select %le3A_77, %abs3A_78, %broadcast_in_dim3A_79 : vector<128x256xi1>, vector<128x256xf32>
    %reduce_max3A = arith.constant dense<0xFF800000> : vector<128xf32>
    %reduce_max3A_80 = vector.multi_reduction <maximumf>, %select_n3A, %reduce_max3A [1] : vector<128x256xf32> to vector<128xf32>
    %broadcast_in_dim3A_81 = vector.shape_cast %reduce_max3A_80 : vector<128xf32> to vector<128x1xf32>
    %abs3A_82 = math.absf %mul3A_70 : vector<128x1xf32>
    %max3A = arith.maximumf %broadcast_in_dim3A_81, %abs3A_82 : vector<128x1xf32>
    %sub3A_83 = vector.broadcast %max3A : vector<128x1xf32> to vector<128x256xf32>
    %sub3A_84 = arith.subf %abs3A_78, %sub3A_83 : vector<128x256xf32>
    %exp3A = math.exp %sub3A_84 : vector<128x256xf32>
    %jit3A_85 = arith.constant 0.000000e+00 : f32
    %broadcast_in_dim3A_86 = vector.broadcast %jit3A_85 : f32 to vector<128x256xf32>
    %select_n3A_87 = arith.select %le3A_77, %exp3A, %broadcast_in_dim3A_86 : vector<128x256xi1>, vector<128x256xf32>
    %abs3A_88 = math.absf %mul3A_70 : vector<128x1xf32>
    %sub3A_89 = arith.subf %abs3A_88, %max3A : vector<128x1xf32>
    %exp3A_90 = math.exp %sub3A_89 : vector<128x1xf32>
    %reduce_sum3A_91 = arith.constant dense<0.000000e+00> : vector<128xf32>
    %reduce_sum3A_92 = vector.multi_reduction <add>, %select_n3A_87, %reduce_sum3A_91 [1] : vector<128x256xf32> to vector<128xf32>
    %broadcast_in_dim3A_93 = vector.shape_cast %reduce_sum3A_92 : vector<128xf32> to vector<128x1xf32>
    %add3A_94 = arith.addf %broadcast_in_dim3A_93, %exp3A_90 : vector<128x1xf32>
    %sign3A = tpu.bitcast %mul3A_65 : vector<128x256xf32> -> vector<128x256xi32>
    %sign3A_95 = arith.constant -2147483648 : i32
    %sign3A_96 = vector.broadcast %sign3A_95 : i32 to vector<128x256xi32>
    %sign3A_97 = arith.andi %sign3A, %sign3A_96 : vector<128x256xi32>
    %sign3A_98 = arith.constant 1065353216 : i32
    %sign3A_99 = vector.broadcast %sign3A_98 : i32 to vector<128x256xi32>
    %sign3A_100 = arith.ori %sign3A_99, %sign3A_97 : vector<128x256xi32>
    %sign3A_101 = tpu.bitcast %sign3A_100 : vector<128x256xi32> -> vector<128x256xf32>
    %sign3A_102 = math.absf %mul3A_65 : vector<128x256xf32>
    %sign3A_103 = arith.constant 0.000000e+00 : f32
    %sign3A_104 = vector.broadcast %sign3A_103 : f32 to vector<128x256xf32>
    %sign3A_105 = arith.cmpf ogt, %sign3A_102, %sign3A_104 : vector<128x256xf32>
    %sign3A_106 = arith.select %sign3A_105, %sign3A_101, %mul3A_65 : vector<128x256xi1>, vector<128x256xf32>
    %div3A_107 = vector.broadcast %add3A_94 : vector<128x1xf32> to vector<128x256xf32>
    %div3A_108 = arith.divf %select_n3A_87, %div3A_107 : vector<128x256xf32>
    %mul3A_109 = arith.mulf %sign3A_106, %div3A_108 : vector<128x256xf32>
    %sign3A_110 = tpu.bitcast %mul3A_70 : vector<128x1xf32> -> vector<128x1xi32>
    %sign3A_111 = arith.constant -2147483648 : i32
    %sign3A_112 = vector.broadcast %sign3A_111 : i32 to vector<128x1xi32>
    %sign3A_113 = arith.andi %sign3A_110, %sign3A_112 : vector<128x1xi32>
    %sign3A_114 = arith.constant 1065353216 : i32
    %sign3A_115 = vector.broadcast %sign3A_114 : i32 to vector<128x1xi32>
    %sign3A_116 = arith.ori %sign3A_115, %sign3A_113 : vector<128x1xi32>
    %sign3A_117 = tpu.bitcast %sign3A_116 : vector<128x1xi32> -> vector<128x1xf32>
    %sign3A_118 = math.absf %mul3A_70 : vector<128x1xf32>
    %sign3A_119 = arith.constant 0.000000e+00 : f32
    %sign3A_120 = vector.broadcast %sign3A_119 : f32 to vector<128x1xf32>
    %sign3A_121 = arith.cmpf ogt, %sign3A_118, %sign3A_120 : vector<128x1xf32>
    %sign3A_122 = arith.select %sign3A_121, %sign3A_117, %mul3A_70 : vector<128x1xi1>, vector<128x1xf32>
    %div3A_123 = arith.divf %exp3A_90, %add3A_94 : vector<128x1xf32>
    %mul3A_124 = arith.mulf %sign3A_122, %div3A_123 : vector<128x1xf32>
    %dot_general3A_125 = arith.constant dense<0.000000e+00> : vector<128x768xf32>
    %dot_general3A_126 = tpu.matmul %mul3A_109, %slice3A_60, %dot_general3A_125 {dimension_numbers = #tpu.dot_dimension_numbers<[1], [0], [0], [1], [0, 0, 1, 1], [], []>, transpose_lhs_hint = false} : vector<128x256xf32>, vector<256x768xf32>, vector<128x768xf32> -> vector<128x768xf32>
    %mul3A_127 = vector.broadcast %mul3A_124 : vector<128x1xf32> to vector<128x768xf32>
    %mul3A_128 = vector.broadcast %get3A_35 : vector<1x768xf32> to vector<128x768xf32>
    %mul3A_129 = arith.mulf %mul3A_127, %mul3A_128 : vector<128x768xf32>
    %add3A_130 = arith.addf %dot_general3A_126, %mul3A_129 : vector<128x768xf32>
    %slice3A_131 = vector.extract_strided_slice %add3A_32 {offsets = [0, 0], sizes = [128, 768], strides = [1, 1]} : vector<2048x768xf32> to vector<128x768xf32>
    %add3A_132 = arith.addf %slice3A_131, %add3A_130 : vector<128x768xf32>
    %reduce_sum3A_133 = arith.constant dense<0.000000e+00> : vector<128xf32>
    %reduce_sum3A_134 = vector.multi_reduction <add>, %add3A_132, %reduce_sum3A_133 [1] : vector<128x768xf32> to vector<128xf32>
    %broadcast_in_dim3A_135 = vector.shape_cast %reduce_sum3A_134 : vector<128xf32> to vector<128x1xf32>
    %div3A_136 = arith.constant 7.680000e+02 : f32
    %div3A_137 = vector.broadcast %div3A_136 : f32 to vector<128x1xf32>
    %div3A_138 = arith.divf %broadcast_in_dim3A_135, %div3A_137 : vector<128x1xf32>
    %sub3A_139 = vector.broadcast %div3A_138 : vector<128x1xf32> to vector<128x768xf32>
    %sub3A_140 = arith.subf %add3A_132, %sub3A_139 : vector<128x768xf32>
    %integer_pow3A_141 = arith.mulf %sub3A_140, %sub3A_140 : vector<128x768xf32>
    %reduce_sum3A_142 = arith.constant dense<0.000000e+00> : vector<128xf32>
    %reduce_sum3A_143 = vector.multi_reduction <add>, %integer_pow3A_141, %reduce_sum3A_142 [1] : vector<128x768xf32> to vector<128xf32>
    %broadcast_in_dim3A_144 = vector.shape_cast %reduce_sum3A_143 : vector<128xf32> to vector<128x1xf32>
    %div3A_145 = arith.constant 7.680000e+02 : f32
    %div3A_146 = vector.broadcast %div3A_145 : f32 to vector<128x1xf32>
    %div3A_147 = arith.divf %broadcast_in_dim3A_144, %div3A_146 : vector<128x1xf32>
    %sub3A_148 = vector.broadcast %div3A_138 : vector<128x1xf32> to vector<128x768xf32>
    %sub3A_149 = arith.subf %add3A_132, %sub3A_148 : vector<128x768xf32>
    %add3A_150 = arith.constant 9.99999974E-6 : f32
    %add3A_151 = vector.broadcast %add3A_150 : f32 to vector<128x1xf32>
    %add3A_152 = arith.addf %div3A_147, %add3A_151 : vector<128x1xf32>
    %rsqrt3A_153 = math.rsqrt %add3A_152 : vector<128x1xf32>
    %mul3A_154 = vector.broadcast %rsqrt3A_153 : vector<128x1xf32> to vector<128x768xf32>
    %mul3A_155 = arith.mulf %sub3A_149, %mul3A_154 : vector<128x768xf32>
    %mul3A_156 = vector.broadcast %get3A_48 : vector<1x768xf32> to vector<128x768xf32>
    %mul3A_157 = arith.mulf %mul3A_155, %mul3A_156 : vector<128x768xf32>
    %add3A_158 = vector.broadcast %get3A_51 : vector<1x768xf32> to vector<128x768xf32>
    %add3A_159 = arith.addf %mul3A_157, %add3A_158 : vector<128x768xf32>
    %slice3A_160 = vector.extract_strided_slice %dot_general3A_52 {offsets = [128, 0], sizes = [128, 16], strides = [1, 1]} : vector<2048x16xf32> to vector<128x16xf32>
    %slice3A_161 = vector.extract_strided_slice %dot_general3A_54 {offsets = [64, 0], sizes = [256, 16], strides = [1, 1]} : vector<2048x16xf32> to vector<256x16xf32>
    %slice3A_162 = vector.extract_strided_slice %add3A_32 {offsets = [64, 0], sizes = [256, 768], strides = [1, 1]} : vector<2048x768xf32> to vector<256x768xf32>
    %dot_general3A_163 = arith.constant dense<0.000000e+00> : vector<128x256xf32>
    %dot_general3A_164 = tpu.matmul %slice3A_160, %slice3A_161, %dot_general3A_163 {dimension_numbers = #tpu.dot_dimension_numbers<[1], [1], [0], [0], [0, 0, 1, 0], [], []>, transpose_lhs_hint = false} : vector<128x16xf32>, vector<256x16xf32>, vector<128x256xf32> -> vector<128x256xf32>
    %mul3A_165 = arith.constant 2.500000e-01 : f32
    %mul3A_166 = vector.broadcast %mul3A_165 : f32 to vector<128x256xf32>
    %mul3A_167 = arith.mulf %dot_general3A_164, %mul3A_166 : vector<128x256xf32>
    %dot_general3A_168 = arith.constant dense<0.000000e+00> : vector<128x1xf32>
    %dot_general3A_169 = tpu.matmul %slice3A_160, %dot_general3A_58, %dot_general3A_168 {dimension_numbers = #tpu.dot_dimension_numbers<[1], [1], [0], [0], [0, 0, 1, 0], [], []>, transpose_lhs_hint = false} : vector<128x16xf32>, vector<1x16xf32>, vector<128x1xf32> -> vector<128x1xf32>
    %mul3A_170 = arith.constant 2.500000e-01 : f32
    %mul3A_171 = vector.broadcast %mul3A_170 : f32 to vector<128x1xf32>
    %mul3A_172 = arith.mulf %dot_general3A_169, %mul3A_171 : vector<128x1xf32>
    %iota3A_173 = tpu.iota {dimensions = array<i32: 0>} : vector<128x256xi32>
    %iota3A_174 = tpu.iota {dimensions = array<i32: 1>} : vector<128x256xi32>
    %sub3A_175 = arith.subi %iota3A_173, %iota3A_174 : vector<128x256xi32>
    %add3A_176 = arith.constant 64 : i32
    %add3A_177 = vector.broadcast %add3A_176 : i32 to vector<128x256xi32>
    %add3A_178 = arith.addi %sub3A_175, %add3A_177 : vector<128x256xi32>
    %abs3A_179 = math.absi %add3A_178 : vector<128x256xi32>
    %le3A_180 = arith.constant 64 : i32
    %le3A_181 = vector.broadcast %le3A_180 : i32 to vector<128x256xi32>
    %le3A_182 = arith.cmpi sle, %abs3A_179, %le3A_181 : vector<128x256xi32>
    %abs3A_183 = math.absf %mul3A_167 : vector<128x256xf32>
    %jit3A_184 = arith.constant 0xFF800000 : f32
    %broadcast_in_dim3A_185 = vector.broadcast %jit3A_184 : f32 to vector<128x256xf32>
    %select_n3A_186 = arith.select %le3A_182, %abs3A_183, %broadcast_in_dim3A_185 : vector<128x256xi1>, vector<128x256xf32>
    %reduce_max3A_187 = arith.constant dense<0xFF800000> : vector<128xf32>
    %reduce_max3A_188 = vector.multi_reduction <maximumf>, %select_n3A_186, %reduce_max3A_187 [1] : vector<128x256xf32> to vector<128xf32>
    %broadcast_in_dim3A_189 = vector.shape_cast %reduce_max3A_188 : vector<128xf32> to vector<128x1xf32>
    %abs3A_190 = math.absf %mul3A_172 : vector<128x1xf32>
    %max3A_191 = arith.maximumf %broadcast_in_dim3A_189, %abs3A_190 : vector<128x1xf32>
    %sub3A_192 = vector.broadcast %max3A_191 : vector<128x1xf32> to vector<128x256xf32>
    %sub3A_193 = arith.subf %abs3A_183, %sub3A_192 : vector<128x256xf32>
    %exp3A_194 = math.exp %sub3A_193 : vector<128x256xf32>
    %jit3A_195 = arith.constant 0.000000e+00 : f32
    %broadcast_in_dim3A_196 = vector.broadcast %jit3A_195 : f32 to vector<128x256xf32>
    %select_n3A_197 = arith.select %le3A_182, %exp3A_194, %broadcast_in_dim3A_196 : vector<128x256xi1>, vector<128x256xf32>
    %abs3A_198 = math.absf %mul3A_172 : vector<128x1xf32>
    %sub3A_199 = arith.subf %abs3A_198, %max3A_191 : vector<128x1xf32>
    %exp3A_200 = math.exp %sub3A_199 : vector<128x1xf32>
    %reduce_sum3A_201 = arith.constant dense<0.000000e+00> : vector<128xf32>
    %reduce_sum3A_202 = vector.multi_reduction <add>, %select_n3A_197, %reduce_sum3A_201 [1] : vector<128x256xf32> to vector<128xf32>
    %broadcast_in_dim3A_203 = vector.shape_cast %reduce_sum3A_202 : vector<128xf32> to vector<128x1xf32>
    %add3A_204 = arith.addf %broadcast_in_dim3A_203, %exp3A_200 : vector<128x1xf32>
    %sign3A_205 = tpu.bitcast %mul3A_167 : vector<128x256xf32> -> vector<128x256xi32>
    %sign3A_206 = arith.constant -2147483648 : i32
    %sign3A_207 = vector.broadcast %sign3A_206 : i32 to vector<128x256xi32>
    %sign3A_208 = arith.andi %sign3A_205, %sign3A_207 : vector<128x256xi32>
    %sign3A_209 = arith.constant 1065353216 : i32
    %sign3A_210 = vector.broadcast %sign3A_209 : i32 to vector<128x256xi32>
    %sign3A_211 = arith.ori %sign3A_210, %sign3A_208 : vector<128x256xi32>
    %sign3A_212 = tpu.bitcast %sign3A_211 : vector<128x256xi32> -> vector<128x256xf32>
    %sign3A_213 = math.absf %mul3A_167 : vector<128x256xf32>
    %sign3A_214 = arith.constant 0.000000e+00 : f32
    %sign3A_215 = vector.broadcast %sign3A_214 : f32 to vector<128x256xf32>
    %sign3A_216 = arith.cmpf ogt, %sign3A_213, %sign3A_215 : vector<128x256xf32>
    %sign3A_217 = arith.select %sign3A_216, %sign3A_212, %mul3A_167 : vector<128x256xi1>, vector<128x256xf32>
    %div3A_218 = vector.broadcast %add3A_204 : vector<128x1xf32> to vector<128x256xf32>
    %div3A_219 = arith.divf %select_n3A_197, %div3A_218 : vector<128x256xf32>
    %mul3A_220 = arith.mulf %sign3A_217, %div3A_219 : vector<128x256xf32>
    %sign3A_221 = tpu.bitcast %mul3A_172 : vector<128x1xf32> -> vector<128x1xi32>
    %sign3A_222 = arith.constant -2147483648 : i32
    %sign3A_223 = vector.broadcast %sign3A_222 : i32 to vector<128x1xi32>
    %sign3A_224 = arith.andi %sign3A_221, %sign3A_223 : vector<128x1xi32>
    %sign3A_225 = arith.constant 1065353216 : i32
    %sign3A_226 = vector.broadcast %sign3A_225 : i32 to vector<128x1xi32>
    %sign3A_227 = arith.ori %sign3A_226, %sign3A_224 : vector<128x1xi32>
    %sign3A_228 = tpu.bitcast %sign3A_227 : vector<128x1xi32> -> vector<128x1xf32>
    %sign3A_229 = math.absf %mul3A_172 : vector<128x1xf32>
    %sign3A_230 = arith.constant 0.000000e+00 : f32
    %sign3A_231 = vector.broadcast %sign3A_230 : f32 to vector<128x1xf32>
    %sign3A_232 = arith.cmpf ogt, %sign3A_229, %sign3A_231 : vector<128x1xf32>
    %sign3A_233 = arith.select %sign3A_232, %sign3A_228, %mul3A_172 : vector<128x1xi1>, vector<128x1xf32>
    %div3A_234 = arith.divf %exp3A_200, %add3A_204 : vector<128x1xf32>
    %mul3A_235 = arith.mulf %sign3A_233, %div3A_234 : vector<128x1xf32>
    %dot_general3A_236 = arith.constant dense<0.000000e+00> : vector<128x768xf32>
    %dot_general3A_237 = tpu.matmul %mul3A_220, %slice3A_162, %dot_general3A_236 {dimension_numbers = #tpu.dot_dimension_numbers<[1], [0], [0], [1], [0, 0, 1, 1], [], []>, transpose_lhs_hint = false} : vector<128x256xf32>, vector<256x768xf32>, vector<128x768xf32> -> vector<128x768xf32>
    %mul3A_238 = vector.broadcast %mul3A_235 : vector<128x1xf32> to vector<128x768xf32>
    %mul3A_239 = vector.broadcast %get3A_35 : vector<1x768xf32> to vector<128x768xf32>
    %mul3A_240 = arith.mulf %mul3A_238, %mul3A_239 : vector<128x768xf32>
    %add3A_241 = arith.addf %dot_general3A_237, %mul3A_240 : vector<128x768xf32>
    %slice3A_242 = vector.extract_strided_slice %add3A_32 {offsets = [128, 0], sizes = [128, 768], strides = [1, 1]} : vector<2048x768xf32> to vector<128x768xf32>
    %add3A_243 = arith.addf %slice3A_242, %add3A_241 : vector<128x768xf32>
    %reduce_sum3A_244 = arith.constant dense<0.000000e+00> : vector<128xf32>
    %reduce_sum3A_245 = vector.multi_reduction <add>, %add3A_243, %reduce_sum3A_244 [1] : vector<128x768xf32> to vector<128xf32>
    %broadcast_in_dim3A_246 = vector.shape_cast %reduce_sum3A_245 : vector<128xf32> to vector<128x1xf32>
    %div3A_247 = arith.constant 7.680000e+02 : f32
    %div3A_248 = vector.broadcast %div3A_247 : f32 to vector<128x1xf32>
    %div3A_249 = arith.divf %broadcast_in_dim3A_246, %div3A_248 : vector<128x1xf32>
    %sub3A_250 = vector.broadcast %div3A_249 : vector<128x1xf32> to vector<128x768xf32>
    %sub3A_251 = arith.subf %add3A_243, %sub3A_250 : vector<128x768xf32>
    %integer_pow3A_252 = arith.mulf %sub3A_251, %sub3A_251 : vector<128x768xf32>
    %reduce_sum3A_253 = arith.constant dense<0.000000e+00> : vector<128xf32>
    %reduce_sum3A_254 = vector.multi_reduction <add>, %integer_pow3A_252, %reduce_sum3A_253 [1] : vector<128x768xf32> to vector<128xf32>
    %broadcast_in_dim3A_255 = vector.shape_cast %reduce_sum3A_254 : vector<128xf32> to vector<128x1xf32>
    %div3A_256 = arith.constant 7.680000e+02 : f32
    %div3A_257 = vector.broadcast %div3A_256 : f32 to vector<128x1xf32>
    %div3A_258 = arith.divf %broadcast_in_dim3A_255, %div3A_257 : vector<128x1xf32>
    %sub3A_259 = vector.broadcast %div3A_249 : vector<128x1xf32> to vector<128x768xf32>
    %sub3A_260 = arith.subf %add3A_243, %sub3A_259 : vector<128x768xf32>
    %add3A_261 = arith.constant 9.99999974E-6 : f32
    %add3A_262 = vector.broadcast %add3A_261 : f32 to vector<128x1xf32>
    %add3A_263 = arith.addf %div3A_258, %add3A_262 : vector<128x1xf32>
    %rsqrt3A_264 = math.rsqrt %add3A_263 : vector<128x1xf32>
    %mul3A_265 = vector.broadcast %rsqrt3A_264 : vector<128x1xf32> to vector<128x768xf32>
    %mul3A_266 = arith.mulf %sub3A_260, %mul3A_265 : vector<128x768xf32>
    %mul3A_267 = vector.broadcast %get3A_48 : vector<1x768xf32> to vector<128x768xf32>
    %mul3A_268 = arith.mulf %mul3A_266, %mul3A_267 : vector<128x768xf32>
    %add3A_269 = vector.broadcast %get3A_51 : vector<1x768xf32> to vector<128x768xf32>
    %add3A_270 = arith.addf %mul3A_268, %add3A_269 : vector<128x768xf32>
    %slice3A_271 = vector.extract_strided_slice %dot_general3A_52 {offsets = [256, 0], sizes = [128, 16], strides = [1, 1]} : vector<2048x16xf32> to vector<128x16xf32>
    %slice3A_272 = vector.extract_strided_slice %dot_general3A_54 {offsets = [192, 0], sizes = [256, 16], strides = [1, 1]} : vector<2048x16xf32> to vector<256x16xf32>
    %slice3A_273 = vector.extract_strided_slice %add3A_32 {offsets = [192, 0], sizes = [256, 768], strides = [1, 1]} : vector<2048x768xf32> to vector<256x768xf32>
    %dot_general3A_274 = arith.constant dense<0.000000e+00> : vector<128x256xf32>
    %dot_general3A_275 = tpu.matmul %slice3A_271, %slice3A_272, %dot_general3A_274 {dimension_numbers = #tpu.dot_dimension_numbers<[1], [1], [0], [0], [0, 0, 1, 0], [], []>, transpose_lhs_hint = false} : vector<128x16xf32>, vector<256x16xf32>, vector<128x256xf32> -> vector<128x256xf32>
    %mul3A_276 = arith.constant 2.500000e-01 : f32
    %mul3A_277 = vector.broadcast %mul3A_276 : f32 to vector<128x256xf32>
    %mul3A_278 = arith.mulf %dot_general3A_275, %mul3A_277 : vector<128x256xf32>
    %dot_general3A_279 = arith.constant dense<0.000000e+00> : vector<128x1xf32>
    %dot_general3A_280 = tpu.matmul %slice3A_271, %dot_general3A_58, %dot_general3A_279 {dimension_numbers = #tpu.dot_dimension_numbers<[1], [1], [0], [0], [0, 0, 1, 0], [], []>, transpose_lhs_hint = false} : vector<128x16xf32>, vector<1x16xf32>, vector<128x1xf32> -> vector<128x1xf32>
    %mul3A_281 = arith.constant 2.500000e-01 : f32
    %mul3A_282 = vector.broadcast %mul3A_281 : f32 to vector<128x1xf32>
    %mul3A_283 = arith.mulf %dot_general3A_280, %mul3A_282 : vector<128x1xf32>
    %iota3A_284 = tpu.iota {dimensions = array<i32: 0>} : vector<128x256xi32>
    %iota3A_285 = tpu.iota {dimensions = array<i32: 1>} : vector<128x256xi32>
    %sub3A_286 = arith.subi %iota3A_284, %iota3A_285 : vector<128x256xi32>
    %add3A_287 = arith.constant 64 : i32
    %add3A_288 = vector.broadcast %add3A_287 : i32 to vector<128x256xi32>
    %add3A_289 = arith.addi %sub3A_286, %add3A_288 : vector<128x256xi32>
    %abs3A_290 = math.absi %add3A_289 : vector<128x256xi32>
    %le3A_291 = arith.constant 64 : i32
    %le3A_292 = vector.broadcast %le3A_291 : i32 to vector<128x256xi32>
    %le3A_293 = arith.cmpi sle, %abs3A_290, %le3A_292 : vector<128x256xi32>
    %abs3A_294 = math.absf %mul3A_278 : vector<128x256xf32>
    %jit3A_295 = arith.constant 0xFF800000 : f32
    %broadcast_in_dim3A_296 = vector.broadcast %jit3A_295 : f32 to vector<128x256xf32>
    %select_n3A_297 = arith.select %le3A_293, %abs3A_294, %broadcast_in_dim3A_296 : vector<128x256xi1>, vector<128x256xf32>
    %reduce_max3A_298 = arith.constant dense<0xFF800000> : vector<128xf32>
    %reduce_max3A_299 = vector.multi_reduction <maximumf>, %select_n3A_297, %reduce_max3A_298 [1] : vector<128x256xf32> to vector<128xf32>
    %broadcast_in_dim3A_300 = vector.shape_cast %reduce_max3A_299 : vector<128xf32> to vector<128x1xf32>
    %abs3A_301 = math.absf %mul3A_283 : vector<128x1xf32>
    %max3A_302 = arith.maximumf %broadcast_in_dim3A_300, %abs3A_301 : vector<128x1xf32>
    %sub3A_303 = vector.broadcast %max3A_302 : vector<128x1xf32> to vector<128x256xf32>
    %sub3A_304 = arith.subf %abs3A_294, %sub3A_303 : vector<128x256xf32>
    %exp3A_305 = math.exp %sub3A_304 : vector<128x256xf32>
    %jit3A_306 = arith.constant 0.000000e+00 : f32
    %broadcast_in_dim3A_307 = vector.broadcast %jit3A_306 : f32 to vector<128x256xf32>
    %select_n3A_308 = arith.select %le3A_293, %exp3A_305, %broadcast_in_dim3A_307 : vector<128x256xi1>, vector<128x256xf32>
    %abs3A_309 = math.absf %mul3A_283 : vector<128x1xf32>
    %sub3A_310 = arith.subf %abs3A_309, %max3A_302 : vector<128x1xf32>
    %exp3A_311 = math.exp %sub3A_310 : vector<128x1xf32>
    %reduce_sum3A_312 = arith.constant dense<0.000000e+00> : vector<128xf32>
    %reduce_sum3A_313 = vector.multi_reduction <add>, %select_n3A_308, %reduce_sum3A_312 [1] : vector<128x256xf32> to vector<128xf32>
    %broadcast_in_dim3A_314 = vector.shape_cast %reduce_sum3A_313 : vector<128xf32> to vector<128x1xf32>
    %add3A_315 = arith.addf %broadcast_in_dim3A_314, %exp3A_311 : vector<128x1xf32>
    %sign3A_316 = tpu.bitcast %mul3A_278 : vector<128x256xf32> -> vector<128x256xi32>
    %sign3A_317 = arith.constant -2147483648 : i32
    %sign3A_318 = vector.broadcast %sign3A_317 : i32 to vector<128x256xi32>
    %sign3A_319 = arith.andi %sign3A_316, %sign3A_318 : vector<128x256xi32>
    %sign3A_320 = arith.constant 1065353216 : i32
    %sign3A_321 = vector.broadcast %sign3A_320 : i32 to vector<128x256xi32>
    %sign3A_322 = arith.ori %sign3A_321, %sign3A_319 : vector<128x256xi32>
    %sign3A_323 = tpu.bitcast %sign3A_322 : vector<128x256xi32> -> vector<128x256xf32>
    %sign3A_324 = math.absf %mul3A_278 : vector<128x256xf32>
    %sign3A_325 = arith.constant 0.000000e+00 : f32
    %sign3A_326 = vector.broadcast %sign3A_325 : f32 to vector<128x256xf32>
    %sign3A_327 = arith.cmpf ogt, %sign3A_324, %sign3A_326 : vector<128x256xf32>
    %sign3A_328 = arith.select %sign3A_327, %sign3A_323, %mul3A_278 : vector<128x256xi1>, vector<128x256xf32>
    %div3A_329 = vector.broadcast %add3A_315 : vector<128x1xf32> to vector<128x256xf32>
    %div3A_330 = arith.divf %select_n3A_308, %div3A_329 : vector<128x256xf32>
    %mul3A_331 = arith.mulf %sign3A_328, %div3A_330 : vector<128x256xf32>
    %sign3A_332 = tpu.bitcast %mul3A_283 : vector<128x1xf32> -> vector<128x1xi32>
    %sign3A_333 = arith.constant -2147483648 : i32
    %sign3A_334 = vector.broadcast %sign3A_333 : i32 to vector<128x1xi32>
    %sign3A_335 = arith.andi %sign3A_332, %sign3A_334 : vector<128x1xi32>
    %sign3A_336 = arith.constant 1065353216 : i32
    %sign3A_337 = vector.broadcast %sign3A_336 : i32 to vector<128x1xi32>
    %sign3A_338 = arith.ori %sign3A_337, %sign3A_335 : vector<128x1xi32>
    %sign3A_339 = tpu.bitcast %sign3A_338 : vector<128x1xi32> -> vector<128x1xf32>
    %sign3A_340 = math.absf %mul3A_283 : vector<128x1xf32>
    %sign3A_341 = arith.constant 0.000000e+00 : f32
    %sign3A_342 = vector.broadcast %sign3A_341 : f32 to vector<128x1xf32>
    %sign3A_343 = arith.cmpf ogt, %sign3A_340, %sign3A_342 : vector<128x1xf32>
    %sign3A_344 = arith.select %sign3A_343, %sign3A_339, %mul3A_283 : vector<128x1xi1>, vector<128x1xf32>
    %div3A_345 = arith.divf %exp3A_311, %add3A_315 : vector<128x1xf32>
    %mul3A_346 = arith.mulf %sign3A_344, %div3A_345 : vector<128x1xf32>
    %dot_general3A_347 = arith.constant dense<0.000000e+00> : vector<128x768xf32>
    %dot_general3A_348 = tpu.matmul %mul3A_331, %slice3A_273, %dot_general3A_347 {dimension_numbers = #tpu.dot_dimension_numbers<[1], [0], [0], [1], [0, 0, 1, 1], [], []>, transpose_lhs_hint = false} : vector<128x256xf32>, vector<256x768xf32>, vector<128x768xf32> -> vector<128x768xf32>
    %mul3A_349 = vector.broadcast %mul3A_346 : vector<128x1xf32> to vector<128x768xf32>
    %mul3A_350 = vector.broadcast %get3A_35 : vector<1x768xf32> to vector<128x768xf32>
    %mul3A_351 = arith.mulf %mul3A_349, %mul3A_350 : vector<128x768xf32>
    %add3A_352 = arith.addf %dot_general3A_348, %mul3A_351 : vector<128x768xf32>
    %slice3A_353 = vector.extract_strided_slice %add3A_32 {offsets = [256, 0], sizes = [128, 768], strides = [1, 1]} : vector<2048x768xf32> to vector<128x768xf32>
    %add3A_354 = arith.addf %slice3A_353, %add3A_352 : vector<128x768xf32>
    %reduce_sum3A_355 = arith.constant dense<0.000000e+00> : vector<128xf32>
    %reduce_sum3A_356 = vector.multi_reduction <add>, %add3A_354, %reduce_sum3A_355 [1] : vector<128x768xf32> to vector<128xf32>
    %broadcast_in_dim3A_357 = vector.shape_cast %reduce_sum3A_356 : vector<128xf32> to vector<128x1xf32>
    %div3A_358 = arith.constant 7.680000e+02 : f32
    %div3A_359 = vector.broadcast %div3A_358 : f32 to vector<128x1xf32>
    %div3A_360 = arith.divf %broadcast_in_dim3A_357, %div3A_359 : vector<128x1xf32>
    %sub3A_361 = vector.broadcast %div3A_360 : vector<128x1xf32> to vector<128x768xf32>
    %sub3A_362 = arith.subf %add3A_354, %sub3A_361 : vector<128x768xf32>
    %integer_pow3A_363 = arith.mulf %sub3A_362, %sub3A_362 : vector<128x768xf32>
    %reduce_sum3A_364 = arith.constant dense<0.000000e+00> : vector<128xf32>
    %reduce_sum3A_365 = vector.multi_reduction <add>, %integer_pow3A_363, %reduce_sum3A_364 [1] : vector<128x768xf32> to vector<128xf32>
    %broadcast_in_dim3A_366 = vector.shape_cast %reduce_sum3A_365 : vector<128xf32> to vector<128x1xf32>
    %div3A_367 = arith.constant 7.680000e+02 : f32
    %div3A_368 = vector.broadcast %div3A_367 : f32 to vector<128x1xf32>
    %div3A_369 = arith.divf %broadcast_in_dim3A_366, %div3A_368 : vector<128x1xf32>
    %sub3A_370 = vector.broadcast %div3A_360 : vector<128x1xf32> to vector<128x768xf32>
    %sub3A_371 = arith.subf %add3A_354, %sub3A_370 : vector<128x768xf32>
    %add3A_372 = arith.constant 9.99999974E-6 : f32
    %add3A_373 = vector.broadcast %add3A_372 : f32 to vector<128x1xf32>
    %add3A_374 = arith.addf %div3A_369, %add3A_373 : vector<128x1xf32>
    %rsqrt3A_375 = math.rsqrt %add3A_374 : vector<128x1xf32>
    %mul3A_376 = vector.broadcast %rsqrt3A_375 : vector<128x1xf32> to vector<128x768xf32>
    %mul3A_377 = arith.mulf %sub3A_371, %mul3A_376 : vector<128x768xf32>
    %mul3A_378 = vector.broadcast %get3A_48 : vector<1x768xf32> to vector<128x768xf32>
    %mul3A_379 = arith.mulf %mul3A_377, %mul3A_378 : vector<128x768xf32>
    %add3A_380 = vector.broadcast %get3A_51 : vector<1x768xf32> to vector<128x768xf32>
    %add3A_381 = arith.addf %mul3A_379, %add3A_380 : vector<128x768xf32>
    %slice3A_382 = vector.extract_strided_slice %dot_general3A_52 {offsets = [384, 0], sizes = [128, 16], strides = [1, 1]} : vector<2048x16xf32> to vector<128x16xf32>
    %slice3A_383 = vector.extract_strided_slice %dot_general3A_54 {offsets = [320, 0], sizes = [256, 16], strides = [1, 1]} : vector<2048x16xf32> to vector<256x16xf32>
    %slice3A_384 = vector.extract_strided_slice %add3A_32 {offsets = [320, 0], sizes = [256, 768], strides = [1, 1]} : vector<2048x768xf32> to vector<256x768xf32>
    %dot_general3A_385 = arith.constant dense<0.000000e+00> : vector<128x256xf32>
    %dot_general3A_386 = tpu.matmul %slice3A_382, %slice3A_383, %dot_general3A_385 {dimension_numbers = #tpu.dot_dimension_numbers<[1], [1], [0], [0], [0, 0, 1, 0], [], []>, transpose_lhs_hint = false} : vector<128x16xf32>, vector<256x16xf32>, vector<128x256xf32> -> vector<128x256xf32>
    %mul3A_387 = arith.constant 2.500000e-01 : f32
    %mul3A_388 = vector.broadcast %mul3A_387 : f32 to vector<128x256xf32>
    %mul3A_389 = arith.mulf %dot_general3A_386, %mul3A_388 : vector<128x256xf32>
    %dot_general3A_390 = arith.constant dense<0.000000e+00> : vector<128x1xf32>
    %dot_general3A_391 = tpu.matmul %slice3A_382, %dot_general3A_58, %dot_general3A_390 {dimension_numbers = #tpu.dot_dimension_numbers<[1], [1], [0], [0], [0, 0, 1, 0], [], []>, transpose_lhs_hint = false} : vector<128x16xf32>, vector<1x16xf32>, vector<128x1xf32> -> vector<128x1xf32>
    %mul3A_392 = arith.constant 2.500000e-01 : f32
    %mul3A_393 = vector.broadcast %mul3A_392 : f32 to vector<128x1xf32>
    %mul3A_394 = arith.mulf %dot_general3A_391, %mul3A_393 : vector<128x1xf32>
    %iota3A_395 = tpu.iota {dimensions = array<i32: 0>} : vector<128x256xi32>
    %iota3A_396 = tpu.iota {dimensions = array<i32: 1>} : vector<128x256xi32>
    %sub3A_397 = arith.subi %iota3A_395, %iota3A_396 : vector<128x256xi32>
    %add3A_398 = arith.constant 64 : i32
    %add3A_399 = vector.broadcast %add3A_398 : i32 to vector<128x256xi32>
    %add3A_400 = arith.addi %sub3A_397, %add3A_399 : vector<128x256xi32>
    %abs3A_401 = math.absi %add3A_400 : vector<128x256xi32>
    %le3A_402 = arith.constant 64 : i32
    %le3A_403 = vector.broadcast %le3A_402 : i32 to vector<128x256xi32>
    %le3A_404 = arith.cmpi sle, %abs3A_401, %le3A_403 : vector<128x256xi32>
    %abs3A_405 = math.absf %mul3A_389 : vector<128x256xf32>
    %jit3A_406 = arith.constant 0xFF800000 : f32
    %broadcast_in_dim3A_407 = vector.broadcast %jit3A_406 : f32 to vector<128x256xf32>
    %select_n3A_408 = arith.select %le3A_404, %abs3A_405, %broadcast_in_dim3A_407 : vector<128x256xi1>, vector<128x256xf32>
    %reduce_max3A_409 = arith.constant dense<0xFF800000> : vector<128xf32>
    %reduce_max3A_410 = vector.multi_reduction <maximumf>, %select_n3A_408, %reduce_max3A_409 [1] : vector<128x256xf32> to vector<128xf32>
    %broadcast_in_dim3A_411 = vector.shape_cast %reduce_max3A_410 : vector<128xf32> to vector<128x1xf32>
    %abs3A_412 = math.absf %mul3A_394 : vector<128x1xf32>
    %max3A_413 = arith.maximumf %broadcast_in_dim3A_411, %abs3A_412 : vector<128x1xf32>
    %sub3A_414 = vector.broadcast %max3A_413 : vector<128x1xf32> to vector<128x256xf32>
    %sub3A_415 = arith.subf %abs3A_405, %sub3A_414 : vector<128x256xf32>
    %exp3A_416 = math.exp %sub3A_415 : vector<128x256xf32>
    %jit3A_417 = arith.constant 0.000000e+00 : f32
    %broadcast_in_dim3A_418 = vector.broadcast %jit3A_417 : f32 to vector<128x256xf32>
    %select_n3A_419 = arith.select %le3A_404, %exp3A_416, %broadcast_in_dim3A_418 : vector<128x256xi1>, vector<128x256xf32>
    %abs3A_420 = math.absf %mul3A_394 : vector<128x1xf32>
    %sub3A_421 = arith.subf %abs3A_420, %max3A_413 : vector<128x1xf32>
    %exp3A_422 = math.exp %sub3A_421 : vector<128x1xf32>
    %reduce_sum3A_423 = arith.constant dense<0.000000e+00> : vector<128xf32>
    %reduce_sum3A_424 = vector.multi_reduction <add>, %select_n3A_419, %reduce_sum3A_423 [1] : vector<128x256xf32> to vector<128xf32>
    %broadcast_in_dim3A_425 = vector.shape_cast %reduce_sum3A_424 : vector<128xf32> to vector<128x1xf32>
    %add3A_426 = arith.addf %broadcast_in_dim3A_425, %exp3A_422 : vector<128x1xf32>
    %sign3A_427 = tpu.bitcast %mul3A_389 : vector<128x256xf32> -> vector<128x256xi32>
    %sign3A_428 = arith.constant -2147483648 : i32
    %sign3A_429 = vector.broadcast %sign3A_428 : i32 to vector<128x256xi32>
    %sign3A_430 = arith.andi %sign3A_427, %sign3A_429 : vector<128x256xi32>
    %sign3A_431 = arith.constant 1065353216 : i32
    %sign3A_432 = vector.broadcast %sign3A_431 : i32 to vector<128x256xi32>
    %sign3A_433 = arith.ori %sign3A_432, %sign3A_430 : vector<128x256xi32>
    %sign3A_434 = tpu.bitcast %sign3A_433 : vector<128x256xi32> -> vector<128x256xf32>
    %sign3A_435 = math.absf %mul3A_389 : vector<128x256xf32>
    %sign3A_436 = arith.constant 0.000000e+00 : f32
    %sign3A_437 = vector.broadcast %sign3A_436 : f32 to vector<128x256xf32>
    %sign3A_438 = arith.cmpf ogt, %sign3A_435, %sign3A_437 : vector<128x256xf32>
    %sign3A_439 = arith.select %sign3A_438, %sign3A_434, %mul3A_389 : vector<128x256xi1>, vector<128x256xf32>
    %div3A_440 = vector.broadcast %add3A_426 : vector<128x1xf32> to vector<128x256xf32>
    %div3A_441 = arith.divf %select_n3A_419, %div3A_440 : vector<128x256xf32>
    %mul3A_442 = arith.mulf %sign3A_439, %div3A_441 : vector<128x256xf32>
    %sign3A_443 = tpu.bitcast %mul3A_394 : vector<128x1xf32> -> vector<128x1xi32>
    %sign3A_444 = arith.constant -2147483648 : i32
    %sign3A_445 = vector.broadcast %sign3A_444 : i32 to vector<128x1xi32>
    %sign3A_446 = arith.andi %sign3A_443, %sign3A_445 : vector<128x1xi32>
    %sign3A_447 = arith.constant 1065353216 : i32
    %sign3A_448 = vector.broadcast %sign3A_447 : i32 to vector<128x1xi32>
    %sign3A_449 = arith.ori %sign3A_448, %sign3A_446 : vector<128x1xi32>
    %sign3A_450 = tpu.bitcast %sign3A_449 : vector<128x1xi32> -> vector<128x1xf32>
    %sign3A_451 = math.absf %mul3A_394 : vector<128x1xf32>
    %sign3A_452 = arith.constant 0.000000e+00 : f32
    %sign3A_453 = vector.broadcast %sign3A_452 : f32 to vector<128x1xf32>
    %sign3A_454 = arith.cmpf ogt, %sign3A_451, %sign3A_453 : vector<128x1xf32>
    %sign3A_455 = arith.select %sign3A_454, %sign3A_450, %mul3A_394 : vector<128x1xi1>, vector<128x1xf32>
    %div3A_456 = arith.divf %exp3A_422, %add3A_426 : vector<128x1xf32>
    %mul3A_457 = arith.mulf %sign3A_455, %div3A_456 : vector<128x1xf32>
    %dot_general3A_458 = arith.constant dense<0.000000e+00> : vector<128x768xf32>
    %dot_general3A_459 = tpu.matmul %mul3A_442, %slice3A_384, %dot_general3A_458 {dimension_numbers = #tpu.dot_dimension_numbers<[1], [0], [0], [1], [0, 0, 1, 1], [], []>, transpose_lhs_hint = false} : vector<128x256xf32>, vector<256x768xf32>, vector<128x768xf32> -> vector<128x768xf32>
    %mul3A_460 = vector.broadcast %mul3A_457 : vector<128x1xf32> to vector<128x768xf32>
    %mul3A_461 = vector.broadcast %get3A_35 : vector<1x768xf32> to vector<128x768xf32>
    %mul3A_462 = arith.mulf %mul3A_460, %mul3A_461 : vector<128x768xf32>
    %add3A_463 = arith.addf %dot_general3A_459, %mul3A_462 : vector<128x768xf32>
    %slice3A_464 = vector.extract_strided_slice %add3A_32 {offsets = [384, 0], sizes = [128, 768], strides = [1, 1]} : vector<2048x768xf32> to vector<128x768xf32>
    %add3A_465 = arith.addf %slice3A_464, %add3A_463 : vector<128x768xf32>
    %reduce_sum3A_466 = arith.constant dense<0.000000e+00> : vector<128xf32>
    %reduce_sum3A_467 = vector.multi_reduction <add>, %add3A_465, %reduce_sum3A_466 [1] : vector<128x768xf32> to vector<128xf32>
    %broadcast_in_dim3A_468 = vector.shape_cast %reduce_sum3A_467 : vector<128xf32> to vector<128x1xf32>
    %div3A_469 = arith.constant 7.680000e+02 : f32
    %div3A_470 = vector.broadcast %div3A_469 : f32 to vector<128x1xf32>
    %div3A_471 = arith.divf %broadcast_in_dim3A_468, %div3A_470 : vector<128x1xf32>
    %sub3A_472 = vector.broadcast %div3A_471 : vector<128x1xf32> to vector<128x768xf32>
    %sub3A_473 = arith.subf %add3A_465, %sub3A_472 : vector<128x768xf32>
    %integer_pow3A_474 = arith.mulf %sub3A_473, %sub3A_473 : vector<128x768xf32>
    %reduce_sum3A_475 = arith.constant dense<0.000000e+00> : vector<128xf32>
    %reduce_sum3A_476 = vector.multi_reduction <add>, %integer_pow3A_474, %reduce_sum3A_475 [1] : vector<128x768xf32> to vector<128xf32>
    %broadcast_in_dim3A_477 = vector.shape_cast %reduce_sum3A_476 : vector<128xf32> to vector<128x1xf32>
    %div3A_478 = arith.constant 7.680000e+02 : f32
    %div3A_479 = vector.broadcast %div3A_478 : f32 to vector<128x1xf32>
    %div3A_480 = arith.divf %broadcast_in_dim3A_477, %div3A_479 : vector<128x1xf32>
    %sub3A_481 = vector.broadcast %div3A_471 : vector<128x1xf32> to vector<128x768xf32>
    %sub3A_482 = arith.subf %add3A_465, %sub3A_481 : vector<128x768xf32>
    %add3A_483 = arith.constant 9.99999974E-6 : f32
    %add3A_484 = vector.broadcast %add3A_483 : f32 to vector<128x1xf32>
    %add3A_485 = arith.addf %div3A_480, %add3A_484 : vector<128x1xf32>
    %rsqrt3A_486 = math.rsqrt %add3A_485 : vector<128x1xf32>
    %mul3A_487 = vector.broadcast %rsqrt3A_486 : vector<128x1xf32> to vector<128x768xf32>
    %mul3A_488 = arith.mulf %sub3A_482, %mul3A_487 : vector<128x768xf32>
    %mul3A_489 = vector.broadcast %get3A_48 : vector<1x768xf32> to vector<128x768xf32>
    %mul3A_490 = arith.mulf %mul3A_488, %mul3A_489 : vector<128x768xf32>
    %add3A_491 = vector.broadcast %get3A_51 : vector<1x768xf32> to vector<128x768xf32>
    %add3A_492 = arith.addf %mul3A_490, %add3A_491 : vector<128x768xf32>
    %slice3A_493 = vector.extract_strided_slice %dot_general3A_52 {offsets = [512, 0], sizes = [128, 16], strides = [1, 1]} : vector<2048x16xf32> to vector<128x16xf32>
    %slice3A_494 = vector.extract_strided_slice %dot_general3A_54 {offsets = [448, 0], sizes = [256, 16], strides = [1, 1]} : vector<2048x16xf32> to vector<256x16xf32>
    %slice3A_495 = vector.extract_strided_slice %add3A_32 {offsets = [448, 0], sizes = [256, 768], strides = [1, 1]} : vector<2048x768xf32> to vector<256x768xf32>
    %dot_general3A_496 = arith.constant dense<0.000000e+00> : vector<128x256xf32>
    %dot_general3A_497 = tpu.matmul %slice3A_493, %slice3A_494, %dot_general3A_496 {dimension_numbers = #tpu.dot_dimension_numbers<[1], [1], [0], [0], [0, 0, 1, 0], [], []>, transpose_lhs_hint = false} : vector<128x16xf32>, vector<256x16xf32>, vector<128x256xf32> -> vector<128x256xf32>
    %mul3A_498 = arith.constant 2.500000e-01 : f32
    %mul3A_499 = vector.broadcast %mul3A_498 : f32 to vector<128x256xf32>
    %mul3A_500 = arith.mulf %dot_general3A_497, %mul3A_499 : vector<128x256xf32>
    %dot_general3A_501 = arith.constant dense<0.000000e+00> : vector<128x1xf32>
    %dot_general3A_502 = tpu.matmul %slice3A_493, %dot_general3A_58, %dot_general3A_501 {dimension_numbers = #tpu.dot_dimension_numbers<[1], [1], [0], [0], [0, 0, 1, 0], [], []>, transpose_lhs_hint = false} : vector<128x16xf32>, vector<1x16xf32>, vector<128x1xf32> -> vector<128x1xf32>
    %mul3A_503 = arith.constant 2.500000e-01 : f32
    %mul3A_504 = vector.broadcast %mul3A_503 : f32 to vector<128x1xf32>
    %mul3A_505 = arith.mulf %dot_general3A_502, %mul3A_504 : vector<128x1xf32>
    %iota3A_506 = tpu.iota {dimensions = array<i32: 0>} : vector<128x256xi32>
    %iota3A_507 = tpu.iota {dimensions = array<i32: 1>} : vector<128x256xi32>
    %sub3A_508 = arith.subi %iota3A_506, %iota3A_507 : vector<128x256xi32>
    %add3A_509 = arith.constant 64 : i32
    %add3A_510 = vector.broadcast %add3A_509 : i32 to vector<128x256xi32>
    %add3A_511 = arith.addi %sub3A_508, %add3A_510 : vector<128x256xi32>
    %abs3A_512 = math.absi %add3A_511 : vector<128x256xi32>
    %le3A_513 = arith.constant 64 : i32
    %le3A_514 = vector.broadcast %le3A_513 : i32 to vector<128x256xi32>
    %le3A_515 = arith.cmpi sle, %abs3A_512, %le3A_514 : vector<128x256xi32>
    %abs3A_516 = math.absf %mul3A_500 : vector<128x256xf32>
    %jit3A_517 = arith.constant 0xFF800000 : f32
    %broadcast_in_dim3A_518 = vector.broadcast %jit3A_517 : f32 to vector<128x256xf32>
    %select_n3A_519 = arith.select %le3A_515, %abs3A_516, %broadcast_in_dim3A_518 : vector<128x256xi1>, vector<128x256xf32>
    %reduce_max3A_520 = arith.constant dense<0xFF800000> : vector<128xf32>
    %reduce_max3A_521 = vector.multi_reduction <maximumf>, %select_n3A_519, %reduce_max3A_520 [1] : vector<128x256xf32> to vector<128xf32>
    %broadcast_in_dim3A_522 = vector.shape_cast %reduce_max3A_521 : vector<128xf32> to vector<128x1xf32>
    %abs3A_523 = math.absf %mul3A_505 : vector<128x1xf32>
    %max3A_524 = arith.maximumf %broadcast_in_dim3A_522, %abs3A_523 : vector<128x1xf32>
    %sub3A_525 = vector.broadcast %max3A_524 : vector<128x1xf32> to vector<128x256xf32>
    %sub3A_526 = arith.subf %abs3A_516, %sub3A_525 : vector<128x256xf32>
    %exp3A_527 = math.exp %sub3A_526 : vector<128x256xf32>
    %jit3A_528 = arith.constant 0.000000e+00 : f32
    %broadcast_in_dim3A_529 = vector.broadcast %jit3A_528 : f32 to vector<128x256xf32>
    %select_n3A_530 = arith.select %le3A_515, %exp3A_527, %broadcast_in_dim3A_529 : vector<128x256xi1>, vector<128x256xf32>
    %abs3A_531 = math.absf %mul3A_505 : vector<128x1xf32>
    %sub3A_532 = arith.subf %abs3A_531, %max3A_524 : vector<128x1xf32>
    %exp3A_533 = math.exp %sub3A_532 : vector<128x1xf32>
    %reduce_sum3A_534 = arith.constant dense<0.000000e+00> : vector<128xf32>
    %reduce_sum3A_535 = vector.multi_reduction <add>, %select_n3A_530, %reduce_sum3A_534 [1] : vector<128x256xf32> to vector<128xf32>
    %broadcast_in_dim3A_536 = vector.shape_cast %reduce_sum3A_535 : vector<128xf32> to vector<128x1xf32>
    %add3A_537 = arith.addf %broadcast_in_dim3A_536, %exp3A_533 : vector<128x1xf32>
    %sign3A_538 = tpu.bitcast %mul3A_500 : vector<128x256xf32> -> vector<128x256xi32>
    %sign3A_539 = arith.constant -2147483648 : i32
    %sign3A_540 = vector.broadcast %sign3A_539 : i32 to vector<128x256xi32>
    %sign3A_541 = arith.andi %sign3A_538, %sign3A_540 : vector<128x256xi32>
    %sign3A_542 = arith.constant 1065353216 : i32
    %sign3A_543 = vector.broadcast %sign3A_542 : i32 to vector<128x256xi32>
    %sign3A_544 = arith.ori %sign3A_543, %sign3A_541 : vector<128x256xi32>
    %sign3A_545 = tpu.bitcast %sign3A_544 : vector<128x256xi32> -> vector<128x256xf32>
    %sign3A_546 = math.absf %mul3A_500 : vector<128x256xf32>
    %sign3A_547 = arith.constant 0.000000e+00 : f32
    %sign3A_548 = vector.broadcast %sign3A_547 : f32 to vector<128x256xf32>
    %sign3A_549 = arith.cmpf ogt, %sign3A_546, %sign3A_548 : vector<128x256xf32>
    %sign3A_550 = arith.select %sign3A_549, %sign3A_545, %mul3A_500 : vector<128x256xi1>, vector<128x256xf32>
    %div3A_551 = vector.broadcast %add3A_537 : vector<128x1xf32> to vector<128x256xf32>
    %div3A_552 = arith.divf %select_n3A_530, %div3A_551 : vector<128x256xf32>
    %mul3A_553 = arith.mulf %sign3A_550, %div3A_552 : vector<128x256xf32>
    %sign3A_554 = tpu.bitcast %mul3A_505 : vector<128x1xf32> -> vector<128x1xi32>
    %sign3A_555 = arith.constant -2147483648 : i32
    %sign3A_556 = vector.broadcast %sign3A_555 : i32 to vector<128x1xi32>
    %sign3A_557 = arith.andi %sign3A_554, %sign3A_556 : vector<128x1xi32>
    %sign3A_558 = arith.constant 1065353216 : i32
    %sign3A_559 = vector.broadcast %sign3A_558 : i32 to vector<128x1xi32>
    %sign3A_560 = arith.ori %sign3A_559, %sign3A_557 : vector<128x1xi32>
    %sign3A_561 = tpu.bitcast %sign3A_560 : vector<128x1xi32> -> vector<128x1xf32>
    %sign3A_562 = math.absf %mul3A_505 : vector<128x1xf32>
    %sign3A_563 = arith.constant 0.000000e+00 : f32
    %sign3A_564 = vector.broadcast %sign3A_563 : f32 to vector<128x1xf32>
    %sign3A_565 = arith.cmpf ogt, %sign3A_562, %sign3A_564 : vector<128x1xf32>
    %sign3A_566 = arith.select %sign3A_565, %sign3A_561, %mul3A_505 : vector<128x1xi1>, vector<128x1xf32>
    %div3A_567 = arith.divf %exp3A_533, %add3A_537 : vector<128x1xf32>
    %mul3A_568 = arith.mulf %sign3A_566, %div3A_567 : vector<128x1xf32>
    %dot_general3A_569 = arith.constant dense<0.000000e+00> : vector<128x768xf32>
    %dot_general3A_570 = tpu.matmul %mul3A_553, %slice3A_495, %dot_general3A_569 {dimension_numbers = #tpu.dot_dimension_numbers<[1], [0], [0], [1], [0, 0, 1, 1], [], []>, transpose_lhs_hint = false} : vector<128x256xf32>, vector<256x768xf32>, vector<128x768xf32> -> vector<128x768xf32>
    %mul3A_571 = vector.broadcast %mul3A_568 : vector<128x1xf32> to vector<128x768xf32>
    %mul3A_572 = vector.broadcast %get3A_35 : vector<1x768xf32> to vector<128x768xf32>
    %mul3A_573 = arith.mulf %mul3A_571, %mul3A_572 : vector<128x768xf32>
    %add3A_574 = arith.addf %dot_general3A_570, %mul3A_573 : vector<128x768xf32>
    %slice3A_575 = vector.extract_strided_slice %add3A_32 {offsets = [512, 0], sizes = [128, 768], strides = [1, 1]} : vector<2048x768xf32> to vector<128x768xf32>
    %add3A_576 = arith.addf %slice3A_575, %add3A_574 : vector<128x768xf32>
    %reduce_sum3A_577 = arith.constant dense<0.000000e+00> : vector<128xf32>
    %reduce_sum3A_578 = vector.multi_reduction <add>, %add3A_576, %reduce_sum3A_577 [1] : vector<128x768xf32> to vector<128xf32>
    %broadcast_in_dim3A_579 = vector.shape_cast %reduce_sum3A_578 : vector<128xf32> to vector<128x1xf32>
    %div3A_580 = arith.constant 7.680000e+02 : f32
    %div3A_581 = vector.broadcast %div3A_580 : f32 to vector<128x1xf32>
    %div3A_582 = arith.divf %broadcast_in_dim3A_579, %div3A_581 : vector<128x1xf32>
    %sub3A_583 = vector.broadcast %div3A_582 : vector<128x1xf32> to vector<128x768xf32>
    %sub3A_584 = arith.subf %add3A_576, %sub3A_583 : vector<128x768xf32>
    %integer_pow3A_585 = arith.mulf %sub3A_584, %sub3A_584 : vector<128x768xf32>
    %reduce_sum3A_586 = arith.constant dense<0.000000e+00> : vector<128xf32>
    %reduce_sum3A_587 = vector.multi_reduction <add>, %integer_pow3A_585, %reduce_sum3A_586 [1] : vector<128x768xf32> to vector<128xf32>
    %broadcast_in_dim3A_588 = vector.shape_cast %reduce_sum3A_587 : vector<128xf32> to vector<128x1xf32>
    %div3A_589 = arith.constant 7.680000e+02 : f32
    %div3A_590 = vector.broadcast %div3A_589 : f32 to vector<128x1xf32>
    %div3A_591 = arith.divf %broadcast_in_dim3A_588, %div3A_590 : vector<128x1xf32>
    %sub3A_592 = vector.broadcast %div3A_582 : vector<128x1xf32> to vector<128x768xf32>
    %sub3A_593 = arith.subf %add3A_576, %sub3A_592 : vector<128x768xf32>
    %add3A_594 = arith.constant 9.99999974E-6 : f32
    %add3A_595 = vector.broadcast %add3A_594 : f32 to vector<128x1xf32>
    %add3A_596 = arith.addf %div3A_591, %add3A_595 : vector<128x1xf32>
    %rsqrt3A_597 = math.rsqrt %add3A_596 : vector<128x1xf32>
    %mul3A_598 = vector.broadcast %rsqrt3A_597 : vector<128x1xf32> to vector<128x768xf32>
    %mul3A_599 = arith.mulf %sub3A_593, %mul3A_598 : vector<128x768xf32>
    %mul3A_600 = vector.broadcast %get3A_48 : vector<1x768xf32> to vector<128x768xf32>
    %mul3A_601 = arith.mulf %mul3A_599, %mul3A_600 : vector<128x768xf32>
    %add3A_602 = vector.broadcast %get3A_51 : vector<1x768xf32> to vector<128x768xf32>
    %add3A_603 = arith.addf %mul3A_601, %add3A_602 : vector<128x768xf32>
    %slice3A_604 = vector.extract_strided_slice %dot_general3A_52 {offsets = [640, 0], sizes = [128, 16], strides = [1, 1]} : vector<2048x16xf32> to vector<128x16xf32>
    %slice3A_605 = vector.extract_strided_slice %dot_general3A_54 {offsets = [576, 0], sizes = [256, 16], strides = [1, 1]} : vector<2048x16xf32> to vector<256x16xf32>
    %slice3A_606 = vector.extract_strided_slice %add3A_32 {offsets = [576, 0], sizes = [256, 768], strides = [1, 1]} : vector<2048x768xf32> to vector<256x768xf32>
    %dot_general3A_607 = arith.constant dense<0.000000e+00> : vector<128x256xf32>
    %dot_general3A_608 = tpu.matmul %slice3A_604, %slice3A_605, %dot_general3A_607 {dimension_numbers = #tpu.dot_dimension_numbers<[1], [1], [0], [0], [0, 0, 1, 0], [], []>, transpose_lhs_hint = false} : vector<128x16xf32>, vector<256x16xf32>, vector<128x256xf32> -> vector<128x256xf32>
    %mul3A_609 = arith.constant 2.500000e-01 : f32
    %mul3A_610 = vector.broadcast %mul3A_609 : f32 to vector<128x256xf32>
    %mul3A_611 = arith.mulf %dot_general3A_608, %mul3A_610 : vector<128x256xf32>
    %dot_general3A_612 = arith.constant dense<0.000000e+00> : vector<128x1xf32>
    %dot_general3A_613 = tpu.matmul %slice3A_604, %dot_general3A_58, %dot_general3A_612 {dimension_numbers = #tpu.dot_dimension_numbers<[1], [1], [0], [0], [0, 0, 1, 0], [], []>, transpose_lhs_hint = false} : vector<128x16xf32>, vector<1x16xf32>, vector<128x1xf32> -> vector<128x1xf32>
    %mul3A_614 = arith.constant 2.500000e-01 : f32
    %mul3A_615 = vector.broadcast %mul3A_614 : f32 to vector<128x1xf32>
    %mul3A_616 = arith.mulf %dot_general3A_613, %mul3A_615 : vector<128x1xf32>
    %iota3A_617 = tpu.iota {dimensions = array<i32: 0>} : vector<128x256xi32>
    %iota3A_618 = tpu.iota {dimensions = array<i32: 1>} : vector<128x256xi32>
    %sub3A_619 = arith.subi %iota3A_617, %iota3A_618 : vector<128x256xi32>
    %add3A_620 = arith.constant 64 : i32
    %add3A_621 = vector.broadcast %add3A_620 : i32 to vector<128x256xi32>
    %add3A_622 = arith.addi %sub3A_619, %add3A_621 : vector<128x256xi32>
    %abs3A_623 = math.absi %add3A_622 : vector<128x256xi32>
    %le3A_624 = arith.constant 64 : i32
    %le3A_625 = vector.broadcast %le3A_624 : i32 to vector<128x256xi32>
    %le3A_626 = arith.cmpi sle, %abs3A_623, %le3A_625 : vector<128x256xi32>
    %abs3A_627 = math.absf %mul3A_611 : vector<128x256xf32>
    %jit3A_628 = arith.constant 0xFF800000 : f32
    %broadcast_in_dim3A_629 = vector.broadcast %jit3A_628 : f32 to vector<128x256xf32>
    %select_n3A_630 = arith.select %le3A_626, %abs3A_627, %broadcast_in_dim3A_629 : vector<128x256xi1>, vector<128x256xf32>
    %reduce_max3A_631 = arith.constant dense<0xFF800000> : vector<128xf32>
    %reduce_max3A_632 = vector.multi_reduction <maximumf>, %select_n3A_630, %reduce_max3A_631 [1] : vector<128x256xf32> to vector<128xf32>
    %broadcast_in_dim3A_633 = vector.shape_cast %reduce_max3A_632 : vector<128xf32> to vector<128x1xf32>
    %abs3A_634 = math.absf %mul3A_616 : vector<128x1xf32>
    %max3A_635 = arith.maximumf %broadcast_in_dim3A_633, %abs3A_634 : vector<128x1xf32>
    %sub3A_636 = vector.broadcast %max3A_635 : vector<128x1xf32> to vector<128x256xf32>
    %sub3A_637 = arith.subf %abs3A_627, %sub3A_636 : vector<128x256xf32>
    %exp3A_638 = math.exp %sub3A_637 : vector<128x256xf32>
    %jit3A_639 = arith.constant 0.000000e+00 : f32
    %broadcast_in_dim3A_640 = vector.broadcast %jit3A_639 : f32 to vector<128x256xf32>
    %select_n3A_641 = arith.select %le3A_626, %exp3A_638, %broadcast_in_dim3A_640 : vector<128x256xi1>, vector<128x256xf32>
    %abs3A_642 = math.absf %mul3A_616 : vector<128x1xf32>
    %sub3A_643 = arith.subf %abs3A_642, %max3A_635 : vector<128x1xf32>
    %exp3A_644 = math.exp %sub3A_643 : vector<128x1xf32>
    %reduce_sum3A_645 = arith.constant dense<0.000000e+00> : vector<128xf32>
    %reduce_sum3A_646 = vector.multi_reduction <add>, %select_n3A_641, %reduce_sum3A_645 [1] : vector<128x256xf32> to vector<128xf32>
    %broadcast_in_dim3A_647 = vector.shape_cast %reduce_sum3A_646 : vector<128xf32> to vector<128x1xf32>
    %add3A_648 = arith.addf %broadcast_in_dim3A_647, %exp3A_644 : vector<128x1xf32>
    %sign3A_649 = tpu.bitcast %mul3A_611 : vector<128x256xf32> -> vector<128x256xi32>
    %sign3A_650 = arith.constant -2147483648 : i32
    %sign3A_651 = vector.broadcast %sign3A_650 : i32 to vector<128x256xi32>
    %sign3A_652 = arith.andi %sign3A_649, %sign3A_651 : vector<128x256xi32>
    %sign3A_653 = arith.constant 1065353216 : i32
    %sign3A_654 = vector.broadcast %sign3A_653 : i32 to vector<128x256xi32>
    %sign3A_655 = arith.ori %sign3A_654, %sign3A_652 : vector<128x256xi32>
    %sign3A_656 = tpu.bitcast %sign3A_655 : vector<128x256xi32> -> vector<128x256xf32>
    %sign3A_657 = math.absf %mul3A_611 : vector<128x256xf32>
    %sign3A_658 = arith.constant 0.000000e+00 : f32
    %sign3A_659 = vector.broadcast %sign3A_658 : f32 to vector<128x256xf32>
    %sign3A_660 = arith.cmpf ogt, %sign3A_657, %sign3A_659 : vector<128x256xf32>
    %sign3A_661 = arith.select %sign3A_660, %sign3A_656, %mul3A_611 : vector<128x256xi1>, vector<128x256xf32>
    %div3A_662 = vector.broadcast %add3A_648 : vector<128x1xf32> to vector<128x256xf32>
    %div3A_663 = arith.divf %select_n3A_641, %div3A_662 : vector<128x256xf32>
    %mul3A_664 = arith.mulf %sign3A_661, %div3A_663 : vector<128x256xf32>
    %sign3A_665 = tpu.bitcast %mul3A_616 : vector<128x1xf32> -> vector<128x1xi32>
    %sign3A_666 = arith.constant -2147483648 : i32
    %sign3A_667 = vector.broadcast %sign3A_666 : i32 to vector<128x1xi32>
    %sign3A_668 = arith.andi %sign3A_665, %sign3A_667 : vector<128x1xi32>
    %sign3A_669 = arith.constant 1065353216 : i32
    %sign3A_670 = vector.broadcast %sign3A_669 : i32 to vector<128x1xi32>
    %sign3A_671 = arith.ori %sign3A_670, %sign3A_668 : vector<128x1xi32>
    %sign3A_672 = tpu.bitcast %sign3A_671 : vector<128x1xi32> -> vector<128x1xf32>
    %sign3A_673 = math.absf %mul3A_616 : vector<128x1xf32>
    %sign3A_674 = arith.constant 0.000000e+00 : f32
    %sign3A_675 = vector.broadcast %sign3A_674 : f32 to vector<128x1xf32>
    %sign3A_676 = arith.cmpf ogt, %sign3A_673, %sign3A_675 : vector<128x1xf32>
    %sign3A_677 = arith.select %sign3A_676, %sign3A_672, %mul3A_616 : vector<128x1xi1>, vector<128x1xf32>
    %div3A_678 = arith.divf %exp3A_644, %add3A_648 : vector<128x1xf32>
    %mul3A_679 = arith.mulf %sign3A_677, %div3A_678 : vector<128x1xf32>
    %dot_general3A_680 = arith.constant dense<0.000000e+00> : vector<128x768xf32>
    %dot_general3A_681 = tpu.matmul %mul3A_664, %slice3A_606, %dot_general3A_680 {dimension_numbers = #tpu.dot_dimension_numbers<[1], [0], [0], [1], [0, 0, 1, 1], [], []>, transpose_lhs_hint = false} : vector<128x256xf32>, vector<256x768xf32>, vector<128x768xf32> -> vector<128x768xf32>
    %mul3A_682 = vector.broadcast %mul3A_679 : vector<128x1xf32> to vector<128x768xf32>
    %mul3A_683 = vector.broadcast %get3A_35 : vector<1x768xf32> to vector<128x768xf32>
    %mul3A_684 = arith.mulf %mul3A_682, %mul3A_683 : vector<128x768xf32>
    %add3A_685 = arith.addf %dot_general3A_681, %mul3A_684 : vector<128x768xf32>
    %slice3A_686 = vector.extract_strided_slice %add3A_32 {offsets = [640, 0], sizes = [128, 768], strides = [1, 1]} : vector<2048x768xf32> to vector<128x768xf32>
    %add3A_687 = arith.addf %slice3A_686, %add3A_685 : vector<128x768xf32>
    %reduce_sum3A_688 = arith.constant dense<0.000000e+00> : vector<128xf32>
    %reduce_sum3A_689 = vector.multi_reduction <add>, %add3A_687, %reduce_sum3A_688 [1] : vector<128x768xf32> to vector<128xf32>
    %broadcast_in_dim3A_690 = vector.shape_cast %reduce_sum3A_689 : vector<128xf32> to vector<128x1xf32>
    %div3A_691 = arith.constant 7.680000e+02 : f32
    %div3A_692 = vector.broadcast %div3A_691 : f32 to vector<128x1xf32>
    %div3A_693 = arith.divf %broadcast_in_dim3A_690, %div3A_692 : vector<128x1xf32>
    %sub3A_694 = vector.broadcast %div3A_693 : vector<128x1xf32> to vector<128x768xf32>
    %sub3A_695 = arith.subf %add3A_687, %sub3A_694 : vector<128x768xf32>
    %integer_pow3A_696 = arith.mulf %sub3A_695, %sub3A_695 : vector<128x768xf32>
    %reduce_sum3A_697 = arith.constant dense<0.000000e+00> : vector<128xf32>
    %reduce_sum3A_698 = vector.multi_reduction <add>, %integer_pow3A_696, %reduce_sum3A_697 [1] : vector<128x768xf32> to vector<128xf32>
    %broadcast_in_dim3A_699 = vector.shape_cast %reduce_sum3A_698 : vector<128xf32> to vector<128x1xf32>
    %div3A_700 = arith.constant 7.680000e+02 : f32
    %div3A_701 = vector.broadcast %div3A_700 : f32 to vector<128x1xf32>
    %div3A_702 = arith.divf %broadcast_in_dim3A_699, %div3A_701 : vector<128x1xf32>
    %sub3A_703 = vector.broadcast %div3A_693 : vector<128x1xf32> to vector<128x768xf32>
    %sub3A_704 = arith.subf %add3A_687, %sub3A_703 : vector<128x768xf32>
    %add3A_705 = arith.constant 9.99999974E-6 : f32
    %add3A_706 = vector.broadcast %add3A_705 : f32 to vector<128x1xf32>
    %add3A_707 = arith.addf %div3A_702, %add3A_706 : vector<128x1xf32>
    %rsqrt3A_708 = math.rsqrt %add3A_707 : vector<128x1xf32>
    %mul3A_709 = vector.broadcast %rsqrt3A_708 : vector<128x1xf32> to vector<128x768xf32>
    %mul3A_710 = arith.mulf %sub3A_704, %mul3A_709 : vector<128x768xf32>
    %mul3A_711 = vector.broadcast %get3A_48 : vector<1x768xf32> to vector<128x768xf32>
    %mul3A_712 = arith.mulf %mul3A_710, %mul3A_711 : vector<128x768xf32>
    %add3A_713 = vector.broadcast %get3A_51 : vector<1x768xf32> to vector<128x768xf32>
    %add3A_714 = arith.addf %mul3A_712, %add3A_713 : vector<128x768xf32>
    %slice3A_715 = vector.extract_strided_slice %dot_general3A_52 {offsets = [768, 0], sizes = [128, 16], strides = [1, 1]} : vector<2048x16xf32> to vector<128x16xf32>
    %slice3A_716 = vector.extract_strided_slice %dot_general3A_54 {offsets = [704, 0], sizes = [256, 16], strides = [1, 1]} : vector<2048x16xf32> to vector<256x16xf32>
    %slice3A_717 = vector.extract_strided_slice %add3A_32 {offsets = [704, 0], sizes = [256, 768], strides = [1, 1]} : vector<2048x768xf32> to vector<256x768xf32>
    %dot_general3A_718 = arith.constant dense<0.000000e+00> : vector<128x256xf32>
    %dot_general3A_719 = tpu.matmul %slice3A_715, %slice3A_716, %dot_general3A_718 {dimension_numbers = #tpu.dot_dimension_numbers<[1], [1], [0], [0], [0, 0, 1, 0], [], []>, transpose_lhs_hint = false} : vector<128x16xf32>, vector<256x16xf32>, vector<128x256xf32> -> vector<128x256xf32>
    %mul3A_720 = arith.constant 2.500000e-01 : f32
    %mul3A_721 = vector.broadcast %mul3A_720 : f32 to vector<128x256xf32>
    %mul3A_722 = arith.mulf %dot_general3A_719, %mul3A_721 : vector<128x256xf32>
    %dot_general3A_723 = arith.constant dense<0.000000e+00> : vector<128x1xf32>
    %dot_general3A_724 = tpu.matmul %slice3A_715, %dot_general3A_58, %dot_general3A_723 {dimension_numbers = #tpu.dot_dimension_numbers<[1], [1], [0], [0], [0, 0, 1, 0], [], []>, transpose_lhs_hint = false} : vector<128x16xf32>, vector<1x16xf32>, vector<128x1xf32> -> vector<128x1xf32>
    %mul3A_725 = arith.constant 2.500000e-01 : f32
    %mul3A_726 = vector.broadcast %mul3A_725 : f32 to vector<128x1xf32>
    %mul3A_727 = arith.mulf %dot_general3A_724, %mul3A_726 : vector<128x1xf32>
    %iota3A_728 = tpu.iota {dimensions = array<i32: 0>} : vector<128x256xi32>
    %iota3A_729 = tpu.iota {dimensions = array<i32: 1>} : vector<128x256xi32>
    %sub3A_730 = arith.subi %iota3A_728, %iota3A_729 : vector<128x256xi32>
    %add3A_731 = arith.constant 64 : i32
    %add3A_732 = vector.broadcast %add3A_731 : i32 to vector<128x256xi32>
    %add3A_733 = arith.addi %sub3A_730, %add3A_732 : vector<128x256xi32>
    %abs3A_734 = math.absi %add3A_733 : vector<128x256xi32>
    %le3A_735 = arith.constant 64 : i32
    %le3A_736 = vector.broadcast %le3A_735 : i32 to vector<128x256xi32>
    %le3A_737 = arith.cmpi sle, %abs3A_734, %le3A_736 : vector<128x256xi32>
    %abs3A_738 = math.absf %mul3A_722 : vector<128x256xf32>
    %jit3A_739 = arith.constant 0xFF800000 : f32
    %broadcast_in_dim3A_740 = vector.broadcast %jit3A_739 : f32 to vector<128x256xf32>
    %select_n3A_741 = arith.select %le3A_737, %abs3A_738, %broadcast_in_dim3A_740 : vector<128x256xi1>, vector<128x256xf32>
    %reduce_max3A_742 = arith.constant dense<0xFF800000> : vector<128xf32>
    %reduce_max3A_743 = vector.multi_reduction <maximumf>, %select_n3A_741, %reduce_max3A_742 [1] : vector<128x256xf32> to vector<128xf32>
    %broadcast_in_dim3A_744 = vector.shape_cast %reduce_max3A_743 : vector<128xf32> to vector<128x1xf32>
    %abs3A_745 = math.absf %mul3A_727 : vector<128x1xf32>
    %max3A_746 = arith.maximumf %broadcast_in_dim3A_744, %abs3A_745 : vector<128x1xf32>
    %sub3A_747 = vector.broadcast %max3A_746 : vector<128x1xf32> to vector<128x256xf32>
    %sub3A_748 = arith.subf %abs3A_738, %sub3A_747 : vector<128x256xf32>
    %exp3A_749 = math.exp %sub3A_748 : vector<128x256xf32>
    %jit3A_750 = arith.constant 0.000000e+00 : f32
    %broadcast_in_dim3A_751 = vector.broadcast %jit3A_750 : f32 to vector<128x256xf32>
    %select_n3A_752 = arith.select %le3A_737, %exp3A_749, %broadcast_in_dim3A_751 : vector<128x256xi1>, vector<128x256xf32>
    %abs3A_753 = math.absf %mul3A_727 : vector<128x1xf32>
    %sub3A_754 = arith.subf %abs3A_753, %max3A_746 : vector<128x1xf32>
    %exp3A_755 = math.exp %sub3A_754 : vector<128x1xf32>
    %reduce_sum3A_756 = arith.constant dense<0.000000e+00> : vector<128xf32>
    %reduce_sum3A_757 = vector.multi_reduction <add>, %select_n3A_752, %reduce_sum3A_756 [1] : vector<128x256xf32> to vector<128xf32>
    %broadcast_in_dim3A_758 = vector.shape_cast %reduce_sum3A_757 : vector<128xf32> to vector<128x1xf32>
    %add3A_759 = arith.addf %broadcast_in_dim3A_758, %exp3A_755 : vector<128x1xf32>
    %sign3A_760 = tpu.bitcast %mul3A_722 : vector<128x256xf32> -> vector<128x256xi32>
    %sign3A_761 = arith.constant -2147483648 : i32
    %sign3A_762 = vector.broadcast %sign3A_761 : i32 to vector<128x256xi32>
    %sign3A_763 = arith.andi %sign3A_760, %sign3A_762 : vector<128x256xi32>
    %sign3A_764 = arith.constant 1065353216 : i32
    %sign3A_765 = vector.broadcast %sign3A_764 : i32 to vector<128x256xi32>
    %sign3A_766 = arith.ori %sign3A_765, %sign3A_763 : vector<128x256xi32>
    %sign3A_767 = tpu.bitcast %sign3A_766 : vector<128x256xi32> -> vector<128x256xf32>
    %sign3A_768 = math.absf %mul3A_722 : vector<128x256xf32>
    %sign3A_769 = arith.constant 0.000000e+00 : f32
    %sign3A_770 = vector.broadcast %sign3A_769 : f32 to vector<128x256xf32>
    %sign3A_771 = arith.cmpf ogt, %sign3A_768, %sign3A_770 : vector<128x256xf32>
    %sign3A_772 = arith.select %sign3A_771, %sign3A_767, %mul3A_722 : vector<128x256xi1>, vector<128x256xf32>
    %div3A_773 = vector.broadcast %add3A_759 : vector<128x1xf32> to vector<128x256xf32>
    %div3A_774 = arith.divf %select_n3A_752, %div3A_773 : vector<128x256xf32>
    %mul3A_775 = arith.mulf %sign3A_772, %div3A_774 : vector<128x256xf32>
    %sign3A_776 = tpu.bitcast %mul3A_727 : vector<128x1xf32> -> vector<128x1xi32>
    %sign3A_777 = arith.constant -2147483648 : i32
    %sign3A_778 = vector.broadcast %sign3A_777 : i32 to vector<128x1xi32>
    %sign3A_779 = arith.andi %sign3A_776, %sign3A_778 : vector<128x1xi32>
    %sign3A_780 = arith.constant 1065353216 : i32
    %sign3A_781 = vector.broadcast %sign3A_780 : i32 to vector<128x1xi32>
    %sign3A_782 = arith.ori %sign3A_781, %sign3A_779 : vector<128x1xi32>
    %sign3A_783 = tpu.bitcast %sign3A_782 : vector<128x1xi32> -> vector<128x1xf32>
    %sign3A_784 = math.absf %mul3A_727 : vector<128x1xf32>
    %sign3A_785 = arith.constant 0.000000e+00 : f32
    %sign3A_786 = vector.broadcast %sign3A_785 : f32 to vector<128x1xf32>
    %sign3A_787 = arith.cmpf ogt, %sign3A_784, %sign3A_786 : vector<128x1xf32>
    %sign3A_788 = arith.select %sign3A_787, %sign3A_783, %mul3A_727 : vector<128x1xi1>, vector<128x1xf32>
    %div3A_789 = arith.divf %exp3A_755, %add3A_759 : vector<128x1xf32>
    %mul3A_790 = arith.mulf %sign3A_788, %div3A_789 : vector<128x1xf32>
    %dot_general3A_791 = arith.constant dense<0.000000e+00> : vector<128x768xf32>
    %dot_general3A_792 = tpu.matmul %mul3A_775, %slice3A_717, %dot_general3A_791 {dimension_numbers = #tpu.dot_dimension_numbers<[1], [0], [0], [1], [0, 0, 1, 1], [], []>, transpose_lhs_hint = false} : vector<128x256xf32>, vector<256x768xf32>, vector<128x768xf32> -> vector<128x768xf32>
    %mul3A_793 = vector.broadcast %mul3A_790 : vector<128x1xf32> to vector<128x768xf32>
    %mul3A_794 = vector.broadcast %get3A_35 : vector<1x768xf32> to vector<128x768xf32>
    %mul3A_795 = arith.mulf %mul3A_793, %mul3A_794 : vector<128x768xf32>
    %add3A_796 = arith.addf %dot_general3A_792, %mul3A_795 : vector<128x768xf32>
    %slice3A_797 = vector.extract_strided_slice %add3A_32 {offsets = [768, 0], sizes = [128, 768], strides = [1, 1]} : vector<2048x768xf32> to vector<128x768xf32>
    %add3A_798 = arith.addf %slice3A_797, %add3A_796 : vector<128x768xf32>
    %reduce_sum3A_799 = arith.constant dense<0.000000e+00> : vector<128xf32>
    %reduce_sum3A_800 = vector.multi_reduction <add>, %add3A_798, %reduce_sum3A_799 [1] : vector<128x768xf32> to vector<128xf32>
    %broadcast_in_dim3A_801 = vector.shape_cast %reduce_sum3A_800 : vector<128xf32> to vector<128x1xf32>
    %div3A_802 = arith.constant 7.680000e+02 : f32
    %div3A_803 = vector.broadcast %div3A_802 : f32 to vector<128x1xf32>
    %div3A_804 = arith.divf %broadcast_in_dim3A_801, %div3A_803 : vector<128x1xf32>
    %sub3A_805 = vector.broadcast %div3A_804 : vector<128x1xf32> to vector<128x768xf32>
    %sub3A_806 = arith.subf %add3A_798, %sub3A_805 : vector<128x768xf32>
    %integer_pow3A_807 = arith.mulf %sub3A_806, %sub3A_806 : vector<128x768xf32>
    %reduce_sum3A_808 = arith.constant dense<0.000000e+00> : vector<128xf32>
    %reduce_sum3A_809 = vector.multi_reduction <add>, %integer_pow3A_807, %reduce_sum3A_808 [1] : vector<128x768xf32> to vector<128xf32>
    %broadcast_in_dim3A_810 = vector.shape_cast %reduce_sum3A_809 : vector<128xf32> to vector<128x1xf32>
    %div3A_811 = arith.constant 7.680000e+02 : f32
    %div3A_812 = vector.broadcast %div3A_811 : f32 to vector<128x1xf32>
    %div3A_813 = arith.divf %broadcast_in_dim3A_810, %div3A_812 : vector<128x1xf32>
    %sub3A_814 = vector.broadcast %div3A_804 : vector<128x1xf32> to vector<128x768xf32>
    %sub3A_815 = arith.subf %add3A_798, %sub3A_814 : vector<128x768xf32>
    %add3A_816 = arith.constant 9.99999974E-6 : f32
    %add3A_817 = vector.broadcast %add3A_816 : f32 to vector<128x1xf32>
    %add3A_818 = arith.addf %div3A_813, %add3A_817 : vector<128x1xf32>
    %rsqrt3A_819 = math.rsqrt %add3A_818 : vector<128x1xf32>
    %mul3A_820 = vector.broadcast %rsqrt3A_819 : vector<128x1xf32> to vector<128x768xf32>
    %mul3A_821 = arith.mulf %sub3A_815, %mul3A_820 : vector<128x768xf32>
    %mul3A_822 = vector.broadcast %get3A_48 : vector<1x768xf32> to vector<128x768xf32>
    %mul3A_823 = arith.mulf %mul3A_821, %mul3A_822 : vector<128x768xf32>
    %add3A_824 = vector.broadcast %get3A_51 : vector<1x768xf32> to vector<128x768xf32>
    %add3A_825 = arith.addf %mul3A_823, %add3A_824 : vector<128x768xf32>
    %slice3A_826 = vector.extract_strided_slice %dot_general3A_52 {offsets = [896, 0], sizes = [128, 16], strides = [1, 1]} : vector<2048x16xf32> to vector<128x16xf32>
    %slice3A_827 = vector.extract_strided_slice %dot_general3A_54 {offsets = [832, 0], sizes = [256, 16], strides = [1, 1]} : vector<2048x16xf32> to vector<256x16xf32>
    %slice3A_828 = vector.extract_strided_slice %add3A_32 {offsets = [832, 0], sizes = [256, 768], strides = [1, 1]} : vector<2048x768xf32> to vector<256x768xf32>
    %dot_general3A_829 = arith.constant dense<0.000000e+00> : vector<128x256xf32>
    %dot_general3A_830 = tpu.matmul %slice3A_826, %slice3A_827, %dot_general3A_829 {dimension_numbers = #tpu.dot_dimension_numbers<[1], [1], [0], [0], [0, 0, 1, 0], [], []>, transpose_lhs_hint = false} : vector<128x16xf32>, vector<256x16xf32>, vector<128x256xf32> -> vector<128x256xf32>
    %mul3A_831 = arith.constant 2.500000e-01 : f32
    %mul3A_832 = vector.broadcast %mul3A_831 : f32 to vector<128x256xf32>
    %mul3A_833 = arith.mulf %dot_general3A_830, %mul3A_832 : vector<128x256xf32>
    %dot_general3A_834 = arith.constant dense<0.000000e+00> : vector<128x1xf32>
    %dot_general3A_835 = tpu.matmul %slice3A_826, %dot_general3A_58, %dot_general3A_834 {dimension_numbers = #tpu.dot_dimension_numbers<[1], [1], [0], [0], [0, 0, 1, 0], [], []>, transpose_lhs_hint = false} : vector<128x16xf32>, vector<1x16xf32>, vector<128x1xf32> -> vector<128x1xf32>
    %mul3A_836 = arith.constant 2.500000e-01 : f32
    %mul3A_837 = vector.broadcast %mul3A_836 : f32 to vector<128x1xf32>
    %mul3A_838 = arith.mulf %dot_general3A_835, %mul3A_837 : vector<128x1xf32>
    %iota3A_839 = tpu.iota {dimensions = array<i32: 0>} : vector<128x256xi32>
    %iota3A_840 = tpu.iota {dimensions = array<i32: 1>} : vector<128x256xi32>
    %sub3A_841 = arith.subi %iota3A_839, %iota3A_840 : vector<128x256xi32>
    %add3A_842 = arith.constant 64 : i32
    %add3A_843 = vector.broadcast %add3A_842 : i32 to vector<128x256xi32>
    %add3A_844 = arith.addi %sub3A_841, %add3A_843 : vector<128x256xi32>
    %abs3A_845 = math.absi %add3A_844 : vector<128x256xi32>
    %le3A_846 = arith.constant 64 : i32
    %le3A_847 = vector.broadcast %le3A_846 : i32 to vector<128x256xi32>
    %le3A_848 = arith.cmpi sle, %abs3A_845, %le3A_847 : vector<128x256xi32>
    %abs3A_849 = math.absf %mul3A_833 : vector<128x256xf32>
    %jit3A_850 = arith.constant 0xFF800000 : f32
    %broadcast_in_dim3A_851 = vector.broadcast %jit3A_850 : f32 to vector<128x256xf32>
    %select_n3A_852 = arith.select %le3A_848, %abs3A_849, %broadcast_in_dim3A_851 : vector<128x256xi1>, vector<128x256xf32>
    %reduce_max3A_853 = arith.constant dense<0xFF800000> : vector<128xf32>
    %reduce_max3A_854 = vector.multi_reduction <maximumf>, %select_n3A_852, %reduce_max3A_853 [1] : vector<128x256xf32> to vector<128xf32>
    %broadcast_in_dim3A_855 = vector.shape_cast %reduce_max3A_854 : vector<128xf32> to vector<128x1xf32>
    %abs3A_856 = math.absf %mul3A_838 : vector<128x1xf32>
    %max3A_857 = arith.maximumf %broadcast_in_dim3A_855, %abs3A_856 : vector<128x1xf32>
    %sub3A_858 = vector.broadcast %max3A_857 : vector<128x1xf32> to vector<128x256xf32>
    %sub3A_859 = arith.subf %abs3A_849, %sub3A_858 : vector<128x256xf32>
    %exp3A_860 = math.exp %sub3A_859 : vector<128x256xf32>
    %jit3A_861 = arith.constant 0.000000e+00 : f32
    %broadcast_in_dim3A_862 = vector.broadcast %jit3A_861 : f32 to vector<128x256xf32>
    %select_n3A_863 = arith.select %le3A_848, %exp3A_860, %broadcast_in_dim3A_862 : vector<128x256xi1>, vector<128x256xf32>
    %abs3A_864 = math.absf %mul3A_838 : vector<128x1xf32>
    %sub3A_865 = arith.subf %abs3A_864, %max3A_857 : vector<128x1xf32>
    %exp3A_866 = math.exp %sub3A_865 : vector<128x1xf32>
    %reduce_sum3A_867 = arith.constant dense<0.000000e+00> : vector<128xf32>
    %reduce_sum3A_868 = vector.multi_reduction <add>, %select_n3A_863, %reduce_sum3A_867 [1] : vector<128x256xf32> to vector<128xf32>
    %broadcast_in_dim3A_869 = vector.shape_cast %reduce_sum3A_868 : vector<128xf32> to vector<128x1xf32>
    %add3A_870 = arith.addf %broadcast_in_dim3A_869, %exp3A_866 : vector<128x1xf32>
    %sign3A_871 = tpu.bitcast %mul3A_833 : vector<128x256xf32> -> vector<128x256xi32>
    %sign3A_872 = arith.constant -2147483648 : i32
    %sign3A_873 = vector.broadcast %sign3A_872 : i32 to vector<128x256xi32>
    %sign3A_874 = arith.andi %sign3A_871, %sign3A_873 : vector<128x256xi32>
    %sign3A_875 = arith.constant 1065353216 : i32
    %sign3A_876 = vector.broadcast %sign3A_875 : i32 to vector<128x256xi32>
    %sign3A_877 = arith.ori %sign3A_876, %sign3A_874 : vector<128x256xi32>
    %sign3A_878 = tpu.bitcast %sign3A_877 : vector<128x256xi32> -> vector<128x256xf32>
    %sign3A_879 = math.absf %mul3A_833 : vector<128x256xf32>
    %sign3A_880 = arith.constant 0.000000e+00 : f32
    %sign3A_881 = vector.broadcast %sign3A_880 : f32 to vector<128x256xf32>
    %sign3A_882 = arith.cmpf ogt, %sign3A_879, %sign3A_881 : vector<128x256xf32>
    %sign3A_883 = arith.select %sign3A_882, %sign3A_878, %mul3A_833 : vector<128x256xi1>, vector<128x256xf32>
    %div3A_884 = vector.broadcast %add3A_870 : vector<128x1xf32> to vector<128x256xf32>
    %div3A_885 = arith.divf %select_n3A_863, %div3A_884 : vector<128x256xf32>
    %mul3A_886 = arith.mulf %sign3A_883, %div3A_885 : vector<128x256xf32>
    %sign3A_887 = tpu.bitcast %mul3A_838 : vector<128x1xf32> -> vector<128x1xi32>
    %sign3A_888 = arith.constant -2147483648 : i32
    %sign3A_889 = vector.broadcast %sign3A_888 : i32 to vector<128x1xi32>
    %sign3A_890 = arith.andi %sign3A_887, %sign3A_889 : vector<128x1xi32>
    %sign3A_891 = arith.constant 1065353216 : i32
    %sign3A_892 = vector.broadcast %sign3A_891 : i32 to vector<128x1xi32>
    %sign3A_893 = arith.ori %sign3A_892, %sign3A_890 : vector<128x1xi32>
    %sign3A_894 = tpu.bitcast %sign3A_893 : vector<128x1xi32> -> vector<128x1xf32>
    %sign3A_895 = math.absf %mul3A_838 : vector<128x1xf32>
    %sign3A_896 = arith.constant 0.000000e+00 : f32
    %sign3A_897 = vector.broadcast %sign3A_896 : f32 to vector<128x1xf32>
    %sign3A_898 = arith.cmpf ogt, %sign3A_895, %sign3A_897 : vector<128x1xf32>
    %sign3A_899 = arith.select %sign3A_898, %sign3A_894, %mul3A_838 : vector<128x1xi1>, vector<128x1xf32>
    %div3A_900 = arith.divf %exp3A_866, %add3A_870 : vector<128x1xf32>
    %mul3A_901 = arith.mulf %sign3A_899, %div3A_900 : vector<128x1xf32>
    %dot_general3A_902 = arith.constant dense<0.000000e+00> : vector<128x768xf32>
    %dot_general3A_903 = tpu.matmul %mul3A_886, %slice3A_828, %dot_general3A_902 {dimension_numbers = #tpu.dot_dimension_numbers<[1], [0], [0], [1], [0, 0, 1, 1], [], []>, transpose_lhs_hint = false} : vector<128x256xf32>, vector<256x768xf32>, vector<128x768xf32> -> vector<128x768xf32>
    %mul3A_904 = vector.broadcast %mul3A_901 : vector<128x1xf32> to vector<128x768xf32>
    %mul3A_905 = vector.broadcast %get3A_35 : vector<1x768xf32> to vector<128x768xf32>
    %mul3A_906 = arith.mulf %mul3A_904, %mul3A_905 : vector<128x768xf32>
    %add3A_907 = arith.addf %dot_general3A_903, %mul3A_906 : vector<128x768xf32>
    %slice3A_908 = vector.extract_strided_slice %add3A_32 {offsets = [896, 0], sizes = [128, 768], strides = [1, 1]} : vector<2048x768xf32> to vector<128x768xf32>
    %add3A_909 = arith.addf %slice3A_908, %add3A_907 : vector<128x768xf32>
    %reduce_sum3A_910 = arith.constant dense<0.000000e+00> : vector<128xf32>
    %reduce_sum3A_911 = vector.multi_reduction <add>, %add3A_909, %reduce_sum3A_910 [1] : vector<128x768xf32> to vector<128xf32>
    %broadcast_in_dim3A_912 = vector.shape_cast %reduce_sum3A_911 : vector<128xf32> to vector<128x1xf32>
    %div3A_913 = arith.constant 7.680000e+02 : f32
    %div3A_914 = vector.broadcast %div3A_913 : f32 to vector<128x1xf32>
    %div3A_915 = arith.divf %broadcast_in_dim3A_912, %div3A_914 : vector<128x1xf32>
    %sub3A_916 = vector.broadcast %div3A_915 : vector<128x1xf32> to vector<128x768xf32>
    %sub3A_917 = arith.subf %add3A_909, %sub3A_916 : vector<128x768xf32>
    %integer_pow3A_918 = arith.mulf %sub3A_917, %sub3A_917 : vector<128x768xf32>
    %reduce_sum3A_919 = arith.constant dense<0.000000e+00> : vector<128xf32>
    %reduce_sum3A_920 = vector.multi_reduction <add>, %integer_pow3A_918, %reduce_sum3A_919 [1] : vector<128x768xf32> to vector<128xf32>
    %broadcast_in_dim3A_921 = vector.shape_cast %reduce_sum3A_920 : vector<128xf32> to vector<128x1xf32>
    %div3A_922 = arith.constant 7.680000e+02 : f32
    %div3A_923 = vector.broadcast %div3A_922 : f32 to vector<128x1xf32>
    %div3A_924 = arith.divf %broadcast_in_dim3A_921, %div3A_923 : vector<128x1xf32>
    %sub3A_925 = vector.broadcast %div3A_915 : vector<128x1xf32> to vector<128x768xf32>
    %sub3A_926 = arith.subf %add3A_909, %sub3A_925 : vector<128x768xf32>
    %add3A_927 = arith.constant 9.99999974E-6 : f32
    %add3A_928 = vector.broadcast %add3A_927 : f32 to vector<128x1xf32>
    %add3A_929 = arith.addf %div3A_924, %add3A_928 : vector<128x1xf32>
    %rsqrt3A_930 = math.rsqrt %add3A_929 : vector<128x1xf32>
    %mul3A_931 = vector.broadcast %rsqrt3A_930 : vector<128x1xf32> to vector<128x768xf32>
    %mul3A_932 = arith.mulf %sub3A_926, %mul3A_931 : vector<128x768xf32>
    %mul3A_933 = vector.broadcast %get3A_48 : vector<1x768xf32> to vector<128x768xf32>
    %mul3A_934 = arith.mulf %mul3A_932, %mul3A_933 : vector<128x768xf32>
    %add3A_935 = vector.broadcast %get3A_51 : vector<1x768xf32> to vector<128x768xf32>
    %add3A_936 = arith.addf %mul3A_934, %add3A_935 : vector<128x768xf32>
    %slice3A_937 = vector.extract_strided_slice %dot_general3A_52 {offsets = [1024, 0], sizes = [128, 16], strides = [1, 1]} : vector<2048x16xf32> to vector<128x16xf32>
    %slice3A_938 = vector.extract_strided_slice %dot_general3A_54 {offsets = [960, 0], sizes = [256, 16], strides = [1, 1]} : vector<2048x16xf32> to vector<256x16xf32>
    %slice3A_939 = vector.extract_strided_slice %add3A_32 {offsets = [960, 0], sizes = [256, 768], strides = [1, 1]} : vector<2048x768xf32> to vector<256x768xf32>
    %dot_general3A_940 = arith.constant dense<0.000000e+00> : vector<128x256xf32>
    %dot_general3A_941 = tpu.matmul %slice3A_937, %slice3A_938, %dot_general3A_940 {dimension_numbers = #tpu.dot_dimension_numbers<[1], [1], [0], [0], [0, 0, 1, 0], [], []>, transpose_lhs_hint = false} : vector<128x16xf32>, vector<256x16xf32>, vector<128x256xf32> -> vector<128x256xf32>
    %mul3A_942 = arith.constant 2.500000e-01 : f32
    %mul3A_943 = vector.broadcast %mul3A_942 : f32 to vector<128x256xf32>
    %mul3A_944 = arith.mulf %dot_general3A_941, %mul3A_943 : vector<128x256xf32>
    %dot_general3A_945 = arith.constant dense<0.000000e+00> : vector<128x1xf32>
    %dot_general3A_946 = tpu.matmul %slice3A_937, %dot_general3A_58, %dot_general3A_945 {dimension_numbers = #tpu.dot_dimension_numbers<[1], [1], [0], [0], [0, 0, 1, 0], [], []>, transpose_lhs_hint = false} : vector<128x16xf32>, vector<1x16xf32>, vector<128x1xf32> -> vector<128x1xf32>
    %mul3A_947 = arith.constant 2.500000e-01 : f32
    %mul3A_948 = vector.broadcast %mul3A_947 : f32 to vector<128x1xf32>
    %mul3A_949 = arith.mulf %dot_general3A_946, %mul3A_948 : vector<128x1xf32>
    %iota3A_950 = tpu.iota {dimensions = array<i32: 0>} : vector<128x256xi32>
    %iota3A_951 = tpu.iota {dimensions = array<i32: 1>} : vector<128x256xi32>
    %sub3A_952 = arith.subi %iota3A_950, %iota3A_951 : vector<128x256xi32>
    %add3A_953 = arith.constant 64 : i32
    %add3A_954 = vector.broadcast %add3A_953 : i32 to vector<128x256xi32>
    %add3A_955 = arith.addi %sub3A_952, %add3A_954 : vector<128x256xi32>
    %abs3A_956 = math.absi %add3A_955 : vector<128x256xi32>
    %le3A_957 = arith.constant 64 : i32
    %le3A_958 = vector.broadcast %le3A_957 : i32 to vector<128x256xi32>
    %le3A_959 = arith.cmpi sle, %abs3A_956, %le3A_958 : vector<128x256xi32>
    %abs3A_960 = math.absf %mul3A_944 : vector<128x256xf32>
    %jit3A_961 = arith.constant 0xFF800000 : f32
    %broadcast_in_dim3A_962 = vector.broadcast %jit3A_961 : f32 to vector<128x256xf32>
    %select_n3A_963 = arith.select %le3A_959, %abs3A_960, %broadcast_in_dim3A_962 : vector<128x256xi1>, vector<128x256xf32>
    %reduce_max3A_964 = arith.constant dense<0xFF800000> : vector<128xf32>
    %reduce_max3A_965 = vector.multi_reduction <maximumf>, %select_n3A_963, %reduce_max3A_964 [1] : vector<128x256xf32> to vector<128xf32>
    %broadcast_in_dim3A_966 = vector.shape_cast %reduce_max3A_965 : vector<128xf32> to vector<128x1xf32>
    %abs3A_967 = math.absf %mul3A_949 : vector<128x1xf32>
    %max3A_968 = arith.maximumf %broadcast_in_dim3A_966, %abs3A_967 : vector<128x1xf32>
    %sub3A_969 = vector.broadcast %max3A_968 : vector<128x1xf32> to vector<128x256xf32>
    %sub3A_970 = arith.subf %abs3A_960, %sub3A_969 : vector<128x256xf32>
    %exp3A_971 = math.exp %sub3A_970 : vector<128x256xf32>
    %jit3A_972 = arith.constant 0.000000e+00 : f32
    %broadcast_in_dim3A_973 = vector.broadcast %jit3A_972 : f32 to vector<128x256xf32>
    %select_n3A_974 = arith.select %le3A_959, %exp3A_971, %broadcast_in_dim3A_973 : vector<128x256xi1>, vector<128x256xf32>
    %abs3A_975 = math.absf %mul3A_949 : vector<128x1xf32>
    %sub3A_976 = arith.subf %abs3A_975, %max3A_968 : vector<128x1xf32>
    %exp3A_977 = math.exp %sub3A_976 : vector<128x1xf32>
    %reduce_sum3A_978 = arith.constant dense<0.000000e+00> : vector<128xf32>
    %reduce_sum3A_979 = vector.multi_reduction <add>, %select_n3A_974, %reduce_sum3A_978 [1] : vector<128x256xf32> to vector<128xf32>
    %broadcast_in_dim3A_980 = vector.shape_cast %reduce_sum3A_979 : vector<128xf32> to vector<128x1xf32>
    %add3A_981 = arith.addf %broadcast_in_dim3A_980, %exp3A_977 : vector<128x1xf32>
    %sign3A_982 = tpu.bitcast %mul3A_944 : vector<128x256xf32> -> vector<128x256xi32>
    %sign3A_983 = arith.constant -2147483648 : i32
    %sign3A_984 = vector.broadcast %sign3A_983 : i32 to vector<128x256xi32>
    %sign3A_985 = arith.andi %sign3A_982, %sign3A_984 : vector<128x256xi32>
    %sign3A_986 = arith.constant 1065353216 : i32
    %sign3A_987 = vector.broadcast %sign3A_986 : i32 to vector<128x256xi32>
    %sign3A_988 = arith.ori %sign3A_987, %sign3A_985 : vector<128x256xi32>
    %sign3A_989 = tpu.bitcast %sign3A_988 : vector<128x256xi32> -> vector<128x256xf32>
    %sign3A_990 = math.absf %mul3A_944 : vector<128x256xf32>
    %sign3A_991 = arith.constant 0.000000e+00 : f32
    %sign3A_992 = vector.broadcast %sign3A_991 : f32 to vector<128x256xf32>
    %sign3A_993 = arith.cmpf ogt, %sign3A_990, %sign3A_992 : vector<128x256xf32>
    %sign3A_994 = arith.select %sign3A_993, %sign3A_989, %mul3A_944 : vector<128x256xi1>, vector<128x256xf32>
    %div3A_995 = vector.broadcast %add3A_981 : vector<128x1xf32> to vector<128x256xf32>
    %div3A_996 = arith.divf %select_n3A_974, %div3A_995 : vector<128x256xf32>
    %mul3A_997 = arith.mulf %sign3A_994, %div3A_996 : vector<128x256xf32>
    %sign3A_998 = tpu.bitcast %mul3A_949 : vector<128x1xf32> -> vector<128x1xi32>
    %sign3A_999 = arith.constant -2147483648 : i32
    %sign3A_1000 = vector.broadcast %sign3A_999 : i32 to vector<128x1xi32>
    %sign3A_1001 = arith.andi %sign3A_998, %sign3A_1000 : vector<128x1xi32>
    %sign3A_1002 = arith.constant 1065353216 : i32
    %sign3A_1003 = vector.broadcast %sign3A_1002 : i32 to vector<128x1xi32>
    %sign3A_1004 = arith.ori %sign3A_1003, %sign3A_1001 : vector<128x1xi32>
    %sign3A_1005 = tpu.bitcast %sign3A_1004 : vector<128x1xi32> -> vector<128x1xf32>
    %sign3A_1006 = math.absf %mul3A_949 : vector<128x1xf32>
    %sign3A_1007 = arith.constant 0.000000e+00 : f32
    %sign3A_1008 = vector.broadcast %sign3A_1007 : f32 to vector<128x1xf32>
    %sign3A_1009 = arith.cmpf ogt, %sign3A_1006, %sign3A_1008 : vector<128x1xf32>
    %sign3A_1010 = arith.select %sign3A_1009, %sign3A_1005, %mul3A_949 : vector<128x1xi1>, vector<128x1xf32>
    %div3A_1011 = arith.divf %exp3A_977, %add3A_981 : vector<128x1xf32>
    %mul3A_1012 = arith.mulf %sign3A_1010, %div3A_1011 : vector<128x1xf32>
    %dot_general3A_1013 = arith.constant dense<0.000000e+00> : vector<128x768xf32>
    %dot_general3A_1014 = tpu.matmul %mul3A_997, %slice3A_939, %dot_general3A_1013 {dimension_numbers = #tpu.dot_dimension_numbers<[1], [0], [0], [1], [0, 0, 1, 1], [], []>, transpose_lhs_hint = false} : vector<128x256xf32>, vector<256x768xf32>, vector<128x768xf32> -> vector<128x768xf32>
    %mul3A_1015 = vector.broadcast %mul3A_1012 : vector<128x1xf32> to vector<128x768xf32>
    %mul3A_1016 = vector.broadcast %get3A_35 : vector<1x768xf32> to vector<128x768xf32>
    %mul3A_1017 = arith.mulf %mul3A_1015, %mul3A_1016 : vector<128x768xf32>
    %add3A_1018 = arith.addf %dot_general3A_1014, %mul3A_1017 : vector<128x768xf32>
    %slice3A_1019 = vector.extract_strided_slice %add3A_32 {offsets = [1024, 0], sizes = [128, 768], strides = [1, 1]} : vector<2048x768xf32> to vector<128x768xf32>
    %add3A_1020 = arith.addf %slice3A_1019, %add3A_1018 : vector<128x768xf32>
    %reduce_sum3A_1021 = arith.constant dense<0.000000e+00> : vector<128xf32>
    %reduce_sum3A_1022 = vector.multi_reduction <add>, %add3A_1020, %reduce_sum3A_1021 [1] : vector<128x768xf32> to vector<128xf32>
    %broadcast_in_dim3A_1023 = vector.shape_cast %reduce_sum3A_1022 : vector<128xf32> to vector<128x1xf32>
    %div3A_1024 = arith.constant 7.680000e+02 : f32
    %div3A_1025 = vector.broadcast %div3A_1024 : f32 to vector<128x1xf32>
    %div3A_1026 = arith.divf %broadcast_in_dim3A_1023, %div3A_1025 : vector<128x1xf32>
    %sub3A_1027 = vector.broadcast %div3A_1026 : vector<128x1xf32> to vector<128x768xf32>
    %sub3A_1028 = arith.subf %add3A_1020, %sub3A_1027 : vector<128x768xf32>
    %integer_pow3A_1029 = arith.mulf %sub3A_1028, %sub3A_1028 : vector<128x768xf32>
    %reduce_sum3A_1030 = arith.constant dense<0.000000e+00> : vector<128xf32>
    %reduce_sum3A_1031 = vector.multi_reduction <add>, %integer_pow3A_1029, %reduce_sum3A_1030 [1] : vector<128x768xf32> to vector<128xf32>
    %broadcast_in_dim3A_1032 = vector.shape_cast %reduce_sum3A_1031 : vector<128xf32> to vector<128x1xf32>
    %div3A_1033 = arith.constant 7.680000e+02 : f32
    %div3A_1034 = vector.broadcast %div3A_1033 : f32 to vector<128x1xf32>
    %div3A_1035 = arith.divf %broadcast_in_dim3A_1032, %div3A_1034 : vector<128x1xf32>
    %sub3A_1036 = vector.broadcast %div3A_1026 : vector<128x1xf32> to vector<128x768xf32>
    %sub3A_1037 = arith.subf %add3A_1020, %sub3A_1036 : vector<128x768xf32>
    %add3A_1038 = arith.constant 9.99999974E-6 : f32
    %add3A_1039 = vector.broadcast %add3A_1038 : f32 to vector<128x1xf32>
    %add3A_1040 = arith.addf %div3A_1035, %add3A_1039 : vector<128x1xf32>
    %rsqrt3A_1041 = math.rsqrt %add3A_1040 : vector<128x1xf32>
    %mul3A_1042 = vector.broadcast %rsqrt3A_1041 : vector<128x1xf32> to vector<128x768xf32>
    %mul3A_1043 = arith.mulf %sub3A_1037, %mul3A_1042 : vector<128x768xf32>
    %mul3A_1044 = vector.broadcast %get3A_48 : vector<1x768xf32> to vector<128x768xf32>
    %mul3A_1045 = arith.mulf %mul3A_1043, %mul3A_1044 : vector<128x768xf32>
    %add3A_1046 = vector.broadcast %get3A_51 : vector<1x768xf32> to vector<128x768xf32>
    %add3A_1047 = arith.addf %mul3A_1045, %add3A_1046 : vector<128x768xf32>
    %slice3A_1048 = vector.extract_strided_slice %dot_general3A_52 {offsets = [1152, 0], sizes = [128, 16], strides = [1, 1]} : vector<2048x16xf32> to vector<128x16xf32>
    %slice3A_1049 = vector.extract_strided_slice %dot_general3A_54 {offsets = [1088, 0], sizes = [256, 16], strides = [1, 1]} : vector<2048x16xf32> to vector<256x16xf32>
    %slice3A_1050 = vector.extract_strided_slice %add3A_32 {offsets = [1088, 0], sizes = [256, 768], strides = [1, 1]} : vector<2048x768xf32> to vector<256x768xf32>
    %dot_general3A_1051 = arith.constant dense<0.000000e+00> : vector<128x256xf32>
    %dot_general3A_1052 = tpu.matmul %slice3A_1048, %slice3A_1049, %dot_general3A_1051 {dimension_numbers = #tpu.dot_dimension_numbers<[1], [1], [0], [0], [0, 0, 1, 0], [], []>, transpose_lhs_hint = false} : vector<128x16xf32>, vector<256x16xf32>, vector<128x256xf32> -> vector<128x256xf32>
    %mul3A_1053 = arith.constant 2.500000e-01 : f32
    %mul3A_1054 = vector.broadcast %mul3A_1053 : f32 to vector<128x256xf32>
    %mul3A_1055 = arith.mulf %dot_general3A_1052, %mul3A_1054 : vector<128x256xf32>
    %dot_general3A_1056 = arith.constant dense<0.000000e+00> : vector<128x1xf32>
    %dot_general3A_1057 = tpu.matmul %slice3A_1048, %dot_general3A_58, %dot_general3A_1056 {dimension_numbers = #tpu.dot_dimension_numbers<[1], [1], [0], [0], [0, 0, 1, 0], [], []>, transpose_lhs_hint = false} : vector<128x16xf32>, vector<1x16xf32>, vector<128x1xf32> -> vector<128x1xf32>
    %mul3A_1058 = arith.constant 2.500000e-01 : f32
    %mul3A_1059 = vector.broadcast %mul3A_1058 : f32 to vector<128x1xf32>
    %mul3A_1060 = arith.mulf %dot_general3A_1057, %mul3A_1059 : vector<128x1xf32>
    %iota3A_1061 = tpu.iota {dimensions = array<i32: 0>} : vector<128x256xi32>
    %iota3A_1062 = tpu.iota {dimensions = array<i32: 1>} : vector<128x256xi32>
    %sub3A_1063 = arith.subi %iota3A_1061, %iota3A_1062 : vector<128x256xi32>
    %add3A_1064 = arith.constant 64 : i32
    %add3A_1065 = vector.broadcast %add3A_1064 : i32 to vector<128x256xi32>
    %add3A_1066 = arith.addi %sub3A_1063, %add3A_1065 : vector<128x256xi32>
    %abs3A_1067 = math.absi %add3A_1066 : vector<128x256xi32>
    %le3A_1068 = arith.constant 64 : i32
    %le3A_1069 = vector.broadcast %le3A_1068 : i32 to vector<128x256xi32>
    %le3A_1070 = arith.cmpi sle, %abs3A_1067, %le3A_1069 : vector<128x256xi32>
    %abs3A_1071 = math.absf %mul3A_1055 : vector<128x256xf32>
    %jit3A_1072 = arith.constant 0xFF800000 : f32
    %broadcast_in_dim3A_1073 = vector.broadcast %jit3A_1072 : f32 to vector<128x256xf32>
    %select_n3A_1074 = arith.select %le3A_1070, %abs3A_1071, %broadcast_in_dim3A_1073 : vector<128x256xi1>, vector<128x256xf32>
    %reduce_max3A_1075 = arith.constant dense<0xFF800000> : vector<128xf32>
    %reduce_max3A_1076 = vector.multi_reduction <maximumf>, %select_n3A_1074, %reduce_max3A_1075 [1] : vector<128x256xf32> to vector<128xf32>
    %broadcast_in_dim3A_1077 = vector.shape_cast %reduce_max3A_1076 : vector<128xf32> to vector<128x1xf32>
    %abs3A_1078 = math.absf %mul3A_1060 : vector<128x1xf32>
    %max3A_1079 = arith.maximumf %broadcast_in_dim3A_1077, %abs3A_1078 : vector<128x1xf32>
    %sub3A_1080 = vector.broadcast %max3A_1079 : vector<128x1xf32> to vector<128x256xf32>
    %sub3A_1081 = arith.subf %abs3A_1071, %sub3A_1080 : vector<128x256xf32>
    %exp3A_1082 = math.exp %sub3A_1081 : vector<128x256xf32>
    %jit3A_1083 = arith.constant 0.000000e+00 : f32
    %broadcast_in_dim3A_1084 = vector.broadcast %jit3A_1083 : f32 to vector<128x256xf32>
    %select_n3A_1085 = arith.select %le3A_1070, %exp3A_1082, %broadcast_in_dim3A_1084 : vector<128x256xi1>, vector<128x256xf32>
    %abs3A_1086 = math.absf %mul3A_1060 : vector<128x1xf32>
    %sub3A_1087 = arith.subf %abs3A_1086, %max3A_1079 : vector<128x1xf32>
    %exp3A_1088 = math.exp %sub3A_1087 : vector<128x1xf32>
    %reduce_sum3A_1089 = arith.constant dense<0.000000e+00> : vector<128xf32>
    %reduce_sum3A_1090 = vector.multi_reduction <add>, %select_n3A_1085, %reduce_sum3A_1089 [1] : vector<128x256xf32> to vector<128xf32>
    %broadcast_in_dim3A_1091 = vector.shape_cast %reduce_sum3A_1090 : vector<128xf32> to vector<128x1xf32>
    %add3A_1092 = arith.addf %broadcast_in_dim3A_1091, %exp3A_1088 : vector<128x1xf32>
    %sign3A_1093 = tpu.bitcast %mul3A_1055 : vector<128x256xf32> -> vector<128x256xi32>
    %sign3A_1094 = arith.constant -2147483648 : i32
    %sign3A_1095 = vector.broadcast %sign3A_1094 : i32 to vector<128x256xi32>
    %sign3A_1096 = arith.andi %sign3A_1093, %sign3A_1095 : vector<128x256xi32>
    %sign3A_1097 = arith.constant 1065353216 : i32
    %sign3A_1098 = vector.broadcast %sign3A_1097 : i32 to vector<128x256xi32>
    %sign3A_1099 = arith.ori %sign3A_1098, %sign3A_1096 : vector<128x256xi32>
    %sign3A_1100 = tpu.bitcast %sign3A_1099 : vector<128x256xi32> -> vector<128x256xf32>
    %sign3A_1101 = math.absf %mul3A_1055 : vector<128x256xf32>
    %sign3A_1102 = arith.constant 0.000000e+00 : f32
    %sign3A_1103 = vector.broadcast %sign3A_1102 : f32 to vector<128x256xf32>
    %sign3A_1104 = arith.cmpf ogt, %sign3A_1101, %sign3A_1103 : vector<128x256xf32>
    %sign3A_1105 = arith.select %sign3A_1104, %sign3A_1100, %mul3A_1055 : vector<128x256xi1>, vector<128x256xf32>
    %div3A_1106 = vector.broadcast %add3A_1092 : vector<128x1xf32> to vector<128x256xf32>
    %div3A_1107 = arith.divf %select_n3A_1085, %div3A_1106 : vector<128x256xf32>
    %mul3A_1108 = arith.mulf %sign3A_1105, %div3A_1107 : vector<128x256xf32>
    %sign3A_1109 = tpu.bitcast %mul3A_1060 : vector<128x1xf32> -> vector<128x1xi32>
    %sign3A_1110 = arith.constant -2147483648 : i32
    %sign3A_1111 = vector.broadcast %sign3A_1110 : i32 to vector<128x1xi32>
    %sign3A_1112 = arith.andi %sign3A_1109, %sign3A_1111 : vector<128x1xi32>
    %sign3A_1113 = arith.constant 1065353216 : i32
    %sign3A_1114 = vector.broadcast %sign3A_1113 : i32 to vector<128x1xi32>
    %sign3A_1115 = arith.ori %sign3A_1114, %sign3A_1112 : vector<128x1xi32>
    %sign3A_1116 = tpu.bitcast %sign3A_1115 : vector<128x1xi32> -> vector<128x1xf32>
    %sign3A_1117 = math.absf %mul3A_1060 : vector<128x1xf32>
    %sign3A_1118 = arith.constant 0.000000e+00 : f32
    %sign3A_1119 = vector.broadcast %sign3A_1118 : f32 to vector<128x1xf32>
    %sign3A_1120 = arith.cmpf ogt, %sign3A_1117, %sign3A_1119 : vector<128x1xf32>
    %sign3A_1121 = arith.select %sign3A_1120, %sign3A_1116, %mul3A_1060 : vector<128x1xi1>, vector<128x1xf32>
    %div3A_1122 = arith.divf %exp3A_1088, %add3A_1092 : vector<128x1xf32>
    %mul3A_1123 = arith.mulf %sign3A_1121, %div3A_1122 : vector<128x1xf32>
    %dot_general3A_1124 = arith.constant dense<0.000000e+00> : vector<128x768xf32>
    %dot_general3A_1125 = tpu.matmul %mul3A_1108, %slice3A_1050, %dot_general3A_1124 {dimension_numbers = #tpu.dot_dimension_numbers<[1], [0], [0], [1], [0, 0, 1, 1], [], []>, transpose_lhs_hint = false} : vector<128x256xf32>, vector<256x768xf32>, vector<128x768xf32> -> vector<128x768xf32>
    %mul3A_1126 = vector.broadcast %mul3A_1123 : vector<128x1xf32> to vector<128x768xf32>
    %mul3A_1127 = vector.broadcast %get3A_35 : vector<1x768xf32> to vector<128x768xf32>
    %mul3A_1128 = arith.mulf %mul3A_1126, %mul3A_1127 : vector<128x768xf32>
    %add3A_1129 = arith.addf %dot_general3A_1125, %mul3A_1128 : vector<128x768xf32>
    %slice3A_1130 = vector.extract_strided_slice %add3A_32 {offsets = [1152, 0], sizes = [128, 768], strides = [1, 1]} : vector<2048x768xf32> to vector<128x768xf32>
    %add3A_1131 = arith.addf %slice3A_1130, %add3A_1129 : vector<128x768xf32>
    %reduce_sum3A_1132 = arith.constant dense<0.000000e+00> : vector<128xf32>
    %reduce_sum3A_1133 = vector.multi_reduction <add>, %add3A_1131, %reduce_sum3A_1132 [1] : vector<128x768xf32> to vector<128xf32>
    %broadcast_in_dim3A_1134 = vector.shape_cast %reduce_sum3A_1133 : vector<128xf32> to vector<128x1xf32>
    %div3A_1135 = arith.constant 7.680000e+02 : f32
    %div3A_1136 = vector.broadcast %div3A_1135 : f32 to vector<128x1xf32>
    %div3A_1137 = arith.divf %broadcast_in_dim3A_1134, %div3A_1136 : vector<128x1xf32>
    %sub3A_1138 = vector.broadcast %div3A_1137 : vector<128x1xf32> to vector<128x768xf32>
    %sub3A_1139 = arith.subf %add3A_1131, %sub3A_1138 : vector<128x768xf32>
    %integer_pow3A_1140 = arith.mulf %sub3A_1139, %sub3A_1139 : vector<128x768xf32>
    %reduce_sum3A_1141 = arith.constant dense<0.000000e+00> : vector<128xf32>
    %reduce_sum3A_1142 = vector.multi_reduction <add>, %integer_pow3A_1140, %reduce_sum3A_1141 [1] : vector<128x768xf32> to vector<128xf32>
    %broadcast_in_dim3A_1143 = vector.shape_cast %reduce_sum3A_1142 : vector<128xf32> to vector<128x1xf32>
    %div3A_1144 = arith.constant 7.680000e+02 : f32
    %div3A_1145 = vector.broadcast %div3A_1144 : f32 to vector<128x1xf32>
    %div3A_1146 = arith.divf %broadcast_in_dim3A_1143, %div3A_1145 : vector<128x1xf32>
    %sub3A_1147 = vector.broadcast %div3A_1137 : vector<128x1xf32> to vector<128x768xf32>
    %sub3A_1148 = arith.subf %add3A_1131, %sub3A_1147 : vector<128x768xf32>
    %add3A_1149 = arith.constant 9.99999974E-6 : f32
    %add3A_1150 = vector.broadcast %add3A_1149 : f32 to vector<128x1xf32>
    %add3A_1151 = arith.addf %div3A_1146, %add3A_1150 : vector<128x1xf32>
    %rsqrt3A_1152 = math.rsqrt %add3A_1151 : vector<128x1xf32>
    %mul3A_1153 = vector.broadcast %rsqrt3A_1152 : vector<128x1xf32> to vector<128x768xf32>
    %mul3A_1154 = arith.mulf %sub3A_1148, %mul3A_1153 : vector<128x768xf32>
    %mul3A_1155 = vector.broadcast %get3A_48 : vector<1x768xf32> to vector<128x768xf32>
    %mul3A_1156 = arith.mulf %mul3A_1154, %mul3A_1155 : vector<128x768xf32>
    %add3A_1157 = vector.broadcast %get3A_51 : vector<1x768xf32> to vector<128x768xf32>
    %add3A_1158 = arith.addf %mul3A_1156, %add3A_1157 : vector<128x768xf32>
    %slice3A_1159 = vector.extract_strided_slice %dot_general3A_52 {offsets = [1280, 0], sizes = [128, 16], strides = [1, 1]} : vector<2048x16xf32> to vector<128x16xf32>
    %slice3A_1160 = vector.extract_strided_slice %dot_general3A_54 {offsets = [1216, 0], sizes = [256, 16], strides = [1, 1]} : vector<2048x16xf32> to vector<256x16xf32>
    %slice3A_1161 = vector.extract_strided_slice %add3A_32 {offsets = [1216, 0], sizes = [256, 768], strides = [1, 1]} : vector<2048x768xf32> to vector<256x768xf32>
    %dot_general3A_1162 = arith.constant dense<0.000000e+00> : vector<128x256xf32>
    %dot_general3A_1163 = tpu.matmul %slice3A_1159, %slice3A_1160, %dot_general3A_1162 {dimension_numbers = #tpu.dot_dimension_numbers<[1], [1], [0], [0], [0, 0, 1, 0], [], []>, transpose_lhs_hint = false} : vector<128x16xf32>, vector<256x16xf32>, vector<128x256xf32> -> vector<128x256xf32>
    %mul3A_1164 = arith.constant 2.500000e-01 : f32
    %mul3A_1165 = vector.broadcast %mul3A_1164 : f32 to vector<128x256xf32>
    %mul3A_1166 = arith.mulf %dot_general3A_1163, %mul3A_1165 : vector<128x256xf32>
    %dot_general3A_1167 = arith.constant dense<0.000000e+00> : vector<128x1xf32>
    %dot_general3A_1168 = tpu.matmul %slice3A_1159, %dot_general3A_58, %dot_general3A_1167 {dimension_numbers = #tpu.dot_dimension_numbers<[1], [1], [0], [0], [0, 0, 1, 0], [], []>, transpose_lhs_hint = false} : vector<128x16xf32>, vector<1x16xf32>, vector<128x1xf32> -> vector<128x1xf32>
    %mul3A_1169 = arith.constant 2.500000e-01 : f32
    %mul3A_1170 = vector.broadcast %mul3A_1169 : f32 to vector<128x1xf32>
    %mul3A_1171 = arith.mulf %dot_general3A_1168, %mul3A_1170 : vector<128x1xf32>
    %iota3A_1172 = tpu.iota {dimensions = array<i32: 0>} : vector<128x256xi32>
    %iota3A_1173 = tpu.iota {dimensions = array<i32: 1>} : vector<128x256xi32>
    %sub3A_1174 = arith.subi %iota3A_1172, %iota3A_1173 : vector<128x256xi32>
    %add3A_1175 = arith.constant 64 : i32
    %add3A_1176 = vector.broadcast %add3A_1175 : i32 to vector<128x256xi32>
    %add3A_1177 = arith.addi %sub3A_1174, %add3A_1176 : vector<128x256xi32>
    %abs3A_1178 = math.absi %add3A_1177 : vector<128x256xi32>
    %le3A_1179 = arith.constant 64 : i32
    %le3A_1180 = vector.broadcast %le3A_1179 : i32 to vector<128x256xi32>
    %le3A_1181 = arith.cmpi sle, %abs3A_1178, %le3A_1180 : vector<128x256xi32>
    %abs3A_1182 = math.absf %mul3A_1166 : vector<128x256xf32>
    %jit3A_1183 = arith.constant 0xFF800000 : f32
    %broadcast_in_dim3A_1184 = vector.broadcast %jit3A_1183 : f32 to vector<128x256xf32>
    %select_n3A_1185 = arith.select %le3A_1181, %abs3A_1182, %broadcast_in_dim3A_1184 : vector<128x256xi1>, vector<128x256xf32>
    %reduce_max3A_1186 = arith.constant dense<0xFF800000> : vector<128xf32>
    %reduce_max3A_1187 = vector.multi_reduction <maximumf>, %select_n3A_1185, %reduce_max3A_1186 [1] : vector<128x256xf32> to vector<128xf32>
    %broadcast_in_dim3A_1188 = vector.shape_cast %reduce_max3A_1187 : vector<128xf32> to vector<128x1xf32>
    %abs3A_1189 = math.absf %mul3A_1171 : vector<128x1xf32>
    %max3A_1190 = arith.maximumf %broadcast_in_dim3A_1188, %abs3A_1189 : vector<128x1xf32>
    %sub3A_1191 = vector.broadcast %max3A_1190 : vector<128x1xf32> to vector<128x256xf32>
    %sub3A_1192 = arith.subf %abs3A_1182, %sub3A_1191 : vector<128x256xf32>
    %exp3A_1193 = math.exp %sub3A_1192 : vector<128x256xf32>
    %jit3A_1194 = arith.constant 0.000000e+00 : f32
    %broadcast_in_dim3A_1195 = vector.broadcast %jit3A_1194 : f32 to vector<128x256xf32>
    %select_n3A_1196 = arith.select %le3A_1181, %exp3A_1193, %broadcast_in_dim3A_1195 : vector<128x256xi1>, vector<128x256xf32>
    %abs3A_1197 = math.absf %mul3A_1171 : vector<128x1xf32>
    %sub3A_1198 = arith.subf %abs3A_1197, %max3A_1190 : vector<128x1xf32>
    %exp3A_1199 = math.exp %sub3A_1198 : vector<128x1xf32>
    %reduce_sum3A_1200 = arith.constant dense<0.000000e+00> : vector<128xf32>
    %reduce_sum3A_1201 = vector.multi_reduction <add>, %select_n3A_1196, %reduce_sum3A_1200 [1] : vector<128x256xf32> to vector<128xf32>
    %broadcast_in_dim3A_1202 = vector.shape_cast %reduce_sum3A_1201 : vector<128xf32> to vector<128x1xf32>
    %add3A_1203 = arith.addf %broadcast_in_dim3A_1202, %exp3A_1199 : vector<128x1xf32>
    %sign3A_1204 = tpu.bitcast %mul3A_1166 : vector<128x256xf32> -> vector<128x256xi32>
    %sign3A_1205 = arith.constant -2147483648 : i32
    %sign3A_1206 = vector.broadcast %sign3A_1205 : i32 to vector<128x256xi32>
    %sign3A_1207 = arith.andi %sign3A_1204, %sign3A_1206 : vector<128x256xi32>
    %sign3A_1208 = arith.constant 1065353216 : i32
    %sign3A_1209 = vector.broadcast %sign3A_1208 : i32 to vector<128x256xi32>
    %sign3A_1210 = arith.ori %sign3A_1209, %sign3A_1207 : vector<128x256xi32>
    %sign3A_1211 = tpu.bitcast %sign3A_1210 : vector<128x256xi32> -> vector<128x256xf32>
    %sign3A_1212 = math.absf %mul3A_1166 : vector<128x256xf32>
    %sign3A_1213 = arith.constant 0.000000e+00 : f32
    %sign3A_1214 = vector.broadcast %sign3A_1213 : f32 to vector<128x256xf32>
    %sign3A_1215 = arith.cmpf ogt, %sign3A_1212, %sign3A_1214 : vector<128x256xf32>
    %sign3A_1216 = arith.select %sign3A_1215, %sign3A_1211, %mul3A_1166 : vector<128x256xi1>, vector<128x256xf32>
    %div3A_1217 = vector.broadcast %add3A_1203 : vector<128x1xf32> to vector<128x256xf32>
    %div3A_1218 = arith.divf %select_n3A_1196, %div3A_1217 : vector<128x256xf32>
    %mul3A_1219 = arith.mulf %sign3A_1216, %div3A_1218 : vector<128x256xf32>
    %sign3A_1220 = tpu.bitcast %mul3A_1171 : vector<128x1xf32> -> vector<128x1xi32>
    %sign3A_1221 = arith.constant -2147483648 : i32
    %sign3A_1222 = vector.broadcast %sign3A_1221 : i32 to vector<128x1xi32>
    %sign3A_1223 = arith.andi %sign3A_1220, %sign3A_1222 : vector<128x1xi32>
    %sign3A_1224 = arith.constant 1065353216 : i32
    %sign3A_1225 = vector.broadcast %sign3A_1224 : i32 to vector<128x1xi32>
    %sign3A_1226 = arith.ori %sign3A_1225, %sign3A_1223 : vector<128x1xi32>
    %sign3A_1227 = tpu.bitcast %sign3A_1226 : vector<128x1xi32> -> vector<128x1xf32>
    %sign3A_1228 = math.absf %mul3A_1171 : vector<128x1xf32>
    %sign3A_1229 = arith.constant 0.000000e+00 : f32
    %sign3A_1230 = vector.broadcast %sign3A_1229 : f32 to vector<128x1xf32>
    %sign3A_1231 = arith.cmpf ogt, %sign3A_1228, %sign3A_1230 : vector<128x1xf32>
    %sign3A_1232 = arith.select %sign3A_1231, %sign3A_1227, %mul3A_1171 : vector<128x1xi1>, vector<128x1xf32>
    %div3A_1233 = arith.divf %exp3A_1199, %add3A_1203 : vector<128x1xf32>
    %mul3A_1234 = arith.mulf %sign3A_1232, %div3A_1233 : vector<128x1xf32>
    %dot_general3A_1235 = arith.constant dense<0.000000e+00> : vector<128x768xf32>
    %dot_general3A_1236 = tpu.matmul %mul3A_1219, %slice3A_1161, %dot_general3A_1235 {dimension_numbers = #tpu.dot_dimension_numbers<[1], [0], [0], [1], [0, 0, 1, 1], [], []>, transpose_lhs_hint = false} : vector<128x256xf32>, vector<256x768xf32>, vector<128x768xf32> -> vector<128x768xf32>
    %mul3A_1237 = vector.broadcast %mul3A_1234 : vector<128x1xf32> to vector<128x768xf32>
    %mul3A_1238 = vector.broadcast %get3A_35 : vector<1x768xf32> to vector<128x768xf32>
    %mul3A_1239 = arith.mulf %mul3A_1237, %mul3A_1238 : vector<128x768xf32>
    %add3A_1240 = arith.addf %dot_general3A_1236, %mul3A_1239 : vector<128x768xf32>
    %slice3A_1241 = vector.extract_strided_slice %add3A_32 {offsets = [1280, 0], sizes = [128, 768], strides = [1, 1]} : vector<2048x768xf32> to vector<128x768xf32>
    %add3A_1242 = arith.addf %slice3A_1241, %add3A_1240 : vector<128x768xf32>
    %reduce_sum3A_1243 = arith.constant dense<0.000000e+00> : vector<128xf32>
    %reduce_sum3A_1244 = vector.multi_reduction <add>, %add3A_1242, %reduce_sum3A_1243 [1] : vector<128x768xf32> to vector<128xf32>
    %broadcast_in_dim3A_1245 = vector.shape_cast %reduce_sum3A_1244 : vector<128xf32> to vector<128x1xf32>
    %div3A_1246 = arith.constant 7.680000e+02 : f32
    %div3A_1247 = vector.broadcast %div3A_1246 : f32 to vector<128x1xf32>
    %div3A_1248 = arith.divf %broadcast_in_dim3A_1245, %div3A_1247 : vector<128x1xf32>
    %sub3A_1249 = vector.broadcast %div3A_1248 : vector<128x1xf32> to vector<128x768xf32>
    %sub3A_1250 = arith.subf %add3A_1242, %sub3A_1249 : vector<128x768xf32>
    %integer_pow3A_1251 = arith.mulf %sub3A_1250, %sub3A_1250 : vector<128x768xf32>
    %reduce_sum3A_1252 = arith.constant dense<0.000000e+00> : vector<128xf32>
    %reduce_sum3A_1253 = vector.multi_reduction <add>, %integer_pow3A_1251, %reduce_sum3A_1252 [1] : vector<128x768xf32> to vector<128xf32>
    %broadcast_in_dim3A_1254 = vector.shape_cast %reduce_sum3A_1253 : vector<128xf32> to vector<128x1xf32>
    %div3A_1255 = arith.constant 7.680000e+02 : f32
    %div3A_1256 = vector.broadcast %div3A_1255 : f32 to vector<128x1xf32>
    %div3A_1257 = arith.divf %broadcast_in_dim3A_1254, %div3A_1256 : vector<128x1xf32>
    %sub3A_1258 = vector.broadcast %div3A_1248 : vector<128x1xf32> to vector<128x768xf32>
    %sub3A_1259 = arith.subf %add3A_1242, %sub3A_1258 : vector<128x768xf32>
    %add3A_1260 = arith.constant 9.99999974E-6 : f32
    %add3A_1261 = vector.broadcast %add3A_1260 : f32 to vector<128x1xf32>
    %add3A_1262 = arith.addf %div3A_1257, %add3A_1261 : vector<128x1xf32>
    %rsqrt3A_1263 = math.rsqrt %add3A_1262 : vector<128x1xf32>
    %mul3A_1264 = vector.broadcast %rsqrt3A_1263 : vector<128x1xf32> to vector<128x768xf32>
    %mul3A_1265 = arith.mulf %sub3A_1259, %mul3A_1264 : vector<128x768xf32>
    %mul3A_1266 = vector.broadcast %get3A_48 : vector<1x768xf32> to vector<128x768xf32>
    %mul3A_1267 = arith.mulf %mul3A_1265, %mul3A_1266 : vector<128x768xf32>
    %add3A_1268 = vector.broadcast %get3A_51 : vector<1x768xf32> to vector<128x768xf32>
    %add3A_1269 = arith.addf %mul3A_1267, %add3A_1268 : vector<128x768xf32>
    %slice3A_1270 = vector.extract_strided_slice %dot_general3A_52 {offsets = [1408, 0], sizes = [128, 16], strides = [1, 1]} : vector<2048x16xf32> to vector<128x16xf32>
    %slice3A_1271 = vector.extract_strided_slice %dot_general3A_54 {offsets = [1344, 0], sizes = [256, 16], strides = [1, 1]} : vector<2048x16xf32> to vector<256x16xf32>
    %slice3A_1272 = vector.extract_strided_slice %add3A_32 {offsets = [1344, 0], sizes = [256, 768], strides = [1, 1]} : vector<2048x768xf32> to vector<256x768xf32>
    %dot_general3A_1273 = arith.constant dense<0.000000e+00> : vector<128x256xf32>
    %dot_general3A_1274 = tpu.matmul %slice3A_1270, %slice3A_1271, %dot_general3A_1273 {dimension_numbers = #tpu.dot_dimension_numbers<[1], [1], [0], [0], [0, 0, 1, 0], [], []>, transpose_lhs_hint = false} : vector<128x16xf32>, vector<256x16xf32>, vector<128x256xf32> -> vector<128x256xf32>
    %mul3A_1275 = arith.constant 2.500000e-01 : f32
    %mul3A_1276 = vector.broadcast %mul3A_1275 : f32 to vector<128x256xf32>
    %mul3A_1277 = arith.mulf %dot_general3A_1274, %mul3A_1276 : vector<128x256xf32>
    %dot_general3A_1278 = arith.constant dense<0.000000e+00> : vector<128x1xf32>
    %dot_general3A_1279 = tpu.matmul %slice3A_1270, %dot_general3A_58, %dot_general3A_1278 {dimension_numbers = #tpu.dot_dimension_numbers<[1], [1], [0], [0], [0, 0, 1, 0], [], []>, transpose_lhs_hint = false} : vector<128x16xf32>, vector<1x16xf32>, vector<128x1xf32> -> vector<128x1xf32>
    %mul3A_1280 = arith.constant 2.500000e-01 : f32
    %mul3A_1281 = vector.broadcast %mul3A_1280 : f32 to vector<128x1xf32>
    %mul3A_1282 = arith.mulf %dot_general3A_1279, %mul3A_1281 : vector<128x1xf32>
    %iota3A_1283 = tpu.iota {dimensions = array<i32: 0>} : vector<128x256xi32>
    %iota3A_1284 = tpu.iota {dimensions = array<i32: 1>} : vector<128x256xi32>
    %sub3A_1285 = arith.subi %iota3A_1283, %iota3A_1284 : vector<128x256xi32>
    %add3A_1286 = arith.constant 64 : i32
    %add3A_1287 = vector.broadcast %add3A_1286 : i32 to vector<128x256xi32>
    %add3A_1288 = arith.addi %sub3A_1285, %add3A_1287 : vector<128x256xi32>
    %abs3A_1289 = math.absi %add3A_1288 : vector<128x256xi32>
    %le3A_1290 = arith.constant 64 : i32
    %le3A_1291 = vector.broadcast %le3A_1290 : i32 to vector<128x256xi32>
    %le3A_1292 = arith.cmpi sle, %abs3A_1289, %le3A_1291 : vector<128x256xi32>
    %abs3A_1293 = math.absf %mul3A_1277 : vector<128x256xf32>
    %jit3A_1294 = arith.constant 0xFF800000 : f32
    %broadcast_in_dim3A_1295 = vector.broadcast %jit3A_1294 : f32 to vector<128x256xf32>
    %select_n3A_1296 = arith.select %le3A_1292, %abs3A_1293, %broadcast_in_dim3A_1295 : vector<128x256xi1>, vector<128x256xf32>
    %reduce_max3A_1297 = arith.constant dense<0xFF800000> : vector<128xf32>
    %reduce_max3A_1298 = vector.multi_reduction <maximumf>, %select_n3A_1296, %reduce_max3A_1297 [1] : vector<128x256xf32> to vector<128xf32>
    %broadcast_in_dim3A_1299 = vector.shape_cast %reduce_max3A_1298 : vector<128xf32> to vector<128x1xf32>
    %abs3A_1300 = math.absf %mul3A_1282 : vector<128x1xf32>
    %max3A_1301 = arith.maximumf %broadcast_in_dim3A_1299, %abs3A_1300 : vector<128x1xf32>
    %sub3A_1302 = vector.broadcast %max3A_1301 : vector<128x1xf32> to vector<128x256xf32>
    %sub3A_1303 = arith.subf %abs3A_1293, %sub3A_1302 : vector<128x256xf32>
    %exp3A_1304 = math.exp %sub3A_1303 : vector<128x256xf32>
    %jit3A_1305 = arith.constant 0.000000e+00 : f32
    %broadcast_in_dim3A_1306 = vector.broadcast %jit3A_1305 : f32 to vector<128x256xf32>
    %select_n3A_1307 = arith.select %le3A_1292, %exp3A_1304, %broadcast_in_dim3A_1306 : vector<128x256xi1>, vector<128x256xf32>
    %abs3A_1308 = math.absf %mul3A_1282 : vector<128x1xf32>
    %sub3A_1309 = arith.subf %abs3A_1308, %max3A_1301 : vector<128x1xf32>
    %exp3A_1310 = math.exp %sub3A_1309 : vector<128x1xf32>
    %reduce_sum3A_1311 = arith.constant dense<0.000000e+00> : vector<128xf32>
    %reduce_sum3A_1312 = vector.multi_reduction <add>, %select_n3A_1307, %reduce_sum3A_1311 [1] : vector<128x256xf32> to vector<128xf32>
    %broadcast_in_dim3A_1313 = vector.shape_cast %reduce_sum3A_1312 : vector<128xf32> to vector<128x1xf32>
    %add3A_1314 = arith.addf %broadcast_in_dim3A_1313, %exp3A_1310 : vector<128x1xf32>
    %sign3A_1315 = tpu.bitcast %mul3A_1277 : vector<128x256xf32> -> vector<128x256xi32>
    %sign3A_1316 = arith.constant -2147483648 : i32
    %sign3A_1317 = vector.broadcast %sign3A_1316 : i32 to vector<128x256xi32>
    %sign3A_1318 = arith.andi %sign3A_1315, %sign3A_1317 : vector<128x256xi32>
    %sign3A_1319 = arith.constant 1065353216 : i32
    %sign3A_1320 = vector.broadcast %sign3A_1319 : i32 to vector<128x256xi32>
    %sign3A_1321 = arith.ori %sign3A_1320, %sign3A_1318 : vector<128x256xi32>
    %sign3A_1322 = tpu.bitcast %sign3A_1321 : vector<128x256xi32> -> vector<128x256xf32>
    %sign3A_1323 = math.absf %mul3A_1277 : vector<128x256xf32>
    %sign3A_1324 = arith.constant 0.000000e+00 : f32
    %sign3A_1325 = vector.broadcast %sign3A_1324 : f32 to vector<128x256xf32>
    %sign3A_1326 = arith.cmpf ogt, %sign3A_1323, %sign3A_1325 : vector<128x256xf32>
    %sign3A_1327 = arith.select %sign3A_1326, %sign3A_1322, %mul3A_1277 : vector<128x256xi1>, vector<128x256xf32>
    %div3A_1328 = vector.broadcast %add3A_1314 : vector<128x1xf32> to vector<128x256xf32>
    %div3A_1329 = arith.divf %select_n3A_1307, %div3A_1328 : vector<128x256xf32>
    %mul3A_1330 = arith.mulf %sign3A_1327, %div3A_1329 : vector<128x256xf32>
    %sign3A_1331 = tpu.bitcast %mul3A_1282 : vector<128x1xf32> -> vector<128x1xi32>
    %sign3A_1332 = arith.constant -2147483648 : i32
    %sign3A_1333 = vector.broadcast %sign3A_1332 : i32 to vector<128x1xi32>
    %sign3A_1334 = arith.andi %sign3A_1331, %sign3A_1333 : vector<128x1xi32>
    %sign3A_1335 = arith.constant 1065353216 : i32
    %sign3A_1336 = vector.broadcast %sign3A_1335 : i32 to vector<128x1xi32>
    %sign3A_1337 = arith.ori %sign3A_1336, %sign3A_1334 : vector<128x1xi32>
    %sign3A_1338 = tpu.bitcast %sign3A_1337 : vector<128x1xi32> -> vector<128x1xf32>
    %sign3A_1339 = math.absf %mul3A_1282 : vector<128x1xf32>
    %sign3A_1340 = arith.constant 0.000000e+00 : f32
    %sign3A_1341 = vector.broadcast %sign3A_1340 : f32 to vector<128x1xf32>
    %sign3A_1342 = arith.cmpf ogt, %sign3A_1339, %sign3A_1341 : vector<128x1xf32>
    %sign3A_1343 = arith.select %sign3A_1342, %sign3A_1338, %mul3A_1282 : vector<128x1xi1>, vector<128x1xf32>
    %div3A_1344 = arith.divf %exp3A_1310, %add3A_1314 : vector<128x1xf32>
    %mul3A_1345 = arith.mulf %sign3A_1343, %div3A_1344 : vector<128x1xf32>
    %dot_general3A_1346 = arith.constant dense<0.000000e+00> : vector<128x768xf32>
    %dot_general3A_1347 = tpu.matmul %mul3A_1330, %slice3A_1272, %dot_general3A_1346 {dimension_numbers = #tpu.dot_dimension_numbers<[1], [0], [0], [1], [0, 0, 1, 1], [], []>, transpose_lhs_hint = false} : vector<128x256xf32>, vector<256x768xf32>, vector<128x768xf32> -> vector<128x768xf32>
    %mul3A_1348 = vector.broadcast %mul3A_1345 : vector<128x1xf32> to vector<128x768xf32>
    %mul3A_1349 = vector.broadcast %get3A_35 : vector<1x768xf32> to vector<128x768xf32>
    %mul3A_1350 = arith.mulf %mul3A_1348, %mul3A_1349 : vector<128x768xf32>
    %add3A_1351 = arith.addf %dot_general3A_1347, %mul3A_1350 : vector<128x768xf32>
    %slice3A_1352 = vector.extract_strided_slice %add3A_32 {offsets = [1408, 0], sizes = [128, 768], strides = [1, 1]} : vector<2048x768xf32> to vector<128x768xf32>
    %add3A_1353 = arith.addf %slice3A_1352, %add3A_1351 : vector<128x768xf32>
    %reduce_sum3A_1354 = arith.constant dense<0.000000e+00> : vector<128xf32>
    %reduce_sum3A_1355 = vector.multi_reduction <add>, %add3A_1353, %reduce_sum3A_1354 [1] : vector<128x768xf32> to vector<128xf32>
    %broadcast_in_dim3A_1356 = vector.shape_cast %reduce_sum3A_1355 : vector<128xf32> to vector<128x1xf32>
    %div3A_1357 = arith.constant 7.680000e+02 : f32
    %div3A_1358 = vector.broadcast %div3A_1357 : f32 to vector<128x1xf32>
    %div3A_1359 = arith.divf %broadcast_in_dim3A_1356, %div3A_1358 : vector<128x1xf32>
    %sub3A_1360 = vector.broadcast %div3A_1359 : vector<128x1xf32> to vector<128x768xf32>
    %sub3A_1361 = arith.subf %add3A_1353, %sub3A_1360 : vector<128x768xf32>
    %integer_pow3A_1362 = arith.mulf %sub3A_1361, %sub3A_1361 : vector<128x768xf32>
    %reduce_sum3A_1363 = arith.constant dense<0.000000e+00> : vector<128xf32>
    %reduce_sum3A_1364 = vector.multi_reduction <add>, %integer_pow3A_1362, %reduce_sum3A_1363 [1] : vector<128x768xf32> to vector<128xf32>
    %broadcast_in_dim3A_1365 = vector.shape_cast %reduce_sum3A_1364 : vector<128xf32> to vector<128x1xf32>
    %div3A_1366 = arith.constant 7.680000e+02 : f32
    %div3A_1367 = vector.broadcast %div3A_1366 : f32 to vector<128x1xf32>
    %div3A_1368 = arith.divf %broadcast_in_dim3A_1365, %div3A_1367 : vector<128x1xf32>
    %sub3A_1369 = vector.broadcast %div3A_1359 : vector<128x1xf32> to vector<128x768xf32>
    %sub3A_1370 = arith.subf %add3A_1353, %sub3A_1369 : vector<128x768xf32>
    %add3A_1371 = arith.constant 9.99999974E-6 : f32
    %add3A_1372 = vector.broadcast %add3A_1371 : f32 to vector<128x1xf32>
    %add3A_1373 = arith.addf %div3A_1368, %add3A_1372 : vector<128x1xf32>
    %rsqrt3A_1374 = math.rsqrt %add3A_1373 : vector<128x1xf32>
    %mul3A_1375 = vector.broadcast %rsqrt3A_1374 : vector<128x1xf32> to vector<128x768xf32>
    %mul3A_1376 = arith.mulf %sub3A_1370, %mul3A_1375 : vector<128x768xf32>
    %mul3A_1377 = vector.broadcast %get3A_48 : vector<1x768xf32> to vector<128x768xf32>
    %mul3A_1378 = arith.mulf %mul3A_1376, %mul3A_1377 : vector<128x768xf32>
    %add3A_1379 = vector.broadcast %get3A_51 : vector<1x768xf32> to vector<128x768xf32>
    %add3A_1380 = arith.addf %mul3A_1378, %add3A_1379 : vector<128x768xf32>
    %slice3A_1381 = vector.extract_strided_slice %dot_general3A_52 {offsets = [1536, 0], sizes = [128, 16], strides = [1, 1]} : vector<2048x16xf32> to vector<128x16xf32>
    %slice3A_1382 = vector.extract_strided_slice %dot_general3A_54 {offsets = [1472, 0], sizes = [256, 16], strides = [1, 1]} : vector<2048x16xf32> to vector<256x16xf32>
    %slice3A_1383 = vector.extract_strided_slice %add3A_32 {offsets = [1472, 0], sizes = [256, 768], strides = [1, 1]} : vector<2048x768xf32> to vector<256x768xf32>
    %dot_general3A_1384 = arith.constant dense<0.000000e+00> : vector<128x256xf32>
    %dot_general3A_1385 = tpu.matmul %slice3A_1381, %slice3A_1382, %dot_general3A_1384 {dimension_numbers = #tpu.dot_dimension_numbers<[1], [1], [0], [0], [0, 0, 1, 0], [], []>, transpose_lhs_hint = false} : vector<128x16xf32>, vector<256x16xf32>, vector<128x256xf32> -> vector<128x256xf32>
    %mul3A_1386 = arith.constant 2.500000e-01 : f32
    %mul3A_1387 = vector.broadcast %mul3A_1386 : f32 to vector<128x256xf32>
    %mul3A_1388 = arith.mulf %dot_general3A_1385, %mul3A_1387 : vector<128x256xf32>
    %dot_general3A_1389 = arith.constant dense<0.000000e+00> : vector<128x1xf32>
    %dot_general3A_1390 = tpu.matmul %slice3A_1381, %dot_general3A_58, %dot_general3A_1389 {dimension_numbers = #tpu.dot_dimension_numbers<[1], [1], [0], [0], [0, 0, 1, 0], [], []>, transpose_lhs_hint = false} : vector<128x16xf32>, vector<1x16xf32>, vector<128x1xf32> -> vector<128x1xf32>
    %mul3A_1391 = arith.constant 2.500000e-01 : f32
    %mul3A_1392 = vector.broadcast %mul3A_1391 : f32 to vector<128x1xf32>
    %mul3A_1393 = arith.mulf %dot_general3A_1390, %mul3A_1392 : vector<128x1xf32>
    %iota3A_1394 = tpu.iota {dimensions = array<i32: 0>} : vector<128x256xi32>
    %iota3A_1395 = tpu.iota {dimensions = array<i32: 1>} : vector<128x256xi32>
    %sub3A_1396 = arith.subi %iota3A_1394, %iota3A_1395 : vector<128x256xi32>
    %add3A_1397 = arith.constant 64 : i32
    %add3A_1398 = vector.broadcast %add3A_1397 : i32 to vector<128x256xi32>
    %add3A_1399 = arith.addi %sub3A_1396, %add3A_1398 : vector<128x256xi32>
    %abs3A_1400 = math.absi %add3A_1399 : vector<128x256xi32>
    %le3A_1401 = arith.constant 64 : i32
    %le3A_1402 = vector.broadcast %le3A_1401 : i32 to vector<128x256xi32>
    %le3A_1403 = arith.cmpi sle, %abs3A_1400, %le3A_1402 : vector<128x256xi32>
    %abs3A_1404 = math.absf %mul3A_1388 : vector<128x256xf32>
    %jit3A_1405 = arith.constant 0xFF800000 : f32
    %broadcast_in_dim3A_1406 = vector.broadcast %jit3A_1405 : f32 to vector<128x256xf32>
    %select_n3A_1407 = arith.select %le3A_1403, %abs3A_1404, %broadcast_in_dim3A_1406 : vector<128x256xi1>, vector<128x256xf32>
    %reduce_max3A_1408 = arith.constant dense<0xFF800000> : vector<128xf32>
    %reduce_max3A_1409 = vector.multi_reduction <maximumf>, %select_n3A_1407, %reduce_max3A_1408 [1] : vector<128x256xf32> to vector<128xf32>
    %broadcast_in_dim3A_1410 = vector.shape_cast %reduce_max3A_1409 : vector<128xf32> to vector<128x1xf32>
    %abs3A_1411 = math.absf %mul3A_1393 : vector<128x1xf32>
    %max3A_1412 = arith.maximumf %broadcast_in_dim3A_1410, %abs3A_1411 : vector<128x1xf32>
    %sub3A_1413 = vector.broadcast %max3A_1412 : vector<128x1xf32> to vector<128x256xf32>
    %sub3A_1414 = arith.subf %abs3A_1404, %sub3A_1413 : vector<128x256xf32>
    %exp3A_1415 = math.exp %sub3A_1414 : vector<128x256xf32>
    %jit3A_1416 = arith.constant 0.000000e+00 : f32
    %broadcast_in_dim3A_1417 = vector.broadcast %jit3A_1416 : f32 to vector<128x256xf32>
    %select_n3A_1418 = arith.select %le3A_1403, %exp3A_1415, %broadcast_in_dim3A_1417 : vector<128x256xi1>, vector<128x256xf32>
    %abs3A_1419 = math.absf %mul3A_1393 : vector<128x1xf32>
    %sub3A_1420 = arith.subf %abs3A_1419, %max3A_1412 : vector<128x1xf32>
    %exp3A_1421 = math.exp %sub3A_1420 : vector<128x1xf32>
    %reduce_sum3A_1422 = arith.constant dense<0.000000e+00> : vector<128xf32>
    %reduce_sum3A_1423 = vector.multi_reduction <add>, %select_n3A_1418, %reduce_sum3A_1422 [1] : vector<128x256xf32> to vector<128xf32>
    %broadcast_in_dim3A_1424 = vector.shape_cast %reduce_sum3A_1423 : vector<128xf32> to vector<128x1xf32>
    %add3A_1425 = arith.addf %broadcast_in_dim3A_1424, %exp3A_1421 : vector<128x1xf32>
    %sign3A_1426 = tpu.bitcast %mul3A_1388 : vector<128x256xf32> -> vector<128x256xi32>
    %sign3A_1427 = arith.constant -2147483648 : i32
    %sign3A_1428 = vector.broadcast %sign3A_1427 : i32 to vector<128x256xi32>
    %sign3A_1429 = arith.andi %sign3A_1426, %sign3A_1428 : vector<128x256xi32>
    %sign3A_1430 = arith.constant 1065353216 : i32
    %sign3A_1431 = vector.broadcast %sign3A_1430 : i32 to vector<128x256xi32>
    %sign3A_1432 = arith.ori %sign3A_1431, %sign3A_1429 : vector<128x256xi32>
    %sign3A_1433 = tpu.bitcast %sign3A_1432 : vector<128x256xi32> -> vector<128x256xf32>
    %sign3A_1434 = math.absf %mul3A_1388 : vector<128x256xf32>
    %sign3A_1435 = arith.constant 0.000000e+00 : f32
    %sign3A_1436 = vector.broadcast %sign3A_1435 : f32 to vector<128x256xf32>
    %sign3A_1437 = arith.cmpf ogt, %sign3A_1434, %sign3A_1436 : vector<128x256xf32>
    %sign3A_1438 = arith.select %sign3A_1437, %sign3A_1433, %mul3A_1388 : vector<128x256xi1>, vector<128x256xf32>
    %div3A_1439 = vector.broadcast %add3A_1425 : vector<128x1xf32> to vector<128x256xf32>
    %div3A_1440 = arith.divf %select_n3A_1418, %div3A_1439 : vector<128x256xf32>
    %mul3A_1441 = arith.mulf %sign3A_1438, %div3A_1440 : vector<128x256xf32>
    %sign3A_1442 = tpu.bitcast %mul3A_1393 : vector<128x1xf32> -> vector<128x1xi32>
    %sign3A_1443 = arith.constant -2147483648 : i32
    %sign3A_1444 = vector.broadcast %sign3A_1443 : i32 to vector<128x1xi32>
    %sign3A_1445 = arith.andi %sign3A_1442, %sign3A_1444 : vector<128x1xi32>
    %sign3A_1446 = arith.constant 1065353216 : i32
    %sign3A_1447 = vector.broadcast %sign3A_1446 : i32 to vector<128x1xi32>
    %sign3A_1448 = arith.ori %sign3A_1447, %sign3A_1445 : vector<128x1xi32>
    %sign3A_1449 = tpu.bitcast %sign3A_1448 : vector<128x1xi32> -> vector<128x1xf32>
    %sign3A_1450 = math.absf %mul3A_1393 : vector<128x1xf32>
    %sign3A_1451 = arith.constant 0.000000e+00 : f32
    %sign3A_1452 = vector.broadcast %sign3A_1451 : f32 to vector<128x1xf32>
    %sign3A_1453 = arith.cmpf ogt, %sign3A_1450, %sign3A_1452 : vector<128x1xf32>
    %sign3A_1454 = arith.select %sign3A_1453, %sign3A_1449, %mul3A_1393 : vector<128x1xi1>, vector<128x1xf32>
    %div3A_1455 = arith.divf %exp3A_1421, %add3A_1425 : vector<128x1xf32>
    %mul3A_1456 = arith.mulf %sign3A_1454, %div3A_1455 : vector<128x1xf32>
    %dot_general3A_1457 = arith.constant dense<0.000000e+00> : vector<128x768xf32>
    %dot_general3A_1458 = tpu.matmul %mul3A_1441, %slice3A_1383, %dot_general3A_1457 {dimension_numbers = #tpu.dot_dimension_numbers<[1], [0], [0], [1], [0, 0, 1, 1], [], []>, transpose_lhs_hint = false} : vector<128x256xf32>, vector<256x768xf32>, vector<128x768xf32> -> vector<128x768xf32>
    %mul3A_1459 = vector.broadcast %mul3A_1456 : vector<128x1xf32> to vector<128x768xf32>
    %mul3A_1460 = vector.broadcast %get3A_35 : vector<1x768xf32> to vector<128x768xf32>
    %mul3A_1461 = arith.mulf %mul3A_1459, %mul3A_1460 : vector<128x768xf32>
    %add3A_1462 = arith.addf %dot_general3A_1458, %mul3A_1461 : vector<128x768xf32>
    %slice3A_1463 = vector.extract_strided_slice %add3A_32 {offsets = [1536, 0], sizes = [128, 768], strides = [1, 1]} : vector<2048x768xf32> to vector<128x768xf32>
    %add3A_1464 = arith.addf %slice3A_1463, %add3A_1462 : vector<128x768xf32>
    %reduce_sum3A_1465 = arith.constant dense<0.000000e+00> : vector<128xf32>
    %reduce_sum3A_1466 = vector.multi_reduction <add>, %add3A_1464, %reduce_sum3A_1465 [1] : vector<128x768xf32> to vector<128xf32>
    %broadcast_in_dim3A_1467 = vector.shape_cast %reduce_sum3A_1466 : vector<128xf32> to vector<128x1xf32>
    %div3A_1468 = arith.constant 7.680000e+02 : f32
    %div3A_1469 = vector.broadcast %div3A_1468 : f32 to vector<128x1xf32>
    %div3A_1470 = arith.divf %broadcast_in_dim3A_1467, %div3A_1469 : vector<128x1xf32>
    %sub3A_1471 = vector.broadcast %div3A_1470 : vector<128x1xf32> to vector<128x768xf32>
    %sub3A_1472 = arith.subf %add3A_1464, %sub3A_1471 : vector<128x768xf32>
    %integer_pow3A_1473 = arith.mulf %sub3A_1472, %sub3A_1472 : vector<128x768xf32>
    %reduce_sum3A_1474 = arith.constant dense<0.000000e+00> : vector<128xf32>
    %reduce_sum3A_1475 = vector.multi_reduction <add>, %integer_pow3A_1473, %reduce_sum3A_1474 [1] : vector<128x768xf32> to vector<128xf32>
    %broadcast_in_dim3A_1476 = vector.shape_cast %reduce_sum3A_1475 : vector<128xf32> to vector<128x1xf32>
    %div3A_1477 = arith.constant 7.680000e+02 : f32
    %div3A_1478 = vector.broadcast %div3A_1477 : f32 to vector<128x1xf32>
    %div3A_1479 = arith.divf %broadcast_in_dim3A_1476, %div3A_1478 : vector<128x1xf32>
    %sub3A_1480 = vector.broadcast %div3A_1470 : vector<128x1xf32> to vector<128x768xf32>
    %sub3A_1481 = arith.subf %add3A_1464, %sub3A_1480 : vector<128x768xf32>
    %add3A_1482 = arith.constant 9.99999974E-6 : f32
    %add3A_1483 = vector.broadcast %add3A_1482 : f32 to vector<128x1xf32>
    %add3A_1484 = arith.addf %div3A_1479, %add3A_1483 : vector<128x1xf32>
    %rsqrt3A_1485 = math.rsqrt %add3A_1484 : vector<128x1xf32>
    %mul3A_1486 = vector.broadcast %rsqrt3A_1485 : vector<128x1xf32> to vector<128x768xf32>
    %mul3A_1487 = arith.mulf %sub3A_1481, %mul3A_1486 : vector<128x768xf32>
    %mul3A_1488 = vector.broadcast %get3A_48 : vector<1x768xf32> to vector<128x768xf32>
    %mul3A_1489 = arith.mulf %mul3A_1487, %mul3A_1488 : vector<128x768xf32>
    %add3A_1490 = vector.broadcast %get3A_51 : vector<1x768xf32> to vector<128x768xf32>
    %add3A_1491 = arith.addf %mul3A_1489, %add3A_1490 : vector<128x768xf32>
    %slice3A_1492 = vector.extract_strided_slice %dot_general3A_52 {offsets = [1664, 0], sizes = [128, 16], strides = [1, 1]} : vector<2048x16xf32> to vector<128x16xf32>
    %slice3A_1493 = vector.extract_strided_slice %dot_general3A_54 {offsets = [1600, 0], sizes = [256, 16], strides = [1, 1]} : vector<2048x16xf32> to vector<256x16xf32>
    %slice3A_1494 = vector.extract_strided_slice %add3A_32 {offsets = [1600, 0], sizes = [256, 768], strides = [1, 1]} : vector<2048x768xf32> to vector<256x768xf32>
    %dot_general3A_1495 = arith.constant dense<0.000000e+00> : vector<128x256xf32>
    %dot_general3A_1496 = tpu.matmul %slice3A_1492, %slice3A_1493, %dot_general3A_1495 {dimension_numbers = #tpu.dot_dimension_numbers<[1], [1], [0], [0], [0, 0, 1, 0], [], []>, transpose_lhs_hint = false} : vector<128x16xf32>, vector<256x16xf32>, vector<128x256xf32> -> vector<128x256xf32>
    %mul3A_1497 = arith.constant 2.500000e-01 : f32
    %mul3A_1498 = vector.broadcast %mul3A_1497 : f32 to vector<128x256xf32>
    %mul3A_1499 = arith.mulf %dot_general3A_1496, %mul3A_1498 : vector<128x256xf32>
    %dot_general3A_1500 = arith.constant dense<0.000000e+00> : vector<128x1xf32>
    %dot_general3A_1501 = tpu.matmul %slice3A_1492, %dot_general3A_58, %dot_general3A_1500 {dimension_numbers = #tpu.dot_dimension_numbers<[1], [1], [0], [0], [0, 0, 1, 0], [], []>, transpose_lhs_hint = false} : vector<128x16xf32>, vector<1x16xf32>, vector<128x1xf32> -> vector<128x1xf32>
    %mul3A_1502 = arith.constant 2.500000e-01 : f32
    %mul3A_1503 = vector.broadcast %mul3A_1502 : f32 to vector<128x1xf32>
    %mul3A_1504 = arith.mulf %dot_general3A_1501, %mul3A_1503 : vector<128x1xf32>
    %iota3A_1505 = tpu.iota {dimensions = array<i32: 0>} : vector<128x256xi32>
    %iota3A_1506 = tpu.iota {dimensions = array<i32: 1>} : vector<128x256xi32>
    %sub3A_1507 = arith.subi %iota3A_1505, %iota3A_1506 : vector<128x256xi32>
    %add3A_1508 = arith.constant 64 : i32
    %add3A_1509 = vector.broadcast %add3A_1508 : i32 to vector<128x256xi32>
    %add3A_1510 = arith.addi %sub3A_1507, %add3A_1509 : vector<128x256xi32>
    %abs3A_1511 = math.absi %add3A_1510 : vector<128x256xi32>
    %le3A_1512 = arith.constant 64 : i32
    %le3A_1513 = vector.broadcast %le3A_1512 : i32 to vector<128x256xi32>
    %le3A_1514 = arith.cmpi sle, %abs3A_1511, %le3A_1513 : vector<128x256xi32>
    %abs3A_1515 = math.absf %mul3A_1499 : vector<128x256xf32>
    %jit3A_1516 = arith.constant 0xFF800000 : f32
    %broadcast_in_dim3A_1517 = vector.broadcast %jit3A_1516 : f32 to vector<128x256xf32>
    %select_n3A_1518 = arith.select %le3A_1514, %abs3A_1515, %broadcast_in_dim3A_1517 : vector<128x256xi1>, vector<128x256xf32>
    %reduce_max3A_1519 = arith.constant dense<0xFF800000> : vector<128xf32>
    %reduce_max3A_1520 = vector.multi_reduction <maximumf>, %select_n3A_1518, %reduce_max3A_1519 [1] : vector<128x256xf32> to vector<128xf32>
    %broadcast_in_dim3A_1521 = vector.shape_cast %reduce_max3A_1520 : vector<128xf32> to vector<128x1xf32>
    %abs3A_1522 = math.absf %mul3A_1504 : vector<128x1xf32>
    %max3A_1523 = arith.maximumf %broadcast_in_dim3A_1521, %abs3A_1522 : vector<128x1xf32>
    %sub3A_1524 = vector.broadcast %max3A_1523 : vector<128x1xf32> to vector<128x256xf32>
    %sub3A_1525 = arith.subf %abs3A_1515, %sub3A_1524 : vector<128x256xf32>
    %exp3A_1526 = math.exp %sub3A_1525 : vector<128x256xf32>
    %jit3A_1527 = arith.constant 0.000000e+00 : f32
    %broadcast_in_dim3A_1528 = vector.broadcast %jit3A_1527 : f32 to vector<128x256xf32>
    %select_n3A_1529 = arith.select %le3A_1514, %exp3A_1526, %broadcast_in_dim3A_1528 : vector<128x256xi1>, vector<128x256xf32>
    %abs3A_1530 = math.absf %mul3A_1504 : vector<128x1xf32>
    %sub3A_1531 = arith.subf %abs3A_1530, %max3A_1523 : vector<128x1xf32>
    %exp3A_1532 = math.exp %sub3A_1531 : vector<128x1xf32>
    %reduce_sum3A_1533 = arith.constant dense<0.000000e+00> : vector<128xf32>
    %reduce_sum3A_1534 = vector.multi_reduction <add>, %select_n3A_1529, %reduce_sum3A_1533 [1] : vector<128x256xf32> to vector<128xf32>
    %broadcast_in_dim3A_1535 = vector.shape_cast %reduce_sum3A_1534 : vector<128xf32> to vector<128x1xf32>
    %add3A_1536 = arith.addf %broadcast_in_dim3A_1535, %exp3A_1532 : vector<128x1xf32>
    %sign3A_1537 = tpu.bitcast %mul3A_1499 : vector<128x256xf32> -> vector<128x256xi32>
    %sign3A_1538 = arith.constant -2147483648 : i32
    %sign3A_1539 = vector.broadcast %sign3A_1538 : i32 to vector<128x256xi32>
    %sign3A_1540 = arith.andi %sign3A_1537, %sign3A_1539 : vector<128x256xi32>
    %sign3A_1541 = arith.constant 1065353216 : i32
    %sign3A_1542 = vector.broadcast %sign3A_1541 : i32 to vector<128x256xi32>
    %sign3A_1543 = arith.ori %sign3A_1542, %sign3A_1540 : vector<128x256xi32>
    %sign3A_1544 = tpu.bitcast %sign3A_1543 : vector<128x256xi32> -> vector<128x256xf32>
    %sign3A_1545 = math.absf %mul3A_1499 : vector<128x256xf32>
    %sign3A_1546 = arith.constant 0.000000e+00 : f32
    %sign3A_1547 = vector.broadcast %sign3A_1546 : f32 to vector<128x256xf32>
    %sign3A_1548 = arith.cmpf ogt, %sign3A_1545, %sign3A_1547 : vector<128x256xf32>
    %sign3A_1549 = arith.select %sign3A_1548, %sign3A_1544, %mul3A_1499 : vector<128x256xi1>, vector<128x256xf32>
    %div3A_1550 = vector.broadcast %add3A_1536 : vector<128x1xf32> to vector<128x256xf32>
    %div3A_1551 = arith.divf %select_n3A_1529, %div3A_1550 : vector<128x256xf32>
    %mul3A_1552 = arith.mulf %sign3A_1549, %div3A_1551 : vector<128x256xf32>
    %sign3A_1553 = tpu.bitcast %mul3A_1504 : vector<128x1xf32> -> vector<128x1xi32>
    %sign3A_1554 = arith.constant -2147483648 : i32
    %sign3A_1555 = vector.broadcast %sign3A_1554 : i32 to vector<128x1xi32>
    %sign3A_1556 = arith.andi %sign3A_1553, %sign3A_1555 : vector<128x1xi32>
    %sign3A_1557 = arith.constant 1065353216 : i32
    %sign3A_1558 = vector.broadcast %sign3A_1557 : i32 to vector<128x1xi32>
    %sign3A_1559 = arith.ori %sign3A_1558, %sign3A_1556 : vector<128x1xi32>
    %sign3A_1560 = tpu.bitcast %sign3A_1559 : vector<128x1xi32> -> vector<128x1xf32>
    %sign3A_1561 = math.absf %mul3A_1504 : vector<128x1xf32>
    %sign3A_1562 = arith.constant 0.000000e+00 : f32
    %sign3A_1563 = vector.broadcast %sign3A_1562 : f32 to vector<128x1xf32>
    %sign3A_1564 = arith.cmpf ogt, %sign3A_1561, %sign3A_1563 : vector<128x1xf32>
    %sign3A_1565 = arith.select %sign3A_1564, %sign3A_1560, %mul3A_1504 : vector<128x1xi1>, vector<128x1xf32>
    %div3A_1566 = arith.divf %exp3A_1532, %add3A_1536 : vector<128x1xf32>
    %mul3A_1567 = arith.mulf %sign3A_1565, %div3A_1566 : vector<128x1xf32>
    %dot_general3A_1568 = arith.constant dense<0.000000e+00> : vector<128x768xf32>
    %dot_general3A_1569 = tpu.matmul %mul3A_1552, %slice3A_1494, %dot_general3A_1568 {dimension_numbers = #tpu.dot_dimension_numbers<[1], [0], [0], [1], [0, 0, 1, 1], [], []>, transpose_lhs_hint = false} : vector<128x256xf32>, vector<256x768xf32>, vector<128x768xf32> -> vector<128x768xf32>
    %mul3A_1570 = vector.broadcast %mul3A_1567 : vector<128x1xf32> to vector<128x768xf32>
    %mul3A_1571 = vector.broadcast %get3A_35 : vector<1x768xf32> to vector<128x768xf32>
    %mul3A_1572 = arith.mulf %mul3A_1570, %mul3A_1571 : vector<128x768xf32>
    %add3A_1573 = arith.addf %dot_general3A_1569, %mul3A_1572 : vector<128x768xf32>
    %slice3A_1574 = vector.extract_strided_slice %add3A_32 {offsets = [1664, 0], sizes = [128, 768], strides = [1, 1]} : vector<2048x768xf32> to vector<128x768xf32>
    %add3A_1575 = arith.addf %slice3A_1574, %add3A_1573 : vector<128x768xf32>
    %reduce_sum3A_1576 = arith.constant dense<0.000000e+00> : vector<128xf32>
    %reduce_sum3A_1577 = vector.multi_reduction <add>, %add3A_1575, %reduce_sum3A_1576 [1] : vector<128x768xf32> to vector<128xf32>
    %broadcast_in_dim3A_1578 = vector.shape_cast %reduce_sum3A_1577 : vector<128xf32> to vector<128x1xf32>
    %div3A_1579 = arith.constant 7.680000e+02 : f32
    %div3A_1580 = vector.broadcast %div3A_1579 : f32 to vector<128x1xf32>
    %div3A_1581 = arith.divf %broadcast_in_dim3A_1578, %div3A_1580 : vector<128x1xf32>
    %sub3A_1582 = vector.broadcast %div3A_1581 : vector<128x1xf32> to vector<128x768xf32>
    %sub3A_1583 = arith.subf %add3A_1575, %sub3A_1582 : vector<128x768xf32>
    %integer_pow3A_1584 = arith.mulf %sub3A_1583, %sub3A_1583 : vector<128x768xf32>
    %reduce_sum3A_1585 = arith.constant dense<0.000000e+00> : vector<128xf32>
    %reduce_sum3A_1586 = vector.multi_reduction <add>, %integer_pow3A_1584, %reduce_sum3A_1585 [1] : vector<128x768xf32> to vector<128xf32>
    %broadcast_in_dim3A_1587 = vector.shape_cast %reduce_sum3A_1586 : vector<128xf32> to vector<128x1xf32>
    %div3A_1588 = arith.constant 7.680000e+02 : f32
    %div3A_1589 = vector.broadcast %div3A_1588 : f32 to vector<128x1xf32>
    %div3A_1590 = arith.divf %broadcast_in_dim3A_1587, %div3A_1589 : vector<128x1xf32>
    %sub3A_1591 = vector.broadcast %div3A_1581 : vector<128x1xf32> to vector<128x768xf32>
    %sub3A_1592 = arith.subf %add3A_1575, %sub3A_1591 : vector<128x768xf32>
    %add3A_1593 = arith.constant 9.99999974E-6 : f32
    %add3A_1594 = vector.broadcast %add3A_1593 : f32 to vector<128x1xf32>
    %add3A_1595 = arith.addf %div3A_1590, %add3A_1594 : vector<128x1xf32>
    %rsqrt3A_1596 = math.rsqrt %add3A_1595 : vector<128x1xf32>
    %mul3A_1597 = vector.broadcast %rsqrt3A_1596 : vector<128x1xf32> to vector<128x768xf32>
    %mul3A_1598 = arith.mulf %sub3A_1592, %mul3A_1597 : vector<128x768xf32>
    %mul3A_1599 = vector.broadcast %get3A_48 : vector<1x768xf32> to vector<128x768xf32>
    %mul3A_1600 = arith.mulf %mul3A_1598, %mul3A_1599 : vector<128x768xf32>
    %add3A_1601 = vector.broadcast %get3A_51 : vector<1x768xf32> to vector<128x768xf32>
    %add3A_1602 = arith.addf %mul3A_1600, %add3A_1601 : vector<128x768xf32>
    %slice3A_1603 = vector.extract_strided_slice %dot_general3A_52 {offsets = [1792, 0], sizes = [128, 16], strides = [1, 1]} : vector<2048x16xf32> to vector<128x16xf32>
    %slice3A_1604 = vector.extract_strided_slice %dot_general3A_54 {offsets = [1728, 0], sizes = [256, 16], strides = [1, 1]} : vector<2048x16xf32> to vector<256x16xf32>
    %slice3A_1605 = vector.extract_strided_slice %add3A_32 {offsets = [1728, 0], sizes = [256, 768], strides = [1, 1]} : vector<2048x768xf32> to vector<256x768xf32>
    %dot_general3A_1606 = arith.constant dense<0.000000e+00> : vector<128x256xf32>
    %dot_general3A_1607 = tpu.matmul %slice3A_1603, %slice3A_1604, %dot_general3A_1606 {dimension_numbers = #tpu.dot_dimension_numbers<[1], [1], [0], [0], [0, 0, 1, 0], [], []>, transpose_lhs_hint = false} : vector<128x16xf32>, vector<256x16xf32>, vector<128x256xf32> -> vector<128x256xf32>
    %mul3A_1608 = arith.constant 2.500000e-01 : f32
    %mul3A_1609 = vector.broadcast %mul3A_1608 : f32 to vector<128x256xf32>
    %mul3A_1610 = arith.mulf %dot_general3A_1607, %mul3A_1609 : vector<128x256xf32>
    %dot_general3A_1611 = arith.constant dense<0.000000e+00> : vector<128x1xf32>
    %dot_general3A_1612 = tpu.matmul %slice3A_1603, %dot_general3A_58, %dot_general3A_1611 {dimension_numbers = #tpu.dot_dimension_numbers<[1], [1], [0], [0], [0, 0, 1, 0], [], []>, transpose_lhs_hint = false} : vector<128x16xf32>, vector<1x16xf32>, vector<128x1xf32> -> vector<128x1xf32>
    %mul3A_1613 = arith.constant 2.500000e-01 : f32
    %mul3A_1614 = vector.broadcast %mul3A_1613 : f32 to vector<128x1xf32>
    %mul3A_1615 = arith.mulf %dot_general3A_1612, %mul3A_1614 : vector<128x1xf32>
    %iota3A_1616 = tpu.iota {dimensions = array<i32: 0>} : vector<128x256xi32>
    %iota3A_1617 = tpu.iota {dimensions = array<i32: 1>} : vector<128x256xi32>
    %sub3A_1618 = arith.subi %iota3A_1616, %iota3A_1617 : vector<128x256xi32>
    %add3A_1619 = arith.constant 64 : i32
    %add3A_1620 = vector.broadcast %add3A_1619 : i32 to vector<128x256xi32>
    %add3A_1621 = arith.addi %sub3A_1618, %add3A_1620 : vector<128x256xi32>
    %abs3A_1622 = math.absi %add3A_1621 : vector<128x256xi32>
    %le3A_1623 = arith.constant 64 : i32
    %le3A_1624 = vector.broadcast %le3A_1623 : i32 to vector<128x256xi32>
    %le3A_1625 = arith.cmpi sle, %abs3A_1622, %le3A_1624 : vector<128x256xi32>
    %abs3A_1626 = math.absf %mul3A_1610 : vector<128x256xf32>
    %jit3A_1627 = arith.constant 0xFF800000 : f32
    %broadcast_in_dim3A_1628 = vector.broadcast %jit3A_1627 : f32 to vector<128x256xf32>
    %select_n3A_1629 = arith.select %le3A_1625, %abs3A_1626, %broadcast_in_dim3A_1628 : vector<128x256xi1>, vector<128x256xf32>
    %reduce_max3A_1630 = arith.constant dense<0xFF800000> : vector<128xf32>
    %reduce_max3A_1631 = vector.multi_reduction <maximumf>, %select_n3A_1629, %reduce_max3A_1630 [1] : vector<128x256xf32> to vector<128xf32>
    %broadcast_in_dim3A_1632 = vector.shape_cast %reduce_max3A_1631 : vector<128xf32> to vector<128x1xf32>
    %abs3A_1633 = math.absf %mul3A_1615 : vector<128x1xf32>
    %max3A_1634 = arith.maximumf %broadcast_in_dim3A_1632, %abs3A_1633 : vector<128x1xf32>
    %sub3A_1635 = vector.broadcast %max3A_1634 : vector<128x1xf32> to vector<128x256xf32>
    %sub3A_1636 = arith.subf %abs3A_1626, %sub3A_1635 : vector<128x256xf32>
    %exp3A_1637 = math.exp %sub3A_1636 : vector<128x256xf32>
    %jit3A_1638 = arith.constant 0.000000e+00 : f32
    %broadcast_in_dim3A_1639 = vector.broadcast %jit3A_1638 : f32 to vector<128x256xf32>
    %select_n3A_1640 = arith.select %le3A_1625, %exp3A_1637, %broadcast_in_dim3A_1639 : vector<128x256xi1>, vector<128x256xf32>
    %abs3A_1641 = math.absf %mul3A_1615 : vector<128x1xf32>
    %sub3A_1642 = arith.subf %abs3A_1641, %max3A_1634 : vector<128x1xf32>
    %exp3A_1643 = math.exp %sub3A_1642 : vector<128x1xf32>
    %reduce_sum3A_1644 = arith.constant dense<0.000000e+00> : vector<128xf32>
    %reduce_sum3A_1645 = vector.multi_reduction <add>, %select_n3A_1640, %reduce_sum3A_1644 [1] : vector<128x256xf32> to vector<128xf32>
    %broadcast_in_dim3A_1646 = vector.shape_cast %reduce_sum3A_1645 : vector<128xf32> to vector<128x1xf32>
    %add3A_1647 = arith.addf %broadcast_in_dim3A_1646, %exp3A_1643 : vector<128x1xf32>
    %sign3A_1648 = tpu.bitcast %mul3A_1610 : vector<128x256xf32> -> vector<128x256xi32>
    %sign3A_1649 = arith.constant -2147483648 : i32
    %sign3A_1650 = vector.broadcast %sign3A_1649 : i32 to vector<128x256xi32>
    %sign3A_1651 = arith.andi %sign3A_1648, %sign3A_1650 : vector<128x256xi32>
    %sign3A_1652 = arith.constant 1065353216 : i32
    %sign3A_1653 = vector.broadcast %sign3A_1652 : i32 to vector<128x256xi32>
    %sign3A_1654 = arith.ori %sign3A_1653, %sign3A_1651 : vector<128x256xi32>
    %sign3A_1655 = tpu.bitcast %sign3A_1654 : vector<128x256xi32> -> vector<128x256xf32>
    %sign3A_1656 = math.absf %mul3A_1610 : vector<128x256xf32>
    %sign3A_1657 = arith.constant 0.000000e+00 : f32
    %sign3A_1658 = vector.broadcast %sign3A_1657 : f32 to vector<128x256xf32>
    %sign3A_1659 = arith.cmpf ogt, %sign3A_1656, %sign3A_1658 : vector<128x256xf32>
    %sign3A_1660 = arith.select %sign3A_1659, %sign3A_1655, %mul3A_1610 : vector<128x256xi1>, vector<128x256xf32>
    %div3A_1661 = vector.broadcast %add3A_1647 : vector<128x1xf32> to vector<128x256xf32>
    %div3A_1662 = arith.divf %select_n3A_1640, %div3A_1661 : vector<128x256xf32>
    %mul3A_1663 = arith.mulf %sign3A_1660, %div3A_1662 : vector<128x256xf32>
    %sign3A_1664 = tpu.bitcast %mul3A_1615 : vector<128x1xf32> -> vector<128x1xi32>
    %sign3A_1665 = arith.constant -2147483648 : i32
    %sign3A_1666 = vector.broadcast %sign3A_1665 : i32 to vector<128x1xi32>
    %sign3A_1667 = arith.andi %sign3A_1664, %sign3A_1666 : vector<128x1xi32>
    %sign3A_1668 = arith.constant 1065353216 : i32
    %sign3A_1669 = vector.broadcast %sign3A_1668 : i32 to vector<128x1xi32>
    %sign3A_1670 = arith.ori %sign3A_1669, %sign3A_1667 : vector<128x1xi32>
    %sign3A_1671 = tpu.bitcast %sign3A_1670 : vector<128x1xi32> -> vector<128x1xf32>
    %sign3A_1672 = math.absf %mul3A_1615 : vector<128x1xf32>
    %sign3A_1673 = arith.constant 0.000000e+00 : f32
    %sign3A_1674 = vector.broadcast %sign3A_1673 : f32 to vector<128x1xf32>
    %sign3A_1675 = arith.cmpf ogt, %sign3A_1672, %sign3A_1674 : vector<128x1xf32>
    %sign3A_1676 = arith.select %sign3A_1675, %sign3A_1671, %mul3A_1615 : vector<128x1xi1>, vector<128x1xf32>
    %div3A_1677 = arith.divf %exp3A_1643, %add3A_1647 : vector<128x1xf32>
    %mul3A_1678 = arith.mulf %sign3A_1676, %div3A_1677 : vector<128x1xf32>
    %dot_general3A_1679 = arith.constant dense<0.000000e+00> : vector<128x768xf32>
    %dot_general3A_1680 = tpu.matmul %mul3A_1663, %slice3A_1605, %dot_general3A_1679 {dimension_numbers = #tpu.dot_dimension_numbers<[1], [0], [0], [1], [0, 0, 1, 1], [], []>, transpose_lhs_hint = false} : vector<128x256xf32>, vector<256x768xf32>, vector<128x768xf32> -> vector<128x768xf32>
    %mul3A_1681 = vector.broadcast %mul3A_1678 : vector<128x1xf32> to vector<128x768xf32>
    %mul3A_1682 = vector.broadcast %get3A_35 : vector<1x768xf32> to vector<128x768xf32>
    %mul3A_1683 = arith.mulf %mul3A_1681, %mul3A_1682 : vector<128x768xf32>
    %add3A_1684 = arith.addf %dot_general3A_1680, %mul3A_1683 : vector<128x768xf32>
    %slice3A_1685 = vector.extract_strided_slice %add3A_32 {offsets = [1792, 0], sizes = [128, 768], strides = [1, 1]} : vector<2048x768xf32> to vector<128x768xf32>
    %add3A_1686 = arith.addf %slice3A_1685, %add3A_1684 : vector<128x768xf32>
    %reduce_sum3A_1687 = arith.constant dense<0.000000e+00> : vector<128xf32>
    %reduce_sum3A_1688 = vector.multi_reduction <add>, %add3A_1686, %reduce_sum3A_1687 [1] : vector<128x768xf32> to vector<128xf32>
    %broadcast_in_dim3A_1689 = vector.shape_cast %reduce_sum3A_1688 : vector<128xf32> to vector<128x1xf32>
    %div3A_1690 = arith.constant 7.680000e+02 : f32
    %div3A_1691 = vector.broadcast %div3A_1690 : f32 to vector<128x1xf32>
    %div3A_1692 = arith.divf %broadcast_in_dim3A_1689, %div3A_1691 : vector<128x1xf32>
    %sub3A_1693 = vector.broadcast %div3A_1692 : vector<128x1xf32> to vector<128x768xf32>
    %sub3A_1694 = arith.subf %add3A_1686, %sub3A_1693 : vector<128x768xf32>
    %integer_pow3A_1695 = arith.mulf %sub3A_1694, %sub3A_1694 : vector<128x768xf32>
    %reduce_sum3A_1696 = arith.constant dense<0.000000e+00> : vector<128xf32>
    %reduce_sum3A_1697 = vector.multi_reduction <add>, %integer_pow3A_1695, %reduce_sum3A_1696 [1] : vector<128x768xf32> to vector<128xf32>
    %broadcast_in_dim3A_1698 = vector.shape_cast %reduce_sum3A_1697 : vector<128xf32> to vector<128x1xf32>
    %div3A_1699 = arith.constant 7.680000e+02 : f32
    %div3A_1700 = vector.broadcast %div3A_1699 : f32 to vector<128x1xf32>
    %div3A_1701 = arith.divf %broadcast_in_dim3A_1698, %div3A_1700 : vector<128x1xf32>
    %sub3A_1702 = vector.broadcast %div3A_1692 : vector<128x1xf32> to vector<128x768xf32>
    %sub3A_1703 = arith.subf %add3A_1686, %sub3A_1702 : vector<128x768xf32>
    %add3A_1704 = arith.constant 9.99999974E-6 : f32
    %add3A_1705 = vector.broadcast %add3A_1704 : f32 to vector<128x1xf32>
    %add3A_1706 = arith.addf %div3A_1701, %add3A_1705 : vector<128x1xf32>
    %rsqrt3A_1707 = math.rsqrt %add3A_1706 : vector<128x1xf32>
    %mul3A_1708 = vector.broadcast %rsqrt3A_1707 : vector<128x1xf32> to vector<128x768xf32>
    %mul3A_1709 = arith.mulf %sub3A_1703, %mul3A_1708 : vector<128x768xf32>
    %mul3A_1710 = vector.broadcast %get3A_48 : vector<1x768xf32> to vector<128x768xf32>
    %mul3A_1711 = arith.mulf %mul3A_1709, %mul3A_1710 : vector<128x768xf32>
    %add3A_1712 = vector.broadcast %get3A_51 : vector<1x768xf32> to vector<128x768xf32>
    %add3A_1713 = arith.addf %mul3A_1711, %add3A_1712 : vector<128x768xf32>
    %slice3A_1714 = vector.extract_strided_slice %dot_general3A_52 {offsets = [1920, 0], sizes = [128, 16], strides = [1, 1]} : vector<2048x16xf32> to vector<128x16xf32>
    %slice3A_1715 = vector.extract_strided_slice %dot_general3A_54 {offsets = [1792, 0], sizes = [256, 16], strides = [1, 1]} : vector<2048x16xf32> to vector<256x16xf32>
    %slice3A_1716 = vector.extract_strided_slice %add3A_32 {offsets = [1792, 0], sizes = [256, 768], strides = [1, 1]} : vector<2048x768xf32> to vector<256x768xf32>
    %dot_general3A_1717 = arith.constant dense<0.000000e+00> : vector<128x256xf32>
    %dot_general3A_1718 = tpu.matmul %slice3A_1714, %slice3A_1715, %dot_general3A_1717 {dimension_numbers = #tpu.dot_dimension_numbers<[1], [1], [0], [0], [0, 0, 1, 0], [], []>, transpose_lhs_hint = false} : vector<128x16xf32>, vector<256x16xf32>, vector<128x256xf32> -> vector<128x256xf32>
    %mul3A_1719 = arith.constant 2.500000e-01 : f32
    %mul3A_1720 = vector.broadcast %mul3A_1719 : f32 to vector<128x256xf32>
    %mul3A_1721 = arith.mulf %dot_general3A_1718, %mul3A_1720 : vector<128x256xf32>
    %dot_general3A_1722 = arith.constant dense<0.000000e+00> : vector<128x1xf32>
    %dot_general3A_1723 = tpu.matmul %slice3A_1714, %dot_general3A_58, %dot_general3A_1722 {dimension_numbers = #tpu.dot_dimension_numbers<[1], [1], [0], [0], [0, 0, 1, 0], [], []>, transpose_lhs_hint = false} : vector<128x16xf32>, vector<1x16xf32>, vector<128x1xf32> -> vector<128x1xf32>
    %mul3A_1724 = arith.constant 2.500000e-01 : f32
    %mul3A_1725 = vector.broadcast %mul3A_1724 : f32 to vector<128x1xf32>
    %mul3A_1726 = arith.mulf %dot_general3A_1723, %mul3A_1725 : vector<128x1xf32>
    %iota3A_1727 = tpu.iota {dimensions = array<i32: 0>} : vector<128x256xi32>
    %iota3A_1728 = tpu.iota {dimensions = array<i32: 1>} : vector<128x256xi32>
    %sub3A_1729 = arith.subi %iota3A_1727, %iota3A_1728 : vector<128x256xi32>
    %add3A_1730 = arith.constant 128 : i32
    %add3A_1731 = vector.broadcast %add3A_1730 : i32 to vector<128x256xi32>
    %add3A_1732 = arith.addi %sub3A_1729, %add3A_1731 : vector<128x256xi32>
    %abs3A_1733 = math.absi %add3A_1732 : vector<128x256xi32>
    %le3A_1734 = arith.constant 64 : i32
    %le3A_1735 = vector.broadcast %le3A_1734 : i32 to vector<128x256xi32>
    %le3A_1736 = arith.cmpi sle, %abs3A_1733, %le3A_1735 : vector<128x256xi32>
    %abs3A_1737 = math.absf %mul3A_1721 : vector<128x256xf32>
    %jit3A_1738 = arith.constant 0xFF800000 : f32
    %broadcast_in_dim3A_1739 = vector.broadcast %jit3A_1738 : f32 to vector<128x256xf32>
    %select_n3A_1740 = arith.select %le3A_1736, %abs3A_1737, %broadcast_in_dim3A_1739 : vector<128x256xi1>, vector<128x256xf32>
    %reduce_max3A_1741 = arith.constant dense<0xFF800000> : vector<128xf32>
    %reduce_max3A_1742 = vector.multi_reduction <maximumf>, %select_n3A_1740, %reduce_max3A_1741 [1] : vector<128x256xf32> to vector<128xf32>
    %broadcast_in_dim3A_1743 = vector.shape_cast %reduce_max3A_1742 : vector<128xf32> to vector<128x1xf32>
    %abs3A_1744 = math.absf %mul3A_1726 : vector<128x1xf32>
    %max3A_1745 = arith.maximumf %broadcast_in_dim3A_1743, %abs3A_1744 : vector<128x1xf32>
    %sub3A_1746 = vector.broadcast %max3A_1745 : vector<128x1xf32> to vector<128x256xf32>
    %sub3A_1747 = arith.subf %abs3A_1737, %sub3A_1746 : vector<128x256xf32>
    %exp3A_1748 = math.exp %sub3A_1747 : vector<128x256xf32>
    %jit3A_1749 = arith.constant 0.000000e+00 : f32
    %broadcast_in_dim3A_1750 = vector.broadcast %jit3A_1749 : f32 to vector<128x256xf32>
    %select_n3A_1751 = arith.select %le3A_1736, %exp3A_1748, %broadcast_in_dim3A_1750 : vector<128x256xi1>, vector<128x256xf32>
    %abs3A_1752 = math.absf %mul3A_1726 : vector<128x1xf32>
    %sub3A_1753 = arith.subf %abs3A_1752, %max3A_1745 : vector<128x1xf32>
    %exp3A_1754 = math.exp %sub3A_1753 : vector<128x1xf32>
    %reduce_sum3A_1755 = arith.constant dense<0.000000e+00> : vector<128xf32>
    %reduce_sum3A_1756 = vector.multi_reduction <add>, %select_n3A_1751, %reduce_sum3A_1755 [1] : vector<128x256xf32> to vector<128xf32>
    %broadcast_in_dim3A_1757 = vector.shape_cast %reduce_sum3A_1756 : vector<128xf32> to vector<128x1xf32>
    %add3A_1758 = arith.addf %broadcast_in_dim3A_1757, %exp3A_1754 : vector<128x1xf32>
    %sign3A_1759 = tpu.bitcast %mul3A_1721 : vector<128x256xf32> -> vector<128x256xi32>
    %sign3A_1760 = arith.constant -2147483648 : i32
    %sign3A_1761 = vector.broadcast %sign3A_1760 : i32 to vector<128x256xi32>
    %sign3A_1762 = arith.andi %sign3A_1759, %sign3A_1761 : vector<128x256xi32>
    %sign3A_1763 = arith.constant 1065353216 : i32
    %sign3A_1764 = vector.broadcast %sign3A_1763 : i32 to vector<128x256xi32>
    %sign3A_1765 = arith.ori %sign3A_1764, %sign3A_1762 : vector<128x256xi32>
    %sign3A_1766 = tpu.bitcast %sign3A_1765 : vector<128x256xi32> -> vector<128x256xf32>
    %sign3A_1767 = math.absf %mul3A_1721 : vector<128x256xf32>
    %sign3A_1768 = arith.constant 0.000000e+00 : f32
    %sign3A_1769 = vector.broadcast %sign3A_1768 : f32 to vector<128x256xf32>
    %sign3A_1770 = arith.cmpf ogt, %sign3A_1767, %sign3A_1769 : vector<128x256xf32>
    %sign3A_1771 = arith.select %sign3A_1770, %sign3A_1766, %mul3A_1721 : vector<128x256xi1>, vector<128x256xf32>
    %div3A_1772 = vector.broadcast %add3A_1758 : vector<128x1xf32> to vector<128x256xf32>
    %div3A_1773 = arith.divf %select_n3A_1751, %div3A_1772 : vector<128x256xf32>
    %mul3A_1774 = arith.mulf %sign3A_1771, %div3A_1773 : vector<128x256xf32>
    %sign3A_1775 = tpu.bitcast %mul3A_1726 : vector<128x1xf32> -> vector<128x1xi32>
    %sign3A_1776 = arith.constant -2147483648 : i32
    %sign3A_1777 = vector.broadcast %sign3A_1776 : i32 to vector<128x1xi32>
    %sign3A_1778 = arith.andi %sign3A_1775, %sign3A_1777 : vector<128x1xi32>
    %sign3A_1779 = arith.constant 1065353216 : i32
    %sign3A_1780 = vector.broadcast %sign3A_1779 : i32 to vector<128x1xi32>
    %sign3A_1781 = arith.ori %sign3A_1780, %sign3A_1778 : vector<128x1xi32>
    %sign3A_1782 = tpu.bitcast %sign3A_1781 : vector<128x1xi32> -> vector<128x1xf32>
    %sign3A_1783 = math.absf %mul3A_1726 : vector<128x1xf32>
    %sign3A_1784 = arith.constant 0.000000e+00 : f32
    %sign3A_1785 = vector.broadcast %sign3A_1784 : f32 to vector<128x1xf32>
    %sign3A_1786 = arith.cmpf ogt, %sign3A_1783, %sign3A_1785 : vector<128x1xf32>
    %sign3A_1787 = arith.select %sign3A_1786, %sign3A_1782, %mul3A_1726 : vector<128x1xi1>, vector<128x1xf32>
    %div3A_1788 = arith.divf %exp3A_1754, %add3A_1758 : vector<128x1xf32>
    %mul3A_1789 = arith.mulf %sign3A_1787, %div3A_1788 : vector<128x1xf32>
    %dot_general3A_1790 = arith.constant dense<0.000000e+00> : vector<128x768xf32>
    %dot_general3A_1791 = tpu.matmul %mul3A_1774, %slice3A_1716, %dot_general3A_1790 {dimension_numbers = #tpu.dot_dimension_numbers<[1], [0], [0], [1], [0, 0, 1, 1], [], []>, transpose_lhs_hint = false} : vector<128x256xf32>, vector<256x768xf32>, vector<128x768xf32> -> vector<128x768xf32>
    %mul3A_1792 = vector.broadcast %mul3A_1789 : vector<128x1xf32> to vector<128x768xf32>
    %mul3A_1793 = vector.broadcast %get3A_35 : vector<1x768xf32> to vector<128x768xf32>
    %mul3A_1794 = arith.mulf %mul3A_1792, %mul3A_1793 : vector<128x768xf32>
    %add3A_1795 = arith.addf %dot_general3A_1791, %mul3A_1794 : vector<128x768xf32>
    %slice3A_1796 = vector.extract_strided_slice %add3A_32 {offsets = [1920, 0], sizes = [128, 768], strides = [1, 1]} : vector<2048x768xf32> to vector<128x768xf32>
    %add3A_1797 = arith.addf %slice3A_1796, %add3A_1795 : vector<128x768xf32>
    %reduce_sum3A_1798 = arith.constant dense<0.000000e+00> : vector<128xf32>
    %reduce_sum3A_1799 = vector.multi_reduction <add>, %add3A_1797, %reduce_sum3A_1798 [1] : vector<128x768xf32> to vector<128xf32>
    %broadcast_in_dim3A_1800 = vector.shape_cast %reduce_sum3A_1799 : vector<128xf32> to vector<128x1xf32>
    %div3A_1801 = arith.constant 7.680000e+02 : f32
    %div3A_1802 = vector.broadcast %div3A_1801 : f32 to vector<128x1xf32>
    %div3A_1803 = arith.divf %broadcast_in_dim3A_1800, %div3A_1802 : vector<128x1xf32>
    %sub3A_1804 = vector.broadcast %div3A_1803 : vector<128x1xf32> to vector<128x768xf32>
    %sub3A_1805 = arith.subf %add3A_1797, %sub3A_1804 : vector<128x768xf32>
    %integer_pow3A_1806 = arith.mulf %sub3A_1805, %sub3A_1805 : vector<128x768xf32>
    %reduce_sum3A_1807 = arith.constant dense<0.000000e+00> : vector<128xf32>
    %reduce_sum3A_1808 = vector.multi_reduction <add>, %integer_pow3A_1806, %reduce_sum3A_1807 [1] : vector<128x768xf32> to vector<128xf32>
    %broadcast_in_dim3A_1809 = vector.shape_cast %reduce_sum3A_1808 : vector<128xf32> to vector<128x1xf32>
    %div3A_1810 = arith.constant 7.680000e+02 : f32
    %div3A_1811 = vector.broadcast %div3A_1810 : f32 to vector<128x1xf32>
    %div3A_1812 = arith.divf %broadcast_in_dim3A_1809, %div3A_1811 : vector<128x1xf32>
    %sub3A_1813 = vector.broadcast %div3A_1803 : vector<128x1xf32> to vector<128x768xf32>
    %sub3A_1814 = arith.subf %add3A_1797, %sub3A_1813 : vector<128x768xf32>
    %add3A_1815 = arith.constant 9.99999974E-6 : f32
    %add3A_1816 = vector.broadcast %add3A_1815 : f32 to vector<128x1xf32>
    %add3A_1817 = arith.addf %div3A_1812, %add3A_1816 : vector<128x1xf32>
    %rsqrt3A_1818 = math.rsqrt %add3A_1817 : vector<128x1xf32>
    %mul3A_1819 = vector.broadcast %rsqrt3A_1818 : vector<128x1xf32> to vector<128x768xf32>
    %mul3A_1820 = arith.mulf %sub3A_1814, %mul3A_1819 : vector<128x768xf32>
    %mul3A_1821 = vector.broadcast %get3A_48 : vector<1x768xf32> to vector<128x768xf32>
    %mul3A_1822 = arith.mulf %mul3A_1820, %mul3A_1821 : vector<128x768xf32>
    %add3A_1823 = vector.broadcast %get3A_51 : vector<1x768xf32> to vector<128x768xf32>
    %add3A_1824 = arith.addf %mul3A_1822, %add3A_1823 : vector<128x768xf32>
    %dot_general3A_1825 = arith.constant dense<0.000000e+00> : vector<1x2048xf32>
    %dot_general3A_1826 = tpu.matmul %dot_general3A_56, %dot_general3A_54, %dot_general3A_1825 {dimension_numbers = #tpu.dot_dimension_numbers<[1], [1], [0], [0], [0, 0, 1, 0], [], []>, transpose_lhs_hint = false} : vector<1x16xf32>, vector<2048x16xf32>, vector<1x2048xf32> -> vector<1x2048xf32>
    %mul3A_1827 = arith.constant 2.500000e-01 : f32
    %mul3A_1828 = vector.broadcast %mul3A_1827 : f32 to vector<1x2048xf32>
    %mul3A_1829 = arith.mulf %dot_general3A_1826, %mul3A_1828 : vector<1x2048xf32>
    %dot_general3A_1830 = arith.constant dense<0.000000e+00> : vector<1x1xf32>
    %dot_general3A_1831 = tpu.matmul %dot_general3A_56, %dot_general3A_58, %dot_general3A_1830 {dimension_numbers = #tpu.dot_dimension_numbers<[1], [1], [0], [0], [0, 0, 1, 0], [], []>, transpose_lhs_hint = false} : vector<1x16xf32>, vector<1x16xf32>, vector<1x1xf32> -> vector<1x1xf32>
    %mul3A_1832 = arith.constant 2.500000e-01 : f32
    %mul3A_1833 = vector.broadcast %mul3A_1832 : f32 to vector<1x1xf32>
    %mul3A_1834 = arith.mulf %dot_general3A_1831, %mul3A_1833 : vector<1x1xf32>
    %abs3A_1835 = math.absf %mul3A_1829 : vector<1x2048xf32>
    %reduce_max3A_1836 = vector.shape_cast %abs3A_1835 : vector<1x2048xf32> to vector<1x1x2048xf32>
    %reduce_max3A_1837 = arith.constant dense<0xFF800000> : vector<1xf32>
    %reduce_max3A_1838 = vector.multi_reduction <maximumf>, %reduce_max3A_1836, %reduce_max3A_1837 [1, 2] : vector<1x1x2048xf32> to vector<1xf32>
    %reduce_max3A_1839 = vector.shape_cast %reduce_max3A_1838 : vector<1xf32> to vector<1x1x1xf32>
    %reduce_max3A_1840 = vector.extract %reduce_max3A_1839[0, 0, 0] : f32 from vector<1x1x1xf32>
    %abs3A_1841 = math.absf %mul3A_1834 : vector<1x1xf32>
    %squeeze3A = vector.extract %abs3A_1841[0, 0] : f32 from vector<1x1xf32>
    %max3A_1842 = arith.maximumf %reduce_max3A_1840, %squeeze3A : f32
    %abs3A_1843 = math.absf %mul3A_1829 : vector<1x2048xf32>
    %sub3A_1844 = vector.broadcast %max3A_1842 : f32 to vector<1x2048xf32>
    %sub3A_1845 = arith.subf %abs3A_1843, %sub3A_1844 : vector<1x2048xf32>
    %exp3A_1846 = math.exp %sub3A_1845 : vector<1x2048xf32>
    %abs3A_1847 = math.absf %mul3A_1834 : vector<1x1xf32>
    %sub3A_1848 = vector.broadcast %max3A_1842 : f32 to vector<1x1xf32>
    %sub3A_1849 = arith.subf %abs3A_1847, %sub3A_1848 : vector<1x1xf32>
    %exp3A_1850 = math.exp %sub3A_1849 : vector<1x1xf32>
    %reduce_sum3A_1851 = vector.shape_cast %exp3A_1846 : vector<1x2048xf32> to vector<1x1x2048xf32>
    %reduce_sum3A_1852 = arith.constant dense<0.000000e+00> : vector<1xf32>
    %reduce_sum3A_1853 = vector.multi_reduction <add>, %reduce_sum3A_1851, %reduce_sum3A_1852 [1, 2] : vector<1x1x2048xf32> to vector<1xf32>
    %reduce_sum3A_1854 = vector.shape_cast %reduce_sum3A_1853 : vector<1xf32> to vector<1x1x1xf32>
    %reduce_sum3A_1855 = vector.extract %reduce_sum3A_1854[0, 0, 0] : f32 from vector<1x1x1xf32>
    %squeeze3A_1856 = vector.extract %exp3A_1850[0, 0] : f32 from vector<1x1xf32>
    %add3A_1857 = arith.addf %reduce_sum3A_1855, %squeeze3A_1856 : f32
    %sign3A_1858 = tpu.bitcast %mul3A_1829 : vector<1x2048xf32> -> vector<1x2048xi32>
    %sign3A_1859 = arith.constant -2147483648 : i32
    %sign3A_1860 = vector.broadcast %sign3A_1859 : i32 to vector<1x2048xi32>
    %sign3A_1861 = arith.andi %sign3A_1858, %sign3A_1860 : vector<1x2048xi32>
    %sign3A_1862 = arith.constant 1065353216 : i32
    %sign3A_1863 = vector.broadcast %sign3A_1862 : i32 to vector<1x2048xi32>
    %sign3A_1864 = arith.ori %sign3A_1863, %sign3A_1861 : vector<1x2048xi32>
    %sign3A_1865 = tpu.bitcast %sign3A_1864 : vector<1x2048xi32> -> vector<1x2048xf32>
    %sign3A_1866 = math.absf %mul3A_1829 : vector<1x2048xf32>
    %sign3A_1867 = arith.constant 0.000000e+00 : f32
    %sign3A_1868 = vector.broadcast %sign3A_1867 : f32 to vector<1x2048xf32>
    %sign3A_1869 = arith.cmpf ogt, %sign3A_1866, %sign3A_1868 : vector<1x2048xf32>
    %sign3A_1870 = arith.select %sign3A_1869, %sign3A_1865, %mul3A_1829 : vector<1x2048xi1>, vector<1x2048xf32>
    %mul3A_1871 = arith.mulf %sign3A_1870, %exp3A_1846 : vector<1x2048xf32>
    %dot_general3A_1872 = arith.constant dense<0.000000e+00> : vector<1x768xf32>
    %dot_general3A_1873 = tpu.matmul %mul3A_1871, %add3A_32, %dot_general3A_1872 {dimension_numbers = #tpu.dot_dimension_numbers<[1], [0], [0], [1], [0, 0, 1, 1], [], []>, transpose_lhs_hint = false} : vector<1x2048xf32>, vector<2048x768xf32>, vector<1x768xf32> -> vector<1x768xf32>
    %sign3A_1874 = tpu.bitcast %mul3A_1834 : vector<1x1xf32> -> vector<1x1xi32>
    %sign3A_1875 = arith.constant -2147483648 : i32
    %sign3A_1876 = vector.broadcast %sign3A_1875 : i32 to vector<1x1xi32>
    %sign3A_1877 = arith.andi %sign3A_1874, %sign3A_1876 : vector<1x1xi32>
    %sign3A_1878 = arith.constant 1065353216 : i32
    %sign3A_1879 = vector.broadcast %sign3A_1878 : i32 to vector<1x1xi32>
    %sign3A_1880 = arith.ori %sign3A_1879, %sign3A_1877 : vector<1x1xi32>
    %sign3A_1881 = tpu.bitcast %sign3A_1880 : vector<1x1xi32> -> vector<1x1xf32>
    %sign3A_1882 = math.absf %mul3A_1834 : vector<1x1xf32>
    %sign3A_1883 = arith.constant 0.000000e+00 : f32
    %sign3A_1884 = vector.broadcast %sign3A_1883 : f32 to vector<1x1xf32>
    %sign3A_1885 = arith.cmpf ogt, %sign3A_1882, %sign3A_1884 : vector<1x1xf32>
    %sign3A_1886 = arith.select %sign3A_1885, %sign3A_1881, %mul3A_1834 : vector<1x1xi1>, vector<1x1xf32>
    %mul3A_1887 = arith.mulf %sign3A_1886, %exp3A_1850 : vector<1x1xf32>
    %mul3A_1888 = vector.broadcast %mul3A_1887 : vector<1x1xf32> to vector<1x768xf32>
    %mul3A_1889 = arith.mulf %mul3A_1888, %get3A_35 : vector<1x768xf32>
    %add3A_1890 = arith.addf %dot_general3A_1873, %mul3A_1889 : vector<1x768xf32>
    %div3A_1891 = vector.broadcast %add3A_1857 : f32 to vector<1x768xf32>
    %div3A_1892 = arith.divf %add3A_1890, %div3A_1891 : vector<1x768xf32>
    %add3A_1893 = arith.addf %get3A_35, %div3A_1892 : vector<1x768xf32>
    %reduce_sum3A_1894 = arith.constant dense<0.000000e+00> : vector<1xf32>
    %reduce_sum3A_1895 = vector.multi_reduction <add>, %add3A_1893, %reduce_sum3A_1894 [1] : vector<1x768xf32> to vector<1xf32>
    %broadcast_in_dim3A_1896 = vector.shape_cast %reduce_sum3A_1895 : vector<1xf32> to vector<1x1xf32>
    %div3A_1897 = arith.constant 7.680000e+02 : f32
    %div3A_1898 = vector.broadcast %div3A_1897 : f32 to vector<1x1xf32>
    %div3A_1899 = arith.divf %broadcast_in_dim3A_1896, %div3A_1898 : vector<1x1xf32>
    %sub3A_1900 = vector.broadcast %div3A_1899 : vector<1x1xf32> to vector<1x768xf32>
    %sub3A_1901 = arith.subf %add3A_1893, %sub3A_1900 : vector<1x768xf32>
    %integer_pow3A_1902 = arith.mulf %sub3A_1901, %sub3A_1901 : vector<1x768xf32>
    %reduce_sum3A_1903 = arith.constant dense<0.000000e+00> : vector<1xf32>
    %reduce_sum3A_1904 = vector.multi_reduction <add>, %integer_pow3A_1902, %reduce_sum3A_1903 [1] : vector<1x768xf32> to vector<1xf32>
    %broadcast_in_dim3A_1905 = vector.shape_cast %reduce_sum3A_1904 : vector<1xf32> to vector<1x1xf32>
    %div3A_1906 = arith.constant 7.680000e+02 : f32
    %div3A_1907 = vector.broadcast %div3A_1906 : f32 to vector<1x1xf32>
    %div3A_1908 = arith.divf %broadcast_in_dim3A_1905, %div3A_1907 : vector<1x1xf32>
    %sub3A_1909 = vector.broadcast %div3A_1899 : vector<1x1xf32> to vector<1x768xf32>
    %sub3A_1910 = arith.subf %add3A_1893, %sub3A_1909 : vector<1x768xf32>
    %add3A_1911 = arith.constant 9.99999974E-6 : f32
    %add3A_1912 = vector.broadcast %add3A_1911 : f32 to vector<1x1xf32>
    %add3A_1913 = arith.addf %div3A_1908, %add3A_1912 : vector<1x1xf32>
    %rsqrt3A_1914 = math.rsqrt %add3A_1913 : vector<1x1xf32>
    %mul3A_1915 = vector.broadcast %rsqrt3A_1914 : vector<1x1xf32> to vector<1x768xf32>
    %mul3A_1916 = arith.mulf %sub3A_1910, %mul3A_1915 : vector<1x768xf32>
    %mul3A_1917 = arith.mulf %mul3A_1916, %get3A_48 : vector<1x768xf32>
    %add3A_1918 = arith.addf %mul3A_1917, %get3A_51 : vector<1x768xf32>
    %concatenate3A = tpu.concatenate %add3A_159, %add3A_270, %add3A_381, %add3A_492, %add3A_603, %add3A_714, %add3A_825, %add3A_936, %add3A_1047, %add3A_1158, %add3A_1269, %add3A_1380, %add3A_1491, %add3A_1602, %add3A_1713, %add3A_1824 in 0 : vector<128x768xf32>, vector<128x768xf32>, vector<128x768xf32>, vector<128x768xf32>, vector<128x768xf32>, vector<128x768xf32>, vector<128x768xf32>, vector<128x768xf32>, vector<128x768xf32>, vector<128x768xf32>, vector<128x768xf32>, vector<128x768xf32>, vector<128x768xf32>, vector<128x768xf32>, vector<128x768xf32>, vector<128x768xf32> -> vector<2048x768xf32>
    %get3A_1919 = arith.constant 1 : index
    %get3A_1920 = arith.constant 0 : index
    %get3A_1921 = arith.constant 0 : index
    %get3A_1922 = vector.load %arg4[%get3A_1919, %get3A_1920, %get3A_1921] : memref<2x768x16xf32, #tpu.memory_space<vmem>>, vector<1x768x16xf32>
    %get3A_1923 = vector.shape_cast %get3A_1922 : vector<1x768x16xf32> to vector<768x16xf32>
    %get3A_1924 = arith.constant 1 : index
    %get3A_1925 = arith.constant 0 : index
    %get3A_1926 = arith.constant 0 : index
    %get3A_1927 = vector.load %arg5[%get3A_1924, %get3A_1925, %get3A_1926] : memref<2x768x16xf32, #tpu.memory_space<vmem>>, vector<1x768x16xf32>
    %get3A_1928 = vector.shape_cast %get3A_1927 : vector<1x768x16xf32> to vector<768x16xf32>
    %get3A_1929 = arith.constant 1 : index
    %get3A_1930 = arith.constant 0 : index
    %get3A_1931 = vector.load %arg6[%get3A_1929, %get3A_1930] : memref<2x768xf32, #tpu.memory_space<vmem>>, vector<1x768xf32>
    %get3A_1932 = arith.constant 1 : index
    %get3A_1933 = arith.constant 0 : index
    %get3A_1934 = vector.load %arg7[%get3A_1932, %get3A_1933] : memref<2x768xf32, #tpu.memory_space<vmem>>, vector<1x768xf32>
    %dot_general3A_1935 = arith.constant dense<0.000000e+00> : vector<2048x16xf32>
    %dot_general3A_1936 = tpu.matmul %concatenate3A, %get3A_1923, %dot_general3A_1935 {dimension_numbers = #tpu.dot_dimension_numbers<[1], [0], [0], [1], [0, 0, 1, 1], [], []>, transpose_lhs_hint = false} : vector<2048x768xf32>, vector<768x16xf32>, vector<2048x16xf32> -> vector<2048x16xf32>
    %dot_general3A_1937 = arith.constant dense<0.000000e+00> : vector<2048x16xf32>
    %dot_general3A_1938 = tpu.matmul %concatenate3A, %get3A_1928, %dot_general3A_1937 {dimension_numbers = #tpu.dot_dimension_numbers<[1], [0], [0], [1], [0, 0, 1, 1], [], []>, transpose_lhs_hint = false} : vector<2048x768xf32>, vector<768x16xf32>, vector<2048x16xf32> -> vector<2048x16xf32>
    %dot_general3A_1939 = arith.constant dense<0.000000e+00> : vector<1x16xf32>
    %dot_general3A_1940 = tpu.matmul %add3A_1918, %get3A_1923, %dot_general3A_1939 {dimension_numbers = #tpu.dot_dimension_numbers<[1], [0], [0], [1], [0, 0, 1, 1], [], []>, transpose_lhs_hint = false} : vector<1x768xf32>, vector<768x16xf32>, vector<1x16xf32> -> vector<1x16xf32>
    %dot_general3A_1941 = arith.constant dense<0.000000e+00> : vector<1x16xf32>
    %dot_general3A_1942 = tpu.matmul %add3A_1918, %get3A_1928, %dot_general3A_1941 {dimension_numbers = #tpu.dot_dimension_numbers<[1], [0], [0], [1], [0, 0, 1, 1], [], []>, transpose_lhs_hint = false} : vector<1x768xf32>, vector<768x16xf32>, vector<1x16xf32> -> vector<1x16xf32>
    %slice3A_1943 = vector.extract_strided_slice %dot_general3A_1936 {offsets = [0, 0], sizes = [128, 16], strides = [1, 1]} : vector<2048x16xf32> to vector<128x16xf32>
    %slice3A_1944 = vector.extract_strided_slice %dot_general3A_1938 {offsets = [0, 0], sizes = [256, 16], strides = [1, 1]} : vector<2048x16xf32> to vector<256x16xf32>
    %slice3A_1945 = vector.extract_strided_slice %concatenate3A {offsets = [0, 0], sizes = [256, 768], strides = [1, 1]} : vector<2048x768xf32> to vector<256x768xf32>
    %dot_general3A_1946 = arith.constant dense<0.000000e+00> : vector<128x256xf32>
    %dot_general3A_1947 = tpu.matmul %slice3A_1943, %slice3A_1944, %dot_general3A_1946 {dimension_numbers = #tpu.dot_dimension_numbers<[1], [1], [0], [0], [0, 0, 1, 0], [], []>, transpose_lhs_hint = false} : vector<128x16xf32>, vector<256x16xf32>, vector<128x256xf32> -> vector<128x256xf32>
    %mul3A_1948 = arith.constant 2.500000e-01 : f32
    %mul3A_1949 = vector.broadcast %mul3A_1948 : f32 to vector<128x256xf32>
    %mul3A_1950 = arith.mulf %dot_general3A_1947, %mul3A_1949 : vector<128x256xf32>
    %dot_general3A_1951 = arith.constant dense<0.000000e+00> : vector<128x1xf32>
    %dot_general3A_1952 = tpu.matmul %slice3A_1943, %dot_general3A_1942, %dot_general3A_1951 {dimension_numbers = #tpu.dot_dimension_numbers<[1], [1], [0], [0], [0, 0, 1, 0], [], []>, transpose_lhs_hint = false} : vector<128x16xf32>, vector<1x16xf32>, vector<128x1xf32> -> vector<128x1xf32>
    %mul3A_1953 = arith.constant 2.500000e-01 : f32
    %mul3A_1954 = vector.broadcast %mul3A_1953 : f32 to vector<128x1xf32>
    %mul3A_1955 = arith.mulf %dot_general3A_1952, %mul3A_1954 : vector<128x1xf32>
    %iota3A_1956 = tpu.iota {dimensions = array<i32: 0>} : vector<128x256xi32>
    %iota3A_1957 = tpu.iota {dimensions = array<i32: 1>} : vector<128x256xi32>
    %sub3A_1958 = arith.subi %iota3A_1956, %iota3A_1957 : vector<128x256xi32>
    %add3A_1959 = arith.constant 0 : i32
    %add3A_1960 = vector.broadcast %add3A_1959 : i32 to vector<128x256xi32>
    %add3A_1961 = arith.addi %sub3A_1958, %add3A_1960 : vector<128x256xi32>
    %abs3A_1962 = math.absi %add3A_1961 : vector<128x256xi32>
    %le3A_1963 = arith.constant 64 : i32
    %le3A_1964 = vector.broadcast %le3A_1963 : i32 to vector<128x256xi32>
    %le3A_1965 = arith.cmpi sle, %abs3A_1962, %le3A_1964 : vector<128x256xi32>
    %abs3A_1966 = math.absf %mul3A_1950 : vector<128x256xf32>
    %jit3A_1967 = arith.constant 0xFF800000 : f32
    %broadcast_in_dim3A_1968 = vector.broadcast %jit3A_1967 : f32 to vector<128x256xf32>
    %select_n3A_1969 = arith.select %le3A_1965, %abs3A_1966, %broadcast_in_dim3A_1968 : vector<128x256xi1>, vector<128x256xf32>
    %reduce_max3A_1970 = arith.constant dense<0xFF800000> : vector<128xf32>
    %reduce_max3A_1971 = vector.multi_reduction <maximumf>, %select_n3A_1969, %reduce_max3A_1970 [1] : vector<128x256xf32> to vector<128xf32>
    %broadcast_in_dim3A_1972 = vector.shape_cast %reduce_max3A_1971 : vector<128xf32> to vector<128x1xf32>
    %abs3A_1973 = math.absf %mul3A_1955 : vector<128x1xf32>
    %max3A_1974 = arith.maximumf %broadcast_in_dim3A_1972, %abs3A_1973 : vector<128x1xf32>
    %sub3A_1975 = vector.broadcast %max3A_1974 : vector<128x1xf32> to vector<128x256xf32>
    %sub3A_1976 = arith.subf %abs3A_1966, %sub3A_1975 : vector<128x256xf32>
    %exp3A_1977 = math.exp %sub3A_1976 : vector<128x256xf32>
    %jit3A_1978 = arith.constant 0.000000e+00 : f32
    %broadcast_in_dim3A_1979 = vector.broadcast %jit3A_1978 : f32 to vector<128x256xf32>
    %select_n3A_1980 = arith.select %le3A_1965, %exp3A_1977, %broadcast_in_dim3A_1979 : vector<128x256xi1>, vector<128x256xf32>
    %abs3A_1981 = math.absf %mul3A_1955 : vector<128x1xf32>
    %sub3A_1982 = arith.subf %abs3A_1981, %max3A_1974 : vector<128x1xf32>
    %exp3A_1983 = math.exp %sub3A_1982 : vector<128x1xf32>
    %reduce_sum3A_1984 = arith.constant dense<0.000000e+00> : vector<128xf32>
    %reduce_sum3A_1985 = vector.multi_reduction <add>, %select_n3A_1980, %reduce_sum3A_1984 [1] : vector<128x256xf32> to vector<128xf32>
    %broadcast_in_dim3A_1986 = vector.shape_cast %reduce_sum3A_1985 : vector<128xf32> to vector<128x1xf32>
    %add3A_1987 = arith.addf %broadcast_in_dim3A_1986, %exp3A_1983 : vector<128x1xf32>
    %sign3A_1988 = tpu.bitcast %mul3A_1950 : vector<128x256xf32> -> vector<128x256xi32>
    %sign3A_1989 = arith.constant -2147483648 : i32
    %sign3A_1990 = vector.broadcast %sign3A_1989 : i32 to vector<128x256xi32>
    %sign3A_1991 = arith.andi %sign3A_1988, %sign3A_1990 : vector<128x256xi32>
    %sign3A_1992 = arith.constant 1065353216 : i32
    %sign3A_1993 = vector.broadcast %sign3A_1992 : i32 to vector<128x256xi32>
    %sign3A_1994 = arith.ori %sign3A_1993, %sign3A_1991 : vector<128x256xi32>
    %sign3A_1995 = tpu.bitcast %sign3A_1994 : vector<128x256xi32> -> vector<128x256xf32>
    %sign3A_1996 = math.absf %mul3A_1950 : vector<128x256xf32>
    %sign3A_1997 = arith.constant 0.000000e+00 : f32
    %sign3A_1998 = vector.broadcast %sign3A_1997 : f32 to vector<128x256xf32>
    %sign3A_1999 = arith.cmpf ogt, %sign3A_1996, %sign3A_1998 : vector<128x256xf32>
    %sign3A_2000 = arith.select %sign3A_1999, %sign3A_1995, %mul3A_1950 : vector<128x256xi1>, vector<128x256xf32>
    %div3A_2001 = vector.broadcast %add3A_1987 : vector<128x1xf32> to vector<128x256xf32>
    %div3A_2002 = arith.divf %select_n3A_1980, %div3A_2001 : vector<128x256xf32>
    %mul3A_2003 = arith.mulf %sign3A_2000, %div3A_2002 : vector<128x256xf32>
    %sign3A_2004 = tpu.bitcast %mul3A_1955 : vector<128x1xf32> -> vector<128x1xi32>
    %sign3A_2005 = arith.constant -2147483648 : i32
    %sign3A_2006 = vector.broadcast %sign3A_2005 : i32 to vector<128x1xi32>
    %sign3A_2007 = arith.andi %sign3A_2004, %sign3A_2006 : vector<128x1xi32>
    %sign3A_2008 = arith.constant 1065353216 : i32
    %sign3A_2009 = vector.broadcast %sign3A_2008 : i32 to vector<128x1xi32>
    %sign3A_2010 = arith.ori %sign3A_2009, %sign3A_2007 : vector<128x1xi32>
    %sign3A_2011 = tpu.bitcast %sign3A_2010 : vector<128x1xi32> -> vector<128x1xf32>
    %sign3A_2012 = math.absf %mul3A_1955 : vector<128x1xf32>
    %sign3A_2013 = arith.constant 0.000000e+00 : f32
    %sign3A_2014 = vector.broadcast %sign3A_2013 : f32 to vector<128x1xf32>
    %sign3A_2015 = arith.cmpf ogt, %sign3A_2012, %sign3A_2014 : vector<128x1xf32>
    %sign3A_2016 = arith.select %sign3A_2015, %sign3A_2011, %mul3A_1955 : vector<128x1xi1>, vector<128x1xf32>
    %div3A_2017 = arith.divf %exp3A_1983, %add3A_1987 : vector<128x1xf32>
    %mul3A_2018 = arith.mulf %sign3A_2016, %div3A_2017 : vector<128x1xf32>
    %dot_general3A_2019 = arith.constant dense<0.000000e+00> : vector<128x768xf32>
    %dot_general3A_2020 = tpu.matmul %mul3A_2003, %slice3A_1945, %dot_general3A_2019 {dimension_numbers = #tpu.dot_dimension_numbers<[1], [0], [0], [1], [0, 0, 1, 1], [], []>, transpose_lhs_hint = false} : vector<128x256xf32>, vector<256x768xf32>, vector<128x768xf32> -> vector<128x768xf32>
    %mul3A_2021 = vector.broadcast %mul3A_2018 : vector<128x1xf32> to vector<128x768xf32>
    %mul3A_2022 = vector.broadcast %add3A_1918 : vector<1x768xf32> to vector<128x768xf32>
    %mul3A_2023 = arith.mulf %mul3A_2021, %mul3A_2022 : vector<128x768xf32>
    %add3A_2024 = arith.addf %dot_general3A_2020, %mul3A_2023 : vector<128x768xf32>
    %slice3A_2025 = vector.extract_strided_slice %concatenate3A {offsets = [0, 0], sizes = [128, 768], strides = [1, 1]} : vector<2048x768xf32> to vector<128x768xf32>
    %add3A_2026 = arith.addf %slice3A_2025, %add3A_2024 : vector<128x768xf32>
    %reduce_sum3A_2027 = arith.constant dense<0.000000e+00> : vector<128xf32>
    %reduce_sum3A_2028 = vector.multi_reduction <add>, %add3A_2026, %reduce_sum3A_2027 [1] : vector<128x768xf32> to vector<128xf32>
    %broadcast_in_dim3A_2029 = vector.shape_cast %reduce_sum3A_2028 : vector<128xf32> to vector<128x1xf32>
    %div3A_2030 = arith.constant 7.680000e+02 : f32
    %div3A_2031 = vector.broadcast %div3A_2030 : f32 to vector<128x1xf32>
    %div3A_2032 = arith.divf %broadcast_in_dim3A_2029, %div3A_2031 : vector<128x1xf32>
    %sub3A_2033 = vector.broadcast %div3A_2032 : vector<128x1xf32> to vector<128x768xf32>
    %sub3A_2034 = arith.subf %add3A_2026, %sub3A_2033 : vector<128x768xf32>
    %integer_pow3A_2035 = arith.mulf %sub3A_2034, %sub3A_2034 : vector<128x768xf32>
    %reduce_sum3A_2036 = arith.constant dense<0.000000e+00> : vector<128xf32>
    %reduce_sum3A_2037 = vector.multi_reduction <add>, %integer_pow3A_2035, %reduce_sum3A_2036 [1] : vector<128x768xf32> to vector<128xf32>
    %broadcast_in_dim3A_2038 = vector.shape_cast %reduce_sum3A_2037 : vector<128xf32> to vector<128x1xf32>
    %div3A_2039 = arith.constant 7.680000e+02 : f32
    %div3A_2040 = vector.broadcast %div3A_2039 : f32 to vector<128x1xf32>
    %div3A_2041 = arith.divf %broadcast_in_dim3A_2038, %div3A_2040 : vector<128x1xf32>
    %sub3A_2042 = vector.broadcast %div3A_2032 : vector<128x1xf32> to vector<128x768xf32>
    %sub3A_2043 = arith.subf %add3A_2026, %sub3A_2042 : vector<128x768xf32>
    %add3A_2044 = arith.constant 9.99999974E-6 : f32
    %add3A_2045 = vector.broadcast %add3A_2044 : f32 to vector<128x1xf32>
    %add3A_2046 = arith.addf %div3A_2041, %add3A_2045 : vector<128x1xf32>
    %rsqrt3A_2047 = math.rsqrt %add3A_2046 : vector<128x1xf32>
    %mul3A_2048 = vector.broadcast %rsqrt3A_2047 : vector<128x1xf32> to vector<128x768xf32>
    %mul3A_2049 = arith.mulf %sub3A_2043, %mul3A_2048 : vector<128x768xf32>
    %mul3A_2050 = vector.broadcast %get3A_1931 : vector<1x768xf32> to vector<128x768xf32>
    %mul3A_2051 = arith.mulf %mul3A_2049, %mul3A_2050 : vector<128x768xf32>
    %add3A_2052 = vector.broadcast %get3A_1934 : vector<1x768xf32> to vector<128x768xf32>
    %add3A_2053 = arith.addf %mul3A_2051, %add3A_2052 : vector<128x768xf32>
    %slice3A_2054 = vector.extract_strided_slice %dot_general3A_1936 {offsets = [128, 0], sizes = [128, 16], strides = [1, 1]} : vector<2048x16xf32> to vector<128x16xf32>
    %slice3A_2055 = vector.extract_strided_slice %dot_general3A_1938 {offsets = [64, 0], sizes = [256, 16], strides = [1, 1]} : vector<2048x16xf32> to vector<256x16xf32>
    %slice3A_2056 = vector.extract_strided_slice %concatenate3A {offsets = [64, 0], sizes = [256, 768], strides = [1, 1]} : vector<2048x768xf32> to vector<256x768xf32>
    %dot_general3A_2057 = arith.constant dense<0.000000e+00> : vector<128x256xf32>
    %dot_general3A_2058 = tpu.matmul %slice3A_2054, %slice3A_2055, %dot_general3A_2057 {dimension_numbers = #tpu.dot_dimension_numbers<[1], [1], [0], [0], [0, 0, 1, 0], [], []>, transpose_lhs_hint = false} : vector<128x16xf32>, vector<256x16xf32>, vector<128x256xf32> -> vector<128x256xf32>
    %mul3A_2059 = arith.constant 2.500000e-01 : f32
    %mul3A_2060 = vector.broadcast %mul3A_2059 : f32 to vector<128x256xf32>
    %mul3A_2061 = arith.mulf %dot_general3A_2058, %mul3A_2060 : vector<128x256xf32>
    %dot_general3A_2062 = arith.constant dense<0.000000e+00> : vector<128x1xf32>
    %dot_general3A_2063 = tpu.matmul %slice3A_2054, %dot_general3A_1942, %dot_general3A_2062 {dimension_numbers = #tpu.dot_dimension_numbers<[1], [1], [0], [0], [0, 0, 1, 0], [], []>, transpose_lhs_hint = false} : vector<128x16xf32>, vector<1x16xf32>, vector<128x1xf32> -> vector<128x1xf32>
    %mul3A_2064 = arith.constant 2.500000e-01 : f32
    %mul3A_2065 = vector.broadcast %mul3A_2064 : f32 to vector<128x1xf32>
    %mul3A_2066 = arith.mulf %dot_general3A_2063, %mul3A_2065 : vector<128x1xf32>
    %iota3A_2067 = tpu.iota {dimensions = array<i32: 0>} : vector<128x256xi32>
    %iota3A_2068 = tpu.iota {dimensions = array<i32: 1>} : vector<128x256xi32>
    %sub3A_2069 = arith.subi %iota3A_2067, %iota3A_2068 : vector<128x256xi32>
    %add3A_2070 = arith.constant 64 : i32
    %add3A_2071 = vector.broadcast %add3A_2070 : i32 to vector<128x256xi32>
    %add3A_2072 = arith.addi %sub3A_2069, %add3A_2071 : vector<128x256xi32>
    %abs3A_2073 = math.absi %add3A_2072 : vector<128x256xi32>
    %le3A_2074 = arith.constant 64 : i32
    %le3A_2075 = vector.broadcast %le3A_2074 : i32 to vector<128x256xi32>
    %le3A_2076 = arith.cmpi sle, %abs3A_2073, %le3A_2075 : vector<128x256xi32>
    %abs3A_2077 = math.absf %mul3A_2061 : vector<128x256xf32>
    %jit3A_2078 = arith.constant 0xFF800000 : f32
    %broadcast_in_dim3A_2079 = vector.broadcast %jit3A_2078 : f32 to vector<128x256xf32>
    %select_n3A_2080 = arith.select %le3A_2076, %abs3A_2077, %broadcast_in_dim3A_2079 : vector<128x256xi1>, vector<128x256xf32>
    %reduce_max3A_2081 = arith.constant dense<0xFF800000> : vector<128xf32>
    %reduce_max3A_2082 = vector.multi_reduction <maximumf>, %select_n3A_2080, %reduce_max3A_2081 [1] : vector<128x256xf32> to vector<128xf32>
    %broadcast_in_dim3A_2083 = vector.shape_cast %reduce_max3A_2082 : vector<128xf32> to vector<128x1xf32>
    %abs3A_2084 = math.absf %mul3A_2066 : vector<128x1xf32>
    %max3A_2085 = arith.maximumf %broadcast_in_dim3A_2083, %abs3A_2084 : vector<128x1xf32>
    %sub3A_2086 = vector.broadcast %max3A_2085 : vector<128x1xf32> to vector<128x256xf32>
    %sub3A_2087 = arith.subf %abs3A_2077, %sub3A_2086 : vector<128x256xf32>
    %exp3A_2088 = math.exp %sub3A_2087 : vector<128x256xf32>
    %jit3A_2089 = arith.constant 0.000000e+00 : f32
    %broadcast_in_dim3A_2090 = vector.broadcast %jit3A_2089 : f32 to vector<128x256xf32>
    %select_n3A_2091 = arith.select %le3A_2076, %exp3A_2088, %broadcast_in_dim3A_2090 : vector<128x256xi1>, vector<128x256xf32>
    %abs3A_2092 = math.absf %mul3A_2066 : vector<128x1xf32>
    %sub3A_2093 = arith.subf %abs3A_2092, %max3A_2085 : vector<128x1xf32>
    %exp3A_2094 = math.exp %sub3A_2093 : vector<128x1xf32>
    %reduce_sum3A_2095 = arith.constant dense<0.000000e+00> : vector<128xf32>
    %reduce_sum3A_2096 = vector.multi_reduction <add>, %select_n3A_2091, %reduce_sum3A_2095 [1] : vector<128x256xf32> to vector<128xf32>
    %broadcast_in_dim3A_2097 = vector.shape_cast %reduce_sum3A_2096 : vector<128xf32> to vector<128x1xf32>
    %add3A_2098 = arith.addf %broadcast_in_dim3A_2097, %exp3A_2094 : vector<128x1xf32>
    %sign3A_2099 = tpu.bitcast %mul3A_2061 : vector<128x256xf32> -> vector<128x256xi32>
    %sign3A_2100 = arith.constant -2147483648 : i32
    %sign3A_2101 = vector.broadcast %sign3A_2100 : i32 to vector<128x256xi32>
    %sign3A_2102 = arith.andi %sign3A_2099, %sign3A_2101 : vector<128x256xi32>
    %sign3A_2103 = arith.constant 1065353216 : i32
    %sign3A_2104 = vector.broadcast %sign3A_2103 : i32 to vector<128x256xi32>
    %sign3A_2105 = arith.ori %sign3A_2104, %sign3A_2102 : vector<128x256xi32>
    %sign3A_2106 = tpu.bitcast %sign3A_2105 : vector<128x256xi32> -> vector<128x256xf32>
    %sign3A_2107 = math.absf %mul3A_2061 : vector<128x256xf32>
    %sign3A_2108 = arith.constant 0.000000e+00 : f32
    %sign3A_2109 = vector.broadcast %sign3A_2108 : f32 to vector<128x256xf32>
    %sign3A_2110 = arith.cmpf ogt, %sign3A_2107, %sign3A_2109 : vector<128x256xf32>
    %sign3A_2111 = arith.select %sign3A_2110, %sign3A_2106, %mul3A_2061 : vector<128x256xi1>, vector<128x256xf32>
    %div3A_2112 = vector.broadcast %add3A_2098 : vector<128x1xf32> to vector<128x256xf32>
    %div3A_2113 = arith.divf %select_n3A_2091, %div3A_2112 : vector<128x256xf32>
    %mul3A_2114 = arith.mulf %sign3A_2111, %div3A_2113 : vector<128x256xf32>
    %sign3A_2115 = tpu.bitcast %mul3A_2066 : vector<128x1xf32> -> vector<128x1xi32>
    %sign3A_2116 = arith.constant -2147483648 : i32
    %sign3A_2117 = vector.broadcast %sign3A_2116 : i32 to vector<128x1xi32>
    %sign3A_2118 = arith.andi %sign3A_2115, %sign3A_2117 : vector<128x1xi32>
    %sign3A_2119 = arith.constant 1065353216 : i32
    %sign3A_2120 = vector.broadcast %sign3A_2119 : i32 to vector<128x1xi32>
    %sign3A_2121 = arith.ori %sign3A_2120, %sign3A_2118 : vector<128x1xi32>
    %sign3A_2122 = tpu.bitcast %sign3A_2121 : vector<128x1xi32> -> vector<128x1xf32>
    %sign3A_2123 = math.absf %mul3A_2066 : vector<128x1xf32>
    %sign3A_2124 = arith.constant 0.000000e+00 : f32
    %sign3A_2125 = vector.broadcast %sign3A_2124 : f32 to vector<128x1xf32>
    %sign3A_2126 = arith.cmpf ogt, %sign3A_2123, %sign3A_2125 : vector<128x1xf32>
    %sign3A_2127 = arith.select %sign3A_2126, %sign3A_2122, %mul3A_2066 : vector<128x1xi1>, vector<128x1xf32>
    %div3A_2128 = arith.divf %exp3A_2094, %add3A_2098 : vector<128x1xf32>
    %mul3A_2129 = arith.mulf %sign3A_2127, %div3A_2128 : vector<128x1xf32>
    %dot_general3A_2130 = arith.constant dense<0.000000e+00> : vector<128x768xf32>
    %dot_general3A_2131 = tpu.matmul %mul3A_2114, %slice3A_2056, %dot_general3A_2130 {dimension_numbers = #tpu.dot_dimension_numbers<[1], [0], [0], [1], [0, 0, 1, 1], [], []>, transpose_lhs_hint = false} : vector<128x256xf32>, vector<256x768xf32>, vector<128x768xf32> -> vector<128x768xf32>
    %mul3A_2132 = vector.broadcast %mul3A_2129 : vector<128x1xf32> to vector<128x768xf32>
    %mul3A_2133 = vector.broadcast %add3A_1918 : vector<1x768xf32> to vector<128x768xf32>
    %mul3A_2134 = arith.mulf %mul3A_2132, %mul3A_2133 : vector<128x768xf32>
    %add3A_2135 = arith.addf %dot_general3A_2131, %mul3A_2134 : vector<128x768xf32>
    %slice3A_2136 = vector.extract_strided_slice %concatenate3A {offsets = [128, 0], sizes = [128, 768], strides = [1, 1]} : vector<2048x768xf32> to vector<128x768xf32>
    %add3A_2137 = arith.addf %slice3A_2136, %add3A_2135 : vector<128x768xf32>
    %reduce_sum3A_2138 = arith.constant dense<0.000000e+00> : vector<128xf32>
    %reduce_sum3A_2139 = vector.multi_reduction <add>, %add3A_2137, %reduce_sum3A_2138 [1] : vector<128x768xf32> to vector<128xf32>
    %broadcast_in_dim3A_2140 = vector.shape_cast %reduce_sum3A_2139 : vector<128xf32> to vector<128x1xf32>
    %div3A_2141 = arith.constant 7.680000e+02 : f32
    %div3A_2142 = vector.broadcast %div3A_2141 : f32 to vector<128x1xf32>
    %div3A_2143 = arith.divf %broadcast_in_dim3A_2140, %div3A_2142 : vector<128x1xf32>
    %sub3A_2144 = vector.broadcast %div3A_2143 : vector<128x1xf32> to vector<128x768xf32>
    %sub3A_2145 = arith.subf %add3A_2137, %sub3A_2144 : vector<128x768xf32>
    %integer_pow3A_2146 = arith.mulf %sub3A_2145, %sub3A_2145 : vector<128x768xf32>
    %reduce_sum3A_2147 = arith.constant dense<0.000000e+00> : vector<128xf32>
    %reduce_sum3A_2148 = vector.multi_reduction <add>, %integer_pow3A_2146, %reduce_sum3A_2147 [1] : vector<128x768xf32> to vector<128xf32>
    %broadcast_in_dim3A_2149 = vector.shape_cast %reduce_sum3A_2148 : vector<128xf32> to vector<128x1xf32>
    %div3A_2150 = arith.constant 7.680000e+02 : f32
    %div3A_2151 = vector.broadcast %div3A_2150 : f32 to vector<128x1xf32>
    %div3A_2152 = arith.divf %broadcast_in_dim3A_2149, %div3A_2151 : vector<128x1xf32>
    %sub3A_2153 = vector.broadcast %div3A_2143 : vector<128x1xf32> to vector<128x768xf32>
    %sub3A_2154 = arith.subf %add3A_2137, %sub3A_2153 : vector<128x768xf32>
    %add3A_2155 = arith.constant 9.99999974E-6 : f32
    %add3A_2156 = vector.broadcast %add3A_2155 : f32 to vector<128x1xf32>
    %add3A_2157 = arith.addf %div3A_2152, %add3A_2156 : vector<128x1xf32>
    %rsqrt3A_2158 = math.rsqrt %add3A_2157 : vector<128x1xf32>
    %mul3A_2159 = vector.broadcast %rsqrt3A_2158 : vector<128x1xf32> to vector<128x768xf32>
    %mul3A_2160 = arith.mulf %sub3A_2154, %mul3A_2159 : vector<128x768xf32>
    %mul3A_2161 = vector.broadcast %get3A_1931 : vector<1x768xf32> to vector<128x768xf32>
    %mul3A_2162 = arith.mulf %mul3A_2160, %mul3A_2161 : vector<128x768xf32>
    %add3A_2163 = vector.broadcast %get3A_1934 : vector<1x768xf32> to vector<128x768xf32>
    %add3A_2164 = arith.addf %mul3A_2162, %add3A_2163 : vector<128x768xf32>
    %slice3A_2165 = vector.extract_strided_slice %dot_general3A_1936 {offsets = [256, 0], sizes = [128, 16], strides = [1, 1]} : vector<2048x16xf32> to vector<128x16xf32>
    %slice3A_2166 = vector.extract_strided_slice %dot_general3A_1938 {offsets = [192, 0], sizes = [256, 16], strides = [1, 1]} : vector<2048x16xf32> to vector<256x16xf32>
    %slice3A_2167 = vector.extract_strided_slice %concatenate3A {offsets = [192, 0], sizes = [256, 768], strides = [1, 1]} : vector<2048x768xf32> to vector<256x768xf32>
    %dot_general3A_2168 = arith.constant dense<0.000000e+00> : vector<128x256xf32>
    %dot_general3A_2169 = tpu.matmul %slice3A_2165, %slice3A_2166, %dot_general3A_2168 {dimension_numbers = #tpu.dot_dimension_numbers<[1], [1], [0], [0], [0, 0, 1, 0], [], []>, transpose_lhs_hint = false} : vector<128x16xf32>, vector<256x16xf32>, vector<128x256xf32> -> vector<128x256xf32>
    %mul3A_2170 = arith.constant 2.500000e-01 : f32
    %mul3A_2171 = vector.broadcast %mul3A_2170 : f32 to vector<128x256xf32>
    %mul3A_2172 = arith.mulf %dot_general3A_2169, %mul3A_2171 : vector<128x256xf32>
    %dot_general3A_2173 = arith.constant dense<0.000000e+00> : vector<128x1xf32>
    %dot_general3A_2174 = tpu.matmul %slice3A_2165, %dot_general3A_1942, %dot_general3A_2173 {dimension_numbers = #tpu.dot_dimension_numbers<[1], [1], [0], [0], [0, 0, 1, 0], [], []>, transpose_lhs_hint = false} : vector<128x16xf32>, vector<1x16xf32>, vector<128x1xf32> -> vector<128x1xf32>
    %mul3A_2175 = arith.constant 2.500000e-01 : f32
    %mul3A_2176 = vector.broadcast %mul3A_2175 : f32 to vector<128x1xf32>
    %mul3A_2177 = arith.mulf %dot_general3A_2174, %mul3A_2176 : vector<128x1xf32>
    %iota3A_2178 = tpu.iota {dimensions = array<i32: 0>} : vector<128x256xi32>
    %iota3A_2179 = tpu.iota {dimensions = array<i32: 1>} : vector<128x256xi32>
    %sub3A_2180 = arith.subi %iota3A_2178, %iota3A_2179 : vector<128x256xi32>
    %add3A_2181 = arith.constant 64 : i32
    %add3A_2182 = vector.broadcast %add3A_2181 : i32 to vector<128x256xi32>
    %add3A_2183 = arith.addi %sub3A_2180, %add3A_2182 : vector<128x256xi32>
    %abs3A_2184 = math.absi %add3A_2183 : vector<128x256xi32>
    %le3A_2185 = arith.constant 64 : i32
    %le3A_2186 = vector.broadcast %le3A_2185 : i32 to vector<128x256xi32>
    %le3A_2187 = arith.cmpi sle, %abs3A_2184, %le3A_2186 : vector<128x256xi32>
    %abs3A_2188 = math.absf %mul3A_2172 : vector<128x256xf32>
    %jit3A_2189 = arith.constant 0xFF800000 : f32
    %broadcast_in_dim3A_2190 = vector.broadcast %jit3A_2189 : f32 to vector<128x256xf32>
    %select_n3A_2191 = arith.select %le3A_2187, %abs3A_2188, %broadcast_in_dim3A_2190 : vector<128x256xi1>, vector<128x256xf32>
    %reduce_max3A_2192 = arith.constant dense<0xFF800000> : vector<128xf32>
    %reduce_max3A_2193 = vector.multi_reduction <maximumf>, %select_n3A_2191, %reduce_max3A_2192 [1] : vector<128x256xf32> to vector<128xf32>
    %broadcast_in_dim3A_2194 = vector.shape_cast %reduce_max3A_2193 : vector<128xf32> to vector<128x1xf32>
    %abs3A_2195 = math.absf %mul3A_2177 : vector<128x1xf32>
    %max3A_2196 = arith.maximumf %broadcast_in_dim3A_2194, %abs3A_2195 : vector<128x1xf32>
    %sub3A_2197 = vector.broadcast %max3A_2196 : vector<128x1xf32> to vector<128x256xf32>
    %sub3A_2198 = arith.subf %abs3A_2188, %sub3A_2197 : vector<128x256xf32>
    %exp3A_2199 = math.exp %sub3A_2198 : vector<128x256xf32>
    %jit3A_2200 = arith.constant 0.000000e+00 : f32
    %broadcast_in_dim3A_2201 = vector.broadcast %jit3A_2200 : f32 to vector<128x256xf32>
    %select_n3A_2202 = arith.select %le3A_2187, %exp3A_2199, %broadcast_in_dim3A_2201 : vector<128x256xi1>, vector<128x256xf32>
    %abs3A_2203 = math.absf %mul3A_2177 : vector<128x1xf32>
    %sub3A_2204 = arith.subf %abs3A_2203, %max3A_2196 : vector<128x1xf32>
    %exp3A_2205 = math.exp %sub3A_2204 : vector<128x1xf32>
    %reduce_sum3A_2206 = arith.constant dense<0.000000e+00> : vector<128xf32>
    %reduce_sum3A_2207 = vector.multi_reduction <add>, %select_n3A_2202, %reduce_sum3A_2206 [1] : vector<128x256xf32> to vector<128xf32>
    %broadcast_in_dim3A_2208 = vector.shape_cast %reduce_sum3A_2207 : vector<128xf32> to vector<128x1xf32>
    %add3A_2209 = arith.addf %broadcast_in_dim3A_2208, %exp3A_2205 : vector<128x1xf32>
    %sign3A_2210 = tpu.bitcast %mul3A_2172 : vector<128x256xf32> -> vector<128x256xi32>
    %sign3A_2211 = arith.constant -2147483648 : i32
    %sign3A_2212 = vector.broadcast %sign3A_2211 : i32 to vector<128x256xi32>
    %sign3A_2213 = arith.andi %sign3A_2210, %sign3A_2212 : vector<128x256xi32>
    %sign3A_2214 = arith.constant 1065353216 : i32
    %sign3A_2215 = vector.broadcast %sign3A_2214 : i32 to vector<128x256xi32>
    %sign3A_2216 = arith.ori %sign3A_2215, %sign3A_2213 : vector<128x256xi32>
    %sign3A_2217 = tpu.bitcast %sign3A_2216 : vector<128x256xi32> -> vector<128x256xf32>
    %sign3A_2218 = math.absf %mul3A_2172 : vector<128x256xf32>
    %sign3A_2219 = arith.constant 0.000000e+00 : f32
    %sign3A_2220 = vector.broadcast %sign3A_2219 : f32 to vector<128x256xf32>
    %sign3A_2221 = arith.cmpf ogt, %sign3A_2218, %sign3A_2220 : vector<128x256xf32>
    %sign3A_2222 = arith.select %sign3A_2221, %sign3A_2217, %mul3A_2172 : vector<128x256xi1>, vector<128x256xf32>
    %div3A_2223 = vector.broadcast %add3A_2209 : vector<128x1xf32> to vector<128x256xf32>
    %div3A_2224 = arith.divf %select_n3A_2202, %div3A_2223 : vector<128x256xf32>
    %mul3A_2225 = arith.mulf %sign3A_2222, %div3A_2224 : vector<128x256xf32>
    %sign3A_2226 = tpu.bitcast %mul3A_2177 : vector<128x1xf32> -> vector<128x1xi32>
    %sign3A_2227 = arith.constant -2147483648 : i32
    %sign3A_2228 = vector.broadcast %sign3A_2227 : i32 to vector<128x1xi32>
    %sign3A_2229 = arith.andi %sign3A_2226, %sign3A_2228 : vector<128x1xi32>
    %sign3A_2230 = arith.constant 1065353216 : i32
    %sign3A_2231 = vector.broadcast %sign3A_2230 : i32 to vector<128x1xi32>
    %sign3A_2232 = arith.ori %sign3A_2231, %sign3A_2229 : vector<128x1xi32>
    %sign3A_2233 = tpu.bitcast %sign3A_2232 : vector<128x1xi32> -> vector<128x1xf32>
    %sign3A_2234 = math.absf %mul3A_2177 : vector<128x1xf32>
    %sign3A_2235 = arith.constant 0.000000e+00 : f32
    %sign3A_2236 = vector.broadcast %sign3A_2235 : f32 to vector<128x1xf32>
    %sign3A_2237 = arith.cmpf ogt, %sign3A_2234, %sign3A_2236 : vector<128x1xf32>
    %sign3A_2238 = arith.select %sign3A_2237, %sign3A_2233, %mul3A_2177 : vector<128x1xi1>, vector<128x1xf32>
    %div3A_2239 = arith.divf %exp3A_2205, %add3A_2209 : vector<128x1xf32>
    %mul3A_2240 = arith.mulf %sign3A_2238, %div3A_2239 : vector<128x1xf32>
    %dot_general3A_2241 = arith.constant dense<0.000000e+00> : vector<128x768xf32>
    %dot_general3A_2242 = tpu.matmul %mul3A_2225, %slice3A_2167, %dot_general3A_2241 {dimension_numbers = #tpu.dot_dimension_numbers<[1], [0], [0], [1], [0, 0, 1, 1], [], []>, transpose_lhs_hint = false} : vector<128x256xf32>, vector<256x768xf32>, vector<128x768xf32> -> vector<128x768xf32>
    %mul3A_2243 = vector.broadcast %mul3A_2240 : vector<128x1xf32> to vector<128x768xf32>
    %mul3A_2244 = vector.broadcast %add3A_1918 : vector<1x768xf32> to vector<128x768xf32>
    %mul3A_2245 = arith.mulf %mul3A_2243, %mul3A_2244 : vector<128x768xf32>
    %add3A_2246 = arith.addf %dot_general3A_2242, %mul3A_2245 : vector<128x768xf32>
    %slice3A_2247 = vector.extract_strided_slice %concatenate3A {offsets = [256, 0], sizes = [128, 768], strides = [1, 1]} : vector<2048x768xf32> to vector<128x768xf32>
    %add3A_2248 = arith.addf %slice3A_2247, %add3A_2246 : vector<128x768xf32>
    %reduce_sum3A_2249 = arith.constant dense<0.000000e+00> : vector<128xf32>
    %reduce_sum3A_2250 = vector.multi_reduction <add>, %add3A_2248, %reduce_sum3A_2249 [1] : vector<128x768xf32> to vector<128xf32>
    %broadcast_in_dim3A_2251 = vector.shape_cast %reduce_sum3A_2250 : vector<128xf32> to vector<128x1xf32>
    %div3A_2252 = arith.constant 7.680000e+02 : f32
    %div3A_2253 = vector.broadcast %div3A_2252 : f32 to vector<128x1xf32>
    %div3A_2254 = arith.divf %broadcast_in_dim3A_2251, %div3A_2253 : vector<128x1xf32>
    %sub3A_2255 = vector.broadcast %div3A_2254 : vector<128x1xf32> to vector<128x768xf32>
    %sub3A_2256 = arith.subf %add3A_2248, %sub3A_2255 : vector<128x768xf32>
    %integer_pow3A_2257 = arith.mulf %sub3A_2256, %sub3A_2256 : vector<128x768xf32>
    %reduce_sum3A_2258 = arith.constant dense<0.000000e+00> : vector<128xf32>
    %reduce_sum3A_2259 = vector.multi_reduction <add>, %integer_pow3A_2257, %reduce_sum3A_2258 [1] : vector<128x768xf32> to vector<128xf32>
    %broadcast_in_dim3A_2260 = vector.shape_cast %reduce_sum3A_2259 : vector<128xf32> to vector<128x1xf32>
    %div3A_2261 = arith.constant 7.680000e+02 : f32
    %div3A_2262 = vector.broadcast %div3A_2261 : f32 to vector<128x1xf32>
    %div3A_2263 = arith.divf %broadcast_in_dim3A_2260, %div3A_2262 : vector<128x1xf32>
    %sub3A_2264 = vector.broadcast %div3A_2254 : vector<128x1xf32> to vector<128x768xf32>
    %sub3A_2265 = arith.subf %add3A_2248, %sub3A_2264 : vector<128x768xf32>
    %add3A_2266 = arith.constant 9.99999974E-6 : f32
    %add3A_2267 = vector.broadcast %add3A_2266 : f32 to vector<128x1xf32>
    %add3A_2268 = arith.addf %div3A_2263, %add3A_2267 : vector<128x1xf32>
    %rsqrt3A_2269 = math.rsqrt %add3A_2268 : vector<128x1xf32>
    %mul3A_2270 = vector.broadcast %rsqrt3A_2269 : vector<128x1xf32> to vector<128x768xf32>
    %mul3A_2271 = arith.mulf %sub3A_2265, %mul3A_2270 : vector<128x768xf32>
    %mul3A_2272 = vector.broadcast %get3A_1931 : vector<1x768xf32> to vector<128x768xf32>
    %mul3A_2273 = arith.mulf %mul3A_2271, %mul3A_2272 : vector<128x768xf32>
    %add3A_2274 = vector.broadcast %get3A_1934 : vector<1x768xf32> to vector<128x768xf32>
    %add3A_2275 = arith.addf %mul3A_2273, %add3A_2274 : vector<128x768xf32>
    %slice3A_2276 = vector.extract_strided_slice %dot_general3A_1936 {offsets = [384, 0], sizes = [128, 16], strides = [1, 1]} : vector<2048x16xf32> to vector<128x16xf32>
    %slice3A_2277 = vector.extract_strided_slice %dot_general3A_1938 {offsets = [320, 0], sizes = [256, 16], strides = [1, 1]} : vector<2048x16xf32> to vector<256x16xf32>
    %slice3A_2278 = vector.extract_strided_slice %concatenate3A {offsets = [320, 0], sizes = [256, 768], strides = [1, 1]} : vector<2048x768xf32> to vector<256x768xf32>
    %dot_general3A_2279 = arith.constant dense<0.000000e+00> : vector<128x256xf32>
    %dot_general3A_2280 = tpu.matmul %slice3A_2276, %slice3A_2277, %dot_general3A_2279 {dimension_numbers = #tpu.dot_dimension_numbers<[1], [1], [0], [0], [0, 0, 1, 0], [], []>, transpose_lhs_hint = false} : vector<128x16xf32>, vector<256x16xf32>, vector<128x256xf32> -> vector<128x256xf32>
    %mul3A_2281 = arith.constant 2.500000e-01 : f32
    %mul3A_2282 = vector.broadcast %mul3A_2281 : f32 to vector<128x256xf32>
    %mul3A_2283 = arith.mulf %dot_general3A_2280, %mul3A_2282 : vector<128x256xf32>
    %dot_general3A_2284 = arith.constant dense<0.000000e+00> : vector<128x1xf32>
    %dot_general3A_2285 = tpu.matmul %slice3A_2276, %dot_general3A_1942, %dot_general3A_2284 {dimension_numbers = #tpu.dot_dimension_numbers<[1], [1], [0], [0], [0, 0, 1, 0], [], []>, transpose_lhs_hint = false} : vector<128x16xf32>, vector<1x16xf32>, vector<128x1xf32> -> vector<128x1xf32>
    %mul3A_2286 = arith.constant 2.500000e-01 : f32
    %mul3A_2287 = vector.broadcast %mul3A_2286 : f32 to vector<128x1xf32>
    %mul3A_2288 = arith.mulf %dot_general3A_2285, %mul3A_2287 : vector<128x1xf32>
    %iota3A_2289 = tpu.iota {dimensions = array<i32: 0>} : vector<128x256xi32>
    %iota3A_2290 = tpu.iota {dimensions = array<i32: 1>} : vector<128x256xi32>
    %sub3A_2291 = arith.subi %iota3A_2289, %iota3A_2290 : vector<128x256xi32>
    %add3A_2292 = arith.constant 64 : i32
    %add3A_2293 = vector.broadcast %add3A_2292 : i32 to vector<128x256xi32>
    %add3A_2294 = arith.addi %sub3A_2291, %add3A_2293 : vector<128x256xi32>
    %abs3A_2295 = math.absi %add3A_2294 : vector<128x256xi32>
    %le3A_2296 = arith.constant 64 : i32
    %le3A_2297 = vector.broadcast %le3A_2296 : i32 to vector<128x256xi32>
    %le3A_2298 = arith.cmpi sle, %abs3A_2295, %le3A_2297 : vector<128x256xi32>
    %abs3A_2299 = math.absf %mul3A_2283 : vector<128x256xf32>
    %jit3A_2300 = arith.constant 0xFF800000 : f32
    %broadcast_in_dim3A_2301 = vector.broadcast %jit3A_2300 : f32 to vector<128x256xf32>
    %select_n3A_2302 = arith.select %le3A_2298, %abs3A_2299, %broadcast_in_dim3A_2301 : vector<128x256xi1>, vector<128x256xf32>
    %reduce_max3A_2303 = arith.constant dense<0xFF800000> : vector<128xf32>
    %reduce_max3A_2304 = vector.multi_reduction <maximumf>, %select_n3A_2302, %reduce_max3A_2303 [1] : vector<128x256xf32> to vector<128xf32>
    %broadcast_in_dim3A_2305 = vector.shape_cast %reduce_max3A_2304 : vector<128xf32> to vector<128x1xf32>
    %abs3A_2306 = math.absf %mul3A_2288 : vector<128x1xf32>
    %max3A_2307 = arith.maximumf %broadcast_in_dim3A_2305, %abs3A_2306 : vector<128x1xf32>
    %sub3A_2308 = vector.broadcast %max3A_2307 : vector<128x1xf32> to vector<128x256xf32>
    %sub3A_2309 = arith.subf %abs3A_2299, %sub3A_2308 : vector<128x256xf32>
    %exp3A_2310 = math.exp %sub3A_2309 : vector<128x256xf32>
    %jit3A_2311 = arith.constant 0.000000e+00 : f32
    %broadcast_in_dim3A_2312 = vector.broadcast %jit3A_2311 : f32 to vector<128x256xf32>
    %select_n3A_2313 = arith.select %le3A_2298, %exp3A_2310, %broadcast_in_dim3A_2312 : vector<128x256xi1>, vector<128x256xf32>
    %abs3A_2314 = math.absf %mul3A_2288 : vector<128x1xf32>
    %sub3A_2315 = arith.subf %abs3A_2314, %max3A_2307 : vector<128x1xf32>
    %exp3A_2316 = math.exp %sub3A_2315 : vector<128x1xf32>
    %reduce_sum3A_2317 = arith.constant dense<0.000000e+00> : vector<128xf32>
    %reduce_sum3A_2318 = vector.multi_reduction <add>, %select_n3A_2313, %reduce_sum3A_2317 [1] : vector<128x256xf32> to vector<128xf32>
    %broadcast_in_dim3A_2319 = vector.shape_cast %reduce_sum3A_2318 : vector<128xf32> to vector<128x1xf32>
    %add3A_2320 = arith.addf %broadcast_in_dim3A_2319, %exp3A_2316 : vector<128x1xf32>
    %sign3A_2321 = tpu.bitcast %mul3A_2283 : vector<128x256xf32> -> vector<128x256xi32>
    %sign3A_2322 = arith.constant -2147483648 : i32
    %sign3A_2323 = vector.broadcast %sign3A_2322 : i32 to vector<128x256xi32>
    %sign3A_2324 = arith.andi %sign3A_2321, %sign3A_2323 : vector<128x256xi32>
    %sign3A_2325 = arith.constant 1065353216 : i32
    %sign3A_2326 = vector.broadcast %sign3A_2325 : i32 to vector<128x256xi32>
    %sign3A_2327 = arith.ori %sign3A_2326, %sign3A_2324 : vector<128x256xi32>
    %sign3A_2328 = tpu.bitcast %sign3A_2327 : vector<128x256xi32> -> vector<128x256xf32>
    %sign3A_2329 = math.absf %mul3A_2283 : vector<128x256xf32>
    %sign3A_2330 = arith.constant 0.000000e+00 : f32
    %sign3A_2331 = vector.broadcast %sign3A_2330 : f32 to vector<128x256xf32>
    %sign3A_2332 = arith.cmpf ogt, %sign3A_2329, %sign3A_2331 : vector<128x256xf32>
    %sign3A_2333 = arith.select %sign3A_2332, %sign3A_2328, %mul3A_2283 : vector<128x256xi1>, vector<128x256xf32>
    %div3A_2334 = vector.broadcast %add3A_2320 : vector<128x1xf32> to vector<128x256xf32>
    %div3A_2335 = arith.divf %select_n3A_2313, %div3A_2334 : vector<128x256xf32>
    %mul3A_2336 = arith.mulf %sign3A_2333, %div3A_2335 : vector<128x256xf32>
    %sign3A_2337 = tpu.bitcast %mul3A_2288 : vector<128x1xf32> -> vector<128x1xi32>
    %sign3A_2338 = arith.constant -2147483648 : i32
    %sign3A_2339 = vector.broadcast %sign3A_2338 : i32 to vector<128x1xi32>
    %sign3A_2340 = arith.andi %sign3A_2337, %sign3A_2339 : vector<128x1xi32>
    %sign3A_2341 = arith.constant 1065353216 : i32
    %sign3A_2342 = vector.broadcast %sign3A_2341 : i32 to vector<128x1xi32>
    %sign3A_2343 = arith.ori %sign3A_2342, %sign3A_2340 : vector<128x1xi32>
    %sign3A_2344 = tpu.bitcast %sign3A_2343 : vector<128x1xi32> -> vector<128x1xf32>
    %sign3A_2345 = math.absf %mul3A_2288 : vector<128x1xf32>
    %sign3A_2346 = arith.constant 0.000000e+00 : f32
    %sign3A_2347 = vector.broadcast %sign3A_2346 : f32 to vector<128x1xf32>
    %sign3A_2348 = arith.cmpf ogt, %sign3A_2345, %sign3A_2347 : vector<128x1xf32>
    %sign3A_2349 = arith.select %sign3A_2348, %sign3A_2344, %mul3A_2288 : vector<128x1xi1>, vector<128x1xf32>
    %div3A_2350 = arith.divf %exp3A_2316, %add3A_2320 : vector<128x1xf32>
    %mul3A_2351 = arith.mulf %sign3A_2349, %div3A_2350 : vector<128x1xf32>
    %dot_general3A_2352 = arith.constant dense<0.000000e+00> : vector<128x768xf32>
    %dot_general3A_2353 = tpu.matmul %mul3A_2336, %slice3A_2278, %dot_general3A_2352 {dimension_numbers = #tpu.dot_dimension_numbers<[1], [0], [0], [1], [0, 0, 1, 1], [], []>, transpose_lhs_hint = false} : vector<128x256xf32>, vector<256x768xf32>, vector<128x768xf32> -> vector<128x768xf32>
    %mul3A_2354 = vector.broadcast %mul3A_2351 : vector<128x1xf32> to vector<128x768xf32>
    %mul3A_2355 = vector.broadcast %add3A_1918 : vector<1x768xf32> to vector<128x768xf32>
    %mul3A_2356 = arith.mulf %mul3A_2354, %mul3A_2355 : vector<128x768xf32>
    %add3A_2357 = arith.addf %dot_general3A_2353, %mul3A_2356 : vector<128x768xf32>
    %slice3A_2358 = vector.extract_strided_slice %concatenate3A {offsets = [384, 0], sizes = [128, 768], strides = [1, 1]} : vector<2048x768xf32> to vector<128x768xf32>
    %add3A_2359 = arith.addf %slice3A_2358, %add3A_2357 : vector<128x768xf32>
    %reduce_sum3A_2360 = arith.constant dense<0.000000e+00> : vector<128xf32>
    %reduce_sum3A_2361 = vector.multi_reduction <add>, %add3A_2359, %reduce_sum3A_2360 [1] : vector<128x768xf32> to vector<128xf32>
    %broadcast_in_dim3A_2362 = vector.shape_cast %reduce_sum3A_2361 : vector<128xf32> to vector<128x1xf32>
    %div3A_2363 = arith.constant 7.680000e+02 : f32
    %div3A_2364 = vector.broadcast %div3A_2363 : f32 to vector<128x1xf32>
    %div3A_2365 = arith.divf %broadcast_in_dim3A_2362, %div3A_2364 : vector<128x1xf32>
    %sub3A_2366 = vector.broadcast %div3A_2365 : vector<128x1xf32> to vector<128x768xf32>
    %sub3A_2367 = arith.subf %add3A_2359, %sub3A_2366 : vector<128x768xf32>
    %integer_pow3A_2368 = arith.mulf %sub3A_2367, %sub3A_2367 : vector<128x768xf32>
    %reduce_sum3A_2369 = arith.constant dense<0.000000e+00> : vector<128xf32>
    %reduce_sum3A_2370 = vector.multi_reduction <add>, %integer_pow3A_2368, %reduce_sum3A_2369 [1] : vector<128x768xf32> to vector<128xf32>
    %broadcast_in_dim3A_2371 = vector.shape_cast %reduce_sum3A_2370 : vector<128xf32> to vector<128x1xf32>
    %div3A_2372 = arith.constant 7.680000e+02 : f32
    %div3A_2373 = vector.broadcast %div3A_2372 : f32 to vector<128x1xf32>
    %div3A_2374 = arith.divf %broadcast_in_dim3A_2371, %div3A_2373 : vector<128x1xf32>
    %sub3A_2375 = vector.broadcast %div3A_2365 : vector<128x1xf32> to vector<128x768xf32>
    %sub3A_2376 = arith.subf %add3A_2359, %sub3A_2375 : vector<128x768xf32>
    %add3A_2377 = arith.constant 9.99999974E-6 : f32
    %add3A_2378 = vector.broadcast %add3A_2377 : f32 to vector<128x1xf32>
    %add3A_2379 = arith.addf %div3A_2374, %add3A_2378 : vector<128x1xf32>
    %rsqrt3A_2380 = math.rsqrt %add3A_2379 : vector<128x1xf32>
    %mul3A_2381 = vector.broadcast %rsqrt3A_2380 : vector<128x1xf32> to vector<128x768xf32>
    %mul3A_2382 = arith.mulf %sub3A_2376, %mul3A_2381 : vector<128x768xf32>
    %mul3A_2383 = vector.broadcast %get3A_1931 : vector<1x768xf32> to vector<128x768xf32>
    %mul3A_2384 = arith.mulf %mul3A_2382, %mul3A_2383 : vector<128x768xf32>
    %add3A_2385 = vector.broadcast %get3A_1934 : vector<1x768xf32> to vector<128x768xf32>
    %add3A_2386 = arith.addf %mul3A_2384, %add3A_2385 : vector<128x768xf32>
    %slice3A_2387 = vector.extract_strided_slice %dot_general3A_1936 {offsets = [512, 0], sizes = [128, 16], strides = [1, 1]} : vector<2048x16xf32> to vector<128x16xf32>
    %slice3A_2388 = vector.extract_strided_slice %dot_general3A_1938 {offsets = [448, 0], sizes = [256, 16], strides = [1, 1]} : vector<2048x16xf32> to vector<256x16xf32>
    %slice3A_2389 = vector.extract_strided_slice %concatenate3A {offsets = [448, 0], sizes = [256, 768], strides = [1, 1]} : vector<2048x768xf32> to vector<256x768xf32>
    %dot_general3A_2390 = arith.constant dense<0.000000e+00> : vector<128x256xf32>
    %dot_general3A_2391 = tpu.matmul %slice3A_2387, %slice3A_2388, %dot_general3A_2390 {dimension_numbers = #tpu.dot_dimension_numbers<[1], [1], [0], [0], [0, 0, 1, 0], [], []>, transpose_lhs_hint = false} : vector<128x16xf32>, vector<256x16xf32>, vector<128x256xf32> -> vector<128x256xf32>
    %mul3A_2392 = arith.constant 2.500000e-01 : f32
    %mul3A_2393 = vector.broadcast %mul3A_2392 : f32 to vector<128x256xf32>
    %mul3A_2394 = arith.mulf %dot_general3A_2391, %mul3A_2393 : vector<128x256xf32>
    %dot_general3A_2395 = arith.constant dense<0.000000e+00> : vector<128x1xf32>
    %dot_general3A_2396 = tpu.matmul %slice3A_2387, %dot_general3A_1942, %dot_general3A_2395 {dimension_numbers = #tpu.dot_dimension_numbers<[1], [1], [0], [0], [0, 0, 1, 0], [], []>, transpose_lhs_hint = false} : vector<128x16xf32>, vector<1x16xf32>, vector<128x1xf32> -> vector<128x1xf32>
    %mul3A_2397 = arith.constant 2.500000e-01 : f32
    %mul3A_2398 = vector.broadcast %mul3A_2397 : f32 to vector<128x1xf32>
    %mul3A_2399 = arith.mulf %dot_general3A_2396, %mul3A_2398 : vector<128x1xf32>
    %iota3A_2400 = tpu.iota {dimensions = array<i32: 0>} : vector<128x256xi32>
    %iota3A_2401 = tpu.iota {dimensions = array<i32: 1>} : vector<128x256xi32>
    %sub3A_2402 = arith.subi %iota3A_2400, %iota3A_2401 : vector<128x256xi32>
    %add3A_2403 = arith.constant 64 : i32
    %add3A_2404 = vector.broadcast %add3A_2403 : i32 to vector<128x256xi32>
    %add3A_2405 = arith.addi %sub3A_2402, %add3A_2404 : vector<128x256xi32>
    %abs3A_2406 = math.absi %add3A_2405 : vector<128x256xi32>
    %le3A_2407 = arith.constant 64 : i32
    %le3A_2408 = vector.broadcast %le3A_2407 : i32 to vector<128x256xi32>
    %le3A_2409 = arith.cmpi sle, %abs3A_2406, %le3A_2408 : vector<128x256xi32>
    %abs3A_2410 = math.absf %mul3A_2394 : vector<128x256xf32>
    %jit3A_2411 = arith.constant 0xFF800000 : f32
    %broadcast_in_dim3A_2412 = vector.broadcast %jit3A_2411 : f32 to vector<128x256xf32>
    %select_n3A_2413 = arith.select %le3A_2409, %abs3A_2410, %broadcast_in_dim3A_2412 : vector<128x256xi1>, vector<128x256xf32>
    %reduce_max3A_2414 = arith.constant dense<0xFF800000> : vector<128xf32>
    %reduce_max3A_2415 = vector.multi_reduction <maximumf>, %select_n3A_2413, %reduce_max3A_2414 [1] : vector<128x256xf32> to vector<128xf32>
    %broadcast_in_dim3A_2416 = vector.shape_cast %reduce_max3A_2415 : vector<128xf32> to vector<128x1xf32>
    %abs3A_2417 = math.absf %mul3A_2399 : vector<128x1xf32>
    %max3A_2418 = arith.maximumf %broadcast_in_dim3A_2416, %abs3A_2417 : vector<128x1xf32>
    %sub3A_2419 = vector.broadcast %max3A_2418 : vector<128x1xf32> to vector<128x256xf32>
    %sub3A_2420 = arith.subf %abs3A_2410, %sub3A_2419 : vector<128x256xf32>
    %exp3A_2421 = math.exp %sub3A_2420 : vector<128x256xf32>
    %jit3A_2422 = arith.constant 0.000000e+00 : f32
    %broadcast_in_dim3A_2423 = vector.broadcast %jit3A_2422 : f32 to vector<128x256xf32>
    %select_n3A_2424 = arith.select %le3A_2409, %exp3A_2421, %broadcast_in_dim3A_2423 : vector<128x256xi1>, vector<128x256xf32>
    %abs3A_2425 = math.absf %mul3A_2399 : vector<128x1xf32>
    %sub3A_2426 = arith.subf %abs3A_2425, %max3A_2418 : vector<128x1xf32>
    %exp3A_2427 = math.exp %sub3A_2426 : vector<128x1xf32>
    %reduce_sum3A_2428 = arith.constant dense<0.000000e+00> : vector<128xf32>
    %reduce_sum3A_2429 = vector.multi_reduction <add>, %select_n3A_2424, %reduce_sum3A_2428 [1] : vector<128x256xf32> to vector<128xf32>
    %broadcast_in_dim3A_2430 = vector.shape_cast %reduce_sum3A_2429 : vector<128xf32> to vector<128x1xf32>
    %add3A_2431 = arith.addf %broadcast_in_dim3A_2430, %exp3A_2427 : vector<128x1xf32>
    %sign3A_2432 = tpu.bitcast %mul3A_2394 : vector<128x256xf32> -> vector<128x256xi32>
    %sign3A_2433 = arith.constant -2147483648 : i32
    %sign3A_2434 = vector.broadcast %sign3A_2433 : i32 to vector<128x256xi32>
    %sign3A_2435 = arith.andi %sign3A_2432, %sign3A_2434 : vector<128x256xi32>
    %sign3A_2436 = arith.constant 1065353216 : i32
    %sign3A_2437 = vector.broadcast %sign3A_2436 : i32 to vector<128x256xi32>
    %sign3A_2438 = arith.ori %sign3A_2437, %sign3A_2435 : vector<128x256xi32>
    %sign3A_2439 = tpu.bitcast %sign3A_2438 : vector<128x256xi32> -> vector<128x256xf32>
    %sign3A_2440 = math.absf %mul3A_2394 : vector<128x256xf32>
    %sign3A_2441 = arith.constant 0.000000e+00 : f32
    %sign3A_2442 = vector.broadcast %sign3A_2441 : f32 to vector<128x256xf32>
    %sign3A_2443 = arith.cmpf ogt, %sign3A_2440, %sign3A_2442 : vector<128x256xf32>
    %sign3A_2444 = arith.select %sign3A_2443, %sign3A_2439, %mul3A_2394 : vector<128x256xi1>, vector<128x256xf32>
    %div3A_2445 = vector.broadcast %add3A_2431 : vector<128x1xf32> to vector<128x256xf32>
    %div3A_2446 = arith.divf %select_n3A_2424, %div3A_2445 : vector<128x256xf32>
    %mul3A_2447 = arith.mulf %sign3A_2444, %div3A_2446 : vector<128x256xf32>
    %sign3A_2448 = tpu.bitcast %mul3A_2399 : vector<128x1xf32> -> vector<128x1xi32>
    %sign3A_2449 = arith.constant -2147483648 : i32
    %sign3A_2450 = vector.broadcast %sign3A_2449 : i32 to vector<128x1xi32>
    %sign3A_2451 = arith.andi %sign3A_2448, %sign3A_2450 : vector<128x1xi32>
    %sign3A_2452 = arith.constant 1065353216 : i32
    %sign3A_2453 = vector.broadcast %sign3A_2452 : i32 to vector<128x1xi32>
    %sign3A_2454 = arith.ori %sign3A_2453, %sign3A_2451 : vector<128x1xi32>
    %sign3A_2455 = tpu.bitcast %sign3A_2454 : vector<128x1xi32> -> vector<128x1xf32>
    %sign3A_2456 = math.absf %mul3A_2399 : vector<128x1xf32>
    %sign3A_2457 = arith.constant 0.000000e+00 : f32
    %sign3A_2458 = vector.broadcast %sign3A_2457 : f32 to vector<128x1xf32>
    %sign3A_2459 = arith.cmpf ogt, %sign3A_2456, %sign3A_2458 : vector<128x1xf32>
    %sign3A_2460 = arith.select %sign3A_2459, %sign3A_2455, %mul3A_2399 : vector<128x1xi1>, vector<128x1xf32>
    %div3A_2461 = arith.divf %exp3A_2427, %add3A_2431 : vector<128x1xf32>
    %mul3A_2462 = arith.mulf %sign3A_2460, %div3A_2461 : vector<128x1xf32>
    %dot_general3A_2463 = arith.constant dense<0.000000e+00> : vector<128x768xf32>
    %dot_general3A_2464 = tpu.matmul %mul3A_2447, %slice3A_2389, %dot_general3A_2463 {dimension_numbers = #tpu.dot_dimension_numbers<[1], [0], [0], [1], [0, 0, 1, 1], [], []>, transpose_lhs_hint = false} : vector<128x256xf32>, vector<256x768xf32>, vector<128x768xf32> -> vector<128x768xf32>
    %mul3A_2465 = vector.broadcast %mul3A_2462 : vector<128x1xf32> to vector<128x768xf32>
    %mul3A_2466 = vector.broadcast %add3A_1918 : vector<1x768xf32> to vector<128x768xf32>
    %mul3A_2467 = arith.mulf %mul3A_2465, %mul3A_2466 : vector<128x768xf32>
    %add3A_2468 = arith.addf %dot_general3A_2464, %mul3A_2467 : vector<128x768xf32>
    %slice3A_2469 = vector.extract_strided_slice %concatenate3A {offsets = [512, 0], sizes = [128, 768], strides = [1, 1]} : vector<2048x768xf32> to vector<128x768xf32>
    %add3A_2470 = arith.addf %slice3A_2469, %add3A_2468 : vector<128x768xf32>
    %reduce_sum3A_2471 = arith.constant dense<0.000000e+00> : vector<128xf32>
    %reduce_sum3A_2472 = vector.multi_reduction <add>, %add3A_2470, %reduce_sum3A_2471 [1] : vector<128x768xf32> to vector<128xf32>
    %broadcast_in_dim3A_2473 = vector.shape_cast %reduce_sum3A_2472 : vector<128xf32> to vector<128x1xf32>
    %div3A_2474 = arith.constant 7.680000e+02 : f32
    %div3A_2475 = vector.broadcast %div3A_2474 : f32 to vector<128x1xf32>
    %div3A_2476 = arith.divf %broadcast_in_dim3A_2473, %div3A_2475 : vector<128x1xf32>
    %sub3A_2477 = vector.broadcast %div3A_2476 : vector<128x1xf32> to vector<128x768xf32>
    %sub3A_2478 = arith.subf %add3A_2470, %sub3A_2477 : vector<128x768xf32>
    %integer_pow3A_2479 = arith.mulf %sub3A_2478, %sub3A_2478 : vector<128x768xf32>
    %reduce_sum3A_2480 = arith.constant dense<0.000000e+00> : vector<128xf32>
    %reduce_sum3A_2481 = vector.multi_reduction <add>, %integer_pow3A_2479, %reduce_sum3A_2480 [1] : vector<128x768xf32> to vector<128xf32>
    %broadcast_in_dim3A_2482 = vector.shape_cast %reduce_sum3A_2481 : vector<128xf32> to vector<128x1xf32>
    %div3A_2483 = arith.constant 7.680000e+02 : f32
    %div3A_2484 = vector.broadcast %div3A_2483 : f32 to vector<128x1xf32>
    %div3A_2485 = arith.divf %broadcast_in_dim3A_2482, %div3A_2484 : vector<128x1xf32>
    %sub3A_2486 = vector.broadcast %div3A_2476 : vector<128x1xf32> to vector<128x768xf32>
    %sub3A_2487 = arith.subf %add3A_2470, %sub3A_2486 : vector<128x768xf32>
    %add3A_2488 = arith.constant 9.99999974E-6 : f32
    %add3A_2489 = vector.broadcast %add3A_2488 : f32 to vector<128x1xf32>
    %add3A_2490 = arith.addf %div3A_2485, %add3A_2489 : vector<128x1xf32>
    %rsqrt3A_2491 = math.rsqrt %add3A_2490 : vector<128x1xf32>
    %mul3A_2492 = vector.broadcast %rsqrt3A_2491 : vector<128x1xf32> to vector<128x768xf32>
    %mul3A_2493 = arith.mulf %sub3A_2487, %mul3A_2492 : vector<128x768xf32>
    %mul3A_2494 = vector.broadcast %get3A_1931 : vector<1x768xf32> to vector<128x768xf32>
    %mul3A_2495 = arith.mulf %mul3A_2493, %mul3A_2494 : vector<128x768xf32>
    %add3A_2496 = vector.broadcast %get3A_1934 : vector<1x768xf32> to vector<128x768xf32>
    %add3A_2497 = arith.addf %mul3A_2495, %add3A_2496 : vector<128x768xf32>
    %slice3A_2498 = vector.extract_strided_slice %dot_general3A_1936 {offsets = [640, 0], sizes = [128, 16], strides = [1, 1]} : vector<2048x16xf32> to vector<128x16xf32>
    %slice3A_2499 = vector.extract_strided_slice %dot_general3A_1938 {offsets = [576, 0], sizes = [256, 16], strides = [1, 1]} : vector<2048x16xf32> to vector<256x16xf32>
    %slice3A_2500 = vector.extract_strided_slice %concatenate3A {offsets = [576, 0], sizes = [256, 768], strides = [1, 1]} : vector<2048x768xf32> to vector<256x768xf32>
    %dot_general3A_2501 = arith.constant dense<0.000000e+00> : vector<128x256xf32>
    %dot_general3A_2502 = tpu.matmul %slice3A_2498, %slice3A_2499, %dot_general3A_2501 {dimension_numbers = #tpu.dot_dimension_numbers<[1], [1], [0], [0], [0, 0, 1, 0], [], []>, transpose_lhs_hint = false} : vector<128x16xf32>, vector<256x16xf32>, vector<128x256xf32> -> vector<128x256xf32>
    %mul3A_2503 = arith.constant 2.500000e-01 : f32
    %mul3A_2504 = vector.broadcast %mul3A_2503 : f32 to vector<128x256xf32>
    %mul3A_2505 = arith.mulf %dot_general3A_2502, %mul3A_2504 : vector<128x256xf32>
    %dot_general3A_2506 = arith.constant dense<0.000000e+00> : vector<128x1xf32>
    %dot_general3A_2507 = tpu.matmul %slice3A_2498, %dot_general3A_1942, %dot_general3A_2506 {dimension_numbers = #tpu.dot_dimension_numbers<[1], [1], [0], [0], [0, 0, 1, 0], [], []>, transpose_lhs_hint = false} : vector<128x16xf32>, vector<1x16xf32>, vector<128x1xf32> -> vector<128x1xf32>
    %mul3A_2508 = arith.constant 2.500000e-01 : f32
    %mul3A_2509 = vector.broadcast %mul3A_2508 : f32 to vector<128x1xf32>
    %mul3A_2510 = arith.mulf %dot_general3A_2507, %mul3A_2509 : vector<128x1xf32>
    %iota3A_2511 = tpu.iota {dimensions = array<i32: 0>} : vector<128x256xi32>
    %iota3A_2512 = tpu.iota {dimensions = array<i32: 1>} : vector<128x256xi32>
    %sub3A_2513 = arith.subi %iota3A_2511, %iota3A_2512 : vector<128x256xi32>
    %add3A_2514 = arith.constant 64 : i32
    %add3A_2515 = vector.broadcast %add3A_2514 : i32 to vector<128x256xi32>
    %add3A_2516 = arith.addi %sub3A_2513, %add3A_2515 : vector<128x256xi32>
    %abs3A_2517 = math.absi %add3A_2516 : vector<128x256xi32>
    %le3A_2518 = arith.constant 64 : i32
    %le3A_2519 = vector.broadcast %le3A_2518 : i32 to vector<128x256xi32>
    %le3A_2520 = arith.cmpi sle, %abs3A_2517, %le3A_2519 : vector<128x256xi32>
    %abs3A_2521 = math.absf %mul3A_2505 : vector<128x256xf32>
    %jit3A_2522 = arith.constant 0xFF800000 : f32
    %broadcast_in_dim3A_2523 = vector.broadcast %jit3A_2522 : f32 to vector<128x256xf32>
    %select_n3A_2524 = arith.select %le3A_2520, %abs3A_2521, %broadcast_in_dim3A_2523 : vector<128x256xi1>, vector<128x256xf32>
    %reduce_max3A_2525 = arith.constant dense<0xFF800000> : vector<128xf32>
    %reduce_max3A_2526 = vector.multi_reduction <maximumf>, %select_n3A_2524, %reduce_max3A_2525 [1] : vector<128x256xf32> to vector<128xf32>
    %broadcast_in_dim3A_2527 = vector.shape_cast %reduce_max3A_2526 : vector<128xf32> to vector<128x1xf32>
    %abs3A_2528 = math.absf %mul3A_2510 : vector<128x1xf32>
    %max3A_2529 = arith.maximumf %broadcast_in_dim3A_2527, %abs3A_2528 : vector<128x1xf32>
    %sub3A_2530 = vector.broadcast %max3A_2529 : vector<128x1xf32> to vector<128x256xf32>
    %sub3A_2531 = arith.subf %abs3A_2521, %sub3A_2530 : vector<128x256xf32>
    %exp3A_2532 = math.exp %sub3A_2531 : vector<128x256xf32>
    %jit3A_2533 = arith.constant 0.000000e+00 : f32
    %broadcast_in_dim3A_2534 = vector.broadcast %jit3A_2533 : f32 to vector<128x256xf32>
    %select_n3A_2535 = arith.select %le3A_2520, %exp3A_2532, %broadcast_in_dim3A_2534 : vector<128x256xi1>, vector<128x256xf32>
    %abs3A_2536 = math.absf %mul3A_2510 : vector<128x1xf32>
    %sub3A_2537 = arith.subf %abs3A_2536, %max3A_2529 : vector<128x1xf32>
    %exp3A_2538 = math.exp %sub3A_2537 : vector<128x1xf32>
    %reduce_sum3A_2539 = arith.constant dense<0.000000e+00> : vector<128xf32>
    %reduce_sum3A_2540 = vector.multi_reduction <add>, %select_n3A_2535, %reduce_sum3A_2539 [1] : vector<128x256xf32> to vector<128xf32>
    %broadcast_in_dim3A_2541 = vector.shape_cast %reduce_sum3A_2540 : vector<128xf32> to vector<128x1xf32>
    %add3A_2542 = arith.addf %broadcast_in_dim3A_2541, %exp3A_2538 : vector<128x1xf32>
    %sign3A_2543 = tpu.bitcast %mul3A_2505 : vector<128x256xf32> -> vector<128x256xi32>
    %sign3A_2544 = arith.constant -2147483648 : i32
    %sign3A_2545 = vector.broadcast %sign3A_2544 : i32 to vector<128x256xi32>
    %sign3A_2546 = arith.andi %sign3A_2543, %sign3A_2545 : vector<128x256xi32>
    %sign3A_2547 = arith.constant 1065353216 : i32
    %sign3A_2548 = vector.broadcast %sign3A_2547 : i32 to vector<128x256xi32>
    %sign3A_2549 = arith.ori %sign3A_2548, %sign3A_2546 : vector<128x256xi32>
    %sign3A_2550 = tpu.bitcast %sign3A_2549 : vector<128x256xi32> -> vector<128x256xf32>
    %sign3A_2551 = math.absf %mul3A_2505 : vector<128x256xf32>
    %sign3A_2552 = arith.constant 0.000000e+00 : f32
    %sign3A_2553 = vector.broadcast %sign3A_2552 : f32 to vector<128x256xf32>
    %sign3A_2554 = arith.cmpf ogt, %sign3A_2551, %sign3A_2553 : vector<128x256xf32>
    %sign3A_2555 = arith.select %sign3A_2554, %sign3A_2550, %mul3A_2505 : vector<128x256xi1>, vector<128x256xf32>
    %div3A_2556 = vector.broadcast %add3A_2542 : vector<128x1xf32> to vector<128x256xf32>
    %div3A_2557 = arith.divf %select_n3A_2535, %div3A_2556 : vector<128x256xf32>
    %mul3A_2558 = arith.mulf %sign3A_2555, %div3A_2557 : vector<128x256xf32>
    %sign3A_2559 = tpu.bitcast %mul3A_2510 : vector<128x1xf32> -> vector<128x1xi32>
    %sign3A_2560 = arith.constant -2147483648 : i32
    %sign3A_2561 = vector.broadcast %sign3A_2560 : i32 to vector<128x1xi32>
    %sign3A_2562 = arith.andi %sign3A_2559, %sign3A_2561 : vector<128x1xi32>
    %sign3A_2563 = arith.constant 1065353216 : i32
    %sign3A_2564 = vector.broadcast %sign3A_2563 : i32 to vector<128x1xi32>
    %sign3A_2565 = arith.ori %sign3A_2564, %sign3A_2562 : vector<128x1xi32>
    %sign3A_2566 = tpu.bitcast %sign3A_2565 : vector<128x1xi32> -> vector<128x1xf32>
    %sign3A_2567 = math.absf %mul3A_2510 : vector<128x1xf32>
    %sign3A_2568 = arith.constant 0.000000e+00 : f32
    %sign3A_2569 = vector.broadcast %sign3A_2568 : f32 to vector<128x1xf32>
    %sign3A_2570 = arith.cmpf ogt, %sign3A_2567, %sign3A_2569 : vector<128x1xf32>
    %sign3A_2571 = arith.select %sign3A_2570, %sign3A_2566, %mul3A_2510 : vector<128x1xi1>, vector<128x1xf32>
    %div3A_2572 = arith.divf %exp3A_2538, %add3A_2542 : vector<128x1xf32>
    %mul3A_2573 = arith.mulf %sign3A_2571, %div3A_2572 : vector<128x1xf32>
    %dot_general3A_2574 = arith.constant dense<0.000000e+00> : vector<128x768xf32>
    %dot_general3A_2575 = tpu.matmul %mul3A_2558, %slice3A_2500, %dot_general3A_2574 {dimension_numbers = #tpu.dot_dimension_numbers<[1], [0], [0], [1], [0, 0, 1, 1], [], []>, transpose_lhs_hint = false} : vector<128x256xf32>, vector<256x768xf32>, vector<128x768xf32> -> vector<128x768xf32>
    %mul3A_2576 = vector.broadcast %mul3A_2573 : vector<128x1xf32> to vector<128x768xf32>
    %mul3A_2577 = vector.broadcast %add3A_1918 : vector<1x768xf32> to vector<128x768xf32>
    %mul3A_2578 = arith.mulf %mul3A_2576, %mul3A_2577 : vector<128x768xf32>
    %add3A_2579 = arith.addf %dot_general3A_2575, %mul3A_2578 : vector<128x768xf32>
    %slice3A_2580 = vector.extract_strided_slice %concatenate3A {offsets = [640, 0], sizes = [128, 768], strides = [1, 1]} : vector<2048x768xf32> to vector<128x768xf32>
    %add3A_2581 = arith.addf %slice3A_2580, %add3A_2579 : vector<128x768xf32>
    %reduce_sum3A_2582 = arith.constant dense<0.000000e+00> : vector<128xf32>
    %reduce_sum3A_2583 = vector.multi_reduction <add>, %add3A_2581, %reduce_sum3A_2582 [1] : vector<128x768xf32> to vector<128xf32>
    %broadcast_in_dim3A_2584 = vector.shape_cast %reduce_sum3A_2583 : vector<128xf32> to vector<128x1xf32>
    %div3A_2585 = arith.constant 7.680000e+02 : f32
    %div3A_2586 = vector.broadcast %div3A_2585 : f32 to vector<128x1xf32>
    %div3A_2587 = arith.divf %broadcast_in_dim3A_2584, %div3A_2586 : vector<128x1xf32>
    %sub3A_2588 = vector.broadcast %div3A_2587 : vector<128x1xf32> to vector<128x768xf32>
    %sub3A_2589 = arith.subf %add3A_2581, %sub3A_2588 : vector<128x768xf32>
    %integer_pow3A_2590 = arith.mulf %sub3A_2589, %sub3A_2589 : vector<128x768xf32>
    %reduce_sum3A_2591 = arith.constant dense<0.000000e+00> : vector<128xf32>
    %reduce_sum3A_2592 = vector.multi_reduction <add>, %integer_pow3A_2590, %reduce_sum3A_2591 [1] : vector<128x768xf32> to vector<128xf32>
    %broadcast_in_dim3A_2593 = vector.shape_cast %reduce_sum3A_2592 : vector<128xf32> to vector<128x1xf32>
    %div3A_2594 = arith.constant 7.680000e+02 : f32
    %div3A_2595 = vector.broadcast %div3A_2594 : f32 to vector<128x1xf32>
    %div3A_2596 = arith.divf %broadcast_in_dim3A_2593, %div3A_2595 : vector<128x1xf32>
    %sub3A_2597 = vector.broadcast %div3A_2587 : vector<128x1xf32> to vector<128x768xf32>
    %sub3A_2598 = arith.subf %add3A_2581, %sub3A_2597 : vector<128x768xf32>
    %add3A_2599 = arith.constant 9.99999974E-6 : f32
    %add3A_2600 = vector.broadcast %add3A_2599 : f32 to vector<128x1xf32>
    %add3A_2601 = arith.addf %div3A_2596, %add3A_2600 : vector<128x1xf32>
    %rsqrt3A_2602 = math.rsqrt %add3A_2601 : vector<128x1xf32>
    %mul3A_2603 = vector.broadcast %rsqrt3A_2602 : vector<128x1xf32> to vector<128x768xf32>
    %mul3A_2604 = arith.mulf %sub3A_2598, %mul3A_2603 : vector<128x768xf32>
    %mul3A_2605 = vector.broadcast %get3A_1931 : vector<1x768xf32> to vector<128x768xf32>
    %mul3A_2606 = arith.mulf %mul3A_2604, %mul3A_2605 : vector<128x768xf32>
    %add3A_2607 = vector.broadcast %get3A_1934 : vector<1x768xf32> to vector<128x768xf32>
    %add3A_2608 = arith.addf %mul3A_2606, %add3A_2607 : vector<128x768xf32>
    %slice3A_2609 = vector.extract_strided_slice %dot_general3A_1936 {offsets = [768, 0], sizes = [128, 16], strides = [1, 1]} : vector<2048x16xf32> to vector<128x16xf32>
    %slice3A_2610 = vector.extract_strided_slice %dot_general3A_1938 {offsets = [704, 0], sizes = [256, 16], strides = [1, 1]} : vector<2048x16xf32> to vector<256x16xf32>
    %slice3A_2611 = vector.extract_strided_slice %concatenate3A {offsets = [704, 0], sizes = [256, 768], strides = [1, 1]} : vector<2048x768xf32> to vector<256x768xf32>
    %dot_general3A_2612 = arith.constant dense<0.000000e+00> : vector<128x256xf32>
    %dot_general3A_2613 = tpu.matmul %slice3A_2609, %slice3A_2610, %dot_general3A_2612 {dimension_numbers = #tpu.dot_dimension_numbers<[1], [1], [0], [0], [0, 0, 1, 0], [], []>, transpose_lhs_hint = false} : vector<128x16xf32>, vector<256x16xf32>, vector<128x256xf32> -> vector<128x256xf32>
    %mul3A_2614 = arith.constant 2.500000e-01 : f32
    %mul3A_2615 = vector.broadcast %mul3A_2614 : f32 to vector<128x256xf32>
    %mul3A_2616 = arith.mulf %dot_general3A_2613, %mul3A_2615 : vector<128x256xf32>
    %dot_general3A_2617 = arith.constant dense<0.000000e+00> : vector<128x1xf32>
    %dot_general3A_2618 = tpu.matmul %slice3A_2609, %dot_general3A_1942, %dot_general3A_2617 {dimension_numbers = #tpu.dot_dimension_numbers<[1], [1], [0], [0], [0, 0, 1, 0], [], []>, transpose_lhs_hint = false} : vector<128x16xf32>, vector<1x16xf32>, vector<128x1xf32> -> vector<128x1xf32>
    %mul3A_2619 = arith.constant 2.500000e-01 : f32
    %mul3A_2620 = vector.broadcast %mul3A_2619 : f32 to vector<128x1xf32>
    %mul3A_2621 = arith.mulf %dot_general3A_2618, %mul3A_2620 : vector<128x1xf32>
    %iota3A_2622 = tpu.iota {dimensions = array<i32: 0>} : vector<128x256xi32>
    %iota3A_2623 = tpu.iota {dimensions = array<i32: 1>} : vector<128x256xi32>
    %sub3A_2624 = arith.subi %iota3A_2622, %iota3A_2623 : vector<128x256xi32>
    %add3A_2625 = arith.constant 64 : i32
    %add3A_2626 = vector.broadcast %add3A_2625 : i32 to vector<128x256xi32>
    %add3A_2627 = arith.addi %sub3A_2624, %add3A_2626 : vector<128x256xi32>
    %abs3A_2628 = math.absi %add3A_2627 : vector<128x256xi32>
    %le3A_2629 = arith.constant 64 : i32
    %le3A_2630 = vector.broadcast %le3A_2629 : i32 to vector<128x256xi32>
    %le3A_2631 = arith.cmpi sle, %abs3A_2628, %le3A_2630 : vector<128x256xi32>
    %abs3A_2632 = math.absf %mul3A_2616 : vector<128x256xf32>
    %jit3A_2633 = arith.constant 0xFF800000 : f32
    %broadcast_in_dim3A_2634 = vector.broadcast %jit3A_2633 : f32 to vector<128x256xf32>
    %select_n3A_2635 = arith.select %le3A_2631, %abs3A_2632, %broadcast_in_dim3A_2634 : vector<128x256xi1>, vector<128x256xf32>
    %reduce_max3A_2636 = arith.constant dense<0xFF800000> : vector<128xf32>
    %reduce_max3A_2637 = vector.multi_reduction <maximumf>, %select_n3A_2635, %reduce_max3A_2636 [1] : vector<128x256xf32> to vector<128xf32>
    %broadcast_in_dim3A_2638 = vector.shape_cast %reduce_max3A_2637 : vector<128xf32> to vector<128x1xf32>
    %abs3A_2639 = math.absf %mul3A_2621 : vector<128x1xf32>
    %max3A_2640 = arith.maximumf %broadcast_in_dim3A_2638, %abs3A_2639 : vector<128x1xf32>
    %sub3A_2641 = vector.broadcast %max3A_2640 : vector<128x1xf32> to vector<128x256xf32>
    %sub3A_2642 = arith.subf %abs3A_2632, %sub3A_2641 : vector<128x256xf32>
    %exp3A_2643 = math.exp %sub3A_2642 : vector<128x256xf32>
    %jit3A_2644 = arith.constant 0.000000e+00 : f32
    %broadcast_in_dim3A_2645 = vector.broadcast %jit3A_2644 : f32 to vector<128x256xf32>
    %select_n3A_2646 = arith.select %le3A_2631, %exp3A_2643, %broadcast_in_dim3A_2645 : vector<128x256xi1>, vector<128x256xf32>
    %abs3A_2647 = math.absf %mul3A_2621 : vector<128x1xf32>
    %sub3A_2648 = arith.subf %abs3A_2647, %max3A_2640 : vector<128x1xf32>
    %exp3A_2649 = math.exp %sub3A_2648 : vector<128x1xf32>
    %reduce_sum3A_2650 = arith.constant dense<0.000000e+00> : vector<128xf32>
    %reduce_sum3A_2651 = vector.multi_reduction <add>, %select_n3A_2646, %reduce_sum3A_2650 [1] : vector<128x256xf32> to vector<128xf32>
    %broadcast_in_dim3A_2652 = vector.shape_cast %reduce_sum3A_2651 : vector<128xf32> to vector<128x1xf32>
    %add3A_2653 = arith.addf %broadcast_in_dim3A_2652, %exp3A_2649 : vector<128x1xf32>
    %sign3A_2654 = tpu.bitcast %mul3A_2616 : vector<128x256xf32> -> vector<128x256xi32>
    %sign3A_2655 = arith.constant -2147483648 : i32
    %sign3A_2656 = vector.broadcast %sign3A_2655 : i32 to vector<128x256xi32>
    %sign3A_2657 = arith.andi %sign3A_2654, %sign3A_2656 : vector<128x256xi32>
    %sign3A_2658 = arith.constant 1065353216 : i32
    %sign3A_2659 = vector.broadcast %sign3A_2658 : i32 to vector<128x256xi32>
    %sign3A_2660 = arith.ori %sign3A_2659, %sign3A_2657 : vector<128x256xi32>
    %sign3A_2661 = tpu.bitcast %sign3A_2660 : vector<128x256xi32> -> vector<128x256xf32>
    %sign3A_2662 = math.absf %mul3A_2616 : vector<128x256xf32>
    %sign3A_2663 = arith.constant 0.000000e+00 : f32
    %sign3A_2664 = vector.broadcast %sign3A_2663 : f32 to vector<128x256xf32>
    %sign3A_2665 = arith.cmpf ogt, %sign3A_2662, %sign3A_2664 : vector<128x256xf32>
    %sign3A_2666 = arith.select %sign3A_2665, %sign3A_2661, %mul3A_2616 : vector<128x256xi1>, vector<128x256xf32>
    %div3A_2667 = vector.broadcast %add3A_2653 : vector<128x1xf32> to vector<128x256xf32>
    %div3A_2668 = arith.divf %select_n3A_2646, %div3A_2667 : vector<128x256xf32>
    %mul3A_2669 = arith.mulf %sign3A_2666, %div3A_2668 : vector<128x256xf32>
    %sign3A_2670 = tpu.bitcast %mul3A_2621 : vector<128x1xf32> -> vector<128x1xi32>
    %sign3A_2671 = arith.constant -2147483648 : i32
    %sign3A_2672 = vector.broadcast %sign3A_2671 : i32 to vector<128x1xi32>
    %sign3A_2673 = arith.andi %sign3A_2670, %sign3A_2672 : vector<128x1xi32>
    %sign3A_2674 = arith.constant 1065353216 : i32
    %sign3A_2675 = vector.broadcast %sign3A_2674 : i32 to vector<128x1xi32>
    %sign3A_2676 = arith.ori %sign3A_2675, %sign3A_2673 : vector<128x1xi32>
    %sign3A_2677 = tpu.bitcast %sign3A_2676 : vector<128x1xi32> -> vector<128x1xf32>
    %sign3A_2678 = math.absf %mul3A_2621 : vector<128x1xf32>
    %sign3A_2679 = arith.constant 0.000000e+00 : f32
    %sign3A_2680 = vector.broadcast %sign3A_2679 : f32 to vector<128x1xf32>
    %sign3A_2681 = arith.cmpf ogt, %sign3A_2678, %sign3A_2680 : vector<128x1xf32>
    %sign3A_2682 = arith.select %sign3A_2681, %sign3A_2677, %mul3A_2621 : vector<128x1xi1>, vector<128x1xf32>
    %div3A_2683 = arith.divf %exp3A_2649, %add3A_2653 : vector<128x1xf32>
    %mul3A_2684 = arith.mulf %sign3A_2682, %div3A_2683 : vector<128x1xf32>
    %dot_general3A_2685 = arith.constant dense<0.000000e+00> : vector<128x768xf32>
    %dot_general3A_2686 = tpu.matmul %mul3A_2669, %slice3A_2611, %dot_general3A_2685 {dimension_numbers = #tpu.dot_dimension_numbers<[1], [0], [0], [1], [0, 0, 1, 1], [], []>, transpose_lhs_hint = false} : vector<128x256xf32>, vector<256x768xf32>, vector<128x768xf32> -> vector<128x768xf32>
    %mul3A_2687 = vector.broadcast %mul3A_2684 : vector<128x1xf32> to vector<128x768xf32>
    %mul3A_2688 = vector.broadcast %add3A_1918 : vector<1x768xf32> to vector<128x768xf32>
    %mul3A_2689 = arith.mulf %mul3A_2687, %mul3A_2688 : vector<128x768xf32>
    %add3A_2690 = arith.addf %dot_general3A_2686, %mul3A_2689 : vector<128x768xf32>
    %slice3A_2691 = vector.extract_strided_slice %concatenate3A {offsets = [768, 0], sizes = [128, 768], strides = [1, 1]} : vector<2048x768xf32> to vector<128x768xf32>
    %add3A_2692 = arith.addf %slice3A_2691, %add3A_2690 : vector<128x768xf32>
    %reduce_sum3A_2693 = arith.constant dense<0.000000e+00> : vector<128xf32>
    %reduce_sum3A_2694 = vector.multi_reduction <add>, %add3A_2692, %reduce_sum3A_2693 [1] : vector<128x768xf32> to vector<128xf32>
    %broadcast_in_dim3A_2695 = vector.shape_cast %reduce_sum3A_2694 : vector<128xf32> to vector<128x1xf32>
    %div3A_2696 = arith.constant 7.680000e+02 : f32
    %div3A_2697 = vector.broadcast %div3A_2696 : f32 to vector<128x1xf32>
    %div3A_2698 = arith.divf %broadcast_in_dim3A_2695, %div3A_2697 : vector<128x1xf32>
    %sub3A_2699 = vector.broadcast %div3A_2698 : vector<128x1xf32> to vector<128x768xf32>
    %sub3A_2700 = arith.subf %add3A_2692, %sub3A_2699 : vector<128x768xf32>
    %integer_pow3A_2701 = arith.mulf %sub3A_2700, %sub3A_2700 : vector<128x768xf32>
    %reduce_sum3A_2702 = arith.constant dense<0.000000e+00> : vector<128xf32>
    %reduce_sum3A_2703 = vector.multi_reduction <add>, %integer_pow3A_2701, %reduce_sum3A_2702 [1] : vector<128x768xf32> to vector<128xf32>
    %broadcast_in_dim3A_2704 = vector.shape_cast %reduce_sum3A_2703 : vector<128xf32> to vector<128x1xf32>
    %div3A_2705 = arith.constant 7.680000e+02 : f32
    %div3A_2706 = vector.broadcast %div3A_2705 : f32 to vector<128x1xf32>
    %div3A_2707 = arith.divf %broadcast_in_dim3A_2704, %div3A_2706 : vector<128x1xf32>
    %sub3A_2708 = vector.broadcast %div3A_2698 : vector<128x1xf32> to vector<128x768xf32>
    %sub3A_2709 = arith.subf %add3A_2692, %sub3A_2708 : vector<128x768xf32>
    %add3A_2710 = arith.constant 9.99999974E-6 : f32
    %add3A_2711 = vector.broadcast %add3A_2710 : f32 to vector<128x1xf32>
    %add3A_2712 = arith.addf %div3A_2707, %add3A_2711 : vector<128x1xf32>
    %rsqrt3A_2713 = math.rsqrt %add3A_2712 : vector<128x1xf32>
    %mul3A_2714 = vector.broadcast %rsqrt3A_2713 : vector<128x1xf32> to vector<128x768xf32>
    %mul3A_2715 = arith.mulf %sub3A_2709, %mul3A_2714 : vector<128x768xf32>
    %mul3A_2716 = vector.broadcast %get3A_1931 : vector<1x768xf32> to vector<128x768xf32>
    %mul3A_2717 = arith.mulf %mul3A_2715, %mul3A_2716 : vector<128x768xf32>
    %add3A_2718 = vector.broadcast %get3A_1934 : vector<1x768xf32> to vector<128x768xf32>
    %add3A_2719 = arith.addf %mul3A_2717, %add3A_2718 : vector<128x768xf32>
    %slice3A_2720 = vector.extract_strided_slice %dot_general3A_1936 {offsets = [896, 0], sizes = [128, 16], strides = [1, 1]} : vector<2048x16xf32> to vector<128x16xf32>
    %slice3A_2721 = vector.extract_strided_slice %dot_general3A_1938 {offsets = [832, 0], sizes = [256, 16], strides = [1, 1]} : vector<2048x16xf32> to vector<256x16xf32>
    %slice3A_2722 = vector.extract_strided_slice %concatenate3A {offsets = [832, 0], sizes = [256, 768], strides = [1, 1]} : vector<2048x768xf32> to vector<256x768xf32>
    %dot_general3A_2723 = arith.constant dense<0.000000e+00> : vector<128x256xf32>
    %dot_general3A_2724 = tpu.matmul %slice3A_2720, %slice3A_2721, %dot_general3A_2723 {dimension_numbers = #tpu.dot_dimension_numbers<[1], [1], [0], [0], [0, 0, 1, 0], [], []>, transpose_lhs_hint = false} : vector<128x16xf32>, vector<256x16xf32>, vector<128x256xf32> -> vector<128x256xf32>
    %mul3A_2725 = arith.constant 2.500000e-01 : f32
    %mul3A_2726 = vector.broadcast %mul3A_2725 : f32 to vector<128x256xf32>
    %mul3A_2727 = arith.mulf %dot_general3A_2724, %mul3A_2726 : vector<128x256xf32>
    %dot_general3A_2728 = arith.constant dense<0.000000e+00> : vector<128x1xf32>
    %dot_general3A_2729 = tpu.matmul %slice3A_2720, %dot_general3A_1942, %dot_general3A_2728 {dimension_numbers = #tpu.dot_dimension_numbers<[1], [1], [0], [0], [0, 0, 1, 0], [], []>, transpose_lhs_hint = false} : vector<128x16xf32>, vector<1x16xf32>, vector<128x1xf32> -> vector<128x1xf32>
    %mul3A_2730 = arith.constant 2.500000e-01 : f32
    %mul3A_2731 = vector.broadcast %mul3A_2730 : f32 to vector<128x1xf32>
    %mul3A_2732 = arith.mulf %dot_general3A_2729, %mul3A_2731 : vector<128x1xf32>
    %iota3A_2733 = tpu.iota {dimensions = array<i32: 0>} : vector<128x256xi32>
    %iota3A_2734 = tpu.iota {dimensions = array<i32: 1>} : vector<128x256xi32>
    %sub3A_2735 = arith.subi %iota3A_2733, %iota3A_2734 : vector<128x256xi32>
    %add3A_2736 = arith.constant 64 : i32
    %add3A_2737 = vector.broadcast %add3A_2736 : i32 to vector<128x256xi32>
    %add3A_2738 = arith.addi %sub3A_2735, %add3A_2737 : vector<128x256xi32>
    %abs3A_2739 = math.absi %add3A_2738 : vector<128x256xi32>
    %le3A_2740 = arith.constant 64 : i32
    %le3A_2741 = vector.broadcast %le3A_2740 : i32 to vector<128x256xi32>
    %le3A_2742 = arith.cmpi sle, %abs3A_2739, %le3A_2741 : vector<128x256xi32>
    %abs3A_2743 = math.absf %mul3A_2727 : vector<128x256xf32>
    %jit3A_2744 = arith.constant 0xFF800000 : f32
    %broadcast_in_dim3A_2745 = vector.broadcast %jit3A_2744 : f32 to vector<128x256xf32>
    %select_n3A_2746 = arith.select %le3A_2742, %abs3A_2743, %broadcast_in_dim3A_2745 : vector<128x256xi1>, vector<128x256xf32>
    %reduce_max3A_2747 = arith.constant dense<0xFF800000> : vector<128xf32>
    %reduce_max3A_2748 = vector.multi_reduction <maximumf>, %select_n3A_2746, %reduce_max3A_2747 [1] : vector<128x256xf32> to vector<128xf32>
    %broadcast_in_dim3A_2749 = vector.shape_cast %reduce_max3A_2748 : vector<128xf32> to vector<128x1xf32>
    %abs3A_2750 = math.absf %mul3A_2732 : vector<128x1xf32>
    %max3A_2751 = arith.maximumf %broadcast_in_dim3A_2749, %abs3A_2750 : vector<128x1xf32>
    %sub3A_2752 = vector.broadcast %max3A_2751 : vector<128x1xf32> to vector<128x256xf32>
    %sub3A_2753 = arith.subf %abs3A_2743, %sub3A_2752 : vector<128x256xf32>
    %exp3A_2754 = math.exp %sub3A_2753 : vector<128x256xf32>
    %jit3A_2755 = arith.constant 0.000000e+00 : f32
    %broadcast_in_dim3A_2756 = vector.broadcast %jit3A_2755 : f32 to vector<128x256xf32>
    %select_n3A_2757 = arith.select %le3A_2742, %exp3A_2754, %broadcast_in_dim3A_2756 : vector<128x256xi1>, vector<128x256xf32>
    %abs3A_2758 = math.absf %mul3A_2732 : vector<128x1xf32>
    %sub3A_2759 = arith.subf %abs3A_2758, %max3A_2751 : vector<128x1xf32>
    %exp3A_2760 = math.exp %sub3A_2759 : vector<128x1xf32>
    %reduce_sum3A_2761 = arith.constant dense<0.000000e+00> : vector<128xf32>
    %reduce_sum3A_2762 = vector.multi_reduction <add>, %select_n3A_2757, %reduce_sum3A_2761 [1] : vector<128x256xf32> to vector<128xf32>
    %broadcast_in_dim3A_2763 = vector.shape_cast %reduce_sum3A_2762 : vector<128xf32> to vector<128x1xf32>
    %add3A_2764 = arith.addf %broadcast_in_dim3A_2763, %exp3A_2760 : vector<128x1xf32>
    %sign3A_2765 = tpu.bitcast %mul3A_2727 : vector<128x256xf32> -> vector<128x256xi32>
    %sign3A_2766 = arith.constant -2147483648 : i32
    %sign3A_2767 = vector.broadcast %sign3A_2766 : i32 to vector<128x256xi32>
    %sign3A_2768 = arith.andi %sign3A_2765, %sign3A_2767 : vector<128x256xi32>
    %sign3A_2769 = arith.constant 1065353216 : i32
    %sign3A_2770 = vector.broadcast %sign3A_2769 : i32 to vector<128x256xi32>
    %sign3A_2771 = arith.ori %sign3A_2770, %sign3A_2768 : vector<128x256xi32>
    %sign3A_2772 = tpu.bitcast %sign3A_2771 : vector<128x256xi32> -> vector<128x256xf32>
    %sign3A_2773 = math.absf %mul3A_2727 : vector<128x256xf32>
    %sign3A_2774 = arith.constant 0.000000e+00 : f32
    %sign3A_2775 = vector.broadcast %sign3A_2774 : f32 to vector<128x256xf32>
    %sign3A_2776 = arith.cmpf ogt, %sign3A_2773, %sign3A_2775 : vector<128x256xf32>
    %sign3A_2777 = arith.select %sign3A_2776, %sign3A_2772, %mul3A_2727 : vector<128x256xi1>, vector<128x256xf32>
    %div3A_2778 = vector.broadcast %add3A_2764 : vector<128x1xf32> to vector<128x256xf32>
    %div3A_2779 = arith.divf %select_n3A_2757, %div3A_2778 : vector<128x256xf32>
    %mul3A_2780 = arith.mulf %sign3A_2777, %div3A_2779 : vector<128x256xf32>
    %sign3A_2781 = tpu.bitcast %mul3A_2732 : vector<128x1xf32> -> vector<128x1xi32>
    %sign3A_2782 = arith.constant -2147483648 : i32
    %sign3A_2783 = vector.broadcast %sign3A_2782 : i32 to vector<128x1xi32>
    %sign3A_2784 = arith.andi %sign3A_2781, %sign3A_2783 : vector<128x1xi32>
    %sign3A_2785 = arith.constant 1065353216 : i32
    %sign3A_2786 = vector.broadcast %sign3A_2785 : i32 to vector<128x1xi32>
    %sign3A_2787 = arith.ori %sign3A_2786, %sign3A_2784 : vector<128x1xi32>
    %sign3A_2788 = tpu.bitcast %sign3A_2787 : vector<128x1xi32> -> vector<128x1xf32>
    %sign3A_2789 = math.absf %mul3A_2732 : vector<128x1xf32>
    %sign3A_2790 = arith.constant 0.000000e+00 : f32
    %sign3A_2791 = vector.broadcast %sign3A_2790 : f32 to vector<128x1xf32>
    %sign3A_2792 = arith.cmpf ogt, %sign3A_2789, %sign3A_2791 : vector<128x1xf32>
    %sign3A_2793 = arith.select %sign3A_2792, %sign3A_2788, %mul3A_2732 : vector<128x1xi1>, vector<128x1xf32>
    %div3A_2794 = arith.divf %exp3A_2760, %add3A_2764 : vector<128x1xf32>
    %mul3A_2795 = arith.mulf %sign3A_2793, %div3A_2794 : vector<128x1xf32>
    %dot_general3A_2796 = arith.constant dense<0.000000e+00> : vector<128x768xf32>
    %dot_general3A_2797 = tpu.matmul %mul3A_2780, %slice3A_2722, %dot_general3A_2796 {dimension_numbers = #tpu.dot_dimension_numbers<[1], [0], [0], [1], [0, 0, 1, 1], [], []>, transpose_lhs_hint = false} : vector<128x256xf32>, vector<256x768xf32>, vector<128x768xf32> -> vector<128x768xf32>
    %mul3A_2798 = vector.broadcast %mul3A_2795 : vector<128x1xf32> to vector<128x768xf32>
    %mul3A_2799 = vector.broadcast %add3A_1918 : vector<1x768xf32> to vector<128x768xf32>
    %mul3A_2800 = arith.mulf %mul3A_2798, %mul3A_2799 : vector<128x768xf32>
    %add3A_2801 = arith.addf %dot_general3A_2797, %mul3A_2800 : vector<128x768xf32>
    %slice3A_2802 = vector.extract_strided_slice %concatenate3A {offsets = [896, 0], sizes = [128, 768], strides = [1, 1]} : vector<2048x768xf32> to vector<128x768xf32>
    %add3A_2803 = arith.addf %slice3A_2802, %add3A_2801 : vector<128x768xf32>
    %reduce_sum3A_2804 = arith.constant dense<0.000000e+00> : vector<128xf32>
    %reduce_sum3A_2805 = vector.multi_reduction <add>, %add3A_2803, %reduce_sum3A_2804 [1] : vector<128x768xf32> to vector<128xf32>
    %broadcast_in_dim3A_2806 = vector.shape_cast %reduce_sum3A_2805 : vector<128xf32> to vector<128x1xf32>
    %div3A_2807 = arith.constant 7.680000e+02 : f32
    %div3A_2808 = vector.broadcast %div3A_2807 : f32 to vector<128x1xf32>
    %div3A_2809 = arith.divf %broadcast_in_dim3A_2806, %div3A_2808 : vector<128x1xf32>
    %sub3A_2810 = vector.broadcast %div3A_2809 : vector<128x1xf32> to vector<128x768xf32>
    %sub3A_2811 = arith.subf %add3A_2803, %sub3A_2810 : vector<128x768xf32>
    %integer_pow3A_2812 = arith.mulf %sub3A_2811, %sub3A_2811 : vector<128x768xf32>
    %reduce_sum3A_2813 = arith.constant dense<0.000000e+00> : vector<128xf32>
    %reduce_sum3A_2814 = vector.multi_reduction <add>, %integer_pow3A_2812, %reduce_sum3A_2813 [1] : vector<128x768xf32> to vector<128xf32>
    %broadcast_in_dim3A_2815 = vector.shape_cast %reduce_sum3A_2814 : vector<128xf32> to vector<128x1xf32>
    %div3A_2816 = arith.constant 7.680000e+02 : f32
    %div3A_2817 = vector.broadcast %div3A_2816 : f32 to vector<128x1xf32>
    %div3A_2818 = arith.divf %broadcast_in_dim3A_2815, %div3A_2817 : vector<128x1xf32>
    %sub3A_2819 = vector.broadcast %div3A_2809 : vector<128x1xf32> to vector<128x768xf32>
    %sub3A_2820 = arith.subf %add3A_2803, %sub3A_2819 : vector<128x768xf32>
    %add3A_2821 = arith.constant 9.99999974E-6 : f32
    %add3A_2822 = vector.broadcast %add3A_2821 : f32 to vector<128x1xf32>
    %add3A_2823 = arith.addf %div3A_2818, %add3A_2822 : vector<128x1xf32>
    %rsqrt3A_2824 = math.rsqrt %add3A_2823 : vector<128x1xf32>
    %mul3A_2825 = vector.broadcast %rsqrt3A_2824 : vector<128x1xf32> to vector<128x768xf32>
    %mul3A_2826 = arith.mulf %sub3A_2820, %mul3A_2825 : vector<128x768xf32>
    %mul3A_2827 = vector.broadcast %get3A_1931 : vector<1x768xf32> to vector<128x768xf32>
    %mul3A_2828 = arith.mulf %mul3A_2826, %mul3A_2827 : vector<128x768xf32>
    %add3A_2829 = vector.broadcast %get3A_1934 : vector<1x768xf32> to vector<128x768xf32>
    %add3A_2830 = arith.addf %mul3A_2828, %add3A_2829 : vector<128x768xf32>
    %slice3A_2831 = vector.extract_strided_slice %dot_general3A_1936 {offsets = [1024, 0], sizes = [128, 16], strides = [1, 1]} : vector<2048x16xf32> to vector<128x16xf32>
    %slice3A_2832 = vector.extract_strided_slice %dot_general3A_1938 {offsets = [960, 0], sizes = [256, 16], strides = [1, 1]} : vector<2048x16xf32> to vector<256x16xf32>
    %slice3A_2833 = vector.extract_strided_slice %concatenate3A {offsets = [960, 0], sizes = [256, 768], strides = [1, 1]} : vector<2048x768xf32> to vector<256x768xf32>
    %dot_general3A_2834 = arith.constant dense<0.000000e+00> : vector<128x256xf32>
    %dot_general3A_2835 = tpu.matmul %slice3A_2831, %slice3A_2832, %dot_general3A_2834 {dimension_numbers = #tpu.dot_dimension_numbers<[1], [1], [0], [0], [0, 0, 1, 0], [], []>, transpose_lhs_hint = false} : vector<128x16xf32>, vector<256x16xf32>, vector<128x256xf32> -> vector<128x256xf32>
    %mul3A_2836 = arith.constant 2.500000e-01 : f32
    %mul3A_2837 = vector.broadcast %mul3A_2836 : f32 to vector<128x256xf32>
    %mul3A_2838 = arith.mulf %dot_general3A_2835, %mul3A_2837 : vector<128x256xf32>
    %dot_general3A_2839 = arith.constant dense<0.000000e+00> : vector<128x1xf32>
    %dot_general3A_2840 = tpu.matmul %slice3A_2831, %dot_general3A_1942, %dot_general3A_2839 {dimension_numbers = #tpu.dot_dimension_numbers<[1], [1], [0], [0], [0, 0, 1, 0], [], []>, transpose_lhs_hint = false} : vector<128x16xf32>, vector<1x16xf32>, vector<128x1xf32> -> vector<128x1xf32>
    %mul3A_2841 = arith.constant 2.500000e-01 : f32
    %mul3A_2842 = vector.broadcast %mul3A_2841 : f32 to vector<128x1xf32>
    %mul3A_2843 = arith.mulf %dot_general3A_2840, %mul3A_2842 : vector<128x1xf32>
    %iota3A_2844 = tpu.iota {dimensions = array<i32: 0>} : vector<128x256xi32>
    %iota3A_2845 = tpu.iota {dimensions = array<i32: 1>} : vector<128x256xi32>
    %sub3A_2846 = arith.subi %iota3A_2844, %iota3A_2845 : vector<128x256xi32>
    %add3A_2847 = arith.constant 64 : i32
    %add3A_2848 = vector.broadcast %add3A_2847 : i32 to vector<128x256xi32>
    %add3A_2849 = arith.addi %sub3A_2846, %add3A_2848 : vector<128x256xi32>
    %abs3A_2850 = math.absi %add3A_2849 : vector<128x256xi32>
    %le3A_2851 = arith.constant 64 : i32
    %le3A_2852 = vector.broadcast %le3A_2851 : i32 to vector<128x256xi32>
    %le3A_2853 = arith.cmpi sle, %abs3A_2850, %le3A_2852 : vector<128x256xi32>
    %abs3A_2854 = math.absf %mul3A_2838 : vector<128x256xf32>
    %jit3A_2855 = arith.constant 0xFF800000 : f32
    %broadcast_in_dim3A_2856 = vector.broadcast %jit3A_2855 : f32 to vector<128x256xf32>
    %select_n3A_2857 = arith.select %le3A_2853, %abs3A_2854, %broadcast_in_dim3A_2856 : vector<128x256xi1>, vector<128x256xf32>
    %reduce_max3A_2858 = arith.constant dense<0xFF800000> : vector<128xf32>
    %reduce_max3A_2859 = vector.multi_reduction <maximumf>, %select_n3A_2857, %reduce_max3A_2858 [1] : vector<128x256xf32> to vector<128xf32>
    %broadcast_in_dim3A_2860 = vector.shape_cast %reduce_max3A_2859 : vector<128xf32> to vector<128x1xf32>
    %abs3A_2861 = math.absf %mul3A_2843 : vector<128x1xf32>
    %max3A_2862 = arith.maximumf %broadcast_in_dim3A_2860, %abs3A_2861 : vector<128x1xf32>
    %sub3A_2863 = vector.broadcast %max3A_2862 : vector<128x1xf32> to vector<128x256xf32>
    %sub3A_2864 = arith.subf %abs3A_2854, %sub3A_2863 : vector<128x256xf32>
    %exp3A_2865 = math.exp %sub3A_2864 : vector<128x256xf32>
    %jit3A_2866 = arith.constant 0.000000e+00 : f32
    %broadcast_in_dim3A_2867 = vector.broadcast %jit3A_2866 : f32 to vector<128x256xf32>
    %select_n3A_2868 = arith.select %le3A_2853, %exp3A_2865, %broadcast_in_dim3A_2867 : vector<128x256xi1>, vector<128x256xf32>
    %abs3A_2869 = math.absf %mul3A_2843 : vector<128x1xf32>
    %sub3A_2870 = arith.subf %abs3A_2869, %max3A_2862 : vector<128x1xf32>
    %exp3A_2871 = math.exp %sub3A_2870 : vector<128x1xf32>
    %reduce_sum3A_2872 = arith.constant dense<0.000000e+00> : vector<128xf32>
    %reduce_sum3A_2873 = vector.multi_reduction <add>, %select_n3A_2868, %reduce_sum3A_2872 [1] : vector<128x256xf32> to vector<128xf32>
    %broadcast_in_dim3A_2874 = vector.shape_cast %reduce_sum3A_2873 : vector<128xf32> to vector<128x1xf32>
    %add3A_2875 = arith.addf %broadcast_in_dim3A_2874, %exp3A_2871 : vector<128x1xf32>
    %sign3A_2876 = tpu.bitcast %mul3A_2838 : vector<128x256xf32> -> vector<128x256xi32>
    %sign3A_2877 = arith.constant -2147483648 : i32
    %sign3A_2878 = vector.broadcast %sign3A_2877 : i32 to vector<128x256xi32>
    %sign3A_2879 = arith.andi %sign3A_2876, %sign3A_2878 : vector<128x256xi32>
    %sign3A_2880 = arith.constant 1065353216 : i32
    %sign3A_2881 = vector.broadcast %sign3A_2880 : i32 to vector<128x256xi32>
    %sign3A_2882 = arith.ori %sign3A_2881, %sign3A_2879 : vector<128x256xi32>
    %sign3A_2883 = tpu.bitcast %sign3A_2882 : vector<128x256xi32> -> vector<128x256xf32>
    %sign3A_2884 = math.absf %mul3A_2838 : vector<128x256xf32>
    %sign3A_2885 = arith.constant 0.000000e+00 : f32
    %sign3A_2886 = vector.broadcast %sign3A_2885 : f32 to vector<128x256xf32>
    %sign3A_2887 = arith.cmpf ogt, %sign3A_2884, %sign3A_2886 : vector<128x256xf32>
    %sign3A_2888 = arith.select %sign3A_2887, %sign3A_2883, %mul3A_2838 : vector<128x256xi1>, vector<128x256xf32>
    %div3A_2889 = vector.broadcast %add3A_2875 : vector<128x1xf32> to vector<128x256xf32>
    %div3A_2890 = arith.divf %select_n3A_2868, %div3A_2889 : vector<128x256xf32>
    %mul3A_2891 = arith.mulf %sign3A_2888, %div3A_2890 : vector<128x256xf32>
    %sign3A_2892 = tpu.bitcast %mul3A_2843 : vector<128x1xf32> -> vector<128x1xi32>
    %sign3A_2893 = arith.constant -2147483648 : i32
    %sign3A_2894 = vector.broadcast %sign3A_2893 : i32 to vector<128x1xi32>
    %sign3A_2895 = arith.andi %sign3A_2892, %sign3A_2894 : vector<128x1xi32>
    %sign3A_2896 = arith.constant 1065353216 : i32
    %sign3A_2897 = vector.broadcast %sign3A_2896 : i32 to vector<128x1xi32>
    %sign3A_2898 = arith.ori %sign3A_2897, %sign3A_2895 : vector<128x1xi32>
    %sign3A_2899 = tpu.bitcast %sign3A_2898 : vector<128x1xi32> -> vector<128x1xf32>
    %sign3A_2900 = math.absf %mul3A_2843 : vector<128x1xf32>
    %sign3A_2901 = arith.constant 0.000000e+00 : f32
    %sign3A_2902 = vector.broadcast %sign3A_2901 : f32 to vector<128x1xf32>
    %sign3A_2903 = arith.cmpf ogt, %sign3A_2900, %sign3A_2902 : vector<128x1xf32>
    %sign3A_2904 = arith.select %sign3A_2903, %sign3A_2899, %mul3A_2843 : vector<128x1xi1>, vector<128x1xf32>
    %div3A_2905 = arith.divf %exp3A_2871, %add3A_2875 : vector<128x1xf32>
    %mul3A_2906 = arith.mulf %sign3A_2904, %div3A_2905 : vector<128x1xf32>
    %dot_general3A_2907 = arith.constant dense<0.000000e+00> : vector<128x768xf32>
    %dot_general3A_2908 = tpu.matmul %mul3A_2891, %slice3A_2833, %dot_general3A_2907 {dimension_numbers = #tpu.dot_dimension_numbers<[1], [0], [0], [1], [0, 0, 1, 1], [], []>, transpose_lhs_hint = false} : vector<128x256xf32>, vector<256x768xf32>, vector<128x768xf32> -> vector<128x768xf32>
    %mul3A_2909 = vector.broadcast %mul3A_2906 : vector<128x1xf32> to vector<128x768xf32>
    %mul3A_2910 = vector.broadcast %add3A_1918 : vector<1x768xf32> to vector<128x768xf32>
    %mul3A_2911 = arith.mulf %mul3A_2909, %mul3A_2910 : vector<128x768xf32>
    %add3A_2912 = arith.addf %dot_general3A_2908, %mul3A_2911 : vector<128x768xf32>
    %slice3A_2913 = vector.extract_strided_slice %concatenate3A {offsets = [1024, 0], sizes = [128, 768], strides = [1, 1]} : vector<2048x768xf32> to vector<128x768xf32>
    %add3A_2914 = arith.addf %slice3A_2913, %add3A_2912 : vector<128x768xf32>
    %reduce_sum3A_2915 = arith.constant dense<0.000000e+00> : vector<128xf32>
    %reduce_sum3A_2916 = vector.multi_reduction <add>, %add3A_2914, %reduce_sum3A_2915 [1] : vector<128x768xf32> to vector<128xf32>
    %broadcast_in_dim3A_2917 = vector.shape_cast %reduce_sum3A_2916 : vector<128xf32> to vector<128x1xf32>
    %div3A_2918 = arith.constant 7.680000e+02 : f32
    %div3A_2919 = vector.broadcast %div3A_2918 : f32 to vector<128x1xf32>
    %div3A_2920 = arith.divf %broadcast_in_dim3A_2917, %div3A_2919 : vector<128x1xf32>
    %sub3A_2921 = vector.broadcast %div3A_2920 : vector<128x1xf32> to vector<128x768xf32>
    %sub3A_2922 = arith.subf %add3A_2914, %sub3A_2921 : vector<128x768xf32>
    %integer_pow3A_2923 = arith.mulf %sub3A_2922, %sub3A_2922 : vector<128x768xf32>
    %reduce_sum3A_2924 = arith.constant dense<0.000000e+00> : vector<128xf32>
    %reduce_sum3A_2925 = vector.multi_reduction <add>, %integer_pow3A_2923, %reduce_sum3A_2924 [1] : vector<128x768xf32> to vector<128xf32>
    %broadcast_in_dim3A_2926 = vector.shape_cast %reduce_sum3A_2925 : vector<128xf32> to vector<128x1xf32>
    %div3A_2927 = arith.constant 7.680000e+02 : f32
    %div3A_2928 = vector.broadcast %div3A_2927 : f32 to vector<128x1xf32>
    %div3A_2929 = arith.divf %broadcast_in_dim3A_2926, %div3A_2928 : vector<128x1xf32>
    %sub3A_2930 = vector.broadcast %div3A_2920 : vector<128x1xf32> to vector<128x768xf32>
    %sub3A_2931 = arith.subf %add3A_2914, %sub3A_2930 : vector<128x768xf32>
    %add3A_2932 = arith.constant 9.99999974E-6 : f32
    %add3A_2933 = vector.broadcast %add3A_2932 : f32 to vector<128x1xf32>
    %add3A_2934 = arith.addf %div3A_2929, %add3A_2933 : vector<128x1xf32>
    %rsqrt3A_2935 = math.rsqrt %add3A_2934 : vector<128x1xf32>
    %mul3A_2936 = vector.broadcast %rsqrt3A_2935 : vector<128x1xf32> to vector<128x768xf32>
    %mul3A_2937 = arith.mulf %sub3A_2931, %mul3A_2936 : vector<128x768xf32>
    %mul3A_2938 = vector.broadcast %get3A_1931 : vector<1x768xf32> to vector<128x768xf32>
    %mul3A_2939 = arith.mulf %mul3A_2937, %mul3A_2938 : vector<128x768xf32>
    %add3A_2940 = vector.broadcast %get3A_1934 : vector<1x768xf32> to vector<128x768xf32>
    %add3A_2941 = arith.addf %mul3A_2939, %add3A_2940 : vector<128x768xf32>
    %slice3A_2942 = vector.extract_strided_slice %dot_general3A_1936 {offsets = [1152, 0], sizes = [128, 16], strides = [1, 1]} : vector<2048x16xf32> to vector<128x16xf32>
    %slice3A_2943 = vector.extract_strided_slice %dot_general3A_1938 {offsets = [1088, 0], sizes = [256, 16], strides = [1, 1]} : vector<2048x16xf32> to vector<256x16xf32>
    %slice3A_2944 = vector.extract_strided_slice %concatenate3A {offsets = [1088, 0], sizes = [256, 768], strides = [1, 1]} : vector<2048x768xf32> to vector<256x768xf32>
    %dot_general3A_2945 = arith.constant dense<0.000000e+00> : vector<128x256xf32>
    %dot_general3A_2946 = tpu.matmul %slice3A_2942, %slice3A_2943, %dot_general3A_2945 {dimension_numbers = #tpu.dot_dimension_numbers<[1], [1], [0], [0], [0, 0, 1, 0], [], []>, transpose_lhs_hint = false} : vector<128x16xf32>, vector<256x16xf32>, vector<128x256xf32> -> vector<128x256xf32>
    %mul3A_2947 = arith.constant 2.500000e-01 : f32
    %mul3A_2948 = vector.broadcast %mul3A_2947 : f32 to vector<128x256xf32>
    %mul3A_2949 = arith.mulf %dot_general3A_2946, %mul3A_2948 : vector<128x256xf32>
    %dot_general3A_2950 = arith.constant dense<0.000000e+00> : vector<128x1xf32>
    %dot_general3A_2951 = tpu.matmul %slice3A_2942, %dot_general3A_1942, %dot_general3A_2950 {dimension_numbers = #tpu.dot_dimension_numbers<[1], [1], [0], [0], [0, 0, 1, 0], [], []>, transpose_lhs_hint = false} : vector<128x16xf32>, vector<1x16xf32>, vector<128x1xf32> -> vector<128x1xf32>
    %mul3A_2952 = arith.constant 2.500000e-01 : f32
    %mul3A_2953 = vector.broadcast %mul3A_2952 : f32 to vector<128x1xf32>
    %mul3A_2954 = arith.mulf %dot_general3A_2951, %mul3A_2953 : vector<128x1xf32>
    %iota3A_2955 = tpu.iota {dimensions = array<i32: 0>} : vector<128x256xi32>
    %iota3A_2956 = tpu.iota {dimensions = array<i32: 1>} : vector<128x256xi32>
    %sub3A_2957 = arith.subi %iota3A_2955, %iota3A_2956 : vector<128x256xi32>
    %add3A_2958 = arith.constant 64 : i32
    %add3A_2959 = vector.broadcast %add3A_2958 : i32 to vector<128x256xi32>
    %add3A_2960 = arith.addi %sub3A_2957, %add3A_2959 : vector<128x256xi32>
    %abs3A_2961 = math.absi %add3A_2960 : vector<128x256xi32>
    %le3A_2962 = arith.constant 64 : i32
    %le3A_2963 = vector.broadcast %le3A_2962 : i32 to vector<128x256xi32>
    %le3A_2964 = arith.cmpi sle, %abs3A_2961, %le3A_2963 : vector<128x256xi32>
    %abs3A_2965 = math.absf %mul3A_2949 : vector<128x256xf32>
    %jit3A_2966 = arith.constant 0xFF800000 : f32
    %broadcast_in_dim3A_2967 = vector.broadcast %jit3A_2966 : f32 to vector<128x256xf32>
    %select_n3A_2968 = arith.select %le3A_2964, %abs3A_2965, %broadcast_in_dim3A_2967 : vector<128x256xi1>, vector<128x256xf32>
    %reduce_max3A_2969 = arith.constant dense<0xFF800000> : vector<128xf32>
    %reduce_max3A_2970 = vector.multi_reduction <maximumf>, %select_n3A_2968, %reduce_max3A_2969 [1] : vector<128x256xf32> to vector<128xf32>
    %broadcast_in_dim3A_2971 = vector.shape_cast %reduce_max3A_2970 : vector<128xf32> to vector<128x1xf32>
    %abs3A_2972 = math.absf %mul3A_2954 : vector<128x1xf32>
    %max3A_2973 = arith.maximumf %broadcast_in_dim3A_2971, %abs3A_2972 : vector<128x1xf32>
    %sub3A_2974 = vector.broadcast %max3A_2973 : vector<128x1xf32> to vector<128x256xf32>
    %sub3A_2975 = arith.subf %abs3A_2965, %sub3A_2974 : vector<128x256xf32>
    %exp3A_2976 = math.exp %sub3A_2975 : vector<128x256xf32>
    %jit3A_2977 = arith.constant 0.000000e+00 : f32
    %broadcast_in_dim3A_2978 = vector.broadcast %jit3A_2977 : f32 to vector<128x256xf32>
    %select_n3A_2979 = arith.select %le3A_2964, %exp3A_2976, %broadcast_in_dim3A_2978 : vector<128x256xi1>, vector<128x256xf32>
    %abs3A_2980 = math.absf %mul3A_2954 : vector<128x1xf32>
    %sub3A_2981 = arith.subf %abs3A_2980, %max3A_2973 : vector<128x1xf32>
    %exp3A_2982 = math.exp %sub3A_2981 : vector<128x1xf32>
    %reduce_sum3A_2983 = arith.constant dense<0.000000e+00> : vector<128xf32>
    %reduce_sum3A_2984 = vector.multi_reduction <add>, %select_n3A_2979, %reduce_sum3A_2983 [1] : vector<128x256xf32> to vector<128xf32>
    %broadcast_in_dim3A_2985 = vector.shape_cast %reduce_sum3A_2984 : vector<128xf32> to vector<128x1xf32>
    %add3A_2986 = arith.addf %broadcast_in_dim3A_2985, %exp3A_2982 : vector<128x1xf32>
    %sign3A_2987 = tpu.bitcast %mul3A_2949 : vector<128x256xf32> -> vector<128x256xi32>
    %sign3A_2988 = arith.constant -2147483648 : i32
    %sign3A_2989 = vector.broadcast %sign3A_2988 : i32 to vector<128x256xi32>
    %sign3A_2990 = arith.andi %sign3A_2987, %sign3A_2989 : vector<128x256xi32>
    %sign3A_2991 = arith.constant 1065353216 : i32
    %sign3A_2992 = vector.broadcast %sign3A_2991 : i32 to vector<128x256xi32>
    %sign3A_2993 = arith.ori %sign3A_2992, %sign3A_2990 : vector<128x256xi32>
    %sign3A_2994 = tpu.bitcast %sign3A_2993 : vector<128x256xi32> -> vector<128x256xf32>
    %sign3A_2995 = math.absf %mul3A_2949 : vector<128x256xf32>
    %sign3A_2996 = arith.constant 0.000000e+00 : f32
    %sign3A_2997 = vector.broadcast %sign3A_2996 : f32 to vector<128x256xf32>
    %sign3A_2998 = arith.cmpf ogt, %sign3A_2995, %sign3A_2997 : vector<128x256xf32>
    %sign3A_2999 = arith.select %sign3A_2998, %sign3A_2994, %mul3A_2949 : vector<128x256xi1>, vector<128x256xf32>
    %div3A_3000 = vector.broadcast %add3A_2986 : vector<128x1xf32> to vector<128x256xf32>
    %div3A_3001 = arith.divf %select_n3A_2979, %div3A_3000 : vector<128x256xf32>
    %mul3A_3002 = arith.mulf %sign3A_2999, %div3A_3001 : vector<128x256xf32>
    %sign3A_3003 = tpu.bitcast %mul3A_2954 : vector<128x1xf32> -> vector<128x1xi32>
    %sign3A_3004 = arith.constant -2147483648 : i32
    %sign3A_3005 = vector.broadcast %sign3A_3004 : i32 to vector<128x1xi32>
    %sign3A_3006 = arith.andi %sign3A_3003, %sign3A_3005 : vector<128x1xi32>
    %sign3A_3007 = arith.constant 1065353216 : i32
    %sign3A_3008 = vector.broadcast %sign3A_3007 : i32 to vector<128x1xi32>
    %sign3A_3009 = arith.ori %sign3A_3008, %sign3A_3006 : vector<128x1xi32>
    %sign3A_3010 = tpu.bitcast %sign3A_3009 : vector<128x1xi32> -> vector<128x1xf32>
    %sign3A_3011 = math.absf %mul3A_2954 : vector<128x1xf32>
    %sign3A_3012 = arith.constant 0.000000e+00 : f32
    %sign3A_3013 = vector.broadcast %sign3A_3012 : f32 to vector<128x1xf32>
    %sign3A_3014 = arith.cmpf ogt, %sign3A_3011, %sign3A_3013 : vector<128x1xf32>
    %sign3A_3015 = arith.select %sign3A_3014, %sign3A_3010, %mul3A_2954 : vector<128x1xi1>, vector<128x1xf32>
    %div3A_3016 = arith.divf %exp3A_2982, %add3A_2986 : vector<128x1xf32>
    %mul3A_3017 = arith.mulf %sign3A_3015, %div3A_3016 : vector<128x1xf32>
    %dot_general3A_3018 = arith.constant dense<0.000000e+00> : vector<128x768xf32>
    %dot_general3A_3019 = tpu.matmul %mul3A_3002, %slice3A_2944, %dot_general3A_3018 {dimension_numbers = #tpu.dot_dimension_numbers<[1], [0], [0], [1], [0, 0, 1, 1], [], []>, transpose_lhs_hint = false} : vector<128x256xf32>, vector<256x768xf32>, vector<128x768xf32> -> vector<128x768xf32>
    %mul3A_3020 = vector.broadcast %mul3A_3017 : vector<128x1xf32> to vector<128x768xf32>
    %mul3A_3021 = vector.broadcast %add3A_1918 : vector<1x768xf32> to vector<128x768xf32>
    %mul3A_3022 = arith.mulf %mul3A_3020, %mul3A_3021 : vector<128x768xf32>
    %add3A_3023 = arith.addf %dot_general3A_3019, %mul3A_3022 : vector<128x768xf32>
    %slice3A_3024 = vector.extract_strided_slice %concatenate3A {offsets = [1152, 0], sizes = [128, 768], strides = [1, 1]} : vector<2048x768xf32> to vector<128x768xf32>
    %add3A_3025 = arith.addf %slice3A_3024, %add3A_3023 : vector<128x768xf32>
    %reduce_sum3A_3026 = arith.constant dense<0.000000e+00> : vector<128xf32>
    %reduce_sum3A_3027 = vector.multi_reduction <add>, %add3A_3025, %reduce_sum3A_3026 [1] : vector<128x768xf32> to vector<128xf32>
    %broadcast_in_dim3A_3028 = vector.shape_cast %reduce_sum3A_3027 : vector<128xf32> to vector<128x1xf32>
    %div3A_3029 = arith.constant 7.680000e+02 : f32
    %div3A_3030 = vector.broadcast %div3A_3029 : f32 to vector<128x1xf32>
    %div3A_3031 = arith.divf %broadcast_in_dim3A_3028, %div3A_3030 : vector<128x1xf32>
    %sub3A_3032 = vector.broadcast %div3A_3031 : vector<128x1xf32> to vector<128x768xf32>
    %sub3A_3033 = arith.subf %add3A_3025, %sub3A_3032 : vector<128x768xf32>
    %integer_pow3A_3034 = arith.mulf %sub3A_3033, %sub3A_3033 : vector<128x768xf32>
    %reduce_sum3A_3035 = arith.constant dense<0.000000e+00> : vector<128xf32>
    %reduce_sum3A_3036 = vector.multi_reduction <add>, %integer_pow3A_3034, %reduce_sum3A_3035 [1] : vector<128x768xf32> to vector<128xf32>
    %broadcast_in_dim3A_3037 = vector.shape_cast %reduce_sum3A_3036 : vector<128xf32> to vector<128x1xf32>
    %div3A_3038 = arith.constant 7.680000e+02 : f32
    %div3A_3039 = vector.broadcast %div3A_3038 : f32 to vector<128x1xf32>
    %div3A_3040 = arith.divf %broadcast_in_dim3A_3037, %div3A_3039 : vector<128x1xf32>
    %sub3A_3041 = vector.broadcast %div3A_3031 : vector<128x1xf32> to vector<128x768xf32>
    %sub3A_3042 = arith.subf %add3A_3025, %sub3A_3041 : vector<128x768xf32>
    %add3A_3043 = arith.constant 9.99999974E-6 : f32
    %add3A_3044 = vector.broadcast %add3A_3043 : f32 to vector<128x1xf32>
    %add3A_3045 = arith.addf %div3A_3040, %add3A_3044 : vector<128x1xf32>
    %rsqrt3A_3046 = math.rsqrt %add3A_3045 : vector<128x1xf32>
    %mul3A_3047 = vector.broadcast %rsqrt3A_3046 : vector<128x1xf32> to vector<128x768xf32>
    %mul3A_3048 = arith.mulf %sub3A_3042, %mul3A_3047 : vector<128x768xf32>
    %mul3A_3049 = vector.broadcast %get3A_1931 : vector<1x768xf32> to vector<128x768xf32>
    %mul3A_3050 = arith.mulf %mul3A_3048, %mul3A_3049 : vector<128x768xf32>
    %add3A_3051 = vector.broadcast %get3A_1934 : vector<1x768xf32> to vector<128x768xf32>
    %add3A_3052 = arith.addf %mul3A_3050, %add3A_3051 : vector<128x768xf32>
    %slice3A_3053 = vector.extract_strided_slice %dot_general3A_1936 {offsets = [1280, 0], sizes = [128, 16], strides = [1, 1]} : vector<2048x16xf32> to vector<128x16xf32>
    %slice3A_3054 = vector.extract_strided_slice %dot_general3A_1938 {offsets = [1216, 0], sizes = [256, 16], strides = [1, 1]} : vector<2048x16xf32> to vector<256x16xf32>
    %slice3A_3055 = vector.extract_strided_slice %concatenate3A {offsets = [1216, 0], sizes = [256, 768], strides = [1, 1]} : vector<2048x768xf32> to vector<256x768xf32>
    %dot_general3A_3056 = arith.constant dense<0.000000e+00> : vector<128x256xf32>
    %dot_general3A_3057 = tpu.matmul %slice3A_3053, %slice3A_3054, %dot_general3A_3056 {dimension_numbers = #tpu.dot_dimension_numbers<[1], [1], [0], [0], [0, 0, 1, 0], [], []>, transpose_lhs_hint = false} : vector<128x16xf32>, vector<256x16xf32>, vector<128x256xf32> -> vector<128x256xf32>
    %mul3A_3058 = arith.constant 2.500000e-01 : f32
    %mul3A_3059 = vector.broadcast %mul3A_3058 : f32 to vector<128x256xf32>
    %mul3A_3060 = arith.mulf %dot_general3A_3057, %mul3A_3059 : vector<128x256xf32>
    %dot_general3A_3061 = arith.constant dense<0.000000e+00> : vector<128x1xf32>
    %dot_general3A_3062 = tpu.matmul %slice3A_3053, %dot_general3A_1942, %dot_general3A_3061 {dimension_numbers = #tpu.dot_dimension_numbers<[1], [1], [0], [0], [0, 0, 1, 0], [], []>, transpose_lhs_hint = false} : vector<128x16xf32>, vector<1x16xf32>, vector<128x1xf32> -> vector<128x1xf32>
    %mul3A_3063 = arith.constant 2.500000e-01 : f32
    %mul3A_3064 = vector.broadcast %mul3A_3063 : f32 to vector<128x1xf32>
    %mul3A_3065 = arith.mulf %dot_general3A_3062, %mul3A_3064 : vector<128x1xf32>
    %iota3A_3066 = tpu.iota {dimensions = array<i32: 0>} : vector<128x256xi32>
    %iota3A_3067 = tpu.iota {dimensions = array<i32: 1>} : vector<128x256xi32>
    %sub3A_3068 = arith.subi %iota3A_3066, %iota3A_3067 : vector<128x256xi32>
    %add3A_3069 = arith.constant 64 : i32
    %add3A_3070 = vector.broadcast %add3A_3069 : i32 to vector<128x256xi32>
    %add3A_3071 = arith.addi %sub3A_3068, %add3A_3070 : vector<128x256xi32>
    %abs3A_3072 = math.absi %add3A_3071 : vector<128x256xi32>
    %le3A_3073 = arith.constant 64 : i32
    %le3A_3074 = vector.broadcast %le3A_3073 : i32 to vector<128x256xi32>
    %le3A_3075 = arith.cmpi sle, %abs3A_3072, %le3A_3074 : vector<128x256xi32>
    %abs3A_3076 = math.absf %mul3A_3060 : vector<128x256xf32>
    %jit3A_3077 = arith.constant 0xFF800000 : f32
    %broadcast_in_dim3A_3078 = vector.broadcast %jit3A_3077 : f32 to vector<128x256xf32>
    %select_n3A_3079 = arith.select %le3A_3075, %abs3A_3076, %broadcast_in_dim3A_3078 : vector<128x256xi1>, vector<128x256xf32>
    %reduce_max3A_3080 = arith.constant dense<0xFF800000> : vector<128xf32>
    %reduce_max3A_3081 = vector.multi_reduction <maximumf>, %select_n3A_3079, %reduce_max3A_3080 [1] : vector<128x256xf32> to vector<128xf32>
    %broadcast_in_dim3A_3082 = vector.shape_cast %reduce_max3A_3081 : vector<128xf32> to vector<128x1xf32>
    %abs3A_3083 = math.absf %mul3A_3065 : vector<128x1xf32>
    %max3A_3084 = arith.maximumf %broadcast_in_dim3A_3082, %abs3A_3083 : vector<128x1xf32>
    %sub3A_3085 = vector.broadcast %max3A_3084 : vector<128x1xf32> to vector<128x256xf32>
    %sub3A_3086 = arith.subf %abs3A_3076, %sub3A_3085 : vector<128x256xf32>
    %exp3A_3087 = math.exp %sub3A_3086 : vector<128x256xf32>
    %jit3A_3088 = arith.constant 0.000000e+00 : f32
    %broadcast_in_dim3A_3089 = vector.broadcast %jit3A_3088 : f32 to vector<128x256xf32>
    %select_n3A_3090 = arith.select %le3A_3075, %exp3A_3087, %broadcast_in_dim3A_3089 : vector<128x256xi1>, vector<128x256xf32>
    %abs3A_3091 = math.absf %mul3A_3065 : vector<128x1xf32>
    %sub3A_3092 = arith.subf %abs3A_3091, %max3A_3084 : vector<128x1xf32>
    %exp3A_3093 = math.exp %sub3A_3092 : vector<128x1xf32>
    %reduce_sum3A_3094 = arith.constant dense<0.000000e+00> : vector<128xf32>
    %reduce_sum3A_3095 = vector.multi_reduction <add>, %select_n3A_3090, %reduce_sum3A_3094 [1] : vector<128x256xf32> to vector<128xf32>
    %broadcast_in_dim3A_3096 = vector.shape_cast %reduce_sum3A_3095 : vector<128xf32> to vector<128x1xf32>
    %add3A_3097 = arith.addf %broadcast_in_dim3A_3096, %exp3A_3093 : vector<128x1xf32>
    %sign3A_3098 = tpu.bitcast %mul3A_3060 : vector<128x256xf32> -> vector<128x256xi32>
    %sign3A_3099 = arith.constant -2147483648 : i32
    %sign3A_3100 = vector.broadcast %sign3A_3099 : i32 to vector<128x256xi32>
    %sign3A_3101 = arith.andi %sign3A_3098, %sign3A_3100 : vector<128x256xi32>
    %sign3A_3102 = arith.constant 1065353216 : i32
    %sign3A_3103 = vector.broadcast %sign3A_3102 : i32 to vector<128x256xi32>
    %sign3A_3104 = arith.ori %sign3A_3103, %sign3A_3101 : vector<128x256xi32>
    %sign3A_3105 = tpu.bitcast %sign3A_3104 : vector<128x256xi32> -> vector<128x256xf32>
    %sign3A_3106 = math.absf %mul3A_3060 : vector<128x256xf32>
    %sign3A_3107 = arith.constant 0.000000e+00 : f32
    %sign3A_3108 = vector.broadcast %sign3A_3107 : f32 to vector<128x256xf32>
    %sign3A_3109 = arith.cmpf ogt, %sign3A_3106, %sign3A_3108 : vector<128x256xf32>
    %sign3A_3110 = arith.select %sign3A_3109, %sign3A_3105, %mul3A_3060 : vector<128x256xi1>, vector<128x256xf32>
    %div3A_3111 = vector.broadcast %add3A_3097 : vector<128x1xf32> to vector<128x256xf32>
    %div3A_3112 = arith.divf %select_n3A_3090, %div3A_3111 : vector<128x256xf32>
    %mul3A_3113 = arith.mulf %sign3A_3110, %div3A_3112 : vector<128x256xf32>
    %sign3A_3114 = tpu.bitcast %mul3A_3065 : vector<128x1xf32> -> vector<128x1xi32>
    %sign3A_3115 = arith.constant -2147483648 : i32
    %sign3A_3116 = vector.broadcast %sign3A_3115 : i32 to vector<128x1xi32>
    %sign3A_3117 = arith.andi %sign3A_3114, %sign3A_3116 : vector<128x1xi32>
    %sign3A_3118 = arith.constant 1065353216 : i32
    %sign3A_3119 = vector.broadcast %sign3A_3118 : i32 to vector<128x1xi32>
    %sign3A_3120 = arith.ori %sign3A_3119, %sign3A_3117 : vector<128x1xi32>
    %sign3A_3121 = tpu.bitcast %sign3A_3120 : vector<128x1xi32> -> vector<128x1xf32>
    %sign3A_3122 = math.absf %mul3A_3065 : vector<128x1xf32>
    %sign3A_3123 = arith.constant 0.000000e+00 : f32
    %sign3A_3124 = vector.broadcast %sign3A_3123 : f32 to vector<128x1xf32>
    %sign3A_3125 = arith.cmpf ogt, %sign3A_3122, %sign3A_3124 : vector<128x1xf32>
    %sign3A_3126 = arith.select %sign3A_3125, %sign3A_3121, %mul3A_3065 : vector<128x1xi1>, vector<128x1xf32>
    %div3A_3127 = arith.divf %exp3A_3093, %add3A_3097 : vector<128x1xf32>
    %mul3A_3128 = arith.mulf %sign3A_3126, %div3A_3127 : vector<128x1xf32>
    %dot_general3A_3129 = arith.constant dense<0.000000e+00> : vector<128x768xf32>
    %dot_general3A_3130 = tpu.matmul %mul3A_3113, %slice3A_3055, %dot_general3A_3129 {dimension_numbers = #tpu.dot_dimension_numbers<[1], [0], [0], [1], [0, 0, 1, 1], [], []>, transpose_lhs_hint = false} : vector<128x256xf32>, vector<256x768xf32>, vector<128x768xf32> -> vector<128x768xf32>
    %mul3A_3131 = vector.broadcast %mul3A_3128 : vector<128x1xf32> to vector<128x768xf32>
    %mul3A_3132 = vector.broadcast %add3A_1918 : vector<1x768xf32> to vector<128x768xf32>
    %mul3A_3133 = arith.mulf %mul3A_3131, %mul3A_3132 : vector<128x768xf32>
    %add3A_3134 = arith.addf %dot_general3A_3130, %mul3A_3133 : vector<128x768xf32>
    %slice3A_3135 = vector.extract_strided_slice %concatenate3A {offsets = [1280, 0], sizes = [128, 768], strides = [1, 1]} : vector<2048x768xf32> to vector<128x768xf32>
    %add3A_3136 = arith.addf %slice3A_3135, %add3A_3134 : vector<128x768xf32>
    %reduce_sum3A_3137 = arith.constant dense<0.000000e+00> : vector<128xf32>
    %reduce_sum3A_3138 = vector.multi_reduction <add>, %add3A_3136, %reduce_sum3A_3137 [1] : vector<128x768xf32> to vector<128xf32>
    %broadcast_in_dim3A_3139 = vector.shape_cast %reduce_sum3A_3138 : vector<128xf32> to vector<128x1xf32>
    %div3A_3140 = arith.constant 7.680000e+02 : f32
    %div3A_3141 = vector.broadcast %div3A_3140 : f32 to vector<128x1xf32>
    %div3A_3142 = arith.divf %broadcast_in_dim3A_3139, %div3A_3141 : vector<128x1xf32>
    %sub3A_3143 = vector.broadcast %div3A_3142 : vector<128x1xf32> to vector<128x768xf32>
    %sub3A_3144 = arith.subf %add3A_3136, %sub3A_3143 : vector<128x768xf32>
    %integer_pow3A_3145 = arith.mulf %sub3A_3144, %sub3A_3144 : vector<128x768xf32>
    %reduce_sum3A_3146 = arith.constant dense<0.000000e+00> : vector<128xf32>
    %reduce_sum3A_3147 = vector.multi_reduction <add>, %integer_pow3A_3145, %reduce_sum3A_3146 [1] : vector<128x768xf32> to vector<128xf32>
    %broadcast_in_dim3A_3148 = vector.shape_cast %reduce_sum3A_3147 : vector<128xf32> to vector<128x1xf32>
    %div3A_3149 = arith.constant 7.680000e+02 : f32
    %div3A_3150 = vector.broadcast %div3A_3149 : f32 to vector<128x1xf32>
    %div3A_3151 = arith.divf %broadcast_in_dim3A_3148, %div3A_3150 : vector<128x1xf32>
    %sub3A_3152 = vector.broadcast %div3A_3142 : vector<128x1xf32> to vector<128x768xf32>
    %sub3A_3153 = arith.subf %add3A_3136, %sub3A_3152 : vector<128x768xf32>
    %add3A_3154 = arith.constant 9.99999974E-6 : f32
    %add3A_3155 = vector.broadcast %add3A_3154 : f32 to vector<128x1xf32>
    %add3A_3156 = arith.addf %div3A_3151, %add3A_3155 : vector<128x1xf32>
    %rsqrt3A_3157 = math.rsqrt %add3A_3156 : vector<128x1xf32>
    %mul3A_3158 = vector.broadcast %rsqrt3A_3157 : vector<128x1xf32> to vector<128x768xf32>
    %mul3A_3159 = arith.mulf %sub3A_3153, %mul3A_3158 : vector<128x768xf32>
    %mul3A_3160 = vector.broadcast %get3A_1931 : vector<1x768xf32> to vector<128x768xf32>
    %mul3A_3161 = arith.mulf %mul3A_3159, %mul3A_3160 : vector<128x768xf32>
    %add3A_3162 = vector.broadcast %get3A_1934 : vector<1x768xf32> to vector<128x768xf32>
    %add3A_3163 = arith.addf %mul3A_3161, %add3A_3162 : vector<128x768xf32>
    %slice3A_3164 = vector.extract_strided_slice %dot_general3A_1936 {offsets = [1408, 0], sizes = [128, 16], strides = [1, 1]} : vector<2048x16xf32> to vector<128x16xf32>
    %slice3A_3165 = vector.extract_strided_slice %dot_general3A_1938 {offsets = [1344, 0], sizes = [256, 16], strides = [1, 1]} : vector<2048x16xf32> to vector<256x16xf32>
    %slice3A_3166 = vector.extract_strided_slice %concatenate3A {offsets = [1344, 0], sizes = [256, 768], strides = [1, 1]} : vector<2048x768xf32> to vector<256x768xf32>
    %dot_general3A_3167 = arith.constant dense<0.000000e+00> : vector<128x256xf32>
    %dot_general3A_3168 = tpu.matmul %slice3A_3164, %slice3A_3165, %dot_general3A_3167 {dimension_numbers = #tpu.dot_dimension_numbers<[1], [1], [0], [0], [0, 0, 1, 0], [], []>, transpose_lhs_hint = false} : vector<128x16xf32>, vector<256x16xf32>, vector<128x256xf32> -> vector<128x256xf32>
    %mul3A_3169 = arith.constant 2.500000e-01 : f32
    %mul3A_3170 = vector.broadcast %mul3A_3169 : f32 to vector<128x256xf32>
    %mul3A_3171 = arith.mulf %dot_general3A_3168, %mul3A_3170 : vector<128x256xf32>
    %dot_general3A_3172 = arith.constant dense<0.000000e+00> : vector<128x1xf32>
    %dot_general3A_3173 = tpu.matmul %slice3A_3164, %dot_general3A_1942, %dot_general3A_3172 {dimension_numbers = #tpu.dot_dimension_numbers<[1], [1], [0], [0], [0, 0, 1, 0], [], []>, transpose_lhs_hint = false} : vector<128x16xf32>, vector<1x16xf32>, vector<128x1xf32> -> vector<128x1xf32>
    %mul3A_3174 = arith.constant 2.500000e-01 : f32
    %mul3A_3175 = vector.broadcast %mul3A_3174 : f32 to vector<128x1xf32>
    %mul3A_3176 = arith.mulf %dot_general3A_3173, %mul3A_3175 : vector<128x1xf32>
    %iota3A_3177 = tpu.iota {dimensions = array<i32: 0>} : vector<128x256xi32>
    %iota3A_3178 = tpu.iota {dimensions = array<i32: 1>} : vector<128x256xi32>
    %sub3A_3179 = arith.subi %iota3A_3177, %iota3A_3178 : vector<128x256xi32>
    %add3A_3180 = arith.constant 64 : i32
    %add3A_3181 = vector.broadcast %add3A_3180 : i32 to vector<128x256xi32>
    %add3A_3182 = arith.addi %sub3A_3179, %add3A_3181 : vector<128x256xi32>
    %abs3A_3183 = math.absi %add3A_3182 : vector<128x256xi32>
    %le3A_3184 = arith.constant 64 : i32
    %le3A_3185 = vector.broadcast %le3A_3184 : i32 to vector<128x256xi32>
    %le3A_3186 = arith.cmpi sle, %abs3A_3183, %le3A_3185 : vector<128x256xi32>
    %abs3A_3187 = math.absf %mul3A_3171 : vector<128x256xf32>
    %jit3A_3188 = arith.constant 0xFF800000 : f32
    %broadcast_in_dim3A_3189 = vector.broadcast %jit3A_3188 : f32 to vector<128x256xf32>
    %select_n3A_3190 = arith.select %le3A_3186, %abs3A_3187, %broadcast_in_dim3A_3189 : vector<128x256xi1>, vector<128x256xf32>
    %reduce_max3A_3191 = arith.constant dense<0xFF800000> : vector<128xf32>
    %reduce_max3A_3192 = vector.multi_reduction <maximumf>, %select_n3A_3190, %reduce_max3A_3191 [1] : vector<128x256xf32> to vector<128xf32>
    %broadcast_in_dim3A_3193 = vector.shape_cast %reduce_max3A_3192 : vector<128xf32> to vector<128x1xf32>
    %abs3A_3194 = math.absf %mul3A_3176 : vector<128x1xf32>
    %max3A_3195 = arith.maximumf %broadcast_in_dim3A_3193, %abs3A_3194 : vector<128x1xf32>
    %sub3A_3196 = vector.broadcast %max3A_3195 : vector<128x1xf32> to vector<128x256xf32>
    %sub3A_3197 = arith.subf %abs3A_3187, %sub3A_3196 : vector<128x256xf32>
    %exp3A_3198 = math.exp %sub3A_3197 : vector<128x256xf32>
    %jit3A_3199 = arith.constant 0.000000e+00 : f32
    %broadcast_in_dim3A_3200 = vector.broadcast %jit3A_3199 : f32 to vector<128x256xf32>
    %select_n3A_3201 = arith.select %le3A_3186, %exp3A_3198, %broadcast_in_dim3A_3200 : vector<128x256xi1>, vector<128x256xf32>
    %abs3A_3202 = math.absf %mul3A_3176 : vector<128x1xf32>
    %sub3A_3203 = arith.subf %abs3A_3202, %max3A_3195 : vector<128x1xf32>
    %exp3A_3204 = math.exp %sub3A_3203 : vector<128x1xf32>
    %reduce_sum3A_3205 = arith.constant dense<0.000000e+00> : vector<128xf32>
    %reduce_sum3A_3206 = vector.multi_reduction <add>, %select_n3A_3201, %reduce_sum3A_3205 [1] : vector<128x256xf32> to vector<128xf32>
    %broadcast_in_dim3A_3207 = vector.shape_cast %reduce_sum3A_3206 : vector<128xf32> to vector<128x1xf32>
    %add3A_3208 = arith.addf %broadcast_in_dim3A_3207, %exp3A_3204 : vector<128x1xf32>
    %sign3A_3209 = tpu.bitcast %mul3A_3171 : vector<128x256xf32> -> vector<128x256xi32>
    %sign3A_3210 = arith.constant -2147483648 : i32
    %sign3A_3211 = vector.broadcast %sign3A_3210 : i32 to vector<128x256xi32>
    %sign3A_3212 = arith.andi %sign3A_3209, %sign3A_3211 : vector<128x256xi32>
    %sign3A_3213 = arith.constant 1065353216 : i32
    %sign3A_3214 = vector.broadcast %sign3A_3213 : i32 to vector<128x256xi32>
    %sign3A_3215 = arith.ori %sign3A_3214, %sign3A_3212 : vector<128x256xi32>
    %sign3A_3216 = tpu.bitcast %sign3A_3215 : vector<128x256xi32> -> vector<128x256xf32>
    %sign3A_3217 = math.absf %mul3A_3171 : vector<128x256xf32>
    %sign3A_3218 = arith.constant 0.000000e+00 : f32
    %sign3A_3219 = vector.broadcast %sign3A_3218 : f32 to vector<128x256xf32>
    %sign3A_3220 = arith.cmpf ogt, %sign3A_3217, %sign3A_3219 : vector<128x256xf32>
    %sign3A_3221 = arith.select %sign3A_3220, %sign3A_3216, %mul3A_3171 : vector<128x256xi1>, vector<128x256xf32>
    %div3A_3222 = vector.broadcast %add3A_3208 : vector<128x1xf32> to vector<128x256xf32>
    %div3A_3223 = arith.divf %select_n3A_3201, %div3A_3222 : vector<128x256xf32>
    %mul3A_3224 = arith.mulf %sign3A_3221, %div3A_3223 : vector<128x256xf32>
    %sign3A_3225 = tpu.bitcast %mul3A_3176 : vector<128x1xf32> -> vector<128x1xi32>
    %sign3A_3226 = arith.constant -2147483648 : i32
    %sign3A_3227 = vector.broadcast %sign3A_3226 : i32 to vector<128x1xi32>
    %sign3A_3228 = arith.andi %sign3A_3225, %sign3A_3227 : vector<128x1xi32>
    %sign3A_3229 = arith.constant 1065353216 : i32
    %sign3A_3230 = vector.broadcast %sign3A_3229 : i32 to vector<128x1xi32>
    %sign3A_3231 = arith.ori %sign3A_3230, %sign3A_3228 : vector<128x1xi32>
    %sign3A_3232 = tpu.bitcast %sign3A_3231 : vector<128x1xi32> -> vector<128x1xf32>
    %sign3A_3233 = math.absf %mul3A_3176 : vector<128x1xf32>
    %sign3A_3234 = arith.constant 0.000000e+00 : f32
    %sign3A_3235 = vector.broadcast %sign3A_3234 : f32 to vector<128x1xf32>
    %sign3A_3236 = arith.cmpf ogt, %sign3A_3233, %sign3A_3235 : vector<128x1xf32>
    %sign3A_3237 = arith.select %sign3A_3236, %sign3A_3232, %mul3A_3176 : vector<128x1xi1>, vector<128x1xf32>
    %div3A_3238 = arith.divf %exp3A_3204, %add3A_3208 : vector<128x1xf32>
    %mul3A_3239 = arith.mulf %sign3A_3237, %div3A_3238 : vector<128x1xf32>
    %dot_general3A_3240 = arith.constant dense<0.000000e+00> : vector<128x768xf32>
    %dot_general3A_3241 = tpu.matmul %mul3A_3224, %slice3A_3166, %dot_general3A_3240 {dimension_numbers = #tpu.dot_dimension_numbers<[1], [0], [0], [1], [0, 0, 1, 1], [], []>, transpose_lhs_hint = false} : vector<128x256xf32>, vector<256x768xf32>, vector<128x768xf32> -> vector<128x768xf32>
    %mul3A_3242 = vector.broadcast %mul3A_3239 : vector<128x1xf32> to vector<128x768xf32>
    %mul3A_3243 = vector.broadcast %add3A_1918 : vector<1x768xf32> to vector<128x768xf32>
    %mul3A_3244 = arith.mulf %mul3A_3242, %mul3A_3243 : vector<128x768xf32>
    %add3A_3245 = arith.addf %dot_general3A_3241, %mul3A_3244 : vector<128x768xf32>
    %slice3A_3246 = vector.extract_strided_slice %concatenate3A {offsets = [1408, 0], sizes = [128, 768], strides = [1, 1]} : vector<2048x768xf32> to vector<128x768xf32>
    %add3A_3247 = arith.addf %slice3A_3246, %add3A_3245 : vector<128x768xf32>
    %reduce_sum3A_3248 = arith.constant dense<0.000000e+00> : vector<128xf32>
    %reduce_sum3A_3249 = vector.multi_reduction <add>, %add3A_3247, %reduce_sum3A_3248 [1] : vector<128x768xf32> to vector<128xf32>
    %broadcast_in_dim3A_3250 = vector.shape_cast %reduce_sum3A_3249 : vector<128xf32> to vector<128x1xf32>
    %div3A_3251 = arith.constant 7.680000e+02 : f32
    %div3A_3252 = vector.broadcast %div3A_3251 : f32 to vector<128x1xf32>
    %div3A_3253 = arith.divf %broadcast_in_dim3A_3250, %div3A_3252 : vector<128x1xf32>
    %sub3A_3254 = vector.broadcast %div3A_3253 : vector<128x1xf32> to vector<128x768xf32>
    %sub3A_3255 = arith.subf %add3A_3247, %sub3A_3254 : vector<128x768xf32>
    %integer_pow3A_3256 = arith.mulf %sub3A_3255, %sub3A_3255 : vector<128x768xf32>
    %reduce_sum3A_3257 = arith.constant dense<0.000000e+00> : vector<128xf32>
    %reduce_sum3A_3258 = vector.multi_reduction <add>, %integer_pow3A_3256, %reduce_sum3A_3257 [1] : vector<128x768xf32> to vector<128xf32>
    %broadcast_in_dim3A_3259 = vector.shape_cast %reduce_sum3A_3258 : vector<128xf32> to vector<128x1xf32>
    %div3A_3260 = arith.constant 7.680000e+02 : f32
    %div3A_3261 = vector.broadcast %div3A_3260 : f32 to vector<128x1xf32>
    %div3A_3262 = arith.divf %broadcast_in_dim3A_3259, %div3A_3261 : vector<128x1xf32>
    %sub3A_3263 = vector.broadcast %div3A_3253 : vector<128x1xf32> to vector<128x768xf32>
    %sub3A_3264 = arith.subf %add3A_3247, %sub3A_3263 : vector<128x768xf32>
    %add3A_3265 = arith.constant 9.99999974E-6 : f32
    %add3A_3266 = vector.broadcast %add3A_3265 : f32 to vector<128x1xf32>
    %add3A_3267 = arith.addf %div3A_3262, %add3A_3266 : vector<128x1xf32>
    %rsqrt3A_3268 = math.rsqrt %add3A_3267 : vector<128x1xf32>
    %mul3A_3269 = vector.broadcast %rsqrt3A_3268 : vector<128x1xf32> to vector<128x768xf32>
    %mul3A_3270 = arith.mulf %sub3A_3264, %mul3A_3269 : vector<128x768xf32>
    %mul3A_3271 = vector.broadcast %get3A_1931 : vector<1x768xf32> to vector<128x768xf32>
    %mul3A_3272 = arith.mulf %mul3A_3270, %mul3A_3271 : vector<128x768xf32>
    %add3A_3273 = vector.broadcast %get3A_1934 : vector<1x768xf32> to vector<128x768xf32>
    %add3A_3274 = arith.addf %mul3A_3272, %add3A_3273 : vector<128x768xf32>
    %slice3A_3275 = vector.extract_strided_slice %dot_general3A_1936 {offsets = [1536, 0], sizes = [128, 16], strides = [1, 1]} : vector<2048x16xf32> to vector<128x16xf32>
    %slice3A_3276 = vector.extract_strided_slice %dot_general3A_1938 {offsets = [1472, 0], sizes = [256, 16], strides = [1, 1]} : vector<2048x16xf32> to vector<256x16xf32>
    %slice3A_3277 = vector.extract_strided_slice %concatenate3A {offsets = [1472, 0], sizes = [256, 768], strides = [1, 1]} : vector<2048x768xf32> to vector<256x768xf32>
    %dot_general3A_3278 = arith.constant dense<0.000000e+00> : vector<128x256xf32>
    %dot_general3A_3279 = tpu.matmul %slice3A_3275, %slice3A_3276, %dot_general3A_3278 {dimension_numbers = #tpu.dot_dimension_numbers<[1], [1], [0], [0], [0, 0, 1, 0], [], []>, transpose_lhs_hint = false} : vector<128x16xf32>, vector<256x16xf32>, vector<128x256xf32> -> vector<128x256xf32>
    %mul3A_3280 = arith.constant 2.500000e-01 : f32
    %mul3A_3281 = vector.broadcast %mul3A_3280 : f32 to vector<128x256xf32>
    %mul3A_3282 = arith.mulf %dot_general3A_3279, %mul3A_3281 : vector<128x256xf32>
    %dot_general3A_3283 = arith.constant dense<0.000000e+00> : vector<128x1xf32>
    %dot_general3A_3284 = tpu.matmul %slice3A_3275, %dot_general3A_1942, %dot_general3A_3283 {dimension_numbers = #tpu.dot_dimension_numbers<[1], [1], [0], [0], [0, 0, 1, 0], [], []>, transpose_lhs_hint = false} : vector<128x16xf32>, vector<1x16xf32>, vector<128x1xf32> -> vector<128x1xf32>
    %mul3A_3285 = arith.constant 2.500000e-01 : f32
    %mul3A_3286 = vector.broadcast %mul3A_3285 : f32 to vector<128x1xf32>
    %mul3A_3287 = arith.mulf %dot_general3A_3284, %mul3A_3286 : vector<128x1xf32>
    %iota3A_3288 = tpu.iota {dimensions = array<i32: 0>} : vector<128x256xi32>
    %iota3A_3289 = tpu.iota {dimensions = array<i32: 1>} : vector<128x256xi32>
    %sub3A_3290 = arith.subi %iota3A_3288, %iota3A_3289 : vector<128x256xi32>
    %add3A_3291 = arith.constant 64 : i32
    %add3A_3292 = vector.broadcast %add3A_3291 : i32 to vector<128x256xi32>
    %add3A_3293 = arith.addi %sub3A_3290, %add3A_3292 : vector<128x256xi32>
    %abs3A_3294 = math.absi %add3A_3293 : vector<128x256xi32>
    %le3A_3295 = arith.constant 64 : i32
    %le3A_3296 = vector.broadcast %le3A_3295 : i32 to vector<128x256xi32>
    %le3A_3297 = arith.cmpi sle, %abs3A_3294, %le3A_3296 : vector<128x256xi32>
    %abs3A_3298 = math.absf %mul3A_3282 : vector<128x256xf32>
    %jit3A_3299 = arith.constant 0xFF800000 : f32
    %broadcast_in_dim3A_3300 = vector.broadcast %jit3A_3299 : f32 to vector<128x256xf32>
    %select_n3A_3301 = arith.select %le3A_3297, %abs3A_3298, %broadcast_in_dim3A_3300 : vector<128x256xi1>, vector<128x256xf32>
    %reduce_max3A_3302 = arith.constant dense<0xFF800000> : vector<128xf32>
    %reduce_max3A_3303 = vector.multi_reduction <maximumf>, %select_n3A_3301, %reduce_max3A_3302 [1] : vector<128x256xf32> to vector<128xf32>
    %broadcast_in_dim3A_3304 = vector.shape_cast %reduce_max3A_3303 : vector<128xf32> to vector<128x1xf32>
    %abs3A_3305 = math.absf %mul3A_3287 : vector<128x1xf32>
    %max3A_3306 = arith.maximumf %broadcast_in_dim3A_3304, %abs3A_3305 : vector<128x1xf32>
    %sub3A_3307 = vector.broadcast %max3A_3306 : vector<128x1xf32> to vector<128x256xf32>
    %sub3A_3308 = arith.subf %abs3A_3298, %sub3A_3307 : vector<128x256xf32>
    %exp3A_3309 = math.exp %sub3A_3308 : vector<128x256xf32>
    %jit3A_3310 = arith.constant 0.000000e+00 : f32
    %broadcast_in_dim3A_3311 = vector.broadcast %jit3A_3310 : f32 to vector<128x256xf32>
    %select_n3A_3312 = arith.select %le3A_3297, %exp3A_3309, %broadcast_in_dim3A_3311 : vector<128x256xi1>, vector<128x256xf32>
    %abs3A_3313 = math.absf %mul3A_3287 : vector<128x1xf32>
    %sub3A_3314 = arith.subf %abs3A_3313, %max3A_3306 : vector<128x1xf32>
    %exp3A_3315 = math.exp %sub3A_3314 : vector<128x1xf32>
    %reduce_sum3A_3316 = arith.constant dense<0.000000e+00> : vector<128xf32>
    %reduce_sum3A_3317 = vector.multi_reduction <add>, %select_n3A_3312, %reduce_sum3A_3316 [1] : vector<128x256xf32> to vector<128xf32>
    %broadcast_in_dim3A_3318 = vector.shape_cast %reduce_sum3A_3317 : vector<128xf32> to vector<128x1xf32>
    %add3A_3319 = arith.addf %broadcast_in_dim3A_3318, %exp3A_3315 : vector<128x1xf32>
    %sign3A_3320 = tpu.bitcast %mul3A_3282 : vector<128x256xf32> -> vector<128x256xi32>
    %sign3A_3321 = arith.constant -2147483648 : i32
    %sign3A_3322 = vector.broadcast %sign3A_3321 : i32 to vector<128x256xi32>
    %sign3A_3323 = arith.andi %sign3A_3320, %sign3A_3322 : vector<128x256xi32>
    %sign3A_3324 = arith.constant 1065353216 : i32
    %sign3A_3325 = vector.broadcast %sign3A_3324 : i32 to vector<128x256xi32>
    %sign3A_3326 = arith.ori %sign3A_3325, %sign3A_3323 : vector<128x256xi32>
    %sign3A_3327 = tpu.bitcast %sign3A_3326 : vector<128x256xi32> -> vector<128x256xf32>
    %sign3A_3328 = math.absf %mul3A_3282 : vector<128x256xf32>
    %sign3A_3329 = arith.constant 0.000000e+00 : f32
    %sign3A_3330 = vector.broadcast %sign3A_3329 : f32 to vector<128x256xf32>
    %sign3A_3331 = arith.cmpf ogt, %sign3A_3328, %sign3A_3330 : vector<128x256xf32>
    %sign3A_3332 = arith.select %sign3A_3331, %sign3A_3327, %mul3A_3282 : vector<128x256xi1>, vector<128x256xf32>
    %div3A_3333 = vector.broadcast %add3A_3319 : vector<128x1xf32> to vector<128x256xf32>
    %div3A_3334 = arith.divf %select_n3A_3312, %div3A_3333 : vector<128x256xf32>
    %mul3A_3335 = arith.mulf %sign3A_3332, %div3A_3334 : vector<128x256xf32>
    %sign3A_3336 = tpu.bitcast %mul3A_3287 : vector<128x1xf32> -> vector<128x1xi32>
    %sign3A_3337 = arith.constant -2147483648 : i32
    %sign3A_3338 = vector.broadcast %sign3A_3337 : i32 to vector<128x1xi32>
    %sign3A_3339 = arith.andi %sign3A_3336, %sign3A_3338 : vector<128x1xi32>
    %sign3A_3340 = arith.constant 1065353216 : i32
    %sign3A_3341 = vector.broadcast %sign3A_3340 : i32 to vector<128x1xi32>
    %sign3A_3342 = arith.ori %sign3A_3341, %sign3A_3339 : vector<128x1xi32>
    %sign3A_3343 = tpu.bitcast %sign3A_3342 : vector<128x1xi32> -> vector<128x1xf32>
    %sign3A_3344 = math.absf %mul3A_3287 : vector<128x1xf32>
    %sign3A_3345 = arith.constant 0.000000e+00 : f32
    %sign3A_3346 = vector.broadcast %sign3A_3345 : f32 to vector<128x1xf32>
    %sign3A_3347 = arith.cmpf ogt, %sign3A_3344, %sign3A_3346 : vector<128x1xf32>
    %sign3A_3348 = arith.select %sign3A_3347, %sign3A_3343, %mul3A_3287 : vector<128x1xi1>, vector<128x1xf32>
    %div3A_3349 = arith.divf %exp3A_3315, %add3A_3319 : vector<128x1xf32>
    %mul3A_3350 = arith.mulf %sign3A_3348, %div3A_3349 : vector<128x1xf32>
    %dot_general3A_3351 = arith.constant dense<0.000000e+00> : vector<128x768xf32>
    %dot_general3A_3352 = tpu.matmul %mul3A_3335, %slice3A_3277, %dot_general3A_3351 {dimension_numbers = #tpu.dot_dimension_numbers<[1], [0], [0], [1], [0, 0, 1, 1], [], []>, transpose_lhs_hint = false} : vector<128x256xf32>, vector<256x768xf32>, vector<128x768xf32> -> vector<128x768xf32>
    %mul3A_3353 = vector.broadcast %mul3A_3350 : vector<128x1xf32> to vector<128x768xf32>
    %mul3A_3354 = vector.broadcast %add3A_1918 : vector<1x768xf32> to vector<128x768xf32>
    %mul3A_3355 = arith.mulf %mul3A_3353, %mul3A_3354 : vector<128x768xf32>
    %add3A_3356 = arith.addf %dot_general3A_3352, %mul3A_3355 : vector<128x768xf32>
    %slice3A_3357 = vector.extract_strided_slice %concatenate3A {offsets = [1536, 0], sizes = [128, 768], strides = [1, 1]} : vector<2048x768xf32> to vector<128x768xf32>
    %add3A_3358 = arith.addf %slice3A_3357, %add3A_3356 : vector<128x768xf32>
    %reduce_sum3A_3359 = arith.constant dense<0.000000e+00> : vector<128xf32>
    %reduce_sum3A_3360 = vector.multi_reduction <add>, %add3A_3358, %reduce_sum3A_3359 [1] : vector<128x768xf32> to vector<128xf32>
    %broadcast_in_dim3A_3361 = vector.shape_cast %reduce_sum3A_3360 : vector<128xf32> to vector<128x1xf32>
    %div3A_3362 = arith.constant 7.680000e+02 : f32
    %div3A_3363 = vector.broadcast %div3A_3362 : f32 to vector<128x1xf32>
    %div3A_3364 = arith.divf %broadcast_in_dim3A_3361, %div3A_3363 : vector<128x1xf32>
    %sub3A_3365 = vector.broadcast %div3A_3364 : vector<128x1xf32> to vector<128x768xf32>
    %sub3A_3366 = arith.subf %add3A_3358, %sub3A_3365 : vector<128x768xf32>
    %integer_pow3A_3367 = arith.mulf %sub3A_3366, %sub3A_3366 : vector<128x768xf32>
    %reduce_sum3A_3368 = arith.constant dense<0.000000e+00> : vector<128xf32>
    %reduce_sum3A_3369 = vector.multi_reduction <add>, %integer_pow3A_3367, %reduce_sum3A_3368 [1] : vector<128x768xf32> to vector<128xf32>
    %broadcast_in_dim3A_3370 = vector.shape_cast %reduce_sum3A_3369 : vector<128xf32> to vector<128x1xf32>
    %div3A_3371 = arith.constant 7.680000e+02 : f32
    %div3A_3372 = vector.broadcast %div3A_3371 : f32 to vector<128x1xf32>
    %div3A_3373 = arith.divf %broadcast_in_dim3A_3370, %div3A_3372 : vector<128x1xf32>
    %sub3A_3374 = vector.broadcast %div3A_3364 : vector<128x1xf32> to vector<128x768xf32>
    %sub3A_3375 = arith.subf %add3A_3358, %sub3A_3374 : vector<128x768xf32>
    %add3A_3376 = arith.constant 9.99999974E-6 : f32
    %add3A_3377 = vector.broadcast %add3A_3376 : f32 to vector<128x1xf32>
    %add3A_3378 = arith.addf %div3A_3373, %add3A_3377 : vector<128x1xf32>
    %rsqrt3A_3379 = math.rsqrt %add3A_3378 : vector<128x1xf32>
    %mul3A_3380 = vector.broadcast %rsqrt3A_3379 : vector<128x1xf32> to vector<128x768xf32>
    %mul3A_3381 = arith.mulf %sub3A_3375, %mul3A_3380 : vector<128x768xf32>
    %mul3A_3382 = vector.broadcast %get3A_1931 : vector<1x768xf32> to vector<128x768xf32>
    %mul3A_3383 = arith.mulf %mul3A_3381, %mul3A_3382 : vector<128x768xf32>
    %add3A_3384 = vector.broadcast %get3A_1934 : vector<1x768xf32> to vector<128x768xf32>
    %add3A_3385 = arith.addf %mul3A_3383, %add3A_3384 : vector<128x768xf32>
    %slice3A_3386 = vector.extract_strided_slice %dot_general3A_1936 {offsets = [1664, 0], sizes = [128, 16], strides = [1, 1]} : vector<2048x16xf32> to vector<128x16xf32>
    %slice3A_3387 = vector.extract_strided_slice %dot_general3A_1938 {offsets = [1600, 0], sizes = [256, 16], strides = [1, 1]} : vector<2048x16xf32> to vector<256x16xf32>
    %slice3A_3388 = vector.extract_strided_slice %concatenate3A {offsets = [1600, 0], sizes = [256, 768], strides = [1, 1]} : vector<2048x768xf32> to vector<256x768xf32>
    %dot_general3A_3389 = arith.constant dense<0.000000e+00> : vector<128x256xf32>
    %dot_general3A_3390 = tpu.matmul %slice3A_3386, %slice3A_3387, %dot_general3A_3389 {dimension_numbers = #tpu.dot_dimension_numbers<[1], [1], [0], [0], [0, 0, 1, 0], [], []>, transpose_lhs_hint = false} : vector<128x16xf32>, vector<256x16xf32>, vector<128x256xf32> -> vector<128x256xf32>
    %mul3A_3391 = arith.constant 2.500000e-01 : f32
    %mul3A_3392 = vector.broadcast %mul3A_3391 : f32 to vector<128x256xf32>
    %mul3A_3393 = arith.mulf %dot_general3A_3390, %mul3A_3392 : vector<128x256xf32>
    %dot_general3A_3394 = arith.constant dense<0.000000e+00> : vector<128x1xf32>
    %dot_general3A_3395 = tpu.matmul %slice3A_3386, %dot_general3A_1942, %dot_general3A_3394 {dimension_numbers = #tpu.dot_dimension_numbers<[1], [1], [0], [0], [0, 0, 1, 0], [], []>, transpose_lhs_hint = false} : vector<128x16xf32>, vector<1x16xf32>, vector<128x1xf32> -> vector<128x1xf32>
    %mul3A_3396 = arith.constant 2.500000e-01 : f32
    %mul3A_3397 = vector.broadcast %mul3A_3396 : f32 to vector<128x1xf32>
    %mul3A_3398 = arith.mulf %dot_general3A_3395, %mul3A_3397 : vector<128x1xf32>
    %iota3A_3399 = tpu.iota {dimensions = array<i32: 0>} : vector<128x256xi32>
    %iota3A_3400 = tpu.iota {dimensions = array<i32: 1>} : vector<128x256xi32>
    %sub3A_3401 = arith.subi %iota3A_3399, %iota3A_3400 : vector<128x256xi32>
    %add3A_3402 = arith.constant 64 : i32
    %add3A_3403 = vector.broadcast %add3A_3402 : i32 to vector<128x256xi32>
    %add3A_3404 = arith.addi %sub3A_3401, %add3A_3403 : vector<128x256xi32>
    %abs3A_3405 = math.absi %add3A_3404 : vector<128x256xi32>
    %le3A_3406 = arith.constant 64 : i32
    %le3A_3407 = vector.broadcast %le3A_3406 : i32 to vector<128x256xi32>
    %le3A_3408 = arith.cmpi sle, %abs3A_3405, %le3A_3407 : vector<128x256xi32>
    %abs3A_3409 = math.absf %mul3A_3393 : vector<128x256xf32>
    %jit3A_3410 = arith.constant 0xFF800000 : f32
    %broadcast_in_dim3A_3411 = vector.broadcast %jit3A_3410 : f32 to vector<128x256xf32>
    %select_n3A_3412 = arith.select %le3A_3408, %abs3A_3409, %broadcast_in_dim3A_3411 : vector<128x256xi1>, vector<128x256xf32>
    %reduce_max3A_3413 = arith.constant dense<0xFF800000> : vector<128xf32>
    %reduce_max3A_3414 = vector.multi_reduction <maximumf>, %select_n3A_3412, %reduce_max3A_3413 [1] : vector<128x256xf32> to vector<128xf32>
    %broadcast_in_dim3A_3415 = vector.shape_cast %reduce_max3A_3414 : vector<128xf32> to vector<128x1xf32>
    %abs3A_3416 = math.absf %mul3A_3398 : vector<128x1xf32>
    %max3A_3417 = arith.maximumf %broadcast_in_dim3A_3415, %abs3A_3416 : vector<128x1xf32>
    %sub3A_3418 = vector.broadcast %max3A_3417 : vector<128x1xf32> to vector<128x256xf32>
    %sub3A_3419 = arith.subf %abs3A_3409, %sub3A_3418 : vector<128x256xf32>
    %exp3A_3420 = math.exp %sub3A_3419 : vector<128x256xf32>
    %jit3A_3421 = arith.constant 0.000000e+00 : f32
    %broadcast_in_dim3A_3422 = vector.broadcast %jit3A_3421 : f32 to vector<128x256xf32>
    %select_n3A_3423 = arith.select %le3A_3408, %exp3A_3420, %broadcast_in_dim3A_3422 : vector<128x256xi1>, vector<128x256xf32>
    %abs3A_3424 = math.absf %mul3A_3398 : vector<128x1xf32>
    %sub3A_3425 = arith.subf %abs3A_3424, %max3A_3417 : vector<128x1xf32>
    %exp3A_3426 = math.exp %sub3A_3425 : vector<128x1xf32>
    %reduce_sum3A_3427 = arith.constant dense<0.000000e+00> : vector<128xf32>
    %reduce_sum3A_3428 = vector.multi_reduction <add>, %select_n3A_3423, %reduce_sum3A_3427 [1] : vector<128x256xf32> to vector<128xf32>
    %broadcast_in_dim3A_3429 = vector.shape_cast %reduce_sum3A_3428 : vector<128xf32> to vector<128x1xf32>
    %add3A_3430 = arith.addf %broadcast_in_dim3A_3429, %exp3A_3426 : vector<128x1xf32>
    %sign3A_3431 = tpu.bitcast %mul3A_3393 : vector<128x256xf32> -> vector<128x256xi32>
    %sign3A_3432 = arith.constant -2147483648 : i32
    %sign3A_3433 = vector.broadcast %sign3A_3432 : i32 to vector<128x256xi32>
    %sign3A_3434 = arith.andi %sign3A_3431, %sign3A_3433 : vector<128x256xi32>
    %sign3A_3435 = arith.constant 1065353216 : i32
    %sign3A_3436 = vector.broadcast %sign3A_3435 : i32 to vector<128x256xi32>
    %sign3A_3437 = arith.ori %sign3A_3436, %sign3A_3434 : vector<128x256xi32>
    %sign3A_3438 = tpu.bitcast %sign3A_3437 : vector<128x256xi32> -> vector<128x256xf32>
    %sign3A_3439 = math.absf %mul3A_3393 : vector<128x256xf32>
    %sign3A_3440 = arith.constant 0.000000e+00 : f32
    %sign3A_3441 = vector.broadcast %sign3A_3440 : f32 to vector<128x256xf32>
    %sign3A_3442 = arith.cmpf ogt, %sign3A_3439, %sign3A_3441 : vector<128x256xf32>
    %sign3A_3443 = arith.select %sign3A_3442, %sign3A_3438, %mul3A_3393 : vector<128x256xi1>, vector<128x256xf32>
    %div3A_3444 = vector.broadcast %add3A_3430 : vector<128x1xf32> to vector<128x256xf32>
    %div3A_3445 = arith.divf %select_n3A_3423, %div3A_3444 : vector<128x256xf32>
    %mul3A_3446 = arith.mulf %sign3A_3443, %div3A_3445 : vector<128x256xf32>
    %sign3A_3447 = tpu.bitcast %mul3A_3398 : vector<128x1xf32> -> vector<128x1xi32>
    %sign3A_3448 = arith.constant -2147483648 : i32
    %sign3A_3449 = vector.broadcast %sign3A_3448 : i32 to vector<128x1xi32>
    %sign3A_3450 = arith.andi %sign3A_3447, %sign3A_3449 : vector<128x1xi32>
    %sign3A_3451 = arith.constant 1065353216 : i32
    %sign3A_3452 = vector.broadcast %sign3A_3451 : i32 to vector<128x1xi32>
    %sign3A_3453 = arith.ori %sign3A_3452, %sign3A_3450 : vector<128x1xi32>
    %sign3A_3454 = tpu.bitcast %sign3A_3453 : vector<128x1xi32> -> vector<128x1xf32>
    %sign3A_3455 = math.absf %mul3A_3398 : vector<128x1xf32>
    %sign3A_3456 = arith.constant 0.000000e+00 : f32
    %sign3A_3457 = vector.broadcast %sign3A_3456 : f32 to vector<128x1xf32>
    %sign3A_3458 = arith.cmpf ogt, %sign3A_3455, %sign3A_3457 : vector<128x1xf32>
    %sign3A_3459 = arith.select %sign3A_3458, %sign3A_3454, %mul3A_3398 : vector<128x1xi1>, vector<128x1xf32>
    %div3A_3460 = arith.divf %exp3A_3426, %add3A_3430 : vector<128x1xf32>
    %mul3A_3461 = arith.mulf %sign3A_3459, %div3A_3460 : vector<128x1xf32>
    %dot_general3A_3462 = arith.constant dense<0.000000e+00> : vector<128x768xf32>
    %dot_general3A_3463 = tpu.matmul %mul3A_3446, %slice3A_3388, %dot_general3A_3462 {dimension_numbers = #tpu.dot_dimension_numbers<[1], [0], [0], [1], [0, 0, 1, 1], [], []>, transpose_lhs_hint = false} : vector<128x256xf32>, vector<256x768xf32>, vector<128x768xf32> -> vector<128x768xf32>
    %mul3A_3464 = vector.broadcast %mul3A_3461 : vector<128x1xf32> to vector<128x768xf32>
    %mul3A_3465 = vector.broadcast %add3A_1918 : vector<1x768xf32> to vector<128x768xf32>
    %mul3A_3466 = arith.mulf %mul3A_3464, %mul3A_3465 : vector<128x768xf32>
    %add3A_3467 = arith.addf %dot_general3A_3463, %mul3A_3466 : vector<128x768xf32>
    %slice3A_3468 = vector.extract_strided_slice %concatenate3A {offsets = [1664, 0], sizes = [128, 768], strides = [1, 1]} : vector<2048x768xf32> to vector<128x768xf32>
    %add3A_3469 = arith.addf %slice3A_3468, %add3A_3467 : vector<128x768xf32>
    %reduce_sum3A_3470 = arith.constant dense<0.000000e+00> : vector<128xf32>
    %reduce_sum3A_3471 = vector.multi_reduction <add>, %add3A_3469, %reduce_sum3A_3470 [1] : vector<128x768xf32> to vector<128xf32>
    %broadcast_in_dim3A_3472 = vector.shape_cast %reduce_sum3A_3471 : vector<128xf32> to vector<128x1xf32>
    %div3A_3473 = arith.constant 7.680000e+02 : f32
    %div3A_3474 = vector.broadcast %div3A_3473 : f32 to vector<128x1xf32>
    %div3A_3475 = arith.divf %broadcast_in_dim3A_3472, %div3A_3474 : vector<128x1xf32>
    %sub3A_3476 = vector.broadcast %div3A_3475 : vector<128x1xf32> to vector<128x768xf32>
    %sub3A_3477 = arith.subf %add3A_3469, %sub3A_3476 : vector<128x768xf32>
    %integer_pow3A_3478 = arith.mulf %sub3A_3477, %sub3A_3477 : vector<128x768xf32>
    %reduce_sum3A_3479 = arith.constant dense<0.000000e+00> : vector<128xf32>
    %reduce_sum3A_3480 = vector.multi_reduction <add>, %integer_pow3A_3478, %reduce_sum3A_3479 [1] : vector<128x768xf32> to vector<128xf32>
    %broadcast_in_dim3A_3481 = vector.shape_cast %reduce_sum3A_3480 : vector<128xf32> to vector<128x1xf32>
    %div3A_3482 = arith.constant 7.680000e+02 : f32
    %div3A_3483 = vector.broadcast %div3A_3482 : f32 to vector<128x1xf32>
    %div3A_3484 = arith.divf %broadcast_in_dim3A_3481, %div3A_3483 : vector<128x1xf32>
    %sub3A_3485 = vector.broadcast %div3A_3475 : vector<128x1xf32> to vector<128x768xf32>
    %sub3A_3486 = arith.subf %add3A_3469, %sub3A_3485 : vector<128x768xf32>
    %add3A_3487 = arith.constant 9.99999974E-6 : f32
    %add3A_3488 = vector.broadcast %add3A_3487 : f32 to vector<128x1xf32>
    %add3A_3489 = arith.addf %div3A_3484, %add3A_3488 : vector<128x1xf32>
    %rsqrt3A_3490 = math.rsqrt %add3A_3489 : vector<128x1xf32>
    %mul3A_3491 = vector.broadcast %rsqrt3A_3490 : vector<128x1xf32> to vector<128x768xf32>
    %mul3A_3492 = arith.mulf %sub3A_3486, %mul3A_3491 : vector<128x768xf32>
    %mul3A_3493 = vector.broadcast %get3A_1931 : vector<1x768xf32> to vector<128x768xf32>
    %mul3A_3494 = arith.mulf %mul3A_3492, %mul3A_3493 : vector<128x768xf32>
    %add3A_3495 = vector.broadcast %get3A_1934 : vector<1x768xf32> to vector<128x768xf32>
    %add3A_3496 = arith.addf %mul3A_3494, %add3A_3495 : vector<128x768xf32>
    %slice3A_3497 = vector.extract_strided_slice %dot_general3A_1936 {offsets = [1792, 0], sizes = [128, 16], strides = [1, 1]} : vector<2048x16xf32> to vector<128x16xf32>
    %slice3A_3498 = vector.extract_strided_slice %dot_general3A_1938 {offsets = [1728, 0], sizes = [256, 16], strides = [1, 1]} : vector<2048x16xf32> to vector<256x16xf32>
    %slice3A_3499 = vector.extract_strided_slice %concatenate3A {offsets = [1728, 0], sizes = [256, 768], strides = [1, 1]} : vector<2048x768xf32> to vector<256x768xf32>
    %dot_general3A_3500 = arith.constant dense<0.000000e+00> : vector<128x256xf32>
    %dot_general3A_3501 = tpu.matmul %slice3A_3497, %slice3A_3498, %dot_general3A_3500 {dimension_numbers = #tpu.dot_dimension_numbers<[1], [1], [0], [0], [0, 0, 1, 0], [], []>, transpose_lhs_hint = false} : vector<128x16xf32>, vector<256x16xf32>, vector<128x256xf32> -> vector<128x256xf32>
    %mul3A_3502 = arith.constant 2.500000e-01 : f32
    %mul3A_3503 = vector.broadcast %mul3A_3502 : f32 to vector<128x256xf32>
    %mul3A_3504 = arith.mulf %dot_general3A_3501, %mul3A_3503 : vector<128x256xf32>
    %dot_general3A_3505 = arith.constant dense<0.000000e+00> : vector<128x1xf32>
    %dot_general3A_3506 = tpu.matmul %slice3A_3497, %dot_general3A_1942, %dot_general3A_3505 {dimension_numbers = #tpu.dot_dimension_numbers<[1], [1], [0], [0], [0, 0, 1, 0], [], []>, transpose_lhs_hint = false} : vector<128x16xf32>, vector<1x16xf32>, vector<128x1xf32> -> vector<128x1xf32>
    %mul3A_3507 = arith.constant 2.500000e-01 : f32
    %mul3A_3508 = vector.broadcast %mul3A_3507 : f32 to vector<128x1xf32>
    %mul3A_3509 = arith.mulf %dot_general3A_3506, %mul3A_3508 : vector<128x1xf32>
    %iota3A_3510 = tpu.iota {dimensions = array<i32: 0>} : vector<128x256xi32>
    %iota3A_3511 = tpu.iota {dimensions = array<i32: 1>} : vector<128x256xi32>
    %sub3A_3512 = arith.subi %iota3A_3510, %iota3A_3511 : vector<128x256xi32>
    %add3A_3513 = arith.constant 64 : i32
    %add3A_3514 = vector.broadcast %add3A_3513 : i32 to vector<128x256xi32>
    %add3A_3515 = arith.addi %sub3A_3512, %add3A_3514 : vector<128x256xi32>
    %abs3A_3516 = math.absi %add3A_3515 : vector<128x256xi32>
    %le3A_3517 = arith.constant 64 : i32
    %le3A_3518 = vector.broadcast %le3A_3517 : i32 to vector<128x256xi32>
    %le3A_3519 = arith.cmpi sle, %abs3A_3516, %le3A_3518 : vector<128x256xi32>
    %abs3A_3520 = math.absf %mul3A_3504 : vector<128x256xf32>
    %jit3A_3521 = arith.constant 0xFF800000 : f32
    %broadcast_in_dim3A_3522 = vector.broadcast %jit3A_3521 : f32 to vector<128x256xf32>
    %select_n3A_3523 = arith.select %le3A_3519, %abs3A_3520, %broadcast_in_dim3A_3522 : vector<128x256xi1>, vector<128x256xf32>
    %reduce_max3A_3524 = arith.constant dense<0xFF800000> : vector<128xf32>
    %reduce_max3A_3525 = vector.multi_reduction <maximumf>, %select_n3A_3523, %reduce_max3A_3524 [1] : vector<128x256xf32> to vector<128xf32>
    %broadcast_in_dim3A_3526 = vector.shape_cast %reduce_max3A_3525 : vector<128xf32> to vector<128x1xf32>
    %abs3A_3527 = math.absf %mul3A_3509 : vector<128x1xf32>
    %max3A_3528 = arith.maximumf %broadcast_in_dim3A_3526, %abs3A_3527 : vector<128x1xf32>
    %sub3A_3529 = vector.broadcast %max3A_3528 : vector<128x1xf32> to vector<128x256xf32>
    %sub3A_3530 = arith.subf %abs3A_3520, %sub3A_3529 : vector<128x256xf32>
    %exp3A_3531 = math.exp %sub3A_3530 : vector<128x256xf32>
    %jit3A_3532 = arith.constant 0.000000e+00 : f32
    %broadcast_in_dim3A_3533 = vector.broadcast %jit3A_3532 : f32 to vector<128x256xf32>
    %select_n3A_3534 = arith.select %le3A_3519, %exp3A_3531, %broadcast_in_dim3A_3533 : vector<128x256xi1>, vector<128x256xf32>
    %abs3A_3535 = math.absf %mul3A_3509 : vector<128x1xf32>
    %sub3A_3536 = arith.subf %abs3A_3535, %max3A_3528 : vector<128x1xf32>
    %exp3A_3537 = math.exp %sub3A_3536 : vector<128x1xf32>
    %reduce_sum3A_3538 = arith.constant dense<0.000000e+00> : vector<128xf32>
    %reduce_sum3A_3539 = vector.multi_reduction <add>, %select_n3A_3534, %reduce_sum3A_3538 [1] : vector<128x256xf32> to vector<128xf32>
    %broadcast_in_dim3A_3540 = vector.shape_cast %reduce_sum3A_3539 : vector<128xf32> to vector<128x1xf32>
    %add3A_3541 = arith.addf %broadcast_in_dim3A_3540, %exp3A_3537 : vector<128x1xf32>
    %sign3A_3542 = tpu.bitcast %mul3A_3504 : vector<128x256xf32> -> vector<128x256xi32>
    %sign3A_3543 = arith.constant -2147483648 : i32
    %sign3A_3544 = vector.broadcast %sign3A_3543 : i32 to vector<128x256xi32>
    %sign3A_3545 = arith.andi %sign3A_3542, %sign3A_3544 : vector<128x256xi32>
    %sign3A_3546 = arith.constant 1065353216 : i32
    %sign3A_3547 = vector.broadcast %sign3A_3546 : i32 to vector<128x256xi32>
    %sign3A_3548 = arith.ori %sign3A_3547, %sign3A_3545 : vector<128x256xi32>
    %sign3A_3549 = tpu.bitcast %sign3A_3548 : vector<128x256xi32> -> vector<128x256xf32>
    %sign3A_3550 = math.absf %mul3A_3504 : vector<128x256xf32>
    %sign3A_3551 = arith.constant 0.000000e+00 : f32
    %sign3A_3552 = vector.broadcast %sign3A_3551 : f32 to vector<128x256xf32>
    %sign3A_3553 = arith.cmpf ogt, %sign3A_3550, %sign3A_3552 : vector<128x256xf32>
    %sign3A_3554 = arith.select %sign3A_3553, %sign3A_3549, %mul3A_3504 : vector<128x256xi1>, vector<128x256xf32>
    %div3A_3555 = vector.broadcast %add3A_3541 : vector<128x1xf32> to vector<128x256xf32>
    %div3A_3556 = arith.divf %select_n3A_3534, %div3A_3555 : vector<128x256xf32>
    %mul3A_3557 = arith.mulf %sign3A_3554, %div3A_3556 : vector<128x256xf32>
    %sign3A_3558 = tpu.bitcast %mul3A_3509 : vector<128x1xf32> -> vector<128x1xi32>
    %sign3A_3559 = arith.constant -2147483648 : i32
    %sign3A_3560 = vector.broadcast %sign3A_3559 : i32 to vector<128x1xi32>
    %sign3A_3561 = arith.andi %sign3A_3558, %sign3A_3560 : vector<128x1xi32>
    %sign3A_3562 = arith.constant 1065353216 : i32
    %sign3A_3563 = vector.broadcast %sign3A_3562 : i32 to vector<128x1xi32>
    %sign3A_3564 = arith.ori %sign3A_3563, %sign3A_3561 : vector<128x1xi32>
    %sign3A_3565 = tpu.bitcast %sign3A_3564 : vector<128x1xi32> -> vector<128x1xf32>
    %sign3A_3566 = math.absf %mul3A_3509 : vector<128x1xf32>
    %sign3A_3567 = arith.constant 0.000000e+00 : f32
    %sign3A_3568 = vector.broadcast %sign3A_3567 : f32 to vector<128x1xf32>
    %sign3A_3569 = arith.cmpf ogt, %sign3A_3566, %sign3A_3568 : vector<128x1xf32>
    %sign3A_3570 = arith.select %sign3A_3569, %sign3A_3565, %mul3A_3509 : vector<128x1xi1>, vector<128x1xf32>
    %div3A_3571 = arith.divf %exp3A_3537, %add3A_3541 : vector<128x1xf32>
    %mul3A_3572 = arith.mulf %sign3A_3570, %div3A_3571 : vector<128x1xf32>
    %dot_general3A_3573 = arith.constant dense<0.000000e+00> : vector<128x768xf32>
    %dot_general3A_3574 = tpu.matmul %mul3A_3557, %slice3A_3499, %dot_general3A_3573 {dimension_numbers = #tpu.dot_dimension_numbers<[1], [0], [0], [1], [0, 0, 1, 1], [], []>, transpose_lhs_hint = false} : vector<128x256xf32>, vector<256x768xf32>, vector<128x768xf32> -> vector<128x768xf32>
    %mul3A_3575 = vector.broadcast %mul3A_3572 : vector<128x1xf32> to vector<128x768xf32>
    %mul3A_3576 = vector.broadcast %add3A_1918 : vector<1x768xf32> to vector<128x768xf32>
    %mul3A_3577 = arith.mulf %mul3A_3575, %mul3A_3576 : vector<128x768xf32>
    %add3A_3578 = arith.addf %dot_general3A_3574, %mul3A_3577 : vector<128x768xf32>
    %slice3A_3579 = vector.extract_strided_slice %concatenate3A {offsets = [1792, 0], sizes = [128, 768], strides = [1, 1]} : vector<2048x768xf32> to vector<128x768xf32>
    %add3A_3580 = arith.addf %slice3A_3579, %add3A_3578 : vector<128x768xf32>
    %reduce_sum3A_3581 = arith.constant dense<0.000000e+00> : vector<128xf32>
    %reduce_sum3A_3582 = vector.multi_reduction <add>, %add3A_3580, %reduce_sum3A_3581 [1] : vector<128x768xf32> to vector<128xf32>
    %broadcast_in_dim3A_3583 = vector.shape_cast %reduce_sum3A_3582 : vector<128xf32> to vector<128x1xf32>
    %div3A_3584 = arith.constant 7.680000e+02 : f32
    %div3A_3585 = vector.broadcast %div3A_3584 : f32 to vector<128x1xf32>
    %div3A_3586 = arith.divf %broadcast_in_dim3A_3583, %div3A_3585 : vector<128x1xf32>
    %sub3A_3587 = vector.broadcast %div3A_3586 : vector<128x1xf32> to vector<128x768xf32>
    %sub3A_3588 = arith.subf %add3A_3580, %sub3A_3587 : vector<128x768xf32>
    %integer_pow3A_3589 = arith.mulf %sub3A_3588, %sub3A_3588 : vector<128x768xf32>
    %reduce_sum3A_3590 = arith.constant dense<0.000000e+00> : vector<128xf32>
    %reduce_sum3A_3591 = vector.multi_reduction <add>, %integer_pow3A_3589, %reduce_sum3A_3590 [1] : vector<128x768xf32> to vector<128xf32>
    %broadcast_in_dim3A_3592 = vector.shape_cast %reduce_sum3A_3591 : vector<128xf32> to vector<128x1xf32>
    %div3A_3593 = arith.constant 7.680000e+02 : f32
    %div3A_3594 = vector.broadcast %div3A_3593 : f32 to vector<128x1xf32>
    %div3A_3595 = arith.divf %broadcast_in_dim3A_3592, %div3A_3594 : vector<128x1xf32>
    %sub3A_3596 = vector.broadcast %div3A_3586 : vector<128x1xf32> to vector<128x768xf32>
    %sub3A_3597 = arith.subf %add3A_3580, %sub3A_3596 : vector<128x768xf32>
    %add3A_3598 = arith.constant 9.99999974E-6 : f32
    %add3A_3599 = vector.broadcast %add3A_3598 : f32 to vector<128x1xf32>
    %add3A_3600 = arith.addf %div3A_3595, %add3A_3599 : vector<128x1xf32>
    %rsqrt3A_3601 = math.rsqrt %add3A_3600 : vector<128x1xf32>
    %mul3A_3602 = vector.broadcast %rsqrt3A_3601 : vector<128x1xf32> to vector<128x768xf32>
    %mul3A_3603 = arith.mulf %sub3A_3597, %mul3A_3602 : vector<128x768xf32>
    %mul3A_3604 = vector.broadcast %get3A_1931 : vector<1x768xf32> to vector<128x768xf32>
    %mul3A_3605 = arith.mulf %mul3A_3603, %mul3A_3604 : vector<128x768xf32>
    %add3A_3606 = vector.broadcast %get3A_1934 : vector<1x768xf32> to vector<128x768xf32>
    %add3A_3607 = arith.addf %mul3A_3605, %add3A_3606 : vector<128x768xf32>
    %slice3A_3608 = vector.extract_strided_slice %dot_general3A_1936 {offsets = [1920, 0], sizes = [128, 16], strides = [1, 1]} : vector<2048x16xf32> to vector<128x16xf32>
    %slice3A_3609 = vector.extract_strided_slice %dot_general3A_1938 {offsets = [1792, 0], sizes = [256, 16], strides = [1, 1]} : vector<2048x16xf32> to vector<256x16xf32>
    %slice3A_3610 = vector.extract_strided_slice %concatenate3A {offsets = [1792, 0], sizes = [256, 768], strides = [1, 1]} : vector<2048x768xf32> to vector<256x768xf32>
    %dot_general3A_3611 = arith.constant dense<0.000000e+00> : vector<128x256xf32>
    %dot_general3A_3612 = tpu.matmul %slice3A_3608, %slice3A_3609, %dot_general3A_3611 {dimension_numbers = #tpu.dot_dimension_numbers<[1], [1], [0], [0], [0, 0, 1, 0], [], []>, transpose_lhs_hint = false} : vector<128x16xf32>, vector<256x16xf32>, vector<128x256xf32> -> vector<128x256xf32>
    %mul3A_3613 = arith.constant 2.500000e-01 : f32
    %mul3A_3614 = vector.broadcast %mul3A_3613 : f32 to vector<128x256xf32>
    %mul3A_3615 = arith.mulf %dot_general3A_3612, %mul3A_3614 : vector<128x256xf32>
    %dot_general3A_3616 = arith.constant dense<0.000000e+00> : vector<128x1xf32>
    %dot_general3A_3617 = tpu.matmul %slice3A_3608, %dot_general3A_1942, %dot_general3A_3616 {dimension_numbers = #tpu.dot_dimension_numbers<[1], [1], [0], [0], [0, 0, 1, 0], [], []>, transpose_lhs_hint = false} : vector<128x16xf32>, vector<1x16xf32>, vector<128x1xf32> -> vector<128x1xf32>
    %mul3A_3618 = arith.constant 2.500000e-01 : f32
    %mul3A_3619 = vector.broadcast %mul3A_3618 : f32 to vector<128x1xf32>
    %mul3A_3620 = arith.mulf %dot_general3A_3617, %mul3A_3619 : vector<128x1xf32>
    %iota3A_3621 = tpu.iota {dimensions = array<i32: 0>} : vector<128x256xi32>
    %iota3A_3622 = tpu.iota {dimensions = array<i32: 1>} : vector<128x256xi32>
    %sub3A_3623 = arith.subi %iota3A_3621, %iota3A_3622 : vector<128x256xi32>
    %add3A_3624 = arith.constant 128 : i32
    %add3A_3625 = vector.broadcast %add3A_3624 : i32 to vector<128x256xi32>
    %add3A_3626 = arith.addi %sub3A_3623, %add3A_3625 : vector<128x256xi32>
    %abs3A_3627 = math.absi %add3A_3626 : vector<128x256xi32>
    %le3A_3628 = arith.constant 64 : i32
    %le3A_3629 = vector.broadcast %le3A_3628 : i32 to vector<128x256xi32>
    %le3A_3630 = arith.cmpi sle, %abs3A_3627, %le3A_3629 : vector<128x256xi32>
    %abs3A_3631 = math.absf %mul3A_3615 : vector<128x256xf32>
    %jit3A_3632 = arith.constant 0xFF800000 : f32
    %broadcast_in_dim3A_3633 = vector.broadcast %jit3A_3632 : f32 to vector<128x256xf32>
    %select_n3A_3634 = arith.select %le3A_3630, %abs3A_3631, %broadcast_in_dim3A_3633 : vector<128x256xi1>, vector<128x256xf32>
    %reduce_max3A_3635 = arith.constant dense<0xFF800000> : vector<128xf32>
    %reduce_max3A_3636 = vector.multi_reduction <maximumf>, %select_n3A_3634, %reduce_max3A_3635 [1] : vector<128x256xf32> to vector<128xf32>
    %broadcast_in_dim3A_3637 = vector.shape_cast %reduce_max3A_3636 : vector<128xf32> to vector<128x1xf32>
    %abs3A_3638 = math.absf %mul3A_3620 : vector<128x1xf32>
    %max3A_3639 = arith.maximumf %broadcast_in_dim3A_3637, %abs3A_3638 : vector<128x1xf32>
    %sub3A_3640 = vector.broadcast %max3A_3639 : vector<128x1xf32> to vector<128x256xf32>
    %sub3A_3641 = arith.subf %abs3A_3631, %sub3A_3640 : vector<128x256xf32>
    %exp3A_3642 = math.exp %sub3A_3641 : vector<128x256xf32>
    %jit3A_3643 = arith.constant 0.000000e+00 : f32
    %broadcast_in_dim3A_3644 = vector.broadcast %jit3A_3643 : f32 to vector<128x256xf32>
    %select_n3A_3645 = arith.select %le3A_3630, %exp3A_3642, %broadcast_in_dim3A_3644 : vector<128x256xi1>, vector<128x256xf32>
    %abs3A_3646 = math.absf %mul3A_3620 : vector<128x1xf32>
    %sub3A_3647 = arith.subf %abs3A_3646, %max3A_3639 : vector<128x1xf32>
    %exp3A_3648 = math.exp %sub3A_3647 : vector<128x1xf32>
    %reduce_sum3A_3649 = arith.constant dense<0.000000e+00> : vector<128xf32>
    %reduce_sum3A_3650 = vector.multi_reduction <add>, %select_n3A_3645, %reduce_sum3A_3649 [1] : vector<128x256xf32> to vector<128xf32>
    %broadcast_in_dim3A_3651 = vector.shape_cast %reduce_sum3A_3650 : vector<128xf32> to vector<128x1xf32>
    %add3A_3652 = arith.addf %broadcast_in_dim3A_3651, %exp3A_3648 : vector<128x1xf32>
    %sign3A_3653 = tpu.bitcast %mul3A_3615 : vector<128x256xf32> -> vector<128x256xi32>
    %sign3A_3654 = arith.constant -2147483648 : i32
    %sign3A_3655 = vector.broadcast %sign3A_3654 : i32 to vector<128x256xi32>
    %sign3A_3656 = arith.andi %sign3A_3653, %sign3A_3655 : vector<128x256xi32>
    %sign3A_3657 = arith.constant 1065353216 : i32
    %sign3A_3658 = vector.broadcast %sign3A_3657 : i32 to vector<128x256xi32>
    %sign3A_3659 = arith.ori %sign3A_3658, %sign3A_3656 : vector<128x256xi32>
    %sign3A_3660 = tpu.bitcast %sign3A_3659 : vector<128x256xi32> -> vector<128x256xf32>
    %sign3A_3661 = math.absf %mul3A_3615 : vector<128x256xf32>
    %sign3A_3662 = arith.constant 0.000000e+00 : f32
    %sign3A_3663 = vector.broadcast %sign3A_3662 : f32 to vector<128x256xf32>
    %sign3A_3664 = arith.cmpf ogt, %sign3A_3661, %sign3A_3663 : vector<128x256xf32>
    %sign3A_3665 = arith.select %sign3A_3664, %sign3A_3660, %mul3A_3615 : vector<128x256xi1>, vector<128x256xf32>
    %div3A_3666 = vector.broadcast %add3A_3652 : vector<128x1xf32> to vector<128x256xf32>
    %div3A_3667 = arith.divf %select_n3A_3645, %div3A_3666 : vector<128x256xf32>
    %mul3A_3668 = arith.mulf %sign3A_3665, %div3A_3667 : vector<128x256xf32>
    %sign3A_3669 = tpu.bitcast %mul3A_3620 : vector<128x1xf32> -> vector<128x1xi32>
    %sign3A_3670 = arith.constant -2147483648 : i32
    %sign3A_3671 = vector.broadcast %sign3A_3670 : i32 to vector<128x1xi32>
    %sign3A_3672 = arith.andi %sign3A_3669, %sign3A_3671 : vector<128x1xi32>
    %sign3A_3673 = arith.constant 1065353216 : i32
    %sign3A_3674 = vector.broadcast %sign3A_3673 : i32 to vector<128x1xi32>
    %sign3A_3675 = arith.ori %sign3A_3674, %sign3A_3672 : vector<128x1xi32>
    %sign3A_3676 = tpu.bitcast %sign3A_3675 : vector<128x1xi32> -> vector<128x1xf32>
    %sign3A_3677 = math.absf %mul3A_3620 : vector<128x1xf32>
    %sign3A_3678 = arith.constant 0.000000e+00 : f32
    %sign3A_3679 = vector.broadcast %sign3A_3678 : f32 to vector<128x1xf32>
    %sign3A_3680 = arith.cmpf ogt, %sign3A_3677, %sign3A_3679 : vector<128x1xf32>
    %sign3A_3681 = arith.select %sign3A_3680, %sign3A_3676, %mul3A_3620 : vector<128x1xi1>, vector<128x1xf32>
    %div3A_3682 = arith.divf %exp3A_3648, %add3A_3652 : vector<128x1xf32>
    %mul3A_3683 = arith.mulf %sign3A_3681, %div3A_3682 : vector<128x1xf32>
    %dot_general3A_3684 = arith.constant dense<0.000000e+00> : vector<128x768xf32>
    %dot_general3A_3685 = tpu.matmul %mul3A_3668, %slice3A_3610, %dot_general3A_3684 {dimension_numbers = #tpu.dot_dimension_numbers<[1], [0], [0], [1], [0, 0, 1, 1], [], []>, transpose_lhs_hint = false} : vector<128x256xf32>, vector<256x768xf32>, vector<128x768xf32> -> vector<128x768xf32>
    %mul3A_3686 = vector.broadcast %mul3A_3683 : vector<128x1xf32> to vector<128x768xf32>
    %mul3A_3687 = vector.broadcast %add3A_1918 : vector<1x768xf32> to vector<128x768xf32>
    %mul3A_3688 = arith.mulf %mul3A_3686, %mul3A_3687 : vector<128x768xf32>
    %add3A_3689 = arith.addf %dot_general3A_3685, %mul3A_3688 : vector<128x768xf32>
    %slice3A_3690 = vector.extract_strided_slice %concatenate3A {offsets = [1920, 0], sizes = [128, 768], strides = [1, 1]} : vector<2048x768xf32> to vector<128x768xf32>
    %add3A_3691 = arith.addf %slice3A_3690, %add3A_3689 : vector<128x768xf32>
    %reduce_sum3A_3692 = arith.constant dense<0.000000e+00> : vector<128xf32>
    %reduce_sum3A_3693 = vector.multi_reduction <add>, %add3A_3691, %reduce_sum3A_3692 [1] : vector<128x768xf32> to vector<128xf32>
    %broadcast_in_dim3A_3694 = vector.shape_cast %reduce_sum3A_3693 : vector<128xf32> to vector<128x1xf32>
    %div3A_3695 = arith.constant 7.680000e+02 : f32
    %div3A_3696 = vector.broadcast %div3A_3695 : f32 to vector<128x1xf32>
    %div3A_3697 = arith.divf %broadcast_in_dim3A_3694, %div3A_3696 : vector<128x1xf32>
    %sub3A_3698 = vector.broadcast %div3A_3697 : vector<128x1xf32> to vector<128x768xf32>
    %sub3A_3699 = arith.subf %add3A_3691, %sub3A_3698 : vector<128x768xf32>
    %integer_pow3A_3700 = arith.mulf %sub3A_3699, %sub3A_3699 : vector<128x768xf32>
    %reduce_sum3A_3701 = arith.constant dense<0.000000e+00> : vector<128xf32>
    %reduce_sum3A_3702 = vector.multi_reduction <add>, %integer_pow3A_3700, %reduce_sum3A_3701 [1] : vector<128x768xf32> to vector<128xf32>
    %broadcast_in_dim3A_3703 = vector.shape_cast %reduce_sum3A_3702 : vector<128xf32> to vector<128x1xf32>
    %div3A_3704 = arith.constant 7.680000e+02 : f32
    %div3A_3705 = vector.broadcast %div3A_3704 : f32 to vector<128x1xf32>
    %div3A_3706 = arith.divf %broadcast_in_dim3A_3703, %div3A_3705 : vector<128x1xf32>
    %sub3A_3707 = vector.broadcast %div3A_3697 : vector<128x1xf32> to vector<128x768xf32>
    %sub3A_3708 = arith.subf %add3A_3691, %sub3A_3707 : vector<128x768xf32>
    %add3A_3709 = arith.constant 9.99999974E-6 : f32
    %add3A_3710 = vector.broadcast %add3A_3709 : f32 to vector<128x1xf32>
    %add3A_3711 = arith.addf %div3A_3706, %add3A_3710 : vector<128x1xf32>
    %rsqrt3A_3712 = math.rsqrt %add3A_3711 : vector<128x1xf32>
    %mul3A_3713 = vector.broadcast %rsqrt3A_3712 : vector<128x1xf32> to vector<128x768xf32>
    %mul3A_3714 = arith.mulf %sub3A_3708, %mul3A_3713 : vector<128x768xf32>
    %mul3A_3715 = vector.broadcast %get3A_1931 : vector<1x768xf32> to vector<128x768xf32>
    %mul3A_3716 = arith.mulf %mul3A_3714, %mul3A_3715 : vector<128x768xf32>
    %add3A_3717 = vector.broadcast %get3A_1934 : vector<1x768xf32> to vector<128x768xf32>
    %add3A_3718 = arith.addf %mul3A_3716, %add3A_3717 : vector<128x768xf32>
    %dot_general3A_3719 = arith.constant dense<0.000000e+00> : vector<1x2048xf32>
    %dot_general3A_3720 = tpu.matmul %dot_general3A_1940, %dot_general3A_1938, %dot_general3A_3719 {dimension_numbers = #tpu.dot_dimension_numbers<[1], [1], [0], [0], [0, 0, 1, 0], [], []>, transpose_lhs_hint = false} : vector<1x16xf32>, vector<2048x16xf32>, vector<1x2048xf32> -> vector<1x2048xf32>
    %mul3A_3721 = arith.constant 2.500000e-01 : f32
    %mul3A_3722 = vector.broadcast %mul3A_3721 : f32 to vector<1x2048xf32>
    %mul3A_3723 = arith.mulf %dot_general3A_3720, %mul3A_3722 : vector<1x2048xf32>
    %dot_general3A_3724 = arith.constant dense<0.000000e+00> : vector<1x1xf32>
    %dot_general3A_3725 = tpu.matmul %dot_general3A_1940, %dot_general3A_1942, %dot_general3A_3724 {dimension_numbers = #tpu.dot_dimension_numbers<[1], [1], [0], [0], [0, 0, 1, 0], [], []>, transpose_lhs_hint = false} : vector<1x16xf32>, vector<1x16xf32>, vector<1x1xf32> -> vector<1x1xf32>
    %mul3A_3726 = arith.constant 2.500000e-01 : f32
    %mul3A_3727 = vector.broadcast %mul3A_3726 : f32 to vector<1x1xf32>
    %mul3A_3728 = arith.mulf %dot_general3A_3725, %mul3A_3727 : vector<1x1xf32>
    %abs3A_3729 = math.absf %mul3A_3723 : vector<1x2048xf32>
    %reduce_max3A_3730 = vector.shape_cast %abs3A_3729 : vector<1x2048xf32> to vector<1x1x2048xf32>
    %reduce_max3A_3731 = arith.constant dense<0xFF800000> : vector<1xf32>
    %reduce_max3A_3732 = vector.multi_reduction <maximumf>, %reduce_max3A_3730, %reduce_max3A_3731 [1, 2] : vector<1x1x2048xf32> to vector<1xf32>
    %reduce_max3A_3733 = vector.shape_cast %reduce_max3A_3732 : vector<1xf32> to vector<1x1x1xf32>
    %reduce_max3A_3734 = vector.extract %reduce_max3A_3733[0, 0, 0] : f32 from vector<1x1x1xf32>
    %abs3A_3735 = math.absf %mul3A_3728 : vector<1x1xf32>
    %squeeze3A_3736 = vector.extract %abs3A_3735[0, 0] : f32 from vector<1x1xf32>
    %max3A_3737 = arith.maximumf %reduce_max3A_3734, %squeeze3A_3736 : f32
    %abs3A_3738 = math.absf %mul3A_3723 : vector<1x2048xf32>
    %sub3A_3739 = vector.broadcast %max3A_3737 : f32 to vector<1x2048xf32>
    %sub3A_3740 = arith.subf %abs3A_3738, %sub3A_3739 : vector<1x2048xf32>
    %exp3A_3741 = math.exp %sub3A_3740 : vector<1x2048xf32>
    %abs3A_3742 = math.absf %mul3A_3728 : vector<1x1xf32>
    %sub3A_3743 = vector.broadcast %max3A_3737 : f32 to vector<1x1xf32>
    %sub3A_3744 = arith.subf %abs3A_3742, %sub3A_3743 : vector<1x1xf32>
    %exp3A_3745 = math.exp %sub3A_3744 : vector<1x1xf32>
    %reduce_sum3A_3746 = vector.shape_cast %exp3A_3741 : vector<1x2048xf32> to vector<1x1x2048xf32>
    %reduce_sum3A_3747 = arith.constant dense<0.000000e+00> : vector<1xf32>
    %reduce_sum3A_3748 = vector.multi_reduction <add>, %reduce_sum3A_3746, %reduce_sum3A_3747 [1, 2] : vector<1x1x2048xf32> to vector<1xf32>
    %reduce_sum3A_3749 = vector.shape_cast %reduce_sum3A_3748 : vector<1xf32> to vector<1x1x1xf32>
    %reduce_sum3A_3750 = vector.extract %reduce_sum3A_3749[0, 0, 0] : f32 from vector<1x1x1xf32>
    %squeeze3A_3751 = vector.extract %exp3A_3745[0, 0] : f32 from vector<1x1xf32>
    %add3A_3752 = arith.addf %reduce_sum3A_3750, %squeeze3A_3751 : f32
    %sign3A_3753 = tpu.bitcast %mul3A_3723 : vector<1x2048xf32> -> vector<1x2048xi32>
    %sign3A_3754 = arith.constant -2147483648 : i32
    %sign3A_3755 = vector.broadcast %sign3A_3754 : i32 to vector<1x2048xi32>
    %sign3A_3756 = arith.andi %sign3A_3753, %sign3A_3755 : vector<1x2048xi32>
    %sign3A_3757 = arith.constant 1065353216 : i32
    %sign3A_3758 = vector.broadcast %sign3A_3757 : i32 to vector<1x2048xi32>
    %sign3A_3759 = arith.ori %sign3A_3758, %sign3A_3756 : vector<1x2048xi32>
    %sign3A_3760 = tpu.bitcast %sign3A_3759 : vector<1x2048xi32> -> vector<1x2048xf32>
    %sign3A_3761 = math.absf %mul3A_3723 : vector<1x2048xf32>
    %sign3A_3762 = arith.constant 0.000000e+00 : f32
    %sign3A_3763 = vector.broadcast %sign3A_3762 : f32 to vector<1x2048xf32>
    %sign3A_3764 = arith.cmpf ogt, %sign3A_3761, %sign3A_3763 : vector<1x2048xf32>
    %sign3A_3765 = arith.select %sign3A_3764, %sign3A_3760, %mul3A_3723 : vector<1x2048xi1>, vector<1x2048xf32>
    %mul3A_3766 = arith.mulf %sign3A_3765, %exp3A_3741 : vector<1x2048xf32>
    %dot_general3A_3767 = arith.constant dense<0.000000e+00> : vector<1x768xf32>
    %dot_general3A_3768 = tpu.matmul %mul3A_3766, %concatenate3A, %dot_general3A_3767 {dimension_numbers = #tpu.dot_dimension_numbers<[1], [0], [0], [1], [0, 0, 1, 1], [], []>, transpose_lhs_hint = false} : vector<1x2048xf32>, vector<2048x768xf32>, vector<1x768xf32> -> vector<1x768xf32>
    %sign3A_3769 = tpu.bitcast %mul3A_3728 : vector<1x1xf32> -> vector<1x1xi32>
    %sign3A_3770 = arith.constant -2147483648 : i32
    %sign3A_3771 = vector.broadcast %sign3A_3770 : i32 to vector<1x1xi32>
    %sign3A_3772 = arith.andi %sign3A_3769, %sign3A_3771 : vector<1x1xi32>
    %sign3A_3773 = arith.constant 1065353216 : i32
    %sign3A_3774 = vector.broadcast %sign3A_3773 : i32 to vector<1x1xi32>
    %sign3A_3775 = arith.ori %sign3A_3774, %sign3A_3772 : vector<1x1xi32>
    %sign3A_3776 = tpu.bitcast %sign3A_3775 : vector<1x1xi32> -> vector<1x1xf32>
    %sign3A_3777 = math.absf %mul3A_3728 : vector<1x1xf32>
    %sign3A_3778 = arith.constant 0.000000e+00 : f32
    %sign3A_3779 = vector.broadcast %sign3A_3778 : f32 to vector<1x1xf32>
    %sign3A_3780 = arith.cmpf ogt, %sign3A_3777, %sign3A_3779 : vector<1x1xf32>
    %sign3A_3781 = arith.select %sign3A_3780, %sign3A_3776, %mul3A_3728 : vector<1x1xi1>, vector<1x1xf32>
    %mul3A_3782 = arith.mulf %sign3A_3781, %exp3A_3745 : vector<1x1xf32>
    %mul3A_3783 = vector.broadcast %mul3A_3782 : vector<1x1xf32> to vector<1x768xf32>
    %mul3A_3784 = arith.mulf %mul3A_3783, %add3A_1918 : vector<1x768xf32>
    %add3A_3785 = arith.addf %dot_general3A_3768, %mul3A_3784 : vector<1x768xf32>
    %div3A_3786 = vector.broadcast %add3A_3752 : f32 to vector<1x768xf32>
    %div3A_3787 = arith.divf %add3A_3785, %div3A_3786 : vector<1x768xf32>
    %add3A_3788 = arith.addf %add3A_1918, %div3A_3787 : vector<1x768xf32>
    %reduce_sum3A_3789 = arith.constant dense<0.000000e+00> : vector<1xf32>
    %reduce_sum3A_3790 = vector.multi_reduction <add>, %add3A_3788, %reduce_sum3A_3789 [1] : vector<1x768xf32> to vector<1xf32>
    %broadcast_in_dim3A_3791 = vector.shape_cast %reduce_sum3A_3790 : vector<1xf32> to vector<1x1xf32>
    %div3A_3792 = arith.constant 7.680000e+02 : f32
    %div3A_3793 = vector.broadcast %div3A_3792 : f32 to vector<1x1xf32>
    %div3A_3794 = arith.divf %broadcast_in_dim3A_3791, %div3A_3793 : vector<1x1xf32>
    %sub3A_3795 = vector.broadcast %div3A_3794 : vector<1x1xf32> to vector<1x768xf32>
    %sub3A_3796 = arith.subf %add3A_3788, %sub3A_3795 : vector<1x768xf32>
    %integer_pow3A_3797 = arith.mulf %sub3A_3796, %sub3A_3796 : vector<1x768xf32>
    %reduce_sum3A_3798 = arith.constant dense<0.000000e+00> : vector<1xf32>
    %reduce_sum3A_3799 = vector.multi_reduction <add>, %integer_pow3A_3797, %reduce_sum3A_3798 [1] : vector<1x768xf32> to vector<1xf32>
    %broadcast_in_dim3A_3800 = vector.shape_cast %reduce_sum3A_3799 : vector<1xf32> to vector<1x1xf32>
    %div3A_3801 = arith.constant 7.680000e+02 : f32
    %div3A_3802 = vector.broadcast %div3A_3801 : f32 to vector<1x1xf32>
    %div3A_3803 = arith.divf %broadcast_in_dim3A_3800, %div3A_3802 : vector<1x1xf32>
    %sub3A_3804 = vector.broadcast %div3A_3794 : vector<1x1xf32> to vector<1x768xf32>
    %sub3A_3805 = arith.subf %add3A_3788, %sub3A_3804 : vector<1x768xf32>
    %add3A_3806 = arith.constant 9.99999974E-6 : f32
    %add3A_3807 = vector.broadcast %add3A_3806 : f32 to vector<1x1xf32>
    %add3A_3808 = arith.addf %div3A_3803, %add3A_3807 : vector<1x1xf32>
    %rsqrt3A_3809 = math.rsqrt %add3A_3808 : vector<1x1xf32>
    %mul3A_3810 = vector.broadcast %rsqrt3A_3809 : vector<1x1xf32> to vector<1x768xf32>
    %mul3A_3811 = arith.mulf %sub3A_3805, %mul3A_3810 : vector<1x768xf32>
    %mul3A_3812 = arith.mulf %mul3A_3811, %get3A_1931 : vector<1x768xf32>
    %add3A_3813 = arith.addf %mul3A_3812, %get3A_1934 : vector<1x768xf32>
    %concatenate3A_3814 = tpu.concatenate %add3A_2053, %add3A_2164, %add3A_2275, %add3A_2386, %add3A_2497, %add3A_2608, %add3A_2719, %add3A_2830, %add3A_2941, %add3A_3052, %add3A_3163, %add3A_3274, %add3A_3385, %add3A_3496, %add3A_3607, %add3A_3718 in 0 : vector<128x768xf32>, vector<128x768xf32>, vector<128x768xf32>, vector<128x768xf32>, vector<128x768xf32>, vector<128x768xf32>, vector<128x768xf32>, vector<128x768xf32>, vector<128x768xf32>, vector<128x768xf32>, vector<128x768xf32>, vector<128x768xf32>, vector<128x768xf32>, vector<128x768xf32>, vector<128x768xf32>, vector<128x768xf32> -> vector<2048x768xf32>
    %slice3A_3815 = vector.extract_strided_slice %concatenate3A_3814 {offsets = [0, 0], sizes = [2047, 768], strides = [1, 1]} : vector<2048x768xf32> to vector<2047x768xf32>
    %concatenate3A_3816 = tpu.concatenate %add3A_3813, %slice3A_3815 in 0 : vector<1x768xf32>, vector<2047x768xf32> -> vector<2048x768xf32>
    %swap3A = arith.constant 0 : index
    %swap3A_3817 = arith.constant 0 : index
    %swap3A_3818 = arith.constant 0 : index
    %swap3A_3819 = vector.load %arg10[%swap3A, %swap3A_3817, %swap3A_3818] : memref<1x2049x768xf32, #tpu.memory_space<vmem>>, vector<1x2048x768xf32>
    %swap3A_3820 = vector.shape_cast %swap3A_3819 : vector<1x2048x768xf32> to vector<2048x768xf32>
    %swap3A_3821 = vector.shape_cast %concatenate3A_3816 : vector<2048x768xf32> to vector<1x2048x768xf32>
    tpu.vector_store %arg10[%swap3A, %swap3A_3817, %swap3A_3818], %swap3A_3821 {strides = array<i32>} : memref<1x2049x768xf32, #tpu.memory_space<vmem>>, vector<1x2048x768xf32>,
    %slice3A_3822 = vector.extract_strided_slice %concatenate3A_3814 {offsets = [2047, 0], sizes = [1, 768], strides = [1, 1]} : vector<2048x768xf32> to vector<1x768xf32>
    %swap3A_3823 = arith.constant 0 : index
    %swap3A_3824 = arith.constant 2048 : index
    %swap3A_3825 = arith.constant 0 : index
    %swap3A_3826 = vector.load %arg10[%swap3A_3823, %swap3A_3824, %swap3A_3825] : memref<1x2049x768xf32, #tpu.memory_space<vmem>>, vector<1x1x768xf32>
    %swap3A_3827 = vector.shape_cast %swap3A_3826 : vector<1x1x768xf32> to vector<1x768xf32>
    %swap3A_3828 = vector.shape_cast %slice3A_3822 : vector<1x768xf32> to vector<1x1x768xf32>
    tpu.vector_store %arg10[%swap3A_3823, %swap3A_3824, %swap3A_3825], %swap3A_3828 {strides = array<i32>} : memref<1x2049x768xf32, #tpu.memory_space<vmem>>, vector<1x1x768xf32>,
    return
  }
  func.func @transform_0(%arg0: i32) -> (i32, i32, i32) {
    %c0_i32 = arith.constant 0 : i32
    %c0_i32_0 = arith.constant 0 : i32
    %c0_i32_1 = arith.constant 0 : i32
    return %arg0, %c0_i32, %c0_i32_0 : i32, i32, i32
  }
  func.func @transform_1(%arg0: i32) -> (i32, i32) {
    %c0_i32 = arith.constant 0 : i32
    %c0_i32_0 = arith.constant 0 : i32
    %c0_i32_1 = arith.constant 0 : i32
    return %c0_i32, %c0_i32_0 : i32, i32
  }
  func.func @transform_2(%arg0: i32) -> (i32, i32) {
    %c0_i32 = arith.constant 0 : i32
    %c0_i32_0 = arith.constant 0 : i32
    %c0_i32_1 = arith.constant 0 : i32
    return %c0_i32, %c0_i32_0 : i32, i32
  }
  func.func @transform_3(%arg0: i32) -> (i32, i32, i32) {
    %c0_i32 = arith.constant 0 : i32
    %c0_i32_0 = arith.constant 0 : i32
    %c0_i32_1 = arith.constant 0 : i32
    %c0_i32_2 = arith.constant 0 : i32
    return %c0_i32, %c0_i32_0, %c0_i32_1 : i32, i32, i32
  }
  func.func @transform_4(%arg0: i32) -> (i32, i32, i32) {
    %c0_i32 = arith.constant 0 : i32
    %c0_i32_0 = arith.constant 0 : i32
    %c0_i32_1 = arith.constant 0 : i32
    %c0_i32_2 = arith.constant 0 : i32
    return %c0_i32, %c0_i32_0, %c0_i32_1 : i32, i32, i32
  }
  func.func @transform_5(%arg0: i32) -> (i32, i32) {
    %c0_i32 = arith.constant 0 : i32
    %c0_i32_0 = arith.constant 0 : i32
    %c0_i32_1 = arith.constant 0 : i32
    return %c0_i32, %c0_i32_0 : i32, i32
  }
  func.func @transform_6(%arg0: i32) -> (i32, i32) {
    %c0_i32 = arith.constant 0 : i32
    %c0_i32_0 = arith.constant 0 : i32
    %c0_i32_1 = arith.constant 0 : i32
    return %c0_i32, %c0_i32_0 : i32, i32
  }
  func.func @transform_7(%arg0: i32) -> (i32, i32) {
    %c0_i32 = arith.constant 0 : i32
    %c0_i32_0 = arith.constant 0 : i32
    %c0_i32_1 = arith.constant 0 : i32
    return %c0_i32, %c0_i32_0 : i32, i32
  }
  func.func @transform_8(%arg0: i32) -> (i32, i32) {
    %c0_i32 = arith.constant 0 : i32
    %c0_i32_0 = arith.constant 0 : i32
    %c0_i32_1 = arith.constant 0 : i32
    return %c0_i32, %c0_i32_0 : i32, i32
  }
  func.func @transform_9(%arg0: i32) -> (i32, i32, i32) {
    %c0_i32 = arith.constant 0 : i32
    %c0_i32_0 = arith.constant 0 : i32
    %c0_i32_1 = arith.constant 0 : i32
    return %arg0, %c0_i32, %c0_i32_0 : i32, i32, i32
  }
}

</mosaic_0001>

<sc_bundles>
// kernel: kernel.4.cloned.1.call-start
scs
__scs_entry_jumppad:
0x0: {  	(pc) =	sbr.rel $0x88, $3  }
0x1: {  	(tag) =	ssettag $0x0;
	lr =	simm.s32 $0x1  }
0x2: {  	[smem:$0x3F97] =	sst lr;
	_ =	strace $0xD0000000  }
0x3: {  	_ = 	snop  }
0x4: {  	_ = 	snop  }
0x5: {  	_ = 	snop  }
0x6: {  	_ = 	snop  }
0x7: {  	_ = 	snop  }
__scs_overlays_trampoline_lowered:
0x8: {  	[smem:$0x3FA6] =	sst s0  }
0x9: {  	[smem:$0x3FA7] =	sst s1  }
0xa: {  	[smem:$0x3FA8] =	sst s2  }
0xb: {  	[smem:$0x3FA9] =	sst s3  }
0xc: {  	[smem:$0x3FAA] =	sst s4  }
0xd: {  	[smem:$0x3FAB] =	sst s5  }
0xe: {  	[smem:$0x3FAC] =	sst s6  }
0xf: {  	[smem:$0x3FAD] =	sst s7  }
0x10: {  	[smem:$0x3FAE] =	sst s8  }
0x11: {  	[smem:$0x3FAF] =	sst s9;
	s0 =	simm.s32 @!p0 $0x0  }
0x12: {  	s1 =	sld [smem:$0x3F95];
	s0 =	simm.s32 @p0 $0x1  }
0x13: {  	[smem:$0x3FB0] =	sst s0;
	s0 =	simm.s32 @!p1 $0x0  }
0x14: {  	s2 =	sld [smem:$0x3F94];
	s0 =	simm.s32 @p1 $0x1  }
0x15: {  	[smem:$0x3FB1] =	sst s0;
	s0 =	simm.s32 @!p2 $0x0  }
0x16: {  	s3 =	sld [smem:$0x3FDB];
	s0 =	simm.s32 @p2 $0x1  }
0x17: {  	s4 =	simm.s32 $0x1BF5;
	[smem:$0x3FB3] =	sst s0  }
0x18: {  	s0 =	sld [smem:$0x3F96];
	_ =	swait.ge [sflag:s4], $0x0  }
0x19: {  	s7 =	sld [smem:$0x3F97]  }
0x1a: {  	s8 =	sadd.s32 $0xFFFFE003, lr  }
0x1b: {  	s9 =	sadd.s32 $0xFFFFFEF7, lr;
	s5 =	simm.s32 $0xFFFFFFFF;
	p2 =	slt.u32 s8, $0xFFFFF086  }
0x1c: {  	p1 =	slt.u32 s9, $0xF7A;
	s5 =	simm.s32 @!p2 $0x0  }
0x1d: {  	s5 =	simm.s32 @p1 $0x1;
	p0 =	seq.s32 s7, s2  }
0x1e: {  	s7 =	smul.u32 @!p0 $0xF7A, s2;
	p2 =	seq.s32 @!p0 s5, $0x0  }
0x1f: {  	s9 =	smul.u32 $0xF7A, s1;
	s8 =	simm.s32 @!p0 $0x1BF5;
	p2 =	por !p2, p0  }
0x20: {  	[sflag:s8] =	ssyncset.s32 @!p0 $0xFFFFF086;
	s6 =	sadd.s32 @!p0 s3, s7;
	s7 =	simm.s32 @!p0 $0x108  }
0x21: {  	s3 =	sadd.s32 s3, s9;
	s6 =	sadd.s32 @!p0 $0x88, s6;
	s7 =	simm.s32 @p2 $0x1082  }
0x22: {  	[simem:s7], [sflag:s8] =	dma.local @!p0 [hbm:s6], $0xF7A  }
0x23: {  	s9 =	sor.u32 $0xD0000000, s2;
	s6 =	simm.s32 $0x108;
	_ =	swait.ge @!p0 [sflag:s8], $0x0  }
0x24: {  	s3 =	sadd.s32 $0x88, s3;
	s6 =	simm.s32 @!p1 $0x1082;
	[sflag:s4] =	ssyncset.s32 $0xFFFFF086  }
0x25: {  	[simem:s6], [sflag:s4] =	dma.local [hbm:s3], $0xF7A  }
0x26: {  	[smem:$0x3F97] =	sst s1;
	(tag) =	ssettag s2;
	_ =	strace s9  }
0x27: {  	s1 =	sld [smem:$0x3FA7]  }
0x28: {  	s2 =	sld [smem:$0x3FA8]  }
0x29: {  	s4 =	sld [smem:$0x3FAA]  }
0x2a: {  	p0 =	seq.s32 s5, $0x0;
	s5 =	sld [smem:$0x3FAB]  }
0x2b: {  	s6 =	sld [smem:$0x3FAC]  }
0x2c: {  	s7 =	sld [smem:$0x3FAD]  }
0x2d: {  	s3 =	simm.s32 $0x108;
	s8 =	sld [smem:$0x3FAE]  }
0x2e: {  	s3 =	simm.s32 @!p0 $0x1082;
	s9 =	sld [smem:$0x3FAF]  }
0x2f: {  	lr =	sadd.s32 s0, s3;
	s0 =	sld [smem:$0x3FA6]  }
0x30: {  	s3 =	sld [smem:$0x3FA9]  }
0x31: {  	[smem:$0x3FB2] =	sst s10  }
0x32: {  	s10 =	sld [smem:$0x3FB0];
	_ =	sdelay $0x3  }
0x33: {  	p0 =	seq.s32 s10, $0x1;
	s10 =	sld [smem:$0x3FB2];
	_ =	sdelay $0x3  }
0x34: {  	[smem:$0x3FB2] =	sst s10  }
0x35: {  	s10 =	sld [smem:$0x3FB1];
	_ =	sdelay $0x3  }
0x36: {  	p1 =	seq.s32 s10, $0x1;
	s10 =	sld [smem:$0x3FB2];
	_ =	sdelay $0x3  }
0x37: {  	[smem:$0x3FB2] =	sst s10  }
0x38: {  	s10 =	sld [smem:$0x3FB3]  }
0x39: {  	_ = 	snop;
	(pc) =	sbr.ind lr, $3  }
0x3a: {  	_ = 	snop  }
0x3b: {  	_ = 	snop  }
0x3c: {  	p2 =	seq.s32 s10, $0x1;
	s10 =	sld [smem:$0x3FB2]  }
0x3d: {  	_ =	shalt  }
0x3e: {  	_ =	shalt  }
0x3f: {  	_ =	shalt  }
0x40: {  	_ =	shalt  }
0x41: {  	_ =	shalt  }
0x42: {  	_ =	shalt  }
0x43: {  	_ =	shalt  }
0x44: {  	_ =	shalt  }
0x45: {  	_ =	shalt  }
0x46: {  	_ =	shalt  }
0x47: {  	_ =	shalt  }
0x48: {  	_ =	shalt  }
0x49: {  	_ =	shalt  }
0x4a: {  	_ =	shalt  }
0x4b: {  	_ =	shalt  }
0x4c: {  	_ =	shalt  }
0x4d: {  	_ =	shalt  }
0x4e: {  	_ =	shalt  }
0x4f: {  	_ =	shalt  }
0x50: {  	_ =	shalt  }
0x51: {  	_ =	shalt  }
0x52: {  	_ =	shalt  }
0x53: {  	_ =	shalt  }
0x54: {  	_ =	shalt  }
0x55: {  	_ =	shalt  }
0x56: {  	_ =	shalt  }
0x57: {  	_ =	shalt  }
0x58: {  	_ =	shalt  }
0x59: {  	_ =	shalt  }
0x5a: {  	_ =	shalt  }
0x5b: {  	_ =	shalt  }
0x5c: {  	_ =	shalt  }
0x5d: {  	_ =	shalt  }
0x5e: {  	_ =	shalt  }
0x5f: {  	_ =	shalt  }
0x60: {  	_ =	shalt  }
0x61: {  	_ =	shalt  }
0x62: {  	_ =	shalt  }
0x63: {  	_ =	shalt  }
0x64: {  	_ =	shalt  }
0x65: {  	_ =	shalt  }
0x66: {  	_ =	shalt  }
0x67: {  	_ =	shalt  }
0x68: {  	_ =	shalt  }
0x69: {  	_ =	shalt  }
0x6a: {  	_ =	shalt  }
0x6b: {  	_ =	shalt  }
0x6c: {  	_ =	shalt  }
0x6d: {  	_ =	shalt  }
0x6e: {  	_ =	shalt  }
0x6f: {  	_ =	shalt  }
0x70: {  	_ =	shalt  }
0x71: {  	_ =	shalt  }
0x72: {  	_ =	shalt  }
0x73: {  	_ =	shalt  }
0x74: {  	_ =	shalt  }
0x75: {  	_ =	shalt  }
0x76: {  	_ =	shalt  }
0x77: {  	_ =	shalt  }
0x78: {  	_ =	shalt  }
0x79: {  	_ =	shalt  }
0x7a: {  	_ =	shalt  }
0x7b: {  	_ =	shalt  }
0x7c: {  	_ =	shalt  }
0x7d: {  	_ =	shalt  }
0x7e: {  	_ =	shalt  }
0x7f: {  	_ =	shalt  }
0x80: {  	_ =	shalt  }
0x81: {  	_ =	shalt  }
0x82: {  	_ =	shalt  }
0x83: {  	_ =	shalt  }
0x84: {  	_ =	shalt  }
0x85: {  	_ =	shalt  }
0x86: {  	_ =	shalt  }
0x87: {  	_ =	shalt  }
.Lfunc_end0:
.L_simem_size_0:
called_computation_lowered:
.L_overlay_start_0:
0x88: {  	s2 =	sld [smem:$0x3FD9]  }
0x89: {  	s3 =	sld [smem:$0x3FFE];
	_ =	sdelay $0x1  }
0x8a: {  	s1 =	srdreg.scid  }
0x8b: {  	s0 =	sand.u32 $0x1, s1  }
0x8c: {  	s17 =	sshll.u32 s0, $0xA;
	s2 =	sadd.s32 s3, s2  }
0x8d: {  	s2 =	sadd.s32 s2, s17  }
0x8e: {  	[smem:$0x3FBE] =	sst s2  }
0x8f: {  	_ = 	snop  }
0x90: {  	s2 =	sld [smem:$0x3FC8]  }
0x91: {  	s18 =	sld [smem:$0x3FD0];
	(tm) =	ssettm $0x1  }
0x92: {  	s4 =	sld [smem:$0x3FFB];
	_ =	sdelay $0x3  }
0x93: {  	_ =	strace s4  }
0x94: {  	s4 =	sld [smem:$0x3FFC];
	_ =	sdelay $0x3  }
0x95: {  	_ =	strace s4  }
0x96: {  	s4 =	sld [smem:$0x3FFD];
	_ =	sdelay $0x3  }
0x97: {  	_ =	strace s4  }
0x98: {  	_ =	strace $0x8FFFFFFF  }
0x99: {  	s19 =	sld [smem:$0x3FDB];
	_ =	sdelay $0x1  }
0x9a: {  	s5 =	simm.s32 $_scs_section_size  }
0x9b: {  	s6 =	simm.s32 $_size__tile_overlayer_lowered;
	s7 =	simm.s32 $_tile_overlayer_lowered  }
0x9c: {  	s22 =	simm.s32 $0x1BFF;
	s21 =	sshll.u32 s7, $0x1;
	s4 =	sadd.s32 s5, s19  }
0x9d: {  	s8 =	simm.s32 $0x0;
	s20 =	sshll.u32 s6, $0x1;
	s6 =	sadd.s32 s21, s4  }
0x9e: {  	[timem:s8], [sflag:s22] =	dma.local [hbm:s6], s20  }
0x9f: {  	_ =	swait.ge [sflag:s22], s20  }
0xa0: {  	s5 =	ssub.s32 $0x0, s20;
	[sflag:s22] =	ssyncset.done $0x0  }
0xa1: {  	[sflag:s22] =	ssyncadd.s32 s5;
	_ =	sdelay $0x1  }
0xa2: {  	s23 =	simm.s32 $0x1B8B  }
0xa3: {  	_ =	swait.ge [sflag:s23], $0x1  }
0xa4: {  	[sflag:s23] =	ssyncset.done $0x0  }
0xa5: {  	s25 =	simm.s32 $0x1B8E;
	s24 =	sld [smem:$0x3FFE];
	[sflag:s23] =	ssyncadd.s32 $0xFFFFFFFF  }
0xa6: {  	s26 =	simm.s32 $execute0_lowered;
	[smem:$0x3FD2] =	sst s25  }
0xa7: {  	s6 =	sshll.u32 s26, $0x1;
	_ =	strace $0x80000046;
	[dreg:$0x1] =	wrdreg $0xFFFFFFFF  }
0xa8: {  	s28 =	simm.s32 $_size_execute0_lowered;
	s4 =	sadd.s32 s4, s6;
	[dreg:$0x0] =	wrdreg $0x0  }
0xa9: {  	s6 =	sshll.u32 s28, $0x1;
	[dreg:$0x2] =	wrdreg s4  }
0xaa: {  	[dreg:$0x3] =	wrdreg s6  }
0xab: {  	[dreg:$0x4] =	wrdreg $0xC0  }
0xac: {  	_ =	task [dreg:s8], $0x5FFFF  }
0xad: {  	[dreg:$0x1] =	wrdreg $0xFFFFFFFF  }
0xae: {  	[dreg:$0x0] =	wrdreg $0x60  }
0xaf: {  	[dreg:$0x2] =	wrdreg s2  }
0xb0: {  	[dreg:$0x3] =	wrdreg s24  }
0xb1: {  	[dreg:$0x4] =	wrdreg s18  }
0xb2: {  	[dreg:$0x5] =	wrdreg $0x9  }
0xb3: {  	_ =	task.clear_ibuf [dreg:s8], $0x6FFFF;
	_ =	strace $0x90000046  }
0xb4: {  	s29 =	simm.s32 $0x9;
	_ =	strace $0x80000048  }
0xb5: {  	_ =	swait.ge [sflag:s29], $0x1  }
0xb6: {  	[sflag:s29] =	ssyncadd.s32 $0xFFFFFFFF  }
0xb7: {  	_ =	strace $0x90000048  }
0xb8: {  	_ =	sfence  }
0xb9: {  	s30 =	sld [smem:$0x0];
	_ =	sdelay $0x2  }
0xba: {  	s31 =	sshll.u32 s1, $0xD;
	s1 =	sshrl.u32 s1, $0x2  }
0xbb: {  	s3 =	sand.u32 $0x4000, s31;
	s1 =	sadd.s32 s1, s30  }
0xbc: {  	s0 =	sor.u32 s3, s0;
	s1 =	sshll.u32 s1, $0x11  }
0xbd: {  	s0 =	sor.u32 s1, s0  }
0xbe: {  	s0 =	sadd.s32 $0x8F2B, s0  }
0xbf: {  	[sflag:s0] =	ssyncadd.remote.s32 $0x1  }
0xc0: {  	_ =	sfence.sel $0xFFFF  }
0xc1: {  	[dreg:$0x0] =	wrdreg $0xFFFFFFFF;
	(pc) =	sbr.abs _section_cstart, $3  }
0xc2: {  	[dreg:$0x1] =	wrdreg $0xFFFFFFFF  }
0xc3: {  	_ =	task.clear_ibuf [dreg:s8], $0x2FFFF;
	_ =	strace $0x9FFFFFFF  }
0xc4: {  	(tm) =	ssettm $0x7FFFFFFF  }
0xc5: {  	_ =	shalt  }
tec
execute0_lowered:
.L_overlay_start_1:
0x0: {  	(tag) =	ssettag $0x1  }
0x1: {  	s1 =	rddreg [dreg:$0x0]  }
0x2: {  	s4 =	rddreg [dreg:$0x1]  }
0x3: {  	s5 =	rddreg [dreg:$0x2];
	s3 =	simm.s32 $0x0  }
0x4: {  	s24 =	simm.s32 $0x880;
	[smem:$0x7FF] =	sst s3  }
0x5: {  	s25 =	simm.s32 $0x1080;
	_ =	strace $0x80000047;
	[dreg:$0x6] =	wrdreg s24  }
0x6: {  	s0 =	stileid.u32;
	s26 =	simm.s32 $0x1880;
	[dreg:$0x7] =	wrdreg s25  }
0x7: {  	s6 =	sshll.u32 s0, $0x5;
	s0 =	simm.s32 $0x2080;
	[dreg:$0x8] =	wrdreg s26  }
0x8: {  	s8 =	simm.s32 $0x4080;
	[dreg:$0x9] =	wrdreg s0  }
0x9: {  	s9 =	simm.s32 $0x4880;
	[dreg:$0xd] =	wrdreg s8  }
0xa: {  	s10 =	simm.s32 $0x5080;
	[dreg:$0xe] =	wrdreg s9  }
0xb: {  	s11 =	simm.s32 $0x5880;
	[dreg:$0xf] =	wrdreg s10  }
0xc: {  	s12 =	simm.s32 $0x6080;
	[dreg:$0x10] =	wrdreg s11  }
0xd: {  	s13 =	simm.s32 $0x6880;
	[dreg:$0x11] =	wrdreg s12  }
0xe: {  	s14 =	simm.s32 $0x7080;
	[dreg:$0x12] =	wrdreg s13  }
0xf: {  	s2 =	srdreg.scid;
	s15 =	simm.s32 $0x7880;
	[dreg:$0x13] =	wrdreg s14  }
0x10: {  	s16 =	simm.s32 $0x8080;
	s17 =	simm.s32 $0x8880;
	[dreg:$0x14] =	wrdreg s15  }
0x11: {  	s18 =	simm.s32 $0x9080;
	s20 =	simm.s32 $0x9880;
	[dreg:$0x15] =	wrdreg s16  }
0x12: {  	s21 =	simm.s32 $0xA080;
	s22 =	simm.s32 $0xA880;
	[dreg:$0x16] =	wrdreg s17  }
0x13: {  	s28 =	simm.s32 $0x16080;
	s29 =	simm.s32 $0x16880;
	[dreg:$0x17] =	wrdreg s18  }
0x14: {  	s30 =	simm.s32 $0x17080;
	s2 =	sand.u32 $0x1, s2;
	[dreg:$0x18] =	wrdreg s20  }
0x15: {  	s31 =	simm.s32 $0x17880;
	s7 =	sshll.u32 s2, $0x4;
	[dreg:$0x19] =	wrdreg s21  }
0x16: {  	s2 =	ssub.s32 $0x2, s2;
	[dreg:$0x1a] =	wrdreg s22;
	s24 =	simm.s32 $0xB880  }
0x17: {  	s25 =	simm.s32 $0xC080;
	s8 =	simm.s32 $0x80;
	s26 =	simm.s32 $0xC880  }
0x18: {  	s10 =	simm.s32 $0xD880;
	s11 =	simm.s32 $0xE080;
	s12 =	simm.s32 $0xE880  }
0x19: {  	s13 =	simm.s32 $0xF080;
	s14 =	simm.s32 $0xF880;
	s15 =	simm.s32 $0x10080  }
0x1a: {  	s16 =	simm.s32 $0x10880;
	s17 =	simm.s32 $0x11080;
	s18 =	simm.s32 $0x11880  }
0x1b: {  	s20 =	simm.s32 $0x12880;
	s21 =	simm.s32 $0x13080;
	[dreg:$0x1c] =	wrdreg s24  }
0x1c: {  	s22 =	simm.s32 $0x13880;
	s6 =	sor.u32 s7, s6;
	[dreg:$0x1d] =	wrdreg s25  }
0x1d: {  	s7 =	simm.s32 $0x3880;
	s19 =	sshrl.u32 s2, $0x1;
	[dreg:$0x1e] =	wrdreg s26  }
0x1e: {  	s24 =	simm.s32 $0x14880;
	s4 =	sadd.s32 s6, s4;
	s6 =	smul.u32 $0x300, s6  }
0x1f: {  	s25 =	simm.s32 $0x15080;
	[dreg:$0xc] =	wrdreg s7;
	s4 =	sadd.s32 $0x1600, s4  }
0x20: {  	s26 =	simm.s32 $0x15880;
	[dreg:$0x4] =	wrdreg s4;
	s23 =	sadd.s32 s5, s6  }
0x21: {  	s2 =	ssub.s32 s2, s19;
	s5 =	simm.s32 $0x2880;
	[dreg:$0x5] =	wrdreg s23  }
0x22: {  	s7 =	simm.s32 $0x2;
	s6 =	simm.s32 $0x3080;
	[dreg:$0xa] =	wrdreg s5  }
0x23: {  	v2 =	vlaneseq.u32;
	s19 =	simm.s32 $0x12080;
	s4 =	sadd.s32 $0x100, s1;
	[dreg:$0xb] =	wrdreg s6  }
0x24: {  	vm0 =	vmmov $0xffff;
	v1 =	vshrl.u32 v2, $0x3;
	s5 =	sadd.s32 $0x200, s1;
	s23 =	simm.s32 $0xB080;
	s6 =	smax.u32 s2, $0x1  }
0x25: {  	v0 =	vand.u32 $0x7, v2;
	v2 =	vor.u32 $0x8, v2;
	v1 =	vmul.u32 $0x8, v1;
	s2 =	simm.s32 $0x1;
	[dreg:$0x1b] =	wrdreg s23;
	s23 =	simm.s32 $0x14080  }
.LBB2_1:
0x26: {  	s0 =	rddreg [dreg:$0x4]  }
0x27: {  	[tilespmem:s3], [sflag:$0x2] =	stream.linear.gather [hbm4b:s0+s3], $0x80, $0x38;
	[tilespmem:$0x18080] =	vst v63  }
0x28: {  	_ =	swait.ge [sflag:s7], $0x80  }
0x29: {  	[sflag:s7] =	ssyncset.done $0x0  }
0x2a: {  	[sflag:s7] =	ssyncadd.s32 $0xFFFFFF80  }
0x2b: {  	v3 =	vld [tilespmem:$0x0];
	_ =	sdelay $0x4  }
0x2c: {  	v4 =	vshrl.u32 v3, $0x3  }
0x2d: {  	v4 =	vmul.u32 $0x30, v4  }
0x2e: {  	v3 =	vand.u32 $0x7, v3  }
0x2f: {  	v3 =	vor.u32 v3, v4  }
0x30: {  	v4 =	vperm.xlane v3, v0;
	_ =	sdelay $0x1  }
0x31: {  	v4 =	vadd.s32 v1, v4;
	_ =	sdelay $0x3  }
0x32: {  	v3 =	vperm.xlane v3, v2  }
0x33: {  	[tilespmem:s8], [sflag:$0x1] =	stream.indirect_vreg.gather [hbm4b:s1+s3], $0x80, v4, vm0, $0xb8;
	[tilespmem:$0x18080] =	vst v63  }
0x34: {  	s0 =	rddreg [dreg:$0x6];
	v3 =	vadd.s32 v1, v3  }
0x35: {  	[tilespmem:s0], [sflag:$0x1] =	stream.indirect_vreg.gather [hbm4b:s4+s3], $0x80, v4, vm0, $0xb8;
	[tilespmem:$0x18080] =	vst v63  }
0x36: {  	s9 =	rddreg [dreg:$0x7]  }
0x37: {  	[tilespmem:s9], [sflag:$0x1] =	stream.indirect_vreg.gather [hbm4b:s5+s3], $0x80, v4, vm0, $0xb8;
	[tilespmem:$0x18080] =	vst v63  }
0x38: {  	s0 =	rddreg [dreg:$0x8]  }
0x39: {  	[tilespmem:s0], [sflag:$0x1] =	stream.indirect_vreg.gather [hbm4b:s1+s3], $0x80, v3, vm0, $0xb8;
	[tilespmem:$0x18080] =	vst v63  }
0x3a: {  	s9 =	rddreg [dreg:$0x9]  }
0x3b: {  	[tilespmem:s9], [sflag:$0x1] =	stream.indirect_vreg.gather [hbm4b:s4+s3], $0x80, v3, vm0, $0xb8;
	[tilespmem:$0x18080] =	vst v63  }
0x3c: {  	s0 =	rddreg [dreg:$0xa]  }
0x3d: {  	[tilespmem:s0], [sflag:$0x1] =	stream.indirect_vreg.gather [hbm4b:s5+s3], $0x80, v3, vm0, $0xb8;
	[tilespmem:$0x18080] =	vst v63  }
0x3e: {  	v3 =	vld [tilespmem:$0x10];
	_ =	sdelay $0x4  }
0x3f: {  	v57 =	vshrl.u32 v3, $0x3  }
0x40: {  	v4 =	vmul.u32 $0x30, v57  }
0x41: {  	v3 =	vand.u32 $0x7, v3  }
0x42: {  	v3 =	vor.u32 v3, v4  }
0x43: {  	v4 =	vperm.xlane v3, v0;
	_ =	sdelay $0x1  }
0x44: {  	v4 =	vadd.s32 v1, v4;
	_ =	sdelay $0x3  }
0x45: {  	s0 =	rddreg [dreg:$0xb];
	v3 =	vperm.xlane v3, v2  }
0x46: {  	[tilespmem:s0], [sflag:$0x1] =	stream.indirect_vreg.gather [hbm4b:s1+s3], $0x80, v4, vm0, $0xb8;
	[tilespmem:$0x18080] =	vst v63  }
0x47: {  	s9 =	rddreg [dreg:$0xc];
	v3 =	vadd.s32 v1, v3  }
0x48: {  	[tilespmem:s9], [sflag:$0x1] =	stream.indirect_vreg.gather [hbm4b:s4+s3], $0x80, v4, vm0, $0xb8;
	[tilespmem:$0x18080] =	vst v63  }
0x49: {  	s0 =	rddreg [dreg:$0xd]  }
0x4a: {  	[tilespmem:s0], [sflag:$0x1] =	stream.indirect_vreg.gather [hbm4b:s5+s3], $0x80, v4, vm0, $0xb8;
	[tilespmem:$0x18080] =	vst v63  }
0x4b: {  	s9 =	rddreg [dreg:$0xe]  }
0x4c: {  	[tilespmem:s9], [sflag:$0x1] =	stream.indirect_vreg.gather [hbm4b:s1+s3], $0x80, v3, vm0, $0xb8;
	[tilespmem:$0x18080] =	vst v63  }
0x4d: {  	s0 =	rddreg [dreg:$0xf]  }
0x4e: {  	[tilespmem:s0], [sflag:$0x1] =	stream.indirect_vreg.gather [hbm4b:s4+s3], $0x80, v3, vm0, $0xb8;
	[tilespmem:$0x18080] =	vst v63  }
0x4f: {  	s9 =	rddreg [dreg:$0x10]  }
0x50: {  	[tilespmem:s9], [sflag:$0x1] =	stream.indirect_vreg.gather [hbm4b:s5+s3], $0x80, v3, vm0, $0xb8;
	[tilespmem:$0x18080] =	vst v63  }
0x51: {  	v3 =	vld [tilespmem:$0x20];
	_ =	sdelay $0x4  }
0x52: {  	v58 =	vshrl.u32 v3, $0x3  }
0x53: {  	v4 =	vmul.u32 $0x30, v58  }
0x54: {  	v3 =	vand.u32 $0x7, v3  }
0x55: {  	v3 =	vor.u32 v3, v4  }
0x56: {  	v4 =	vperm.xlane v3, v0;
	_ =	sdelay $0x1  }
0x57: {  	v4 =	vadd.s32 v1, v4;
	_ =	sdelay $0x3  }
0x58: {  	s0 =	rddreg [dreg:$0x11];
	v3 =	vperm.xlane v3, v2  }
0x59: {  	[tilespmem:s0], [sflag:$0x1] =	stream.indirect_vreg.gather [hbm4b:s1+s3], $0x80, v4, vm0, $0xb8;
	[tilespmem:$0x18080] =	vst v63  }
0x5a: {  	s9 =	rddreg [dreg:$0x12];
	v3 =	vadd.s32 v1, v3  }
0x5b: {  	[tilespmem:s9], [sflag:$0x1] =	stream.indirect_vreg.gather [hbm4b:s4+s3], $0x80, v4, vm0, $0xb8;
	[tilespmem:$0x18080] =	vst v63  }
0x5c: {  	s0 =	rddreg [dreg:$0x13]  }
0x5d: {  	[tilespmem:s0], [sflag:$0x1] =	stream.indirect_vreg.gather [hbm4b:s5+s3], $0x80, v4, vm0, $0xb8;
	[tilespmem:$0x18080] =	vst v63  }
0x5e: {  	s9 =	rddreg [dreg:$0x14]  }
0x5f: {  	[tilespmem:s9], [sflag:$0x1] =	stream.indirect_vreg.gather [hbm4b:s1+s3], $0x80, v3, vm0, $0xb8;
	[tilespmem:$0x18080] =	vst v63  }
0x60: {  	s0 =	rddreg [dreg:$0x15]  }
0x61: {  	[tilespmem:s0], [sflag:$0x1] =	stream.indirect_vreg.gather [hbm4b:s4+s3], $0x80, v3, vm0, $0xb8;
	[tilespmem:$0x18080] =	vst v63  }
0x62: {  	s9 =	rddreg [dreg:$0x16]  }
0x63: {  	[tilespmem:s9], [sflag:$0x1] =	stream.indirect_vreg.gather [hbm4b:s5+s3], $0x80, v3, vm0, $0xb8;
	[tilespmem:$0x18080] =	vst v63  }
0x64: {  	v3 =	vld [tilespmem:$0x30];
	_ =	sdelay $0x4  }
0x65: {  	v59 =	vshrl.u32 v3, $0x3  }
0x66: {  	v4 =	vmul.u32 $0x30, v59  }
0x67: {  	v3 =	vand.u32 $0x7, v3  }
0x68: {  	v3 =	vor.u32 v3, v4  }
0x69: {  	v4 =	vperm.xlane v3, v0;
	_ =	sdelay $0x1  }
0x6a: {  	v4 =	vadd.s32 v1, v4;
	_ =	sdelay $0x3  }
0x6b: {  	s0 =	rddreg [dreg:$0x17];
	v3 =	vperm.xlane v3, v2  }
0x6c: {  	[tilespmem:s0], [sflag:$0x1] =	stream.indirect_vreg.gather [hbm4b:s1+s3], $0x80, v4, vm0, $0xb8;
	[tilespmem:$0x18080] =	vst v63  }
0x6d: {  	s9 =	rddreg [dreg:$0x18];
	v3 =	vadd.s32 v1, v3  }
0x6e: {  	[tilespmem:s9], [sflag:$0x1] =	stream.indirect_vreg.gather [hbm4b:s4+s3], $0x80, v4, vm0, $0xb8;
	[tilespmem:$0x18080] =	vst v63  }
0x6f: {  	s0 =	rddreg [dreg:$0x19]  }
0x70: {  	[tilespmem:s0], [sflag:$0x1] =	stream.indirect_vreg.gather [hbm4b:s5+s3], $0x80, v4, vm0, $0xb8;
	[tilespmem:$0x18080] =	vst v63  }
0x71: {  	s9 =	rddreg [dreg:$0x1a]  }
0x72: {  	[tilespmem:s9], [sflag:$0x1] =	stream.indirect_vreg.gather [hbm4b:s1+s3], $0x80, v3, vm0, $0xb8;
	[tilespmem:$0x18080] =	vst v63  }
0x73: {  	s0 =	rddreg [dreg:$0x1b]  }
0x74: {  	[tilespmem:s0], [sflag:$0x1] =	stream.indirect_vreg.gather [hbm4b:s4+s3], $0x80, v3, vm0, $0xb8;
	[tilespmem:$0x18080] =	vst v63  }
0x75: {  	s9 =	rddreg [dreg:$0x1c]  }
0x76: {  	[tilespmem:s9], [sflag:$0x1] =	stream.indirect_vreg.gather [hbm4b:s5+s3], $0x80, v3, vm0, $0xb8;
	[tilespmem:$0x18080] =	vst v63  }
0x77: {  	v3 =	vld [tilespmem:$0x40];
	_ =	sdelay $0x4  }
0x78: {  	v60 =	vshrl.u32 v3, $0x3  }
0x79: {  	v4 =	vmul.u32 $0x30, v60  }
0x7a: {  	v3 =	vand.u32 $0x7, v3  }
0x7b: {  	v3 =	vor.u32 v3, v4  }
0x7c: {  	v4 =	vperm.xlane v3, v0;
	_ =	sdelay $0x1  }
0x7d: {  	v4 =	vadd.s32 v1, v4;
	_ =	sdelay $0x3  }
0x7e: {  	s0 =	rddreg [dreg:$0x1d];
	v3 =	vperm.xlane v3, v2  }
0x7f: {  	[tilespmem:s0], [sflag:$0x1] =	stream.indirect_vreg.gather [hbm4b:s1+s3], $0x80, v4, vm0, $0xb8;
	[tilespmem:$0x18080] =	vst v63  }
0x80: {  	s9 =	rddreg [dreg:$0x1e];
	v3 =	vadd.s32 v1, v3  }
0x81: {  	[tilespmem:s9], [sflag:$0x1] =	stream.indirect_vreg.gather [hbm4b:s4+s3], $0x80, v4, vm0, $0xb8;
	[tilespmem:$0x18080] =	vst v63  }
0x82: {  	s9 =	simm.s32 $0xD080  }
0x83: {  	[tilespmem:s9], [sflag:$0x1] =	stream.indirect_vreg.gather [hbm4b:s5+s3], $0x80, v4, vm0, $0xb8;
	[tilespmem:$0x18080] =	vst v63  }
0x84: {  	_ = 	snop  }
0x85: {  	[tilespmem:s10], [sflag:$0x1] =	stream.indirect_vreg.gather [hbm4b:s1+s3], $0x80, v3, vm0, $0xb8;
	[tilespmem:$0x18080] =	vst v63  }
0x86: {  	_ = 	snop  }
0x87: {  	[tilespmem:s11], [sflag:$0x1] =	stream.indirect_vreg.gather [hbm4b:s4+s3], $0x80, v3, vm0, $0xb8;
	[tilespmem:$0x18080] =	vst v63  }
0x88: {  	_ = 	snop  }
0x89: {  	[tilespmem:s12], [sflag:$0x1] =	stream.indirect_vreg.gather [hbm4b:s5+s3], $0x80, v3, vm0, $0xb8;
	[tilespmem:$0x18080] =	vst v63  }
0x8a: {  	v3 =	vld [tilespmem:$0x50];
	_ =	sdelay $0x4  }
0x8b: {  	v61 =	vshrl.u32 v3, $0x3  }
0x8c: {  	v4 =	vmul.u32 $0x30, v61  }
0x8d: {  	v3 =	vand.u32 $0x7, v3  }
0x8e: {  	v3 =	vor.u32 v3, v4  }
0x8f: {  	v4 =	vperm.xlane v3, v0;
	_ =	sdelay $0x1  }
0x90: {  	v4 =	vadd.s32 v1, v4;
	_ =	sdelay $0x3  }
0x91: {  	v3 =	vperm.xlane v3, v2  }
0x92: {  	[tilespmem:s13], [sflag:$0x1] =	stream.indirect_vreg.gather [hbm4b:s1+s3], $0x80, v4, vm0, $0xb8;
	[tilespmem:$0x18080] =	vst v63  }
0x93: {  	v3 =	vadd.s32 v1, v3  }
0x94: {  	[tilespmem:s14], [sflag:$0x1] =	stream.indirect_vreg.gather [hbm4b:s4+s3], $0x80, v4, vm0, $0xb8;
	[tilespmem:$0x18080] =	vst v63  }
0x95: {  	_ = 	snop  }
0x96: {  	[tilespmem:s15], [sflag:$0x1] =	stream.indirect_vreg.gather [hbm4b:s5+s3], $0x80, v4, vm0, $0xb8;
	[tilespmem:$0x18080] =	vst v63  }
0x97: {  	_ = 	snop  }
0x98: {  	[tilespmem:s16], [sflag:$0x1] =	stream.indirect_vreg.gather [hbm4b:s1+s3], $0x80, v3, vm0, $0xb8;
	[tilespmem:$0x18080] =	vst v63  }
0x99: {  	_ = 	snop  }
0x9a: {  	[tilespmem:s17], [sflag:$0x1] =	stream.indirect_vreg.gather [hbm4b:s4+s3], $0x80, v3, vm0, $0xb8;
	[tilespmem:$0x18080] =	vst v63  }
0x9b: {  	_ = 	snop  }
0x9c: {  	[tilespmem:s18], [sflag:$0x1] =	stream.indirect_vreg.gather [hbm4b:s5+s3], $0x80, v3, vm0, $0xb8;
	[tilespmem:$0x18080] =	vst v63  }
0x9d: {  	v3 =	vld [tilespmem:$0x60];
	_ =	sdelay $0x4  }
0x9e: {  	v62 =	vshrl.u32 v3, $0x3  }
0x9f: {  	v4 =	vmul.u32 $0x30, v62  }
0xa0: {  	v3 =	vand.u32 $0x7, v3  }
0xa1: {  	v3 =	vor.u32 v3, v4  }
0xa2: {  	v4 =	vperm.xlane v3, v0;
	_ =	sdelay $0x1  }
0xa3: {  	v4 =	vadd.s32 v1, v4;
	_ =	sdelay $0x3  }
0xa4: {  	v3 =	vperm.xlane v3, v2  }
0xa5: {  	[tilespmem:s19], [sflag:$0x1] =	stream.indirect_vreg.gather [hbm4b:s1+s3], $0x80, v4, vm0, $0xb8;
	[tilespmem:$0x18080] =	vst v63  }
0xa6: {  	v3 =	vadd.s32 v1, v3  }
0xa7: {  	[tilespmem:s20], [sflag:$0x1] =	stream.indirect_vreg.gather [hbm4b:s4+s3], $0x80, v4, vm0, $0xb8;
	[tilespmem:$0x18080] =	vst v63  }
0xa8: {  	_ = 	snop  }
0xa9: {  	[tilespmem:s21], [sflag:$0x1] =	stream.indirect_vreg.gather [hbm4b:s5+s3], $0x80, v4, vm0, $0xb8;
	[tilespmem:$0x18080] =	vst v63  }
0xaa: {  	_ = 	snop  }
0xab: {  	[tilespmem:s22], [sflag:$0x1] =	stream.indirect_vreg.gather [hbm4b:s1+s3], $0x80, v3, vm0, $0xb8;
	[tilespmem:$0x18080] =	vst v63  }
0xac: {  	_ = 	snop  }
0xad: {  	[tilespmem:s23], [sflag:$0x1] =	stream.indirect_vreg.gather [hbm4b:s4+s3], $0x80, v3, vm0, $0xb8;
	[tilespmem:$0x18080] =	vst v63  }
0xae: {  	_ = 	snop  }
0xaf: {  	[tilespmem:s24], [sflag:$0x1] =	stream.indirect_vreg.gather [hbm4b:s5+s3], $0x80, v3, vm0, $0xb8;
	[tilespmem:$0x18080] =	vst v63  }
0xb0: {  	v3 =	vld [tilespmem:$0x70];
	_ =	sdelay $0x4  }
0xb1: {  	v63 =	vshrl.u32 v3, $0x3  }
0xb2: {  	v4 =	vmul.u32 $0x30, v63  }
0xb3: {  	v3 =	vand.u32 $0x7, v3  }
0xb4: {  	v3 =	vor.u32 v3, v4  }
0xb5: {  	v4 =	vperm.xlane v3, v0;
	_ =	sdelay $0x1  }
0xb6: {  	v4 =	vadd.s32 v1, v4;
	_ =	sdelay $0x3  }
0xb7: {  	v3 =	vperm.xlane v3, v2  }
0xb8: {  	[tilespmem:s25], [sflag:$0x1] =	stream.indirect_vreg.gather [hbm4b:s1+s3], $0x80, v4, vm0, $0xb8;
	[tilespmem:$0x18080] =	vst v63  }
0xb9: {  	v3 =	vadd.s32 v1, v3  }
0xba: {  	[tilespmem:s26], [sflag:$0x1] =	stream.indirect_vreg.gather [hbm4b:s4+s3], $0x80, v4, vm0, $0xb8;
	[tilespmem:$0x18080] =	vst v63  }
0xbb: {  	_ = 	snop  }
0xbc: {  	[tilespmem:s28], [sflag:$0x1] =	stream.indirect_vreg.gather [hbm4b:s5+s3], $0x80, v4, vm0, $0xb8;
	[tilespmem:$0x18080] =	vst v63  }
0xbd: {  	_ = 	snop  }
0xbe: {  	[tilespmem:s29], [sflag:$0x1] =	stream.indirect_vreg.gather [hbm4b:s1+s3], $0x80, v3, vm0, $0xb8;
	[tilespmem:$0x18080] =	vst v63  }
0xbf: {  	_ = 	snop  }
0xc0: {  	[tilespmem:s30], [sflag:$0x1] =	stream.indirect_vreg.gather [hbm4b:s4+s3], $0x80, v3, vm0, $0xb8;
	[tilespmem:$0x18080] =	vst v63  }
0xc1: {  	_ = 	snop  }
0xc2: {  	[tilespmem:s31], [sflag:$0x1] =	stream.indirect_vreg.gather [hbm4b:s5+s3], $0x80, v3, vm0, $0xb8;
	[tilespmem:$0x18080] =	vst v63  }
0xc3: {  	_ =	swait.ge [sflag:s2], $0x18000  }
0xc4: {  	p0 =	sne.s32 s6, $0x1;
	[sflag:s2] =	ssyncset.done $0x0  }
.Ltmp0:
0xc5: {  	s9 =	rddreg [dreg:$0x5];
	[sflag:s2] =	ssyncadd.s32 $0xFFFE8000;
	(pc) =	sbr.rel @p0 .LBB2_1-.Ltmp0, $4  }
0xc6: {  	[hbm4b:s9+s3] =	stream.linear.scatter [tilespmem:s8], [sflag:$0x2], $0x18000, $0x38;
	[tilespmem:$0x18080] =	vst v63  }
0xc7: {  	_ =	swait.ge [sflag:s7], $0x18000  }
0xc8: {  	[sflag:s7] =	ssyncset.done $0x0  }
0xc9: {  	s6 =	sadd.s32 $0xFFFFFFFF, s6;
	[sflag:s7] =	ssyncadd.s32 $0xFFFE8000  }
0xca: {  	_ =	sfence.sel $0x180000  }
0xcb: {  	[bflag:$0x0] =	sbarrier.arrive $0xFFFF  }
0xcc: {  	_ =	strace $0x90000047  }
0xcd: {  	s0 =	stileid.u32;
	[bflag:$0x2] =	sbarrier.arrive $0xFFFF  }
0xce: {  	p0 =	sne.s32 s0, $0x0;
	s0 =	rddreg [dreg:$0x3]  }
0xcf: {  	s0 =	sadd.s32 @!p0 $0x100000, s0  }
0xd0: {  	[sflag:s0] =	ssyncadd.tile.s32 @!p0 $0x1;
	_ =	shalt  }
.Lfunc_end2:
_tile_overlayer_lowered:
.L_overlay_start_2:
0xd1: {  	(tag) =	ssettag $0x2  }
0xd2: {  	s0 =	rddreg [dreg:$0x0];
	s2 =	stileid.u32  }
0xd3: {  	s1 =	rddreg [dreg:$0x1];
	p0 =	sne.s32 s2, $0x0  }
0xd4: {  	s3 =	rddreg [dreg:$0x2];
	[bflag:$0x3] =	sbarrier.arrive $0xFFFF;
	s2 =	simm.s32 @!p0 $0x1C02  }
0xd5: {  	[timem:s3], [sflag:s2] =	dma.local @!p0 [hbm:s0], s1  }
0xd6: {  	s0 =	simm.s32 @!p0 $0x2  }
0xd7: {  	_ =	swait.ge @!p0 [sflag:s0], s1  }
0xd8: {  	s1 =	ssub.s32 @!p0 $0x0, s1;
	[sflag:s0] =	ssyncset.done @!p0 $0x0  }
0xd9: {  	[sflag:s0] =	ssyncadd.s32 @!p0 s1  }
0xda: {  	[bflag:$0x3] =	sbarrier.arrive $0xFFFF  }
0xdb: {  	_ =	shalt  }

</sc_bundles>
